<compile_context>
chip_gen: v7x
topology: tpu7x:2x2x1
jax: 0.10.2.dev20260603
libtpu: 0.0.44.dev20260713+nightly
codegen_flags: <defaults>
</compile_context>

<pallas_src>
import functools

import jax
import jax.numpy as jnp
from jax import lax
from jax.experimental import pallas as pl
from jax.experimental.pallas import tpu as pltpu
from jax.experimental.pallas import tpu_sc as plsc

VOCAB_SIZE = 8192
N_ROWS = 8192
NUM_CORES = 2
NUM_SUBCORES = 16
NUM_WORKERS = NUM_CORES * NUM_SUBCORES
ROWS_PER_WORKER = N_ROWS // NUM_WORKERS
LANES = 16
GROUPS = ROWS_PER_WORKER // LANES

SUB = 128
BLOCK_ROWS = 256


def _sc_payload_body(ids_hbm, subrows_hbm, subpos_hbm, ids_v, buf, spbuf, lock):
    del lock
    wid = lax.axis_index("s") * NUM_CORES + lax.axis_index("c")
    base_row = wid * ROWS_PER_WORKER

    pltpu.sync_copy(ids_hbm.at[pl.ds(base_row, ROWS_PER_WORKER)], ids_v)

    lane = lax.broadcasted_iota(jnp.int32, (LANES,), 0)

    for g in range(GROUPS):
        vec = ids_v[pl.ds(g * LANES, LANES)]
        col = vec & (VOCAB_SIZE - 1)
        spbuf[pl.ds(g * LANES, LANES)] = col >> 7

    def row_body(k, carry):
        g16 = (k >> 4) << 4
        vec = ids_v[pl.ds(g16, LANES)]
        inner = vec & (SUB - 1)
        bcast = inner.at[jnp.full((LANES,), k & (LANES - 1), jnp.int32)].get(
            mode="promise_in_bounds"
        )
        for u in range(SUB // LANES):
            val = jnp.where(lane + u * LANES == bcast, 5.0, 0.0).astype(jnp.float32)
            buf[k, pl.ds(u * LANES, LANES)] = val
        return carry

    lax.fori_loop(0, ROWS_PER_WORKER, row_body, 0)

    pltpu.sync_copy(buf, subrows_hbm.at[pl.ds(base_row, ROWS_PER_WORKER)])
    pltpu.sync_copy(spbuf, subpos_hbm.at[pl.ds(base_row, ROWS_PER_WORKER)])


@functools.cache
def _build_sc_payload():
    return pl.kernel(
        _sc_payload_body,
        out_type=(
            jax.ShapeDtypeStruct((N_ROWS, SUB), jnp.float32),
            jax.ShapeDtypeStruct((N_ROWS,), jnp.int32),
        ),
        mesh=plsc.VectorSubcoreMesh(core_axis_name="c", subcore_axis_name="s"),
        scratch_types=[
            pltpu.VMEM((ROWS_PER_WORKER,), jnp.int32),
            pltpu.VMEM((ROWS_PER_WORKER, SUB), jnp.float32),
            pltpu.VMEM((ROWS_PER_WORKER,), jnp.int32),
            pltpu.SemaphoreType.DMA,
        ],
    )


def _tc_assemble_body(subpos_ref, subrows_ref, out_ref):
    out_ref[...] = jnp.zeros((BLOCK_ROWS, VOCAB_SIZE), jnp.float32)
    for r in range(BLOCK_ROWS):
        c = subpos_ref[0, 0, r]
        start = pl.multiple_of(c * SUB, SUB)
        out_ref[r, pl.ds(start, SUB)] = subrows_ref[r, :]


def kernel(input_ids):
    bs, seq = input_ids.shape
    subrows, subpos = _build_sc_payload()(input_ids.reshape(-1))
    out = pl.pallas_call(
        _tc_assemble_body,
        grid=(N_ROWS // BLOCK_ROWS,),
        in_specs=[
            pl.BlockSpec(
                (1, 1, BLOCK_ROWS),
                lambda i: (i, 0, 0),
                memory_space=pltpu.SMEM,
            ),
            pl.BlockSpec((BLOCK_ROWS, SUB), lambda i: (i, 0)),
        ],
        out_specs=pl.BlockSpec((BLOCK_ROWS, VOCAB_SIZE), lambda i: (i, 0)),
        out_shape=jax.ShapeDtypeStruct((N_ROWS, VOCAB_SIZE), jnp.float32),
    )(subpos.reshape(N_ROWS // BLOCK_ROWS, 1, BLOCK_ROWS), subrows)
    return out.reshape(bs, seq, VOCAB_SIZE)

# --- scband reference (transcript-rebuilt; emitter-appended) ---
"""Pipeline reference for scband-fake-model-62826781606390 (READ-ONLY COPY).

The authoritative reference and input builder live on the scoring server;
editing this copy changes nothing except your own understanding.
"""

import jax, jax.numpy as jnp
import numpy as np

VOCAB = 8192


def setup_inputs(seed: int = 0) -> dict:
    key = jax.random.key(seed)
    input_ids = jax.random.randint(key, (4, 2048), 0, 100000, dtype=jnp.int32)
    return {"input_ids": input_ids}


def reference(input_ids):
    bs, seq = input_ids.shape
    idx = input_ids % VOCAB
    b = jnp.arange(bs)[:, None]
    s = jnp.arange(seq)[None, :]
    logits = jnp.zeros((bs, seq, VOCAB), dtype=jnp.float32)
    logits = logits.at[b, s, idx].set(5.0)
    return logits

if __name__ == "__main__":
    import jax
    _d = setup_inputs()
    print(jax.jit(kernel)(*tuple(_d.values())))

</pallas_src>

<mosaic_0001>
#map = affine_map<(d0, d1) -> (0)>
#map1 = affine_map<(d0, d1) -> (0, 0)>
module attributes {stable_mosaic.version = 14 : i64} {
  func.func @_sc_payload_body(%arg0: i32, %arg1: i32, %arg2: memref<8192xi32, #tpu.memory_space<hbm>>, %arg3: memref<8192x128xf32, #tpu.memory_space<hbm>>, %arg4: memref<8192xi32, #tpu.memory_space<hbm>>, %arg5: memref<256xi32, #tpu.memory_space<vmem>>, %arg6: memref<256x128xf32, #tpu.memory_space<vmem>>, %arg7: memref<256xi32, #tpu.memory_space<vmem>>, %arg8: memref<!tpu.dma_semaphore, #tpu.memory_space<semaphore_mem>>) attributes {dimension_semantics = [#tpu.dimension_semantics<core_parallel>, #tpu.dimension_semantics<subcore_parallel>], iteration_bounds = array<i64: 2, 16>, scalar_prefetch = 0 : i64, scratch_operands = 4 : i64, tpu.core_type = #tpu.core_type<sc_vector_subcore>, window_params = [{transform_indices = #map}, {transform_indices = #map1}, {transform_indices = #map}]} {
    %mul3A = arith.constant 2 : i32
    %mul3A_0 = arith.muli %arg1, %mul3A : i32
    %add3A = arith.addi %mul3A_0, %arg0 : i32
    %mul3A_1 = arith.constant 256 : i32
    %mul3A_2 = arith.muli %add3A, %mul3A_1 : i32
    "tpu.region"() ({
      %run_scoped3A = tpu.sem_alloc : memref<!tpu.dma_semaphore, #tpu.memory_space<semaphore_mem>>
      %dma_start3A = tpu.memref_slice %arg2[%mul3A_2] : memref<8192xi32, #tpu.memory_space<hbm>> -> memref<256xi32, #tpu.memory_space<hbm>>
      %dma_start3A_212 = tpu.memref_slice %arg2[%mul3A_2] : memref<8192xi32, #tpu.memory_space<hbm>> -> memref<256xi32, #tpu.memory_space<hbm>>
      tpu.enqueue_dma source(%dma_start3A_212 : memref<256xi32, #tpu.memory_space<hbm>>) target(%arg5 : memref<256xi32, #tpu.memory_space<vmem>>) target_semaphore(%run_scoped3A : memref<!tpu.dma_semaphore, #tpu.memory_space<semaphore_mem>>)
      %dma_wait3A = tpu.memref_slice %arg2[%mul3A_2] : memref<8192xi32, #tpu.memory_space<hbm>> -> memref<256xi32, #tpu.memory_space<hbm>>
      %dma_wait3A_213 = tpu.memref_slice %arg2[%mul3A_2] : memref<8192xi32, #tpu.memory_space<hbm>> -> memref<256xi32, #tpu.memory_space<hbm>>
      tpu.wait_dma2 semaphore(%run_scoped3A : memref<!tpu.dma_semaphore, #tpu.memory_space<semaphore_mem>>) src(%dma_wait3A_213 : memref<256xi32, #tpu.memory_space<hbm>>) dst(%arg5 : memref<256xi32, #tpu.memory_space<vmem>>)
      tpu.yield
    }) : () -> ()
    %iota3A = tpu.iota {dimensions = array<i32: 0>} : vector<16xi32>
    %get3A = arith.constant 0 : index
    %get3A_3 = tpu.vector_load %arg5[%get3A] {strides = array<i32>} : memref<256xi32, #tpu.memory_space<vmem>>, vector<16xi32>,
    %get3A_4 = vector.shape_cast %get3A_3 : vector<16xi32> to vector<16xi32>
    %and3A = arith.constant 8191 : i32
    %and3A_5 = vector.broadcast %and3A : i32 to vector<16xi32>
    %and3A_6 = arith.andi %get3A_4, %and3A_5 : vector<16xi32>
    %shift_right_arithmetic3A = arith.constant 7 : i32
    %shift_right_arithmetic3A_7 = vector.broadcast %shift_right_arithmetic3A : i32 to vector<16xi32>
    %shift_right_arithmetic3A_8 = arith.shrsi %and3A_6, %shift_right_arithmetic3A_7 : vector<16xi32>
    %swap3A = arith.constant 0 : index
    %swap3A_9 = tpu.vector_load %arg7[%swap3A] {strides = array<i32>} : memref<256xi32, #tpu.memory_space<vmem>>, vector<16xi32>,
    %swap3A_10 = vector.shape_cast %swap3A_9 : vector<16xi32> to vector<16xi32>
    %swap3A_11 = vector.shape_cast %shift_right_arithmetic3A_8 : vector<16xi32> to vector<16xi32>
    tpu.vector_store %arg7[%swap3A], %swap3A_11 {strides = array<i32>} : memref<256xi32, #tpu.memory_space<vmem>>, vector<16xi32>,
    %get3A_12 = arith.constant 16 : index
    %get3A_13 = tpu.vector_load %arg5[%get3A_12] {strides = array<i32>} : memref<256xi32, #tpu.memory_space<vmem>>, vector<16xi32>,
    %get3A_14 = vector.shape_cast %get3A_13 : vector<16xi32> to vector<16xi32>
    %and3A_15 = arith.constant 8191 : i32
    %and3A_16 = vector.broadcast %and3A_15 : i32 to vector<16xi32>
    %and3A_17 = arith.andi %get3A_14, %and3A_16 : vector<16xi32>
    %shift_right_arithmetic3A_18 = arith.constant 7 : i32
    %shift_right_arithmetic3A_19 = vector.broadcast %shift_right_arithmetic3A_18 : i32 to vector<16xi32>
    %shift_right_arithmetic3A_20 = arith.shrsi %and3A_17, %shift_right_arithmetic3A_19 : vector<16xi32>
    %swap3A_21 = arith.constant 16 : index
    %swap3A_22 = tpu.vector_load %arg7[%swap3A_21] {strides = array<i32>} : memref<256xi32, #tpu.memory_space<vmem>>, vector<16xi32>,
    %swap3A_23 = vector.shape_cast %swap3A_22 : vector<16xi32> to vector<16xi32>
    %swap3A_24 = vector.shape_cast %shift_right_arithmetic3A_20 : vector<16xi32> to vector<16xi32>
    tpu.vector_store %arg7[%swap3A_21], %swap3A_24 {strides = array<i32>} : memref<256xi32, #tpu.memory_space<vmem>>, vector<16xi32>,
    %get3A_25 = arith.constant 32 : index
    %get3A_26 = tpu.vector_load %arg5[%get3A_25] {strides = array<i32>} : memref<256xi32, #tpu.memory_space<vmem>>, vector<16xi32>,
    %get3A_27 = vector.shape_cast %get3A_26 : vector<16xi32> to vector<16xi32>
    %and3A_28 = arith.constant 8191 : i32
    %and3A_29 = vector.broadcast %and3A_28 : i32 to vector<16xi32>
    %and3A_30 = arith.andi %get3A_27, %and3A_29 : vector<16xi32>
    %shift_right_arithmetic3A_31 = arith.constant 7 : i32
    %shift_right_arithmetic3A_32 = vector.broadcast %shift_right_arithmetic3A_31 : i32 to vector<16xi32>
    %shift_right_arithmetic3A_33 = arith.shrsi %and3A_30, %shift_right_arithmetic3A_32 : vector<16xi32>
    %swap3A_34 = arith.constant 32 : index
    %swap3A_35 = tpu.vector_load %arg7[%swap3A_34] {strides = array<i32>} : memref<256xi32, #tpu.memory_space<vmem>>, vector<16xi32>,
    %swap3A_36 = vector.shape_cast %swap3A_35 : vector<16xi32> to vector<16xi32>
    %swap3A_37 = vector.shape_cast %shift_right_arithmetic3A_33 : vector<16xi32> to vector<16xi32>
    tpu.vector_store %arg7[%swap3A_34], %swap3A_37 {strides = array<i32>} : memref<256xi32, #tpu.memory_space<vmem>>, vector<16xi32>,
    %get3A_38 = arith.constant 48 : index
    %get3A_39 = tpu.vector_load %arg5[%get3A_38] {strides = array<i32>} : memref<256xi32, #tpu.memory_space<vmem>>, vector<16xi32>,
    %get3A_40 = vector.shape_cast %get3A_39 : vector<16xi32> to vector<16xi32>
    %and3A_41 = arith.constant 8191 : i32
    %and3A_42 = vector.broadcast %and3A_41 : i32 to vector<16xi32>
    %and3A_43 = arith.andi %get3A_40, %and3A_42 : vector<16xi32>
    %shift_right_arithmetic3A_44 = arith.constant 7 : i32
    %shift_right_arithmetic3A_45 = vector.broadcast %shift_right_arithmetic3A_44 : i32 to vector<16xi32>
    %shift_right_arithmetic3A_46 = arith.shrsi %and3A_43, %shift_right_arithmetic3A_45 : vector<16xi32>
    %swap3A_47 = arith.constant 48 : index
    %swap3A_48 = tpu.vector_load %arg7[%swap3A_47] {strides = array<i32>} : memref<256xi32, #tpu.memory_space<vmem>>, vector<16xi32>,
    %swap3A_49 = vector.shape_cast %swap3A_48 : vector<16xi32> to vector<16xi32>
    %swap3A_50 = vector.shape_cast %shift_right_arithmetic3A_46 : vector<16xi32> to vector<16xi32>
    tpu.vector_store %arg7[%swap3A_47], %swap3A_50 {strides = array<i32>} : memref<256xi32, #tpu.memory_space<vmem>>, vector<16xi32>,
    %get3A_51 = arith.constant 64 : index
    %get3A_52 = tpu.vector_load %arg5[%get3A_51] {strides = array<i32>} : memref<256xi32, #tpu.memory_space<vmem>>, vector<16xi32>,
    %get3A_53 = vector.shape_cast %get3A_52 : vector<16xi32> to vector<16xi32>
    %and3A_54 = arith.constant 8191 : i32
    %and3A_55 = vector.broadcast %and3A_54 : i32 to vector<16xi32>
    %and3A_56 = arith.andi %get3A_53, %and3A_55 : vector<16xi32>
    %shift_right_arithmetic3A_57 = arith.constant 7 : i32
    %shift_right_arithmetic3A_58 = vector.broadcast %shift_right_arithmetic3A_57 : i32 to vector<16xi32>
    %shift_right_arithmetic3A_59 = arith.shrsi %and3A_56, %shift_right_arithmetic3A_58 : vector<16xi32>
    %swap3A_60 = arith.constant 64 : index
    %swap3A_61 = tpu.vector_load %arg7[%swap3A_60] {strides = array<i32>} : memref<256xi32, #tpu.memory_space<vmem>>, vector<16xi32>,
    %swap3A_62 = vector.shape_cast %swap3A_61 : vector<16xi32> to vector<16xi32>
    %swap3A_63 = vector.shape_cast %shift_right_arithmetic3A_59 : vector<16xi32> to vector<16xi32>
    tpu.vector_store %arg7[%swap3A_60], %swap3A_63 {strides = array<i32>} : memref<256xi32, #tpu.memory_space<vmem>>, vector<16xi32>,
    %get3A_64 = arith.constant 80 : index
    %get3A_65 = tpu.vector_load %arg5[%get3A_64] {strides = array<i32>} : memref<256xi32, #tpu.memory_space<vmem>>, vector<16xi32>,
    %get3A_66 = vector.shape_cast %get3A_65 : vector<16xi32> to vector<16xi32>
    %and3A_67 = arith.constant 8191 : i32
    %and3A_68 = vector.broadcast %and3A_67 : i32 to vector<16xi32>
    %and3A_69 = arith.andi %get3A_66, %and3A_68 : vector<16xi32>
    %shift_right_arithmetic3A_70 = arith.constant 7 : i32
    %shift_right_arithmetic3A_71 = vector.broadcast %shift_right_arithmetic3A_70 : i32 to vector<16xi32>
    %shift_right_arithmetic3A_72 = arith.shrsi %and3A_69, %shift_right_arithmetic3A_71 : vector<16xi32>
    %swap3A_73 = arith.constant 80 : index
    %swap3A_74 = tpu.vector_load %arg7[%swap3A_73] {strides = array<i32>} : memref<256xi32, #tpu.memory_space<vmem>>, vector<16xi32>,
    %swap3A_75 = vector.shape_cast %swap3A_74 : vector<16xi32> to vector<16xi32>
    %swap3A_76 = vector.shape_cast %shift_right_arithmetic3A_72 : vector<16xi32> to vector<16xi32>
    tpu.vector_store %arg7[%swap3A_73], %swap3A_76 {strides = array<i32>} : memref<256xi32, #tpu.memory_space<vmem>>, vector<16xi32>,
    %get3A_77 = arith.constant 96 : index
    %get3A_78 = tpu.vector_load %arg5[%get3A_77] {strides = array<i32>} : memref<256xi32, #tpu.memory_space<vmem>>, vector<16xi32>,
    %get3A_79 = vector.shape_cast %get3A_78 : vector<16xi32> to vector<16xi32>
    %and3A_80 = arith.constant 8191 : i32
    %and3A_81 = vector.broadcast %and3A_80 : i32 to vector<16xi32>
    %and3A_82 = arith.andi %get3A_79, %and3A_81 : vector<16xi32>
    %shift_right_arithmetic3A_83 = arith.constant 7 : i32
    %shift_right_arithmetic3A_84 = vector.broadcast %shift_right_arithmetic3A_83 : i32 to vector<16xi32>
    %shift_right_arithmetic3A_85 = arith.shrsi %and3A_82, %shift_right_arithmetic3A_84 : vector<16xi32>
    %swap3A_86 = arith.constant 96 : index
    %swap3A_87 = tpu.vector_load %arg7[%swap3A_86] {strides = array<i32>} : memref<256xi32, #tpu.memory_space<vmem>>, vector<16xi32>,
    %swap3A_88 = vector.shape_cast %swap3A_87 : vector<16xi32> to vector<16xi32>
    %swap3A_89 = vector.shape_cast %shift_right_arithmetic3A_85 : vector<16xi32> to vector<16xi32>
    tpu.vector_store %arg7[%swap3A_86], %swap3A_89 {strides = array<i32>} : memref<256xi32, #tpu.memory_space<vmem>>, vector<16xi32>,
    %get3A_90 = arith.constant 112 : index
    %get3A_91 = tpu.vector_load %arg5[%get3A_90] {strides = array<i32>} : memref<256xi32, #tpu.memory_space<vmem>>, vector<16xi32>,
    %get3A_92 = vector.shape_cast %get3A_91 : vector<16xi32> to vector<16xi32>
    %and3A_93 = arith.constant 8191 : i32
    %and3A_94 = vector.broadcast %and3A_93 : i32 to vector<16xi32>
    %and3A_95 = arith.andi %get3A_92, %and3A_94 : vector<16xi32>
    %shift_right_arithmetic3A_96 = arith.constant 7 : i32
    %shift_right_arithmetic3A_97 = vector.broadcast %shift_right_arithmetic3A_96 : i32 to vector<16xi32>
    %shift_right_arithmetic3A_98 = arith.shrsi %and3A_95, %shift_right_arithmetic3A_97 : vector<16xi32>
    %swap3A_99 = arith.constant 112 : index
    %swap3A_100 = tpu.vector_load %arg7[%swap3A_99] {strides = array<i32>} : memref<256xi32, #tpu.memory_space<vmem>>, vector<16xi32>,
    %swap3A_101 = vector.shape_cast %swap3A_100 : vector<16xi32> to vector<16xi32>
    %swap3A_102 = vector.shape_cast %shift_right_arithmetic3A_98 : vector<16xi32> to vector<16xi32>
    tpu.vector_store %arg7[%swap3A_99], %swap3A_102 {strides = array<i32>} : memref<256xi32, #tpu.memory_space<vmem>>, vector<16xi32>,
    %get3A_103 = arith.constant 128 : index
    %get3A_104 = tpu.vector_load %arg5[%get3A_103] {strides = array<i32>} : memref<256xi32, #tpu.memory_space<vmem>>, vector<16xi32>,
    %get3A_105 = vector.shape_cast %get3A_104 : vector<16xi32> to vector<16xi32>
    %and3A_106 = arith.constant 8191 : i32
    %and3A_107 = vector.broadcast %and3A_106 : i32 to vector<16xi32>
    %and3A_108 = arith.andi %get3A_105, %and3A_107 : vector<16xi32>
    %shift_right_arithmetic3A_109 = arith.constant 7 : i32
    %shift_right_arithmetic3A_110 = vector.broadcast %shift_right_arithmetic3A_109 : i32 to vector<16xi32>
    %shift_right_arithmetic3A_111 = arith.shrsi %and3A_108, %shift_right_arithmetic3A_110 : vector<16xi32>
    %swap3A_112 = arith.constant 128 : index
    %swap3A_113 = tpu.vector_load %arg7[%swap3A_112] {strides = array<i32>} : memref<256xi32, #tpu.memory_space<vmem>>, vector<16xi32>,
    %swap3A_114 = vector.shape_cast %swap3A_113 : vector<16xi32> to vector<16xi32>
    %swap3A_115 = vector.shape_cast %shift_right_arithmetic3A_111 : vector<16xi32> to vector<16xi32>
    tpu.vector_store %arg7[%swap3A_112], %swap3A_115 {strides = array<i32>} : memref<256xi32, #tpu.memory_space<vmem>>, vector<16xi32>,
    %get3A_116 = arith.constant 144 : index
    %get3A_117 = tpu.vector_load %arg5[%get3A_116] {strides = array<i32>} : memref<256xi32, #tpu.memory_space<vmem>>, vector<16xi32>,
    %get3A_118 = vector.shape_cast %get3A_117 : vector<16xi32> to vector<16xi32>
    %and3A_119 = arith.constant 8191 : i32
    %and3A_120 = vector.broadcast %and3A_119 : i32 to vector<16xi32>
    %and3A_121 = arith.andi %get3A_118, %and3A_120 : vector<16xi32>
    %shift_right_arithmetic3A_122 = arith.constant 7 : i32
    %shift_right_arithmetic3A_123 = vector.broadcast %shift_right_arithmetic3A_122 : i32 to vector<16xi32>
    %shift_right_arithmetic3A_124 = arith.shrsi %and3A_121, %shift_right_arithmetic3A_123 : vector<16xi32>
    %swap3A_125 = arith.constant 144 : index
    %swap3A_126 = tpu.vector_load %arg7[%swap3A_125] {strides = array<i32>} : memref<256xi32, #tpu.memory_space<vmem>>, vector<16xi32>,
    %swap3A_127 = vector.shape_cast %swap3A_126 : vector<16xi32> to vector<16xi32>
    %swap3A_128 = vector.shape_cast %shift_right_arithmetic3A_124 : vector<16xi32> to vector<16xi32>
    tpu.vector_store %arg7[%swap3A_125], %swap3A_128 {strides = array<i32>} : memref<256xi32, #tpu.memory_space<vmem>>, vector<16xi32>,
    %get3A_129 = arith.constant 160 : index
    %get3A_130 = tpu.vector_load %arg5[%get3A_129] {strides = array<i32>} : memref<256xi32, #tpu.memory_space<vmem>>, vector<16xi32>,
    %get3A_131 = vector.shape_cast %get3A_130 : vector<16xi32> to vector<16xi32>
    %and3A_132 = arith.constant 8191 : i32
    %and3A_133 = vector.broadcast %and3A_132 : i32 to vector<16xi32>
    %and3A_134 = arith.andi %get3A_131, %and3A_133 : vector<16xi32>
    %shift_right_arithmetic3A_135 = arith.constant 7 : i32
    %shift_right_arithmetic3A_136 = vector.broadcast %shift_right_arithmetic3A_135 : i32 to vector<16xi32>
    %shift_right_arithmetic3A_137 = arith.shrsi %and3A_134, %shift_right_arithmetic3A_136 : vector<16xi32>
    %swap3A_138 = arith.constant 160 : index
    %swap3A_139 = tpu.vector_load %arg7[%swap3A_138] {strides = array<i32>} : memref<256xi32, #tpu.memory_space<vmem>>, vector<16xi32>,
    %swap3A_140 = vector.shape_cast %swap3A_139 : vector<16xi32> to vector<16xi32>
    %swap3A_141 = vector.shape_cast %shift_right_arithmetic3A_137 : vector<16xi32> to vector<16xi32>
    tpu.vector_store %arg7[%swap3A_138], %swap3A_141 {strides = array<i32>} : memref<256xi32, #tpu.memory_space<vmem>>, vector<16xi32>,
    %get3A_142 = arith.constant 176 : index
    %get3A_143 = tpu.vector_load %arg5[%get3A_142] {strides = array<i32>} : memref<256xi32, #tpu.memory_space<vmem>>, vector<16xi32>,
    %get3A_144 = vector.shape_cast %get3A_143 : vector<16xi32> to vector<16xi32>
    %and3A_145 = arith.constant 8191 : i32
    %and3A_146 = vector.broadcast %and3A_145 : i32 to vector<16xi32>
    %and3A_147 = arith.andi %get3A_144, %and3A_146 : vector<16xi32>
    %shift_right_arithmetic3A_148 = arith.constant 7 : i32
    %shift_right_arithmetic3A_149 = vector.broadcast %shift_right_arithmetic3A_148 : i32 to vector<16xi32>
    %shift_right_arithmetic3A_150 = arith.shrsi %and3A_147, %shift_right_arithmetic3A_149 : vector<16xi32>
    %swap3A_151 = arith.constant 176 : index
    %swap3A_152 = tpu.vector_load %arg7[%swap3A_151] {strides = array<i32>} : memref<256xi32, #tpu.memory_space<vmem>>, vector<16xi32>,
    %swap3A_153 = vector.shape_cast %swap3A_152 : vector<16xi32> to vector<16xi32>
    %swap3A_154 = vector.shape_cast %shift_right_arithmetic3A_150 : vector<16xi32> to vector<16xi32>
    tpu.vector_store %arg7[%swap3A_151], %swap3A_154 {strides = array<i32>} : memref<256xi32, #tpu.memory_space<vmem>>, vector<16xi32>,
    %get3A_155 = arith.constant 192 : index
    %get3A_156 = tpu.vector_load %arg5[%get3A_155] {strides = array<i32>} : memref<256xi32, #tpu.memory_space<vmem>>, vector<16xi32>,
    %get3A_157 = vector.shape_cast %get3A_156 : vector<16xi32> to vector<16xi32>
    %and3A_158 = arith.constant 8191 : i32
    %and3A_159 = vector.broadcast %and3A_158 : i32 to vector<16xi32>
    %and3A_160 = arith.andi %get3A_157, %and3A_159 : vector<16xi32>
    %shift_right_arithmetic3A_161 = arith.constant 7 : i32
    %shift_right_arithmetic3A_162 = vector.broadcast %shift_right_arithmetic3A_161 : i32 to vector<16xi32>
    %shift_right_arithmetic3A_163 = arith.shrsi %and3A_160, %shift_right_arithmetic3A_162 : vector<16xi32>
    %swap3A_164 = arith.constant 192 : index
    %swap3A_165 = tpu.vector_load %arg7[%swap3A_164] {strides = array<i32>} : memref<256xi32, #tpu.memory_space<vmem>>, vector<16xi32>,
    %swap3A_166 = vector.shape_cast %swap3A_165 : vector<16xi32> to vector<16xi32>
    %swap3A_167 = vector.shape_cast %shift_right_arithmetic3A_163 : vector<16xi32> to vector<16xi32>
    tpu.vector_store %arg7[%swap3A_164], %swap3A_167 {strides = array<i32>} : memref<256xi32, #tpu.memory_space<vmem>>, vector<16xi32>,
    %get3A_168 = arith.constant 208 : index
    %get3A_169 = tpu.vector_load %arg5[%get3A_168] {strides = array<i32>} : memref<256xi32, #tpu.memory_space<vmem>>, vector<16xi32>,
    %get3A_170 = vector.shape_cast %get3A_169 : vector<16xi32> to vector<16xi32>
    %and3A_171 = arith.constant 8191 : i32
    %and3A_172 = vector.broadcast %and3A_171 : i32 to vector<16xi32>
    %and3A_173 = arith.andi %get3A_170, %and3A_172 : vector<16xi32>
    %shift_right_arithmetic3A_174 = arith.constant 7 : i32
    %shift_right_arithmetic3A_175 = vector.broadcast %shift_right_arithmetic3A_174 : i32 to vector<16xi32>
    %shift_right_arithmetic3A_176 = arith.shrsi %and3A_173, %shift_right_arithmetic3A_175 : vector<16xi32>
    %swap3A_177 = arith.constant 208 : index
    %swap3A_178 = tpu.vector_load %arg7[%swap3A_177] {strides = array<i32>} : memref<256xi32, #tpu.memory_space<vmem>>, vector<16xi32>,
    %swap3A_179 = vector.shape_cast %swap3A_178 : vector<16xi32> to vector<16xi32>
    %swap3A_180 = vector.shape_cast %shift_right_arithmetic3A_176 : vector<16xi32> to vector<16xi32>
    tpu.vector_store %arg7[%swap3A_177], %swap3A_180 {strides = array<i32>} : memref<256xi32, #tpu.memory_space<vmem>>, vector<16xi32>,
    %get3A_181 = arith.constant 224 : index
    %get3A_182 = tpu.vector_load %arg5[%get3A_181] {strides = array<i32>} : memref<256xi32, #tpu.memory_space<vmem>>, vector<16xi32>,
    %get3A_183 = vector.shape_cast %get3A_182 : vector<16xi32> to vector<16xi32>
    %and3A_184 = arith.constant 8191 : i32
    %and3A_185 = vector.broadcast %and3A_184 : i32 to vector<16xi32>
    %and3A_186 = arith.andi %get3A_183, %and3A_185 : vector<16xi32>
    %shift_right_arithmetic3A_187 = arith.constant 7 : i32
    %shift_right_arithmetic3A_188 = vector.broadcast %shift_right_arithmetic3A_187 : i32 to vector<16xi32>
    %shift_right_arithmetic3A_189 = arith.shrsi %and3A_186, %shift_right_arithmetic3A_188 : vector<16xi32>
    %swap3A_190 = arith.constant 224 : index
    %swap3A_191 = tpu.vector_load %arg7[%swap3A_190] {strides = array<i32>} : memref<256xi32, #tpu.memory_space<vmem>>, vector<16xi32>,
    %swap3A_192 = vector.shape_cast %swap3A_191 : vector<16xi32> to vector<16xi32>
    %swap3A_193 = vector.shape_cast %shift_right_arithmetic3A_189 : vector<16xi32> to vector<16xi32>
    tpu.vector_store %arg7[%swap3A_190], %swap3A_193 {strides = array<i32>} : memref<256xi32, #tpu.memory_space<vmem>>, vector<16xi32>,
    %get3A_194 = arith.constant 240 : index
    %get3A_195 = tpu.vector_load %arg5[%get3A_194] {strides = array<i32>} : memref<256xi32, #tpu.memory_space<vmem>>, vector<16xi32>,
    %get3A_196 = vector.shape_cast %get3A_195 : vector<16xi32> to vector<16xi32>
    %and3A_197 = arith.constant 8191 : i32
    %and3A_198 = vector.broadcast %and3A_197 : i32 to vector<16xi32>
    %and3A_199 = arith.andi %get3A_196, %and3A_198 : vector<16xi32>
    %shift_right_arithmetic3A_200 = arith.constant 7 : i32
    %shift_right_arithmetic3A_201 = vector.broadcast %shift_right_arithmetic3A_200 : i32 to vector<16xi32>
    %shift_right_arithmetic3A_202 = arith.shrsi %and3A_199, %shift_right_arithmetic3A_201 : vector<16xi32>
    %swap3A_203 = arith.constant 240 : index
    %swap3A_204 = tpu.vector_load %arg7[%swap3A_203] {strides = array<i32>} : memref<256xi32, #tpu.memory_space<vmem>>, vector<16xi32>,
    %swap3A_205 = vector.shape_cast %swap3A_204 : vector<16xi32> to vector<16xi32>
    %swap3A_206 = vector.shape_cast %shift_right_arithmetic3A_202 : vector<16xi32> to vector<16xi32>
    tpu.vector_store %arg7[%swap3A_203], %swap3A_206 {strides = array<i32>} : memref<256xi32, #tpu.memory_space<vmem>>, vector<16xi32>,
    %scan3A = arith.constant 0 : i32
    %scan3A_207 = arith.constant 0 : i32
    %scan3A_208 = arith.constant 256 : i32
    %scan3A_209 = arith.addi %scan3A_207, %scan3A_208 : i32
    %scan3A_210 = arith.constant 1 : i32
    scf.for %scan3A_212 = %scan3A_207 to %scan3A_209 step %scan3A_210  : i32 {
      %shift_right_arithmetic3A_213 = arith.constant 4 : i32
      %shift_right_arithmetic3A_214 = arith.shrsi %scan3A_212, %shift_right_arithmetic3A_213 : i32
      %shift_left3A = arith.constant 4 : i32
      %shift_left3A_215 = arith.shli %shift_right_arithmetic3A_214, %shift_left3A : i32
      %get3A_216 = arith.index_cast %shift_left3A_215 : i32 to index
      %get3A_217 = tpu.vector_load %arg5[%get3A_216] {strides = array<i32>} : memref<256xi32, #tpu.memory_space<vmem>>, vector<16xi32>,
      %get3A_218 = vector.shape_cast %get3A_217 : vector<16xi32> to vector<16xi32>
      %and3A_219 = arith.constant 127 : i32
      %and3A_220 = vector.broadcast %and3A_219 : i32 to vector<16xi32>
      %and3A_221 = arith.andi %get3A_218, %and3A_220 : vector<16xi32>
      %and3A_222 = arith.constant 15 : i32
      %and3A_223 = arith.andi %scan3A_212, %and3A_222 : i32
      %broadcast_in_dim3A = vector.broadcast %and3A_223 : i32 to vector<16xi32>
      %lt3A = arith.constant 0 : i32
      %lt3A_224 = vector.broadcast %lt3A : i32 to vector<16xi32>
      %lt3A_225 = arith.cmpi slt, %broadcast_in_dim3A, %lt3A_224 : vector<16xi32>
      %add3A_226 = arith.constant 16 : i32
      %add3A_227 = vector.broadcast %add3A_226 : i32 to vector<16xi32>
      %add3A_228 = arith.addi %broadcast_in_dim3A, %add3A_227 : vector<16xi32>
      %select_n3A = arith.select %lt3A_225, %add3A_228, %broadcast_in_dim3A : vector<16xi1>, vector<16xi32>
      %broadcast_in_dim3A_229 = vector.shape_cast %select_n3A : vector<16xi32> to vector<16x1xi32>
      %gather3A = vector.shape_cast %broadcast_in_dim3A_229 : vector<16x1xi32> to vector<16xi32>
      %gather3A_230 = tpu.dynamic_gather %and3A_221[%gather3A] in [0] : vector<16xi32>, vector<16xi32> -> vector<16xi32>
      %add3A_231 = arith.constant 0 : i32
      %add3A_232 = vector.broadcast %add3A_231 : i32 to vector<16xi32>
      %add3A_233 = arith.addi %iota3A, %add3A_232 : vector<16xi32>
      %eq3A = arith.cmpi eq, %add3A_233, %gather3A_230 : vector<16xi32>
      %jit3A = arith.constant 5.000000e+00 : f32
      %jit3A_234 = arith.constant 0.000000e+00 : f32
      %broadcast_in_dim3A_235 = vector.broadcast %jit3A : f32 to vector<16xf32>
      %broadcast_in_dim3A_236 = vector.broadcast %jit3A_234 : f32 to vector<16xf32>
      %select_n3A_237 = arith.select %eq3A, %broadcast_in_dim3A_235, %broadcast_in_dim3A_236 : vector<16xi1>, vector<16xf32>
      %swap3A_238 = arith.index_cast %scan3A_212 : i32 to index
      %swap3A_239 = arith.constant 0 : index
      %swap3A_240 = tpu.vector_load %arg6[%swap3A_238, %swap3A_239] {strides = array<i32>} : memref<256x128xf32, #tpu.memory_space<vmem>>, vector<1x16xf32>,
      %swap3A_241 = vector.shape_cast %swap3A_240 : vector<1x16xf32> to vector<16xf32>
      %swap3A_242 = vector.shape_cast %select_n3A_237 : vector<16xf32> to vector<1x16xf32>
      tpu.vector_store %arg6[%swap3A_238, %swap3A_239], %swap3A_242 {strides = array<i32>} : memref<256x128xf32, #tpu.memory_space<vmem>>, vector<1x16xf32>,
      %add3A_243 = arith.constant 16 : i32
      %add3A_244 = vector.broadcast %add3A_243 : i32 to vector<16xi32>
      %add3A_245 = arith.addi %iota3A, %add3A_244 : vector<16xi32>
      %eq3A_246 = arith.cmpi eq, %add3A_245, %gather3A_230 : vector<16xi32>
      %jit3A_247 = arith.constant 5.000000e+00 : f32
      %jit3A_248 = arith.constant 0.000000e+00 : f32
      %broadcast_in_dim3A_249 = vector.broadcast %jit3A_247 : f32 to vector<16xf32>
      %broadcast_in_dim3A_250 = vector.broadcast %jit3A_248 : f32 to vector<16xf32>
      %select_n3A_251 = arith.select %eq3A_246, %broadcast_in_dim3A_249, %broadcast_in_dim3A_250 : vector<16xi1>, vector<16xf32>
      %swap3A_252 = arith.index_cast %scan3A_212 : i32 to index
      %swap3A_253 = arith.constant 16 : index
      %swap3A_254 = tpu.vector_load %arg6[%swap3A_252, %swap3A_253] {strides = array<i32>} : memref<256x128xf32, #tpu.memory_space<vmem>>, vector<1x16xf32>,
      %swap3A_255 = vector.shape_cast %swap3A_254 : vector<1x16xf32> to vector<16xf32>
      %swap3A_256 = vector.shape_cast %select_n3A_251 : vector<16xf32> to vector<1x16xf32>
      tpu.vector_store %arg6[%swap3A_252, %swap3A_253], %swap3A_256 {strides = array<i32>} : memref<256x128xf32, #tpu.memory_space<vmem>>, vector<1x16xf32>,
      %add3A_257 = arith.constant 32 : i32
      %add3A_258 = vector.broadcast %add3A_257 : i32 to vector<16xi32>
      %add3A_259 = arith.addi %iota3A, %add3A_258 : vector<16xi32>
      %eq3A_260 = arith.cmpi eq, %add3A_259, %gather3A_230 : vector<16xi32>
      %jit3A_261 = arith.constant 5.000000e+00 : f32
      %jit3A_262 = arith.constant 0.000000e+00 : f32
      %broadcast_in_dim3A_263 = vector.broadcast %jit3A_261 : f32 to vector<16xf32>
      %broadcast_in_dim3A_264 = vector.broadcast %jit3A_262 : f32 to vector<16xf32>
      %select_n3A_265 = arith.select %eq3A_260, %broadcast_in_dim3A_263, %broadcast_in_dim3A_264 : vector<16xi1>, vector<16xf32>
      %swap3A_266 = arith.index_cast %scan3A_212 : i32 to index
      %swap3A_267 = arith.constant 32 : index
      %swap3A_268 = tpu.vector_load %arg6[%swap3A_266, %swap3A_267] {strides = array<i32>} : memref<256x128xf32, #tpu.memory_space<vmem>>, vector<1x16xf32>,
      %swap3A_269 = vector.shape_cast %swap3A_268 : vector<1x16xf32> to vector<16xf32>
      %swap3A_270 = vector.shape_cast %select_n3A_265 : vector<16xf32> to vector<1x16xf32>
      tpu.vector_store %arg6[%swap3A_266, %swap3A_267], %swap3A_270 {strides = array<i32>} : memref<256x128xf32, #tpu.memory_space<vmem>>, vector<1x16xf32>,
      %add3A_271 = arith.constant 48 : i32
      %add3A_272 = vector.broadcast %add3A_271 : i32 to vector<16xi32>
      %add3A_273 = arith.addi %iota3A, %add3A_272 : vector<16xi32>
      %eq3A_274 = arith.cmpi eq, %add3A_273, %gather3A_230 : vector<16xi32>
      %jit3A_275 = arith.constant 5.000000e+00 : f32
      %jit3A_276 = arith.constant 0.000000e+00 : f32
      %broadcast_in_dim3A_277 = vector.broadcast %jit3A_275 : f32 to vector<16xf32>
      %broadcast_in_dim3A_278 = vector.broadcast %jit3A_276 : f32 to vector<16xf32>
      %select_n3A_279 = arith.select %eq3A_274, %broadcast_in_dim3A_277, %broadcast_in_dim3A_278 : vector<16xi1>, vector<16xf32>
      %swap3A_280 = arith.index_cast %scan3A_212 : i32 to index
      %swap3A_281 = arith.constant 48 : index
      %swap3A_282 = tpu.vector_load %arg6[%swap3A_280, %swap3A_281] {strides = array<i32>} : memref<256x128xf32, #tpu.memory_space<vmem>>, vector<1x16xf32>,
      %swap3A_283 = vector.shape_cast %swap3A_282 : vector<1x16xf32> to vector<16xf32>
      %swap3A_284 = vector.shape_cast %select_n3A_279 : vector<16xf32> to vector<1x16xf32>
      tpu.vector_store %arg6[%swap3A_280, %swap3A_281], %swap3A_284 {strides = array<i32>} : memref<256x128xf32, #tpu.memory_space<vmem>>, vector<1x16xf32>,
      %add3A_285 = arith.constant 64 : i32
      %add3A_286 = vector.broadcast %add3A_285 : i32 to vector<16xi32>
      %add3A_287 = arith.addi %iota3A, %add3A_286 : vector<16xi32>
      %eq3A_288 = arith.cmpi eq, %add3A_287, %gather3A_230 : vector<16xi32>
      %jit3A_289 = arith.constant 5.000000e+00 : f32
      %jit3A_290 = arith.constant 0.000000e+00 : f32
      %broadcast_in_dim3A_291 = vector.broadcast %jit3A_289 : f32 to vector<16xf32>
      %broadcast_in_dim3A_292 = vector.broadcast %jit3A_290 : f32 to vector<16xf32>
      %select_n3A_293 = arith.select %eq3A_288, %broadcast_in_dim3A_291, %broadcast_in_dim3A_292 : vector<16xi1>, vector<16xf32>
      %swap3A_294 = arith.index_cast %scan3A_212 : i32 to index
      %swap3A_295 = arith.constant 64 : index
      %swap3A_296 = tpu.vector_load %arg6[%swap3A_294, %swap3A_295] {strides = array<i32>} : memref<256x128xf32, #tpu.memory_space<vmem>>, vector<1x16xf32>,
      %swap3A_297 = vector.shape_cast %swap3A_296 : vector<1x16xf32> to vector<16xf32>
      %swap3A_298 = vector.shape_cast %select_n3A_293 : vector<16xf32> to vector<1x16xf32>
      tpu.vector_store %arg6[%swap3A_294, %swap3A_295], %swap3A_298 {strides = array<i32>} : memref<256x128xf32, #tpu.memory_space<vmem>>, vector<1x16xf32>,
      %add3A_299 = arith.constant 80 : i32
      %add3A_300 = vector.broadcast %add3A_299 : i32 to vector<16xi32>
      %add3A_301 = arith.addi %iota3A, %add3A_300 : vector<16xi32>
      %eq3A_302 = arith.cmpi eq, %add3A_301, %gather3A_230 : vector<16xi32>
      %jit3A_303 = arith.constant 5.000000e+00 : f32
      %jit3A_304 = arith.constant 0.000000e+00 : f32
      %broadcast_in_dim3A_305 = vector.broadcast %jit3A_303 : f32 to vector<16xf32>
      %broadcast_in_dim3A_306 = vector.broadcast %jit3A_304 : f32 to vector<16xf32>
      %select_n3A_307 = arith.select %eq3A_302, %broadcast_in_dim3A_305, %broadcast_in_dim3A_306 : vector<16xi1>, vector<16xf32>
      %swap3A_308 = arith.index_cast %scan3A_212 : i32 to index
      %swap3A_309 = arith.constant 80 : index
      %swap3A_310 = tpu.vector_load %arg6[%swap3A_308, %swap3A_309] {strides = array<i32>} : memref<256x128xf32, #tpu.memory_space<vmem>>, vector<1x16xf32>,
      %swap3A_311 = vector.shape_cast %swap3A_310 : vector<1x16xf32> to vector<16xf32>
      %swap3A_312 = vector.shape_cast %select_n3A_307 : vector<16xf32> to vector<1x16xf32>
      tpu.vector_store %arg6[%swap3A_308, %swap3A_309], %swap3A_312 {strides = array<i32>} : memref<256x128xf32, #tpu.memory_space<vmem>>, vector<1x16xf32>,
      %add3A_313 = arith.constant 96 : i32
      %add3A_314 = vector.broadcast %add3A_313 : i32 to vector<16xi32>
      %add3A_315 = arith.addi %iota3A, %add3A_314 : vector<16xi32>
      %eq3A_316 = arith.cmpi eq, %add3A_315, %gather3A_230 : vector<16xi32>
      %jit3A_317 = arith.constant 5.000000e+00 : f32
      %jit3A_318 = arith.constant 0.000000e+00 : f32
      %broadcast_in_dim3A_319 = vector.broadcast %jit3A_317 : f32 to vector<16xf32>
      %broadcast_in_dim3A_320 = vector.broadcast %jit3A_318 : f32 to vector<16xf32>
      %select_n3A_321 = arith.select %eq3A_316, %broadcast_in_dim3A_319, %broadcast_in_dim3A_320 : vector<16xi1>, vector<16xf32>
      %swap3A_322 = arith.index_cast %scan3A_212 : i32 to index
      %swap3A_323 = arith.constant 96 : index
      %swap3A_324 = tpu.vector_load %arg6[%swap3A_322, %swap3A_323] {strides = array<i32>} : memref<256x128xf32, #tpu.memory_space<vmem>>, vector<1x16xf32>,
      %swap3A_325 = vector.shape_cast %swap3A_324 : vector<1x16xf32> to vector<16xf32>
      %swap3A_326 = vector.shape_cast %select_n3A_321 : vector<16xf32> to vector<1x16xf32>
      tpu.vector_store %arg6[%swap3A_322, %swap3A_323], %swap3A_326 {strides = array<i32>} : memref<256x128xf32, #tpu.memory_space<vmem>>, vector<1x16xf32>,
      %add3A_327 = arith.constant 112 : i32
      %add3A_328 = vector.broadcast %add3A_327 : i32 to vector<16xi32>
      %add3A_329 = arith.addi %iota3A, %add3A_328 : vector<16xi32>
      %eq3A_330 = arith.cmpi eq, %add3A_329, %gather3A_230 : vector<16xi32>
      %jit3A_331 = arith.constant 5.000000e+00 : f32
      %jit3A_332 = arith.constant 0.000000e+00 : f32
      %broadcast_in_dim3A_333 = vector.broadcast %jit3A_331 : f32 to vector<16xf32>
      %broadcast_in_dim3A_334 = vector.broadcast %jit3A_332 : f32 to vector<16xf32>
      %select_n3A_335 = arith.select %eq3A_330, %broadcast_in_dim3A_333, %broadcast_in_dim3A_334 : vector<16xi1>, vector<16xf32>
      %swap3A_336 = arith.index_cast %scan3A_212 : i32 to index
      %swap3A_337 = arith.constant 112 : index
      %swap3A_338 = tpu.vector_load %arg6[%swap3A_336, %swap3A_337] {strides = array<i32>} : memref<256x128xf32, #tpu.memory_space<vmem>>, vector<1x16xf32>,
      %swap3A_339 = vector.shape_cast %swap3A_338 : vector<1x16xf32> to vector<16xf32>
      %swap3A_340 = vector.shape_cast %select_n3A_335 : vector<16xf32> to vector<1x16xf32>
      tpu.vector_store %arg6[%swap3A_336, %swap3A_337], %swap3A_340 {strides = array<i32>} : memref<256x128xf32, #tpu.memory_space<vmem>>, vector<1x16xf32>,
    }
    %scan3A_211 = arith.constant 256 : i32
    "tpu.region"() ({
      %run_scoped3A = tpu.sem_alloc : memref<!tpu.dma_semaphore, #tpu.memory_space<semaphore_mem>>
      %dma_start3A = arith.constant 0 : i32
      %dma_start3A_212 = tpu.memref_slice %arg3[%mul3A_2, %dma_start3A] : memref<8192x128xf32, #tpu.memory_space<hbm>> -> memref<256x128xf32, #tpu.memory_space<hbm>>
      %dma_start3A_213 = arith.constant 0 : i32
      %dma_start3A_214 = tpu.memref_slice %arg3[%mul3A_2, %dma_start3A_213] : memref<8192x128xf32, #tpu.memory_space<hbm>> -> memref<256x128xf32, #tpu.memory_space<hbm>>
      tpu.enqueue_dma source(%arg6 : memref<256x128xf32, #tpu.memory_space<vmem>>) target(%dma_start3A_214 : memref<256x128xf32, #tpu.memory_space<hbm>>) target_semaphore(%run_scoped3A : memref<!tpu.dma_semaphore, #tpu.memory_space<semaphore_mem>>)
      %dma_wait3A = arith.constant 0 : i32
      %dma_wait3A_215 = tpu.memref_slice %arg3[%mul3A_2, %dma_wait3A] : memref<8192x128xf32, #tpu.memory_space<hbm>> -> memref<256x128xf32, #tpu.memory_space<hbm>>
      %dma_wait3A_216 = arith.constant 0 : i32
      %dma_wait3A_217 = tpu.memref_slice %arg3[%mul3A_2, %dma_wait3A_216] : memref<8192x128xf32, #tpu.memory_space<hbm>> -> memref<256x128xf32, #tpu.memory_space<hbm>>
      tpu.wait_dma2 semaphore(%run_scoped3A : memref<!tpu.dma_semaphore, #tpu.memory_space<semaphore_mem>>) src(%arg6 : memref<256x128xf32, #tpu.memory_space<vmem>>) dst(%dma_wait3A_217 : memref<256x128xf32, #tpu.memory_space<hbm>>)
      tpu.yield
    }) : () -> ()
    "tpu.region"() ({
      %run_scoped3A = tpu.sem_alloc : memref<!tpu.dma_semaphore, #tpu.memory_space<semaphore_mem>>
      %dma_start3A = tpu.memref_slice %arg4[%mul3A_2] : memref<8192xi32, #tpu.memory_space<hbm>> -> memref<256xi32, #tpu.memory_space<hbm>>
      %dma_start3A_212 = tpu.memref_slice %arg4[%mul3A_2] : memref<8192xi32, #tpu.memory_space<hbm>> -> memref<256xi32, #tpu.memory_space<hbm>>
      tpu.enqueue_dma source(%arg7 : memref<256xi32, #tpu.memory_space<vmem>>) target(%dma_start3A_212 : memref<256xi32, #tpu.memory_space<hbm>>) target_semaphore(%run_scoped3A : memref<!tpu.dma_semaphore, #tpu.memory_space<semaphore_mem>>)
      %dma_wait3A = tpu.memref_slice %arg4[%mul3A_2] : memref<8192xi32, #tpu.memory_space<hbm>> -> memref<256xi32, #tpu.memory_space<hbm>>
      %dma_wait3A_213 = tpu.memref_slice %arg4[%mul3A_2] : memref<8192xi32, #tpu.memory_space<hbm>> -> memref<256xi32, #tpu.memory_space<hbm>>
      tpu.wait_dma2 semaphore(%run_scoped3A : memref<!tpu.dma_semaphore, #tpu.memory_space<semaphore_mem>>) src(%arg7 : memref<256xi32, #tpu.memory_space<vmem>>) dst(%dma_wait3A_213 : memref<256xi32, #tpu.memory_space<hbm>>)
      tpu.yield
    }) : () -> ()
    return
  }
}

module attributes {stable_mosaic.version = 14 : i64} {
  func.func @_tc_assemble_body(%arg0: i32, %arg1: memref<1x1x256xi32, #tpu.memory_space<smem>>, %arg2: memref<256x128xf32, #tpu.memory_space<vmem>>, %arg3: memref<256x8192xf32, #tpu.memory_space<vmem>>) attributes {dimension_semantics = [#tpu.dimension_semantics<arbitrary>], iteration_bounds = array<i64: 32>, scalar_prefetch = 0 : i64, scratch_operands = 0 : i64, tpu.core_type = #tpu.core_type<tc>, window_params = [{transform_indices = @transform_0, window_bounds = array<i64: 1, 1, 256>}, {transform_indices = @transform_1, window_bounds = array<i64: 256, 128>}, {transform_indices = @transform_2, window_bounds = array<i64: 256, 8192>}]} {
    %broadcast_in_dim3A = arith.constant 0.000000e+00 : f32
    %broadcast_in_dim3A_0 = vector.broadcast %broadcast_in_dim3A : f32 to vector<256x8192xf32>
    %swap3A = arith.constant 0 : index
    %swap3A_1 = arith.constant 0 : index
    %swap3A_2 = vector.load %arg3[%swap3A, %swap3A_1] : memref<256x8192xf32, #tpu.memory_space<vmem>>, vector<256x8192xf32>
    tpu.vector_store %arg3[%swap3A, %swap3A_1], %broadcast_in_dim3A_0 {strides = array<i32>} : memref<256x8192xf32, #tpu.memory_space<vmem>>, vector<256x8192xf32>,
    %get3A = arith.constant 0 : index
    %get3A_3 = arith.constant 0 : index
    %get3A_4 = arith.constant 0 : index
    %get3A_5 = memref.load %arg1[%get3A, %get3A_3, %get3A_4] : memref<1x1x256xi32, #tpu.memory_space<smem>>
    %mul3A = arith.constant 128 : i32
    %mul3A_6 = arith.muli %get3A_5, %mul3A : i32
    %multiple_of3A = tpu.assume_multiple %mul3A_6, 128 : i32
    %get3A_7 = arith.constant 0 : index
    %get3A_8 = arith.constant 0 : index
    %get3A_9 = vector.load %arg2[%get3A_7, %get3A_8] : memref<256x128xf32, #tpu.memory_space<vmem>>, vector<1x128xf32>
    %get3A_10 = vector.shape_cast %get3A_9 : vector<1x128xf32> to vector<128xf32>
    %swap3A_11 = arith.constant 0 : index
    %swap3A_12 = arith.index_cast %multiple_of3A : i32 to index
    %swap3A_13 = vector.load %arg3[%swap3A_11, %swap3A_12] : memref<256x8192xf32, #tpu.memory_space<vmem>>, vector<1x128xf32>
    %swap3A_14 = vector.shape_cast %swap3A_13 : vector<1x128xf32> to vector<128xf32>
    %swap3A_15 = vector.shape_cast %get3A_10 : vector<128xf32> to vector<1x128xf32>
    tpu.vector_store %arg3[%swap3A_11, %swap3A_12], %swap3A_15 {strides = array<i32>} : memref<256x8192xf32, #tpu.memory_space<vmem>>, vector<1x128xf32>,
    %get3A_16 = arith.constant 0 : index
    %get3A_17 = arith.constant 0 : index
    %get3A_18 = arith.constant 1 : index
    %get3A_19 = memref.load %arg1[%get3A_16, %get3A_17, %get3A_18] : memref<1x1x256xi32, #tpu.memory_space<smem>>
    %mul3A_20 = arith.constant 128 : i32
    %mul3A_21 = arith.muli %get3A_19, %mul3A_20 : i32
    %multiple_of3A_22 = tpu.assume_multiple %mul3A_21, 128 : i32
    %get3A_23 = arith.constant 1 : index
    %get3A_24 = arith.constant 0 : index
    %get3A_25 = vector.load %arg2[%get3A_23, %get3A_24] : memref<256x128xf32, #tpu.memory_space<vmem>>, vector<1x128xf32>
    %get3A_26 = vector.shape_cast %get3A_25 : vector<1x128xf32> to vector<128xf32>
    %swap3A_27 = arith.constant 1 : index
    %swap3A_28 = arith.index_cast %multiple_of3A_22 : i32 to index
    %swap3A_29 = vector.load %arg3[%swap3A_27, %swap3A_28] : memref<256x8192xf32, #tpu.memory_space<vmem>>, vector<1x128xf32>
    %swap3A_30 = vector.shape_cast %swap3A_29 : vector<1x128xf32> to vector<128xf32>
    %swap3A_31 = vector.shape_cast %get3A_26 : vector<128xf32> to vector<1x128xf32>
    tpu.vector_store %arg3[%swap3A_27, %swap3A_28], %swap3A_31 {strides = array<i32>} : memref<256x8192xf32, #tpu.memory_space<vmem>>, vector<1x128xf32>,
    %get3A_32 = arith.constant 0 : index
    %get3A_33 = arith.constant 0 : index
    %get3A_34 = arith.constant 2 : index
    %get3A_35 = memref.load %arg1[%get3A_32, %get3A_33, %get3A_34] : memref<1x1x256xi32, #tpu.memory_space<smem>>
    %mul3A_36 = arith.constant 128 : i32
    %mul3A_37 = arith.muli %get3A_35, %mul3A_36 : i32
    %multiple_of3A_38 = tpu.assume_multiple %mul3A_37, 128 : i32
    %get3A_39 = arith.constant 2 : index
    %get3A_40 = arith.constant 0 : index
    %get3A_41 = vector.load %arg2[%get3A_39, %get3A_40] : memref<256x128xf32, #tpu.memory_space<vmem>>, vector<1x128xf32>
    %get3A_42 = vector.shape_cast %get3A_41 : vector<1x128xf32> to vector<128xf32>
    %swap3A_43 = arith.constant 2 : index
    %swap3A_44 = arith.index_cast %multiple_of3A_38 : i32 to index
    %swap3A_45 = vector.load %arg3[%swap3A_43, %swap3A_44] : memref<256x8192xf32, #tpu.memory_space<vmem>>, vector<1x128xf32>
    %swap3A_46 = vector.shape_cast %swap3A_45 : vector<1x128xf32> to vector<128xf32>
    %swap3A_47 = vector.shape_cast %get3A_42 : vector<128xf32> to vector<1x128xf32>
    tpu.vector_store %arg3[%swap3A_43, %swap3A_44], %swap3A_47 {strides = array<i32>} : memref<256x8192xf32, #tpu.memory_space<vmem>>, vector<1x128xf32>,
    %get3A_48 = arith.constant 0 : index
    %get3A_49 = arith.constant 0 : index
    %get3A_50 = arith.constant 3 : index
    %get3A_51 = memref.load %arg1[%get3A_48, %get3A_49, %get3A_50] : memref<1x1x256xi32, #tpu.memory_space<smem>>
    %mul3A_52 = arith.constant 128 : i32
    %mul3A_53 = arith.muli %get3A_51, %mul3A_52 : i32
    %multiple_of3A_54 = tpu.assume_multiple %mul3A_53, 128 : i32
    %get3A_55 = arith.constant 3 : index
    %get3A_56 = arith.constant 0 : index
    %get3A_57 = vector.load %arg2[%get3A_55, %get3A_56] : memref<256x128xf32, #tpu.memory_space<vmem>>, vector<1x128xf32>
    %get3A_58 = vector.shape_cast %get3A_57 : vector<1x128xf32> to vector<128xf32>
    %swap3A_59 = arith.constant 3 : index
    %swap3A_60 = arith.index_cast %multiple_of3A_54 : i32 to index
    %swap3A_61 = vector.load %arg3[%swap3A_59, %swap3A_60] : memref<256x8192xf32, #tpu.memory_space<vmem>>, vector<1x128xf32>
    %swap3A_62 = vector.shape_cast %swap3A_61 : vector<1x128xf32> to vector<128xf32>
    %swap3A_63 = vector.shape_cast %get3A_58 : vector<128xf32> to vector<1x128xf32>
    tpu.vector_store %arg3[%swap3A_59, %swap3A_60], %swap3A_63 {strides = array<i32>} : memref<256x8192xf32, #tpu.memory_space<vmem>>, vector<1x128xf32>,
    %get3A_64 = arith.constant 0 : index
    %get3A_65 = arith.constant 0 : index
    %get3A_66 = arith.constant 4 : index
    %get3A_67 = memref.load %arg1[%get3A_64, %get3A_65, %get3A_66] : memref<1x1x256xi32, #tpu.memory_space<smem>>
    %mul3A_68 = arith.constant 128 : i32
    %mul3A_69 = arith.muli %get3A_67, %mul3A_68 : i32
    %multiple_of3A_70 = tpu.assume_multiple %mul3A_69, 128 : i32
    %get3A_71 = arith.constant 4 : index
    %get3A_72 = arith.constant 0 : index
    %get3A_73 = vector.load %arg2[%get3A_71, %get3A_72] : memref<256x128xf32, #tpu.memory_space<vmem>>, vector<1x128xf32>
    %get3A_74 = vector.shape_cast %get3A_73 : vector<1x128xf32> to vector<128xf32>
    %swap3A_75 = arith.constant 4 : index
    %swap3A_76 = arith.index_cast %multiple_of3A_70 : i32 to index
    %swap3A_77 = vector.load %arg3[%swap3A_75, %swap3A_76] : memref<256x8192xf32, #tpu.memory_space<vmem>>, vector<1x128xf32>
    %swap3A_78 = vector.shape_cast %swap3A_77 : vector<1x128xf32> to vector<128xf32>
    %swap3A_79 = vector.shape_cast %get3A_74 : vector<128xf32> to vector<1x128xf32>
    tpu.vector_store %arg3[%swap3A_75, %swap3A_76], %swap3A_79 {strides = array<i32>} : memref<256x8192xf32, #tpu.memory_space<vmem>>, vector<1x128xf32>,
    %get3A_80 = arith.constant 0 : index
    %get3A_81 = arith.constant 0 : index
    %get3A_82 = arith.constant 5 : index
    %get3A_83 = memref.load %arg1[%get3A_80, %get3A_81, %get3A_82] : memref<1x1x256xi32, #tpu.memory_space<smem>>
    %mul3A_84 = arith.constant 128 : i32
    %mul3A_85 = arith.muli %get3A_83, %mul3A_84 : i32
    %multiple_of3A_86 = tpu.assume_multiple %mul3A_85, 128 : i32
    %get3A_87 = arith.constant 5 : index
    %get3A_88 = arith.constant 0 : index
    %get3A_89 = vector.load %arg2[%get3A_87, %get3A_88] : memref<256x128xf32, #tpu.memory_space<vmem>>, vector<1x128xf32>
    %get3A_90 = vector.shape_cast %get3A_89 : vector<1x128xf32> to vector<128xf32>
    %swap3A_91 = arith.constant 5 : index
    %swap3A_92 = arith.index_cast %multiple_of3A_86 : i32 to index
    %swap3A_93 = vector.load %arg3[%swap3A_91, %swap3A_92] : memref<256x8192xf32, #tpu.memory_space<vmem>>, vector<1x128xf32>
    %swap3A_94 = vector.shape_cast %swap3A_93 : vector<1x128xf32> to vector<128xf32>
    %swap3A_95 = vector.shape_cast %get3A_90 : vector<128xf32> to vector<1x128xf32>
    tpu.vector_store %arg3[%swap3A_91, %swap3A_92], %swap3A_95 {strides = array<i32>} : memref<256x8192xf32, #tpu.memory_space<vmem>>, vector<1x128xf32>,
    %get3A_96 = arith.constant 0 : index
    %get3A_97 = arith.constant 0 : index
    %get3A_98 = arith.constant 6 : index
    %get3A_99 = memref.load %arg1[%get3A_96, %get3A_97, %get3A_98] : memref<1x1x256xi32, #tpu.memory_space<smem>>
    %mul3A_100 = arith.constant 128 : i32
    %mul3A_101 = arith.muli %get3A_99, %mul3A_100 : i32
    %multiple_of3A_102 = tpu.assume_multiple %mul3A_101, 128 : i32
    %get3A_103 = arith.constant 6 : index
    %get3A_104 = arith.constant 0 : index
    %get3A_105 = vector.load %arg2[%get3A_103, %get3A_104] : memref<256x128xf32, #tpu.memory_space<vmem>>, vector<1x128xf32>
    %get3A_106 = vector.shape_cast %get3A_105 : vector<1x128xf32> to vector<128xf32>
    %swap3A_107 = arith.constant 6 : index
    %swap3A_108 = arith.index_cast %multiple_of3A_102 : i32 to index
    %swap3A_109 = vector.load %arg3[%swap3A_107, %swap3A_108] : memref<256x8192xf32, #tpu.memory_space<vmem>>, vector<1x128xf32>
    %swap3A_110 = vector.shape_cast %swap3A_109 : vector<1x128xf32> to vector<128xf32>
    %swap3A_111 = vector.shape_cast %get3A_106 : vector<128xf32> to vector<1x128xf32>
    tpu.vector_store %arg3[%swap3A_107, %swap3A_108], %swap3A_111 {strides = array<i32>} : memref<256x8192xf32, #tpu.memory_space<vmem>>, vector<1x128xf32>,
    %get3A_112 = arith.constant 0 : index
    %get3A_113 = arith.constant 0 : index
    %get3A_114 = arith.constant 7 : index
    %get3A_115 = memref.load %arg1[%get3A_112, %get3A_113, %get3A_114] : memref<1x1x256xi32, #tpu.memory_space<smem>>
    %mul3A_116 = arith.constant 128 : i32
    %mul3A_117 = arith.muli %get3A_115, %mul3A_116 : i32
    %multiple_of3A_118 = tpu.assume_multiple %mul3A_117, 128 : i32
    %get3A_119 = arith.constant 7 : index
    %get3A_120 = arith.constant 0 : index
    %get3A_121 = vector.load %arg2[%get3A_119, %get3A_120] : memref<256x128xf32, #tpu.memory_space<vmem>>, vector<1x128xf32>
    %get3A_122 = vector.shape_cast %get3A_121 : vector<1x128xf32> to vector<128xf32>
    %swap3A_123 = arith.constant 7 : index
    %swap3A_124 = arith.index_cast %multiple_of3A_118 : i32 to index
    %swap3A_125 = vector.load %arg3[%swap3A_123, %swap3A_124] : memref<256x8192xf32, #tpu.memory_space<vmem>>, vector<1x128xf32>
    %swap3A_126 = vector.shape_cast %swap3A_125 : vector<1x128xf32> to vector<128xf32>
    %swap3A_127 = vector.shape_cast %get3A_122 : vector<128xf32> to vector<1x128xf32>
    tpu.vector_store %arg3[%swap3A_123, %swap3A_124], %swap3A_127 {strides = array<i32>} : memref<256x8192xf32, #tpu.memory_space<vmem>>, vector<1x128xf32>,
    %get3A_128 = arith.constant 0 : index
    %get3A_129 = arith.constant 0 : index
    %get3A_130 = arith.constant 8 : index
    %get3A_131 = memref.load %arg1[%get3A_128, %get3A_129, %get3A_130] : memref<1x1x256xi32, #tpu.memory_space<smem>>
    %mul3A_132 = arith.constant 128 : i32
    %mul3A_133 = arith.muli %get3A_131, %mul3A_132 : i32
    %multiple_of3A_134 = tpu.assume_multiple %mul3A_133, 128 : i32
    %get3A_135 = arith.constant 8 : index
    %get3A_136 = arith.constant 0 : index
    %get3A_137 = vector.load %arg2[%get3A_135, %get3A_136] : memref<256x128xf32, #tpu.memory_space<vmem>>, vector<1x128xf32>
    %get3A_138 = vector.shape_cast %get3A_137 : vector<1x128xf32> to vector<128xf32>
    %swap3A_139 = arith.constant 8 : index
    %swap3A_140 = arith.index_cast %multiple_of3A_134 : i32 to index
    %swap3A_141 = vector.load %arg3[%swap3A_139, %swap3A_140] : memref<256x8192xf32, #tpu.memory_space<vmem>>, vector<1x128xf32>
    %swap3A_142 = vector.shape_cast %swap3A_141 : vector<1x128xf32> to vector<128xf32>
    %swap3A_143 = vector.shape_cast %get3A_138 : vector<128xf32> to vector<1x128xf32>
    tpu.vector_store %arg3[%swap3A_139, %swap3A_140], %swap3A_143 {strides = array<i32>} : memref<256x8192xf32, #tpu.memory_space<vmem>>, vector<1x128xf32>,
    %get3A_144 = arith.constant 0 : index
    %get3A_145 = arith.constant 0 : index
    %get3A_146 = arith.constant 9 : index
    %get3A_147 = memref.load %arg1[%get3A_144, %get3A_145, %get3A_146] : memref<1x1x256xi32, #tpu.memory_space<smem>>
    %mul3A_148 = arith.constant 128 : i32
    %mul3A_149 = arith.muli %get3A_147, %mul3A_148 : i32
    %multiple_of3A_150 = tpu.assume_multiple %mul3A_149, 128 : i32
    %get3A_151 = arith.constant 9 : index
    %get3A_152 = arith.constant 0 : index
    %get3A_153 = vector.load %arg2[%get3A_151, %get3A_152] : memref<256x128xf32, #tpu.memory_space<vmem>>, vector<1x128xf32>
    %get3A_154 = vector.shape_cast %get3A_153 : vector<1x128xf32> to vector<128xf32>
    %swap3A_155 = arith.constant 9 : index
    %swap3A_156 = arith.index_cast %multiple_of3A_150 : i32 to index
    %swap3A_157 = vector.load %arg3[%swap3A_155, %swap3A_156] : memref<256x8192xf32, #tpu.memory_space<vmem>>, vector<1x128xf32>
    %swap3A_158 = vector.shape_cast %swap3A_157 : vector<1x128xf32> to vector<128xf32>
    %swap3A_159 = vector.shape_cast %get3A_154 : vector<128xf32> to vector<1x128xf32>
    tpu.vector_store %arg3[%swap3A_155, %swap3A_156], %swap3A_159 {strides = array<i32>} : memref<256x8192xf32, #tpu.memory_space<vmem>>, vector<1x128xf32>,
    %get3A_160 = arith.constant 0 : index
    %get3A_161 = arith.constant 0 : index
    %get3A_162 = arith.constant 10 : index
    %get3A_163 = memref.load %arg1[%get3A_160, %get3A_161, %get3A_162] : memref<1x1x256xi32, #tpu.memory_space<smem>>
    %mul3A_164 = arith.constant 128 : i32
    %mul3A_165 = arith.muli %get3A_163, %mul3A_164 : i32
    %multiple_of3A_166 = tpu.assume_multiple %mul3A_165, 128 : i32
    %get3A_167 = arith.constant 10 : index
    %get3A_168 = arith.constant 0 : index
    %get3A_169 = vector.load %arg2[%get3A_167, %get3A_168] : memref<256x128xf32, #tpu.memory_space<vmem>>, vector<1x128xf32>
    %get3A_170 = vector.shape_cast %get3A_169 : vector<1x128xf32> to vector<128xf32>
    %swap3A_171 = arith.constant 10 : index
    %swap3A_172 = arith.index_cast %multiple_of3A_166 : i32 to index
    %swap3A_173 = vector.load %arg3[%swap3A_171, %swap3A_172] : memref<256x8192xf32, #tpu.memory_space<vmem>>, vector<1x128xf32>
    %swap3A_174 = vector.shape_cast %swap3A_173 : vector<1x128xf32> to vector<128xf32>
    %swap3A_175 = vector.shape_cast %get3A_170 : vector<128xf32> to vector<1x128xf32>
    tpu.vector_store %arg3[%swap3A_171, %swap3A_172], %swap3A_175 {strides = array<i32>} : memref<256x8192xf32, #tpu.memory_space<vmem>>, vector<1x128xf32>,
    %get3A_176 = arith.constant 0 : index
    %get3A_177 = arith.constant 0 : index
    %get3A_178 = arith.constant 11 : index
    %get3A_179 = memref.load %arg1[%get3A_176, %get3A_177, %get3A_178] : memref<1x1x256xi32, #tpu.memory_space<smem>>
    %mul3A_180 = arith.constant 128 : i32
    %mul3A_181 = arith.muli %get3A_179, %mul3A_180 : i32
    %multiple_of3A_182 = tpu.assume_multiple %mul3A_181, 128 : i32
    %get3A_183 = arith.constant 11 : index
    %get3A_184 = arith.constant 0 : index
    %get3A_185 = vector.load %arg2[%get3A_183, %get3A_184] : memref<256x128xf32, #tpu.memory_space<vmem>>, vector<1x128xf32>
    %get3A_186 = vector.shape_cast %get3A_185 : vector<1x128xf32> to vector<128xf32>
    %swap3A_187 = arith.constant 11 : index
    %swap3A_188 = arith.index_cast %multiple_of3A_182 : i32 to index
    %swap3A_189 = vector.load %arg3[%swap3A_187, %swap3A_188] : memref<256x8192xf32, #tpu.memory_space<vmem>>, vector<1x128xf32>
    %swap3A_190 = vector.shape_cast %swap3A_189 : vector<1x128xf32> to vector<128xf32>
    %swap3A_191 = vector.shape_cast %get3A_186 : vector<128xf32> to vector<1x128xf32>
    tpu.vector_store %arg3[%swap3A_187, %swap3A_188], %swap3A_191 {strides = array<i32>} : memref<256x8192xf32, #tpu.memory_space<vmem>>, vector<1x128xf32>,
    %get3A_192 = arith.constant 0 : index
    %get3A_193 = arith.constant 0 : index
    %get3A_194 = arith.constant 12 : index
    %get3A_195 = memref.load %arg1[%get3A_192, %get3A_193, %get3A_194] : memref<1x1x256xi32, #tpu.memory_space<smem>>
    %mul3A_196 = arith.constant 128 : i32
    %mul3A_197 = arith.muli %get3A_195, %mul3A_196 : i32
    %multiple_of3A_198 = tpu.assume_multiple %mul3A_197, 128 : i32
    %get3A_199 = arith.constant 12 : index
    %get3A_200 = arith.constant 0 : index
    %get3A_201 = vector.load %arg2[%get3A_199, %get3A_200] : memref<256x128xf32, #tpu.memory_space<vmem>>, vector<1x128xf32>
    %get3A_202 = vector.shape_cast %get3A_201 : vector<1x128xf32> to vector<128xf32>
    %swap3A_203 = arith.constant 12 : index
    %swap3A_204 = arith.index_cast %multiple_of3A_198 : i32 to index
    %swap3A_205 = vector.load %arg3[%swap3A_203, %swap3A_204] : memref<256x8192xf32, #tpu.memory_space<vmem>>, vector<1x128xf32>
    %swap3A_206 = vector.shape_cast %swap3A_205 : vector<1x128xf32> to vector<128xf32>
    %swap3A_207 = vector.shape_cast %get3A_202 : vector<128xf32> to vector<1x128xf32>
    tpu.vector_store %arg3[%swap3A_203, %swap3A_204], %swap3A_207 {strides = array<i32>} : memref<256x8192xf32, #tpu.memory_space<vmem>>, vector<1x128xf32>,
    %get3A_208 = arith.constant 0 : index
    %get3A_209 = arith.constant 0 : index
    %get3A_210 = arith.constant 13 : index
    %get3A_211 = memref.load %arg1[%get3A_208, %get3A_209, %get3A_210] : memref<1x1x256xi32, #tpu.memory_space<smem>>
    %mul3A_212 = arith.constant 128 : i32
    %mul3A_213 = arith.muli %get3A_211, %mul3A_212 : i32
    %multiple_of3A_214 = tpu.assume_multiple %mul3A_213, 128 : i32
    %get3A_215 = arith.constant 13 : index
    %get3A_216 = arith.constant 0 : index
    %get3A_217 = vector.load %arg2[%get3A_215, %get3A_216] : memref<256x128xf32, #tpu.memory_space<vmem>>, vector<1x128xf32>
    %get3A_218 = vector.shape_cast %get3A_217 : vector<1x128xf32> to vector<128xf32>
    %swap3A_219 = arith.constant 13 : index
    %swap3A_220 = arith.index_cast %multiple_of3A_214 : i32 to index
    %swap3A_221 = vector.load %arg3[%swap3A_219, %swap3A_220] : memref<256x8192xf32, #tpu.memory_space<vmem>>, vector<1x128xf32>
    %swap3A_222 = vector.shape_cast %swap3A_221 : vector<1x128xf32> to vector<128xf32>
    %swap3A_223 = vector.shape_cast %get3A_218 : vector<128xf32> to vector<1x128xf32>
    tpu.vector_store %arg3[%swap3A_219, %swap3A_220], %swap3A_223 {strides = array<i32>} : memref<256x8192xf32, #tpu.memory_space<vmem>>, vector<1x128xf32>,
    %get3A_224 = arith.constant 0 : index
    %get3A_225 = arith.constant 0 : index
    %get3A_226 = arith.constant 14 : index
    %get3A_227 = memref.load %arg1[%get3A_224, %get3A_225, %get3A_226] : memref<1x1x256xi32, #tpu.memory_space<smem>>
    %mul3A_228 = arith.constant 128 : i32
    %mul3A_229 = arith.muli %get3A_227, %mul3A_228 : i32
    %multiple_of3A_230 = tpu.assume_multiple %mul3A_229, 128 : i32
    %get3A_231 = arith.constant 14 : index
    %get3A_232 = arith.constant 0 : index
    %get3A_233 = vector.load %arg2[%get3A_231, %get3A_232] : memref<256x128xf32, #tpu.memory_space<vmem>>, vector<1x128xf32>
    %get3A_234 = vector.shape_cast %get3A_233 : vector<1x128xf32> to vector<128xf32>
    %swap3A_235 = arith.constant 14 : index
    %swap3A_236 = arith.index_cast %multiple_of3A_230 : i32 to index
    %swap3A_237 = vector.load %arg3[%swap3A_235, %swap3A_236] : memref<256x8192xf32, #tpu.memory_space<vmem>>, vector<1x128xf32>
    %swap3A_238 = vector.shape_cast %swap3A_237 : vector<1x128xf32> to vector<128xf32>
    %swap3A_239 = vector.shape_cast %get3A_234 : vector<128xf32> to vector<1x128xf32>
    tpu.vector_store %arg3[%swap3A_235, %swap3A_236], %swap3A_239 {strides = array<i32>} : memref<256x8192xf32, #tpu.memory_space<vmem>>, vector<1x128xf32>,
    %get3A_240 = arith.constant 0 : index
    %get3A_241 = arith.constant 0 : index
    %get3A_242 = arith.constant 15 : index
    %get3A_243 = memref.load %arg1[%get3A_240, %get3A_241, %get3A_242] : memref<1x1x256xi32, #tpu.memory_space<smem>>
    %mul3A_244 = arith.constant 128 : i32
    %mul3A_245 = arith.muli %get3A_243, %mul3A_244 : i32
    %multiple_of3A_246 = tpu.assume_multiple %mul3A_245, 128 : i32
    %get3A_247 = arith.constant 15 : index
    %get3A_248 = arith.constant 0 : index
    %get3A_249 = vector.load %arg2[%get3A_247, %get3A_248] : memref<256x128xf32, #tpu.memory_space<vmem>>, vector<1x128xf32>
    %get3A_250 = vector.shape_cast %get3A_249 : vector<1x128xf32> to vector<128xf32>
    %swap3A_251 = arith.constant 15 : index
    %swap3A_252 = arith.index_cast %multiple_of3A_246 : i32 to index
    %swap3A_253 = vector.load %arg3[%swap3A_251, %swap3A_252] : memref<256x8192xf32, #tpu.memory_space<vmem>>, vector<1x128xf32>
    %swap3A_254 = vector.shape_cast %swap3A_253 : vector<1x128xf32> to vector<128xf32>
    %swap3A_255 = vector.shape_cast %get3A_250 : vector<128xf32> to vector<1x128xf32>
    tpu.vector_store %arg3[%swap3A_251, %swap3A_252], %swap3A_255 {strides = array<i32>} : memref<256x8192xf32, #tpu.memory_space<vmem>>, vector<1x128xf32>,
    %get3A_256 = arith.constant 0 : index
    %get3A_257 = arith.constant 0 : index
    %get3A_258 = arith.constant 16 : index
    %get3A_259 = memref.load %arg1[%get3A_256, %get3A_257, %get3A_258] : memref<1x1x256xi32, #tpu.memory_space<smem>>
    %mul3A_260 = arith.constant 128 : i32
    %mul3A_261 = arith.muli %get3A_259, %mul3A_260 : i32
    %multiple_of3A_262 = tpu.assume_multiple %mul3A_261, 128 : i32
    %get3A_263 = arith.constant 16 : index
    %get3A_264 = arith.constant 0 : index
    %get3A_265 = vector.load %arg2[%get3A_263, %get3A_264] : memref<256x128xf32, #tpu.memory_space<vmem>>, vector<1x128xf32>
    %get3A_266 = vector.shape_cast %get3A_265 : vector<1x128xf32> to vector<128xf32>
    %swap3A_267 = arith.constant 16 : index
    %swap3A_268 = arith.index_cast %multiple_of3A_262 : i32 to index
    %swap3A_269 = vector.load %arg3[%swap3A_267, %swap3A_268] : memref<256x8192xf32, #tpu.memory_space<vmem>>, vector<1x128xf32>
    %swap3A_270 = vector.shape_cast %swap3A_269 : vector<1x128xf32> to vector<128xf32>
    %swap3A_271 = vector.shape_cast %get3A_266 : vector<128xf32> to vector<1x128xf32>
    tpu.vector_store %arg3[%swap3A_267, %swap3A_268], %swap3A_271 {strides = array<i32>} : memref<256x8192xf32, #tpu.memory_space<vmem>>, vector<1x128xf32>,
    %get3A_272 = arith.constant 0 : index
    %get3A_273 = arith.constant 0 : index
    %get3A_274 = arith.constant 17 : index
    %get3A_275 = memref.load %arg1[%get3A_272, %get3A_273, %get3A_274] : memref<1x1x256xi32, #tpu.memory_space<smem>>
    %mul3A_276 = arith.constant 128 : i32
    %mul3A_277 = arith.muli %get3A_275, %mul3A_276 : i32
    %multiple_of3A_278 = tpu.assume_multiple %mul3A_277, 128 : i32
    %get3A_279 = arith.constant 17 : index
    %get3A_280 = arith.constant 0 : index
    %get3A_281 = vector.load %arg2[%get3A_279, %get3A_280] : memref<256x128xf32, #tpu.memory_space<vmem>>, vector<1x128xf32>
    %get3A_282 = vector.shape_cast %get3A_281 : vector<1x128xf32> to vector<128xf32>
    %swap3A_283 = arith.constant 17 : index
    %swap3A_284 = arith.index_cast %multiple_of3A_278 : i32 to index
    %swap3A_285 = vector.load %arg3[%swap3A_283, %swap3A_284] : memref<256x8192xf32, #tpu.memory_space<vmem>>, vector<1x128xf32>
    %swap3A_286 = vector.shape_cast %swap3A_285 : vector<1x128xf32> to vector<128xf32>
    %swap3A_287 = vector.shape_cast %get3A_282 : vector<128xf32> to vector<1x128xf32>
    tpu.vector_store %arg3[%swap3A_283, %swap3A_284], %swap3A_287 {strides = array<i32>} : memref<256x8192xf32, #tpu.memory_space<vmem>>, vector<1x128xf32>,
    %get3A_288 = arith.constant 0 : index
    %get3A_289 = arith.constant 0 : index
    %get3A_290 = arith.constant 18 : index
    %get3A_291 = memref.load %arg1[%get3A_288, %get3A_289, %get3A_290] : memref<1x1x256xi32, #tpu.memory_space<smem>>
    %mul3A_292 = arith.constant 128 : i32
    %mul3A_293 = arith.muli %get3A_291, %mul3A_292 : i32
    %multiple_of3A_294 = tpu.assume_multiple %mul3A_293, 128 : i32
    %get3A_295 = arith.constant 18 : index
    %get3A_296 = arith.constant 0 : index
    %get3A_297 = vector.load %arg2[%get3A_295, %get3A_296] : memref<256x128xf32, #tpu.memory_space<vmem>>, vector<1x128xf32>
    %get3A_298 = vector.shape_cast %get3A_297 : vector<1x128xf32> to vector<128xf32>
    %swap3A_299 = arith.constant 18 : index
    %swap3A_300 = arith.index_cast %multiple_of3A_294 : i32 to index
    %swap3A_301 = vector.load %arg3[%swap3A_299, %swap3A_300] : memref<256x8192xf32, #tpu.memory_space<vmem>>, vector<1x128xf32>
    %swap3A_302 = vector.shape_cast %swap3A_301 : vector<1x128xf32> to vector<128xf32>
    %swap3A_303 = vector.shape_cast %get3A_298 : vector<128xf32> to vector<1x128xf32>
    tpu.vector_store %arg3[%swap3A_299, %swap3A_300], %swap3A_303 {strides = array<i32>} : memref<256x8192xf32, #tpu.memory_space<vmem>>, vector<1x128xf32>,
    %get3A_304 = arith.constant 0 : index
    %get3A_305 = arith.constant 0 : index
    %get3A_306 = arith.constant 19 : index
    %get3A_307 = memref.load %arg1[%get3A_304, %get3A_305, %get3A_306] : memref<1x1x256xi32, #tpu.memory_space<smem>>
    %mul3A_308 = arith.constant 128 : i32
    %mul3A_309 = arith.muli %get3A_307, %mul3A_308 : i32
    %multiple_of3A_310 = tpu.assume_multiple %mul3A_309, 128 : i32
    %get3A_311 = arith.constant 19 : index
    %get3A_312 = arith.constant 0 : index
    %get3A_313 = vector.load %arg2[%get3A_311, %get3A_312] : memref<256x128xf32, #tpu.memory_space<vmem>>, vector<1x128xf32>
    %get3A_314 = vector.shape_cast %get3A_313 : vector<1x128xf32> to vector<128xf32>
    %swap3A_315 = arith.constant 19 : index
    %swap3A_316 = arith.index_cast %multiple_of3A_310 : i32 to index
    %swap3A_317 = vector.load %arg3[%swap3A_315, %swap3A_316] : memref<256x8192xf32, #tpu.memory_space<vmem>>, vector<1x128xf32>
    %swap3A_318 = vector.shape_cast %swap3A_317 : vector<1x128xf32> to vector<128xf32>
    %swap3A_319 = vector.shape_cast %get3A_314 : vector<128xf32> to vector<1x128xf32>
    tpu.vector_store %arg3[%swap3A_315, %swap3A_316], %swap3A_319 {strides = array<i32>} : memref<256x8192xf32, #tpu.memory_space<vmem>>, vector<1x128xf32>,
    %get3A_320 = arith.constant 0 : index
    %get3A_321 = arith.constant 0 : index
    %get3A_322 = arith.constant 20 : index
    %get3A_323 = memref.load %arg1[%get3A_320, %get3A_321, %get3A_322] : memref<1x1x256xi32, #tpu.memory_space<smem>>
    %mul3A_324 = arith.constant 128 : i32
    %mul3A_325 = arith.muli %get3A_323, %mul3A_324 : i32
    %multiple_of3A_326 = tpu.assume_multiple %mul3A_325, 128 : i32
    %get3A_327 = arith.constant 20 : index
    %get3A_328 = arith.constant 0 : index
    %get3A_329 = vector.load %arg2[%get3A_327, %get3A_328] : memref<256x128xf32, #tpu.memory_space<vmem>>, vector<1x128xf32>
    %get3A_330 = vector.shape_cast %get3A_329 : vector<1x128xf32> to vector<128xf32>
    %swap3A_331 = arith.constant 20 : index
    %swap3A_332 = arith.index_cast %multiple_of3A_326 : i32 to index
    %swap3A_333 = vector.load %arg3[%swap3A_331, %swap3A_332] : memref<256x8192xf32, #tpu.memory_space<vmem>>, vector<1x128xf32>
    %swap3A_334 = vector.shape_cast %swap3A_333 : vector<1x128xf32> to vector<128xf32>
    %swap3A_335 = vector.shape_cast %get3A_330 : vector<128xf32> to vector<1x128xf32>
    tpu.vector_store %arg3[%swap3A_331, %swap3A_332], %swap3A_335 {strides = array<i32>} : memref<256x8192xf32, #tpu.memory_space<vmem>>, vector<1x128xf32>,
    %get3A_336 = arith.constant 0 : index
    %get3A_337 = arith.constant 0 : index
    %get3A_338 = arith.constant 21 : index
    %get3A_339 = memref.load %arg1[%get3A_336, %get3A_337, %get3A_338] : memref<1x1x256xi32, #tpu.memory_space<smem>>
    %mul3A_340 = arith.constant 128 : i32
    %mul3A_341 = arith.muli %get3A_339, %mul3A_340 : i32
    %multiple_of3A_342 = tpu.assume_multiple %mul3A_341, 128 : i32
    %get3A_343 = arith.constant 21 : index
    %get3A_344 = arith.constant 0 : index
    %get3A_345 = vector.load %arg2[%get3A_343, %get3A_344] : memref<256x128xf32, #tpu.memory_space<vmem>>, vector<1x128xf32>
    %get3A_346 = vector.shape_cast %get3A_345 : vector<1x128xf32> to vector<128xf32>
    %swap3A_347 = arith.constant 21 : index
    %swap3A_348 = arith.index_cast %multiple_of3A_342 : i32 to index
    %swap3A_349 = vector.load %arg3[%swap3A_347, %swap3A_348] : memref<256x8192xf32, #tpu.memory_space<vmem>>, vector<1x128xf32>
    %swap3A_350 = vector.shape_cast %swap3A_349 : vector<1x128xf32> to vector<128xf32>
    %swap3A_351 = vector.shape_cast %get3A_346 : vector<128xf32> to vector<1x128xf32>
    tpu.vector_store %arg3[%swap3A_347, %swap3A_348], %swap3A_351 {strides = array<i32>} : memref<256x8192xf32, #tpu.memory_space<vmem>>, vector<1x128xf32>,
    %get3A_352 = arith.constant 0 : index
    %get3A_353 = arith.constant 0 : index
    %get3A_354 = arith.constant 22 : index
    %get3A_355 = memref.load %arg1[%get3A_352, %get3A_353, %get3A_354] : memref<1x1x256xi32, #tpu.memory_space<smem>>
    %mul3A_356 = arith.constant 128 : i32
    %mul3A_357 = arith.muli %get3A_355, %mul3A_356 : i32
    %multiple_of3A_358 = tpu.assume_multiple %mul3A_357, 128 : i32
    %get3A_359 = arith.constant 22 : index
    %get3A_360 = arith.constant 0 : index
    %get3A_361 = vector.load %arg2[%get3A_359, %get3A_360] : memref<256x128xf32, #tpu.memory_space<vmem>>, vector<1x128xf32>
    %get3A_362 = vector.shape_cast %get3A_361 : vector<1x128xf32> to vector<128xf32>
    %swap3A_363 = arith.constant 22 : index
    %swap3A_364 = arith.index_cast %multiple_of3A_358 : i32 to index
    %swap3A_365 = vector.load %arg3[%swap3A_363, %swap3A_364] : memref<256x8192xf32, #tpu.memory_space<vmem>>, vector<1x128xf32>
    %swap3A_366 = vector.shape_cast %swap3A_365 : vector<1x128xf32> to vector<128xf32>
    %swap3A_367 = vector.shape_cast %get3A_362 : vector<128xf32> to vector<1x128xf32>
    tpu.vector_store %arg3[%swap3A_363, %swap3A_364], %swap3A_367 {strides = array<i32>} : memref<256x8192xf32, #tpu.memory_space<vmem>>, vector<1x128xf32>,
    %get3A_368 = arith.constant 0 : index
    %get3A_369 = arith.constant 0 : index
    %get3A_370 = arith.constant 23 : index
    %get3A_371 = memref.load %arg1[%get3A_368, %get3A_369, %get3A_370] : memref<1x1x256xi32, #tpu.memory_space<smem>>
    %mul3A_372 = arith.constant 128 : i32
    %mul3A_373 = arith.muli %get3A_371, %mul3A_372 : i32
    %multiple_of3A_374 = tpu.assume_multiple %mul3A_373, 128 : i32
    %get3A_375 = arith.constant 23 : index
    %get3A_376 = arith.constant 0 : index
    %get3A_377 = vector.load %arg2[%get3A_375, %get3A_376] : memref<256x128xf32, #tpu.memory_space<vmem>>, vector<1x128xf32>
    %get3A_378 = vector.shape_cast %get3A_377 : vector<1x128xf32> to vector<128xf32>
    %swap3A_379 = arith.constant 23 : index
    %swap3A_380 = arith.index_cast %multiple_of3A_374 : i32 to index
    %swap3A_381 = vector.load %arg3[%swap3A_379, %swap3A_380] : memref<256x8192xf32, #tpu.memory_space<vmem>>, vector<1x128xf32>
    %swap3A_382 = vector.shape_cast %swap3A_381 : vector<1x128xf32> to vector<128xf32>
    %swap3A_383 = vector.shape_cast %get3A_378 : vector<128xf32> to vector<1x128xf32>
    tpu.vector_store %arg3[%swap3A_379, %swap3A_380], %swap3A_383 {strides = array<i32>} : memref<256x8192xf32, #tpu.memory_space<vmem>>, vector<1x128xf32>,
    %get3A_384 = arith.constant 0 : index
    %get3A_385 = arith.constant 0 : index
    %get3A_386 = arith.constant 24 : index
    %get3A_387 = memref.load %arg1[%get3A_384, %get3A_385, %get3A_386] : memref<1x1x256xi32, #tpu.memory_space<smem>>
    %mul3A_388 = arith.constant 128 : i32
    %mul3A_389 = arith.muli %get3A_387, %mul3A_388 : i32
    %multiple_of3A_390 = tpu.assume_multiple %mul3A_389, 128 : i32
    %get3A_391 = arith.constant 24 : index
    %get3A_392 = arith.constant 0 : index
    %get3A_393 = vector.load %arg2[%get3A_391, %get3A_392] : memref<256x128xf32, #tpu.memory_space<vmem>>, vector<1x128xf32>
    %get3A_394 = vector.shape_cast %get3A_393 : vector<1x128xf32> to vector<128xf32>
    %swap3A_395 = arith.constant 24 : index
    %swap3A_396 = arith.index_cast %multiple_of3A_390 : i32 to index
    %swap3A_397 = vector.load %arg3[%swap3A_395, %swap3A_396] : memref<256x8192xf32, #tpu.memory_space<vmem>>, vector<1x128xf32>
    %swap3A_398 = vector.shape_cast %swap3A_397 : vector<1x128xf32> to vector<128xf32>
    %swap3A_399 = vector.shape_cast %get3A_394 : vector<128xf32> to vector<1x128xf32>
    tpu.vector_store %arg3[%swap3A_395, %swap3A_396], %swap3A_399 {strides = array<i32>} : memref<256x8192xf32, #tpu.memory_space<vmem>>, vector<1x128xf32>,
    %get3A_400 = arith.constant 0 : index
    %get3A_401 = arith.constant 0 : index
    %get3A_402 = arith.constant 25 : index
    %get3A_403 = memref.load %arg1[%get3A_400, %get3A_401, %get3A_402] : memref<1x1x256xi32, #tpu.memory_space<smem>>
    %mul3A_404 = arith.constant 128 : i32
    %mul3A_405 = arith.muli %get3A_403, %mul3A_404 : i32
    %multiple_of3A_406 = tpu.assume_multiple %mul3A_405, 128 : i32
    %get3A_407 = arith.constant 25 : index
    %get3A_408 = arith.constant 0 : index
    %get3A_409 = vector.load %arg2[%get3A_407, %get3A_408] : memref<256x128xf32, #tpu.memory_space<vmem>>, vector<1x128xf32>
    %get3A_410 = vector.shape_cast %get3A_409 : vector<1x128xf32> to vector<128xf32>
    %swap3A_411 = arith.constant 25 : index
    %swap3A_412 = arith.index_cast %multiple_of3A_406 : i32 to index
    %swap3A_413 = vector.load %arg3[%swap3A_411, %swap3A_412] : memref<256x8192xf32, #tpu.memory_space<vmem>>, vector<1x128xf32>
    %swap3A_414 = vector.shape_cast %swap3A_413 : vector<1x128xf32> to vector<128xf32>
    %swap3A_415 = vector.shape_cast %get3A_410 : vector<128xf32> to vector<1x128xf32>
    tpu.vector_store %arg3[%swap3A_411, %swap3A_412], %swap3A_415 {strides = array<i32>} : memref<256x8192xf32, #tpu.memory_space<vmem>>, vector<1x128xf32>,
    %get3A_416 = arith.constant 0 : index
    %get3A_417 = arith.constant 0 : index
    %get3A_418 = arith.constant 26 : index
    %get3A_419 = memref.load %arg1[%get3A_416, %get3A_417, %get3A_418] : memref<1x1x256xi32, #tpu.memory_space<smem>>
    %mul3A_420 = arith.constant 128 : i32
    %mul3A_421 = arith.muli %get3A_419, %mul3A_420 : i32
    %multiple_of3A_422 = tpu.assume_multiple %mul3A_421, 128 : i32
    %get3A_423 = arith.constant 26 : index
    %get3A_424 = arith.constant 0 : index
    %get3A_425 = vector.load %arg2[%get3A_423, %get3A_424] : memref<256x128xf32, #tpu.memory_space<vmem>>, vector<1x128xf32>
    %get3A_426 = vector.shape_cast %get3A_425 : vector<1x128xf32> to vector<128xf32>
    %swap3A_427 = arith.constant 26 : index
    %swap3A_428 = arith.index_cast %multiple_of3A_422 : i32 to index
    %swap3A_429 = vector.load %arg3[%swap3A_427, %swap3A_428] : memref<256x8192xf32, #tpu.memory_space<vmem>>, vector<1x128xf32>
    %swap3A_430 = vector.shape_cast %swap3A_429 : vector<1x128xf32> to vector<128xf32>
    %swap3A_431 = vector.shape_cast %get3A_426 : vector<128xf32> to vector<1x128xf32>
    tpu.vector_store %arg3[%swap3A_427, %swap3A_428], %swap3A_431 {strides = array<i32>} : memref<256x8192xf32, #tpu.memory_space<vmem>>, vector<1x128xf32>,
    %get3A_432 = arith.constant 0 : index
    %get3A_433 = arith.constant 0 : index
    %get3A_434 = arith.constant 27 : index
    %get3A_435 = memref.load %arg1[%get3A_432, %get3A_433, %get3A_434] : memref<1x1x256xi32, #tpu.memory_space<smem>>
    %mul3A_436 = arith.constant 128 : i32
    %mul3A_437 = arith.muli %get3A_435, %mul3A_436 : i32
    %multiple_of3A_438 = tpu.assume_multiple %mul3A_437, 128 : i32
    %get3A_439 = arith.constant 27 : index
    %get3A_440 = arith.constant 0 : index
    %get3A_441 = vector.load %arg2[%get3A_439, %get3A_440] : memref<256x128xf32, #tpu.memory_space<vmem>>, vector<1x128xf32>
    %get3A_442 = vector.shape_cast %get3A_441 : vector<1x128xf32> to vector<128xf32>
    %swap3A_443 = arith.constant 27 : index
    %swap3A_444 = arith.index_cast %multiple_of3A_438 : i32 to index
    %swap3A_445 = vector.load %arg3[%swap3A_443, %swap3A_444] : memref<256x8192xf32, #tpu.memory_space<vmem>>, vector<1x128xf32>
    %swap3A_446 = vector.shape_cast %swap3A_445 : vector<1x128xf32> to vector<128xf32>
    %swap3A_447 = vector.shape_cast %get3A_442 : vector<128xf32> to vector<1x128xf32>
    tpu.vector_store %arg3[%swap3A_443, %swap3A_444], %swap3A_447 {strides = array<i32>} : memref<256x8192xf32, #tpu.memory_space<vmem>>, vector<1x128xf32>,
    %get3A_448 = arith.constant 0 : index
    %get3A_449 = arith.constant 0 : index
    %get3A_450 = arith.constant 28 : index
    %get3A_451 = memref.load %arg1[%get3A_448, %get3A_449, %get3A_450] : memref<1x1x256xi32, #tpu.memory_space<smem>>
    %mul3A_452 = arith.constant 128 : i32
    %mul3A_453 = arith.muli %get3A_451, %mul3A_452 : i32
    %multiple_of3A_454 = tpu.assume_multiple %mul3A_453, 128 : i32
    %get3A_455 = arith.constant 28 : index
    %get3A_456 = arith.constant 0 : index
    %get3A_457 = vector.load %arg2[%get3A_455, %get3A_456] : memref<256x128xf32, #tpu.memory_space<vmem>>, vector<1x128xf32>
    %get3A_458 = vector.shape_cast %get3A_457 : vector<1x128xf32> to vector<128xf32>
    %swap3A_459 = arith.constant 28 : index
    %swap3A_460 = arith.index_cast %multiple_of3A_454 : i32 to index
    %swap3A_461 = vector.load %arg3[%swap3A_459, %swap3A_460] : memref<256x8192xf32, #tpu.memory_space<vmem>>, vector<1x128xf32>
    %swap3A_462 = vector.shape_cast %swap3A_461 : vector<1x128xf32> to vector<128xf32>
    %swap3A_463 = vector.shape_cast %get3A_458 : vector<128xf32> to vector<1x128xf32>
    tpu.vector_store %arg3[%swap3A_459, %swap3A_460], %swap3A_463 {strides = array<i32>} : memref<256x8192xf32, #tpu.memory_space<vmem>>, vector<1x128xf32>,
    %get3A_464 = arith.constant 0 : index
    %get3A_465 = arith.constant 0 : index
    %get3A_466 = arith.constant 29 : index
    %get3A_467 = memref.load %arg1[%get3A_464, %get3A_465, %get3A_466] : memref<1x1x256xi32, #tpu.memory_space<smem>>
    %mul3A_468 = arith.constant 128 : i32
    %mul3A_469 = arith.muli %get3A_467, %mul3A_468 : i32
    %multiple_of3A_470 = tpu.assume_multiple %mul3A_469, 128 : i32
    %get3A_471 = arith.constant 29 : index
    %get3A_472 = arith.constant 0 : index
    %get3A_473 = vector.load %arg2[%get3A_471, %get3A_472] : memref<256x128xf32, #tpu.memory_space<vmem>>, vector<1x128xf32>
    %get3A_474 = vector.shape_cast %get3A_473 : vector<1x128xf32> to vector<128xf32>
    %swap3A_475 = arith.constant 29 : index
    %swap3A_476 = arith.index_cast %multiple_of3A_470 : i32 to index
    %swap3A_477 = vector.load %arg3[%swap3A_475, %swap3A_476] : memref<256x8192xf32, #tpu.memory_space<vmem>>, vector<1x128xf32>
    %swap3A_478 = vector.shape_cast %swap3A_477 : vector<1x128xf32> to vector<128xf32>
    %swap3A_479 = vector.shape_cast %get3A_474 : vector<128xf32> to vector<1x128xf32>
    tpu.vector_store %arg3[%swap3A_475, %swap3A_476], %swap3A_479 {strides = array<i32>} : memref<256x8192xf32, #tpu.memory_space<vmem>>, vector<1x128xf32>,
    %get3A_480 = arith.constant 0 : index
    %get3A_481 = arith.constant 0 : index
    %get3A_482 = arith.constant 30 : index
    %get3A_483 = memref.load %arg1[%get3A_480, %get3A_481, %get3A_482] : memref<1x1x256xi32, #tpu.memory_space<smem>>
    %mul3A_484 = arith.constant 128 : i32
    %mul3A_485 = arith.muli %get3A_483, %mul3A_484 : i32
    %multiple_of3A_486 = tpu.assume_multiple %mul3A_485, 128 : i32
    %get3A_487 = arith.constant 30 : index
    %get3A_488 = arith.constant 0 : index
    %get3A_489 = vector.load %arg2[%get3A_487, %get3A_488] : memref<256x128xf32, #tpu.memory_space<vmem>>, vector<1x128xf32>
    %get3A_490 = vector.shape_cast %get3A_489 : vector<1x128xf32> to vector<128xf32>
    %swap3A_491 = arith.constant 30 : index
    %swap3A_492 = arith.index_cast %multiple_of3A_486 : i32 to index
    %swap3A_493 = vector.load %arg3[%swap3A_491, %swap3A_492] : memref<256x8192xf32, #tpu.memory_space<vmem>>, vector<1x128xf32>
    %swap3A_494 = vector.shape_cast %swap3A_493 : vector<1x128xf32> to vector<128xf32>
    %swap3A_495 = vector.shape_cast %get3A_490 : vector<128xf32> to vector<1x128xf32>
    tpu.vector_store %arg3[%swap3A_491, %swap3A_492], %swap3A_495 {strides = array<i32>} : memref<256x8192xf32, #tpu.memory_space<vmem>>, vector<1x128xf32>,
    %get3A_496 = arith.constant 0 : index
    %get3A_497 = arith.constant 0 : index
    %get3A_498 = arith.constant 31 : index
    %get3A_499 = memref.load %arg1[%get3A_496, %get3A_497, %get3A_498] : memref<1x1x256xi32, #tpu.memory_space<smem>>
    %mul3A_500 = arith.constant 128 : i32
    %mul3A_501 = arith.muli %get3A_499, %mul3A_500 : i32
    %multiple_of3A_502 = tpu.assume_multiple %mul3A_501, 128 : i32
    %get3A_503 = arith.constant 31 : index
    %get3A_504 = arith.constant 0 : index
    %get3A_505 = vector.load %arg2[%get3A_503, %get3A_504] : memref<256x128xf32, #tpu.memory_space<vmem>>, vector<1x128xf32>
    %get3A_506 = vector.shape_cast %get3A_505 : vector<1x128xf32> to vector<128xf32>
    %swap3A_507 = arith.constant 31 : index
    %swap3A_508 = arith.index_cast %multiple_of3A_502 : i32 to index
    %swap3A_509 = vector.load %arg3[%swap3A_507, %swap3A_508] : memref<256x8192xf32, #tpu.memory_space<vmem>>, vector<1x128xf32>
    %swap3A_510 = vector.shape_cast %swap3A_509 : vector<1x128xf32> to vector<128xf32>
    %swap3A_511 = vector.shape_cast %get3A_506 : vector<128xf32> to vector<1x128xf32>
    tpu.vector_store %arg3[%swap3A_507, %swap3A_508], %swap3A_511 {strides = array<i32>} : memref<256x8192xf32, #tpu.memory_space<vmem>>, vector<1x128xf32>,
    %get3A_512 = arith.constant 0 : index
    %get3A_513 = arith.constant 0 : index
    %get3A_514 = arith.constant 32 : index
    %get3A_515 = memref.load %arg1[%get3A_512, %get3A_513, %get3A_514] : memref<1x1x256xi32, #tpu.memory_space<smem>>
    %mul3A_516 = arith.constant 128 : i32
    %mul3A_517 = arith.muli %get3A_515, %mul3A_516 : i32
    %multiple_of3A_518 = tpu.assume_multiple %mul3A_517, 128 : i32
    %get3A_519 = arith.constant 32 : index
    %get3A_520 = arith.constant 0 : index
    %get3A_521 = vector.load %arg2[%get3A_519, %get3A_520] : memref<256x128xf32, #tpu.memory_space<vmem>>, vector<1x128xf32>
    %get3A_522 = vector.shape_cast %get3A_521 : vector<1x128xf32> to vector<128xf32>
    %swap3A_523 = arith.constant 32 : index
    %swap3A_524 = arith.index_cast %multiple_of3A_518 : i32 to index
    %swap3A_525 = vector.load %arg3[%swap3A_523, %swap3A_524] : memref<256x8192xf32, #tpu.memory_space<vmem>>, vector<1x128xf32>
    %swap3A_526 = vector.shape_cast %swap3A_525 : vector<1x128xf32> to vector<128xf32>
    %swap3A_527 = vector.shape_cast %get3A_522 : vector<128xf32> to vector<1x128xf32>
    tpu.vector_store %arg3[%swap3A_523, %swap3A_524], %swap3A_527 {strides = array<i32>} : memref<256x8192xf32, #tpu.memory_space<vmem>>, vector<1x128xf32>,
    %get3A_528 = arith.constant 0 : index
    %get3A_529 = arith.constant 0 : index
    %get3A_530 = arith.constant 33 : index
    %get3A_531 = memref.load %arg1[%get3A_528, %get3A_529, %get3A_530] : memref<1x1x256xi32, #tpu.memory_space<smem>>
    %mul3A_532 = arith.constant 128 : i32
    %mul3A_533 = arith.muli %get3A_531, %mul3A_532 : i32
    %multiple_of3A_534 = tpu.assume_multiple %mul3A_533, 128 : i32
    %get3A_535 = arith.constant 33 : index
    %get3A_536 = arith.constant 0 : index
    %get3A_537 = vector.load %arg2[%get3A_535, %get3A_536] : memref<256x128xf32, #tpu.memory_space<vmem>>, vector<1x128xf32>
    %get3A_538 = vector.shape_cast %get3A_537 : vector<1x128xf32> to vector<128xf32>
    %swap3A_539 = arith.constant 33 : index
    %swap3A_540 = arith.index_cast %multiple_of3A_534 : i32 to index
    %swap3A_541 = vector.load %arg3[%swap3A_539, %swap3A_540] : memref<256x8192xf32, #tpu.memory_space<vmem>>, vector<1x128xf32>
    %swap3A_542 = vector.shape_cast %swap3A_541 : vector<1x128xf32> to vector<128xf32>
    %swap3A_543 = vector.shape_cast %get3A_538 : vector<128xf32> to vector<1x128xf32>
    tpu.vector_store %arg3[%swap3A_539, %swap3A_540], %swap3A_543 {strides = array<i32>} : memref<256x8192xf32, #tpu.memory_space<vmem>>, vector<1x128xf32>,
    %get3A_544 = arith.constant 0 : index
    %get3A_545 = arith.constant 0 : index
    %get3A_546 = arith.constant 34 : index
    %get3A_547 = memref.load %arg1[%get3A_544, %get3A_545, %get3A_546] : memref<1x1x256xi32, #tpu.memory_space<smem>>
    %mul3A_548 = arith.constant 128 : i32
    %mul3A_549 = arith.muli %get3A_547, %mul3A_548 : i32
    %multiple_of3A_550 = tpu.assume_multiple %mul3A_549, 128 : i32
    %get3A_551 = arith.constant 34 : index
    %get3A_552 = arith.constant 0 : index
    %get3A_553 = vector.load %arg2[%get3A_551, %get3A_552] : memref<256x128xf32, #tpu.memory_space<vmem>>, vector<1x128xf32>
    %get3A_554 = vector.shape_cast %get3A_553 : vector<1x128xf32> to vector<128xf32>
    %swap3A_555 = arith.constant 34 : index
    %swap3A_556 = arith.index_cast %multiple_of3A_550 : i32 to index
    %swap3A_557 = vector.load %arg3[%swap3A_555, %swap3A_556] : memref<256x8192xf32, #tpu.memory_space<vmem>>, vector<1x128xf32>
    %swap3A_558 = vector.shape_cast %swap3A_557 : vector<1x128xf32> to vector<128xf32>
    %swap3A_559 = vector.shape_cast %get3A_554 : vector<128xf32> to vector<1x128xf32>
    tpu.vector_store %arg3[%swap3A_555, %swap3A_556], %swap3A_559 {strides = array<i32>} : memref<256x8192xf32, #tpu.memory_space<vmem>>, vector<1x128xf32>,
    %get3A_560 = arith.constant 0 : index
    %get3A_561 = arith.constant 0 : index
    %get3A_562 = arith.constant 35 : index
    %get3A_563 = memref.load %arg1[%get3A_560, %get3A_561, %get3A_562] : memref<1x1x256xi32, #tpu.memory_space<smem>>
    %mul3A_564 = arith.constant 128 : i32
    %mul3A_565 = arith.muli %get3A_563, %mul3A_564 : i32
    %multiple_of3A_566 = tpu.assume_multiple %mul3A_565, 128 : i32
    %get3A_567 = arith.constant 35 : index
    %get3A_568 = arith.constant 0 : index
    %get3A_569 = vector.load %arg2[%get3A_567, %get3A_568] : memref<256x128xf32, #tpu.memory_space<vmem>>, vector<1x128xf32>
    %get3A_570 = vector.shape_cast %get3A_569 : vector<1x128xf32> to vector<128xf32>
    %swap3A_571 = arith.constant 35 : index
    %swap3A_572 = arith.index_cast %multiple_of3A_566 : i32 to index
    %swap3A_573 = vector.load %arg3[%swap3A_571, %swap3A_572] : memref<256x8192xf32, #tpu.memory_space<vmem>>, vector<1x128xf32>
    %swap3A_574 = vector.shape_cast %swap3A_573 : vector<1x128xf32> to vector<128xf32>
    %swap3A_575 = vector.shape_cast %get3A_570 : vector<128xf32> to vector<1x128xf32>
    tpu.vector_store %arg3[%swap3A_571, %swap3A_572], %swap3A_575 {strides = array<i32>} : memref<256x8192xf32, #tpu.memory_space<vmem>>, vector<1x128xf32>,
    %get3A_576 = arith.constant 0 : index
    %get3A_577 = arith.constant 0 : index
    %get3A_578 = arith.constant 36 : index
    %get3A_579 = memref.load %arg1[%get3A_576, %get3A_577, %get3A_578] : memref<1x1x256xi32, #tpu.memory_space<smem>>
    %mul3A_580 = arith.constant 128 : i32
    %mul3A_581 = arith.muli %get3A_579, %mul3A_580 : i32
    %multiple_of3A_582 = tpu.assume_multiple %mul3A_581, 128 : i32
    %get3A_583 = arith.constant 36 : index
    %get3A_584 = arith.constant 0 : index
    %get3A_585 = vector.load %arg2[%get3A_583, %get3A_584] : memref<256x128xf32, #tpu.memory_space<vmem>>, vector<1x128xf32>
    %get3A_586 = vector.shape_cast %get3A_585 : vector<1x128xf32> to vector<128xf32>
    %swap3A_587 = arith.constant 36 : index
    %swap3A_588 = arith.index_cast %multiple_of3A_582 : i32 to index
    %swap3A_589 = vector.load %arg3[%swap3A_587, %swap3A_588] : memref<256x8192xf32, #tpu.memory_space<vmem>>, vector<1x128xf32>
    %swap3A_590 = vector.shape_cast %swap3A_589 : vector<1x128xf32> to vector<128xf32>
    %swap3A_591 = vector.shape_cast %get3A_586 : vector<128xf32> to vector<1x128xf32>
    tpu.vector_store %arg3[%swap3A_587, %swap3A_588], %swap3A_591 {strides = array<i32>} : memref<256x8192xf32, #tpu.memory_space<vmem>>, vector<1x128xf32>,
    %get3A_592 = arith.constant 0 : index
    %get3A_593 = arith.constant 0 : index
    %get3A_594 = arith.constant 37 : index
    %get3A_595 = memref.load %arg1[%get3A_592, %get3A_593, %get3A_594] : memref<1x1x256xi32, #tpu.memory_space<smem>>
    %mul3A_596 = arith.constant 128 : i32
    %mul3A_597 = arith.muli %get3A_595, %mul3A_596 : i32
    %multiple_of3A_598 = tpu.assume_multiple %mul3A_597, 128 : i32
    %get3A_599 = arith.constant 37 : index
    %get3A_600 = arith.constant 0 : index
    %get3A_601 = vector.load %arg2[%get3A_599, %get3A_600] : memref<256x128xf32, #tpu.memory_space<vmem>>, vector<1x128xf32>
    %get3A_602 = vector.shape_cast %get3A_601 : vector<1x128xf32> to vector<128xf32>
    %swap3A_603 = arith.constant 37 : index
    %swap3A_604 = arith.index_cast %multiple_of3A_598 : i32 to index
    %swap3A_605 = vector.load %arg3[%swap3A_603, %swap3A_604] : memref<256x8192xf32, #tpu.memory_space<vmem>>, vector<1x128xf32>
    %swap3A_606 = vector.shape_cast %swap3A_605 : vector<1x128xf32> to vector<128xf32>
    %swap3A_607 = vector.shape_cast %get3A_602 : vector<128xf32> to vector<1x128xf32>
    tpu.vector_store %arg3[%swap3A_603, %swap3A_604], %swap3A_607 {strides = array<i32>} : memref<256x8192xf32, #tpu.memory_space<vmem>>, vector<1x128xf32>,
    %get3A_608 = arith.constant 0 : index
    %get3A_609 = arith.constant 0 : index
    %get3A_610 = arith.constant 38 : index
    %get3A_611 = memref.load %arg1[%get3A_608, %get3A_609, %get3A_610] : memref<1x1x256xi32, #tpu.memory_space<smem>>
    %mul3A_612 = arith.constant 128 : i32
    %mul3A_613 = arith.muli %get3A_611, %mul3A_612 : i32
    %multiple_of3A_614 = tpu.assume_multiple %mul3A_613, 128 : i32
    %get3A_615 = arith.constant 38 : index
    %get3A_616 = arith.constant 0 : index
    %get3A_617 = vector.load %arg2[%get3A_615, %get3A_616] : memref<256x128xf32, #tpu.memory_space<vmem>>, vector<1x128xf32>
    %get3A_618 = vector.shape_cast %get3A_617 : vector<1x128xf32> to vector<128xf32>
    %swap3A_619 = arith.constant 38 : index
    %swap3A_620 = arith.index_cast %multiple_of3A_614 : i32 to index
    %swap3A_621 = vector.load %arg3[%swap3A_619, %swap3A_620] : memref<256x8192xf32, #tpu.memory_space<vmem>>, vector<1x128xf32>
    %swap3A_622 = vector.shape_cast %swap3A_621 : vector<1x128xf32> to vector<128xf32>
    %swap3A_623 = vector.shape_cast %get3A_618 : vector<128xf32> to vector<1x128xf32>
    tpu.vector_store %arg3[%swap3A_619, %swap3A_620], %swap3A_623 {strides = array<i32>} : memref<256x8192xf32, #tpu.memory_space<vmem>>, vector<1x128xf32>,
    %get3A_624 = arith.constant 0 : index
    %get3A_625 = arith.constant 0 : index
    %get3A_626 = arith.constant 39 : index
    %get3A_627 = memref.load %arg1[%get3A_624, %get3A_625, %get3A_626] : memref<1x1x256xi32, #tpu.memory_space<smem>>
    %mul3A_628 = arith.constant 128 : i32
    %mul3A_629 = arith.muli %get3A_627, %mul3A_628 : i32
    %multiple_of3A_630 = tpu.assume_multiple %mul3A_629, 128 : i32
    %get3A_631 = arith.constant 39 : index
    %get3A_632 = arith.constant 0 : index
    %get3A_633 = vector.load %arg2[%get3A_631, %get3A_632] : memref<256x128xf32, #tpu.memory_space<vmem>>, vector<1x128xf32>
    %get3A_634 = vector.shape_cast %get3A_633 : vector<1x128xf32> to vector<128xf32>
    %swap3A_635 = arith.constant 39 : index
    %swap3A_636 = arith.index_cast %multiple_of3A_630 : i32 to index
    %swap3A_637 = vector.load %arg3[%swap3A_635, %swap3A_636] : memref<256x8192xf32, #tpu.memory_space<vmem>>, vector<1x128xf32>
    %swap3A_638 = vector.shape_cast %swap3A_637 : vector<1x128xf32> to vector<128xf32>
    %swap3A_639 = vector.shape_cast %get3A_634 : vector<128xf32> to vector<1x128xf32>
    tpu.vector_store %arg3[%swap3A_635, %swap3A_636], %swap3A_639 {strides = array<i32>} : memref<256x8192xf32, #tpu.memory_space<vmem>>, vector<1x128xf32>,
    %get3A_640 = arith.constant 0 : index
    %get3A_641 = arith.constant 0 : index
    %get3A_642 = arith.constant 40 : index
    %get3A_643 = memref.load %arg1[%get3A_640, %get3A_641, %get3A_642] : memref<1x1x256xi32, #tpu.memory_space<smem>>
    %mul3A_644 = arith.constant 128 : i32
    %mul3A_645 = arith.muli %get3A_643, %mul3A_644 : i32
    %multiple_of3A_646 = tpu.assume_multiple %mul3A_645, 128 : i32
    %get3A_647 = arith.constant 40 : index
    %get3A_648 = arith.constant 0 : index
    %get3A_649 = vector.load %arg2[%get3A_647, %get3A_648] : memref<256x128xf32, #tpu.memory_space<vmem>>, vector<1x128xf32>
    %get3A_650 = vector.shape_cast %get3A_649 : vector<1x128xf32> to vector<128xf32>
    %swap3A_651 = arith.constant 40 : index
    %swap3A_652 = arith.index_cast %multiple_of3A_646 : i32 to index
    %swap3A_653 = vector.load %arg3[%swap3A_651, %swap3A_652] : memref<256x8192xf32, #tpu.memory_space<vmem>>, vector<1x128xf32>
    %swap3A_654 = vector.shape_cast %swap3A_653 : vector<1x128xf32> to vector<128xf32>
    %swap3A_655 = vector.shape_cast %get3A_650 : vector<128xf32> to vector<1x128xf32>
    tpu.vector_store %arg3[%swap3A_651, %swap3A_652], %swap3A_655 {strides = array<i32>} : memref<256x8192xf32, #tpu.memory_space<vmem>>, vector<1x128xf32>,
    %get3A_656 = arith.constant 0 : index
    %get3A_657 = arith.constant 0 : index
    %get3A_658 = arith.constant 41 : index
    %get3A_659 = memref.load %arg1[%get3A_656, %get3A_657, %get3A_658] : memref<1x1x256xi32, #tpu.memory_space<smem>>
    %mul3A_660 = arith.constant 128 : i32
    %mul3A_661 = arith.muli %get3A_659, %mul3A_660 : i32
    %multiple_of3A_662 = tpu.assume_multiple %mul3A_661, 128 : i32
    %get3A_663 = arith.constant 41 : index
    %get3A_664 = arith.constant 0 : index
    %get3A_665 = vector.load %arg2[%get3A_663, %get3A_664] : memref<256x128xf32, #tpu.memory_space<vmem>>, vector<1x128xf32>
    %get3A_666 = vector.shape_cast %get3A_665 : vector<1x128xf32> to vector<128xf32>
    %swap3A_667 = arith.constant 41 : index
    %swap3A_668 = arith.index_cast %multiple_of3A_662 : i32 to index
    %swap3A_669 = vector.load %arg3[%swap3A_667, %swap3A_668] : memref<256x8192xf32, #tpu.memory_space<vmem>>, vector<1x128xf32>
    %swap3A_670 = vector.shape_cast %swap3A_669 : vector<1x128xf32> to vector<128xf32>
    %swap3A_671 = vector.shape_cast %get3A_666 : vector<128xf32> to vector<1x128xf32>
    tpu.vector_store %arg3[%swap3A_667, %swap3A_668], %swap3A_671 {strides = array<i32>} : memref<256x8192xf32, #tpu.memory_space<vmem>>, vector<1x128xf32>,
    %get3A_672 = arith.constant 0 : index
    %get3A_673 = arith.constant 0 : index
    %get3A_674 = arith.constant 42 : index
    %get3A_675 = memref.load %arg1[%get3A_672, %get3A_673, %get3A_674] : memref<1x1x256xi32, #tpu.memory_space<smem>>
    %mul3A_676 = arith.constant 128 : i32
    %mul3A_677 = arith.muli %get3A_675, %mul3A_676 : i32
    %multiple_of3A_678 = tpu.assume_multiple %mul3A_677, 128 : i32
    %get3A_679 = arith.constant 42 : index
    %get3A_680 = arith.constant 0 : index
    %get3A_681 = vector.load %arg2[%get3A_679, %get3A_680] : memref<256x128xf32, #tpu.memory_space<vmem>>, vector<1x128xf32>
    %get3A_682 = vector.shape_cast %get3A_681 : vector<1x128xf32> to vector<128xf32>
    %swap3A_683 = arith.constant 42 : index
    %swap3A_684 = arith.index_cast %multiple_of3A_678 : i32 to index
    %swap3A_685 = vector.load %arg3[%swap3A_683, %swap3A_684] : memref<256x8192xf32, #tpu.memory_space<vmem>>, vector<1x128xf32>
    %swap3A_686 = vector.shape_cast %swap3A_685 : vector<1x128xf32> to vector<128xf32>
    %swap3A_687 = vector.shape_cast %get3A_682 : vector<128xf32> to vector<1x128xf32>
    tpu.vector_store %arg3[%swap3A_683, %swap3A_684], %swap3A_687 {strides = array<i32>} : memref<256x8192xf32, #tpu.memory_space<vmem>>, vector<1x128xf32>,
    %get3A_688 = arith.constant 0 : index
    %get3A_689 = arith.constant 0 : index
    %get3A_690 = arith.constant 43 : index
    %get3A_691 = memref.load %arg1[%get3A_688, %get3A_689, %get3A_690] : memref<1x1x256xi32, #tpu.memory_space<smem>>
    %mul3A_692 = arith.constant 128 : i32
    %mul3A_693 = arith.muli %get3A_691, %mul3A_692 : i32
    %multiple_of3A_694 = tpu.assume_multiple %mul3A_693, 128 : i32
    %get3A_695 = arith.constant 43 : index
    %get3A_696 = arith.constant 0 : index
    %get3A_697 = vector.load %arg2[%get3A_695, %get3A_696] : memref<256x128xf32, #tpu.memory_space<vmem>>, vector<1x128xf32>
    %get3A_698 = vector.shape_cast %get3A_697 : vector<1x128xf32> to vector<128xf32>
    %swap3A_699 = arith.constant 43 : index
    %swap3A_700 = arith.index_cast %multiple_of3A_694 : i32 to index
    %swap3A_701 = vector.load %arg3[%swap3A_699, %swap3A_700] : memref<256x8192xf32, #tpu.memory_space<vmem>>, vector<1x128xf32>
    %swap3A_702 = vector.shape_cast %swap3A_701 : vector<1x128xf32> to vector<128xf32>
    %swap3A_703 = vector.shape_cast %get3A_698 : vector<128xf32> to vector<1x128xf32>
    tpu.vector_store %arg3[%swap3A_699, %swap3A_700], %swap3A_703 {strides = array<i32>} : memref<256x8192xf32, #tpu.memory_space<vmem>>, vector<1x128xf32>,
    %get3A_704 = arith.constant 0 : index
    %get3A_705 = arith.constant 0 : index
    %get3A_706 = arith.constant 44 : index
    %get3A_707 = memref.load %arg1[%get3A_704, %get3A_705, %get3A_706] : memref<1x1x256xi32, #tpu.memory_space<smem>>
    %mul3A_708 = arith.constant 128 : i32
    %mul3A_709 = arith.muli %get3A_707, %mul3A_708 : i32
    %multiple_of3A_710 = tpu.assume_multiple %mul3A_709, 128 : i32
    %get3A_711 = arith.constant 44 : index
    %get3A_712 = arith.constant 0 : index
    %get3A_713 = vector.load %arg2[%get3A_711, %get3A_712] : memref<256x128xf32, #tpu.memory_space<vmem>>, vector<1x128xf32>
    %get3A_714 = vector.shape_cast %get3A_713 : vector<1x128xf32> to vector<128xf32>
    %swap3A_715 = arith.constant 44 : index
    %swap3A_716 = arith.index_cast %multiple_of3A_710 : i32 to index
    %swap3A_717 = vector.load %arg3[%swap3A_715, %swap3A_716] : memref<256x8192xf32, #tpu.memory_space<vmem>>, vector<1x128xf32>
    %swap3A_718 = vector.shape_cast %swap3A_717 : vector<1x128xf32> to vector<128xf32>
    %swap3A_719 = vector.shape_cast %get3A_714 : vector<128xf32> to vector<1x128xf32>
    tpu.vector_store %arg3[%swap3A_715, %swap3A_716], %swap3A_719 {strides = array<i32>} : memref<256x8192xf32, #tpu.memory_space<vmem>>, vector<1x128xf32>,
    %get3A_720 = arith.constant 0 : index
    %get3A_721 = arith.constant 0 : index
    %get3A_722 = arith.constant 45 : index
    %get3A_723 = memref.load %arg1[%get3A_720, %get3A_721, %get3A_722] : memref<1x1x256xi32, #tpu.memory_space<smem>>
    %mul3A_724 = arith.constant 128 : i32
    %mul3A_725 = arith.muli %get3A_723, %mul3A_724 : i32
    %multiple_of3A_726 = tpu.assume_multiple %mul3A_725, 128 : i32
    %get3A_727 = arith.constant 45 : index
    %get3A_728 = arith.constant 0 : index
    %get3A_729 = vector.load %arg2[%get3A_727, %get3A_728] : memref<256x128xf32, #tpu.memory_space<vmem>>, vector<1x128xf32>
    %get3A_730 = vector.shape_cast %get3A_729 : vector<1x128xf32> to vector<128xf32>
    %swap3A_731 = arith.constant 45 : index
    %swap3A_732 = arith.index_cast %multiple_of3A_726 : i32 to index
    %swap3A_733 = vector.load %arg3[%swap3A_731, %swap3A_732] : memref<256x8192xf32, #tpu.memory_space<vmem>>, vector<1x128xf32>
    %swap3A_734 = vector.shape_cast %swap3A_733 : vector<1x128xf32> to vector<128xf32>
    %swap3A_735 = vector.shape_cast %get3A_730 : vector<128xf32> to vector<1x128xf32>
    tpu.vector_store %arg3[%swap3A_731, %swap3A_732], %swap3A_735 {strides = array<i32>} : memref<256x8192xf32, #tpu.memory_space<vmem>>, vector<1x128xf32>,
    %get3A_736 = arith.constant 0 : index
    %get3A_737 = arith.constant 0 : index
    %get3A_738 = arith.constant 46 : index
    %get3A_739 = memref.load %arg1[%get3A_736, %get3A_737, %get3A_738] : memref<1x1x256xi32, #tpu.memory_space<smem>>
    %mul3A_740 = arith.constant 128 : i32
    %mul3A_741 = arith.muli %get3A_739, %mul3A_740 : i32
    %multiple_of3A_742 = tpu.assume_multiple %mul3A_741, 128 : i32
    %get3A_743 = arith.constant 46 : index
    %get3A_744 = arith.constant 0 : index
    %get3A_745 = vector.load %arg2[%get3A_743, %get3A_744] : memref<256x128xf32, #tpu.memory_space<vmem>>, vector<1x128xf32>
    %get3A_746 = vector.shape_cast %get3A_745 : vector<1x128xf32> to vector<128xf32>
    %swap3A_747 = arith.constant 46 : index
    %swap3A_748 = arith.index_cast %multiple_of3A_742 : i32 to index
    %swap3A_749 = vector.load %arg3[%swap3A_747, %swap3A_748] : memref<256x8192xf32, #tpu.memory_space<vmem>>, vector<1x128xf32>
    %swap3A_750 = vector.shape_cast %swap3A_749 : vector<1x128xf32> to vector<128xf32>
    %swap3A_751 = vector.shape_cast %get3A_746 : vector<128xf32> to vector<1x128xf32>
    tpu.vector_store %arg3[%swap3A_747, %swap3A_748], %swap3A_751 {strides = array<i32>} : memref<256x8192xf32, #tpu.memory_space<vmem>>, vector<1x128xf32>,
    %get3A_752 = arith.constant 0 : index
    %get3A_753 = arith.constant 0 : index
    %get3A_754 = arith.constant 47 : index
    %get3A_755 = memref.load %arg1[%get3A_752, %get3A_753, %get3A_754] : memref<1x1x256xi32, #tpu.memory_space<smem>>
    %mul3A_756 = arith.constant 128 : i32
    %mul3A_757 = arith.muli %get3A_755, %mul3A_756 : i32
    %multiple_of3A_758 = tpu.assume_multiple %mul3A_757, 128 : i32
    %get3A_759 = arith.constant 47 : index
    %get3A_760 = arith.constant 0 : index
    %get3A_761 = vector.load %arg2[%get3A_759, %get3A_760] : memref<256x128xf32, #tpu.memory_space<vmem>>, vector<1x128xf32>
    %get3A_762 = vector.shape_cast %get3A_761 : vector<1x128xf32> to vector<128xf32>
    %swap3A_763 = arith.constant 47 : index
    %swap3A_764 = arith.index_cast %multiple_of3A_758 : i32 to index
    %swap3A_765 = vector.load %arg3[%swap3A_763, %swap3A_764] : memref<256x8192xf32, #tpu.memory_space<vmem>>, vector<1x128xf32>
    %swap3A_766 = vector.shape_cast %swap3A_765 : vector<1x128xf32> to vector<128xf32>
    %swap3A_767 = vector.shape_cast %get3A_762 : vector<128xf32> to vector<1x128xf32>
    tpu.vector_store %arg3[%swap3A_763, %swap3A_764], %swap3A_767 {strides = array<i32>} : memref<256x8192xf32, #tpu.memory_space<vmem>>, vector<1x128xf32>,
    %get3A_768 = arith.constant 0 : index
    %get3A_769 = arith.constant 0 : index
    %get3A_770 = arith.constant 48 : index
    %get3A_771 = memref.load %arg1[%get3A_768, %get3A_769, %get3A_770] : memref<1x1x256xi32, #tpu.memory_space<smem>>
    %mul3A_772 = arith.constant 128 : i32
    %mul3A_773 = arith.muli %get3A_771, %mul3A_772 : i32
    %multiple_of3A_774 = tpu.assume_multiple %mul3A_773, 128 : i32
    %get3A_775 = arith.constant 48 : index
    %get3A_776 = arith.constant 0 : index
    %get3A_777 = vector.load %arg2[%get3A_775, %get3A_776] : memref<256x128xf32, #tpu.memory_space<vmem>>, vector<1x128xf32>
    %get3A_778 = vector.shape_cast %get3A_777 : vector<1x128xf32> to vector<128xf32>
    %swap3A_779 = arith.constant 48 : index
    %swap3A_780 = arith.index_cast %multiple_of3A_774 : i32 to index
    %swap3A_781 = vector.load %arg3[%swap3A_779, %swap3A_780] : memref<256x8192xf32, #tpu.memory_space<vmem>>, vector<1x128xf32>
    %swap3A_782 = vector.shape_cast %swap3A_781 : vector<1x128xf32> to vector<128xf32>
    %swap3A_783 = vector.shape_cast %get3A_778 : vector<128xf32> to vector<1x128xf32>
    tpu.vector_store %arg3[%swap3A_779, %swap3A_780], %swap3A_783 {strides = array<i32>} : memref<256x8192xf32, #tpu.memory_space<vmem>>, vector<1x128xf32>,
    %get3A_784 = arith.constant 0 : index
    %get3A_785 = arith.constant 0 : index
    %get3A_786 = arith.constant 49 : index
    %get3A_787 = memref.load %arg1[%get3A_784, %get3A_785, %get3A_786] : memref<1x1x256xi32, #tpu.memory_space<smem>>
    %mul3A_788 = arith.constant 128 : i32
    %mul3A_789 = arith.muli %get3A_787, %mul3A_788 : i32
    %multiple_of3A_790 = tpu.assume_multiple %mul3A_789, 128 : i32
    %get3A_791 = arith.constant 49 : index
    %get3A_792 = arith.constant 0 : index
    %get3A_793 = vector.load %arg2[%get3A_791, %get3A_792] : memref<256x128xf32, #tpu.memory_space<vmem>>, vector<1x128xf32>
    %get3A_794 = vector.shape_cast %get3A_793 : vector<1x128xf32> to vector<128xf32>
    %swap3A_795 = arith.constant 49 : index
    %swap3A_796 = arith.index_cast %multiple_of3A_790 : i32 to index
    %swap3A_797 = vector.load %arg3[%swap3A_795, %swap3A_796] : memref<256x8192xf32, #tpu.memory_space<vmem>>, vector<1x128xf32>
    %swap3A_798 = vector.shape_cast %swap3A_797 : vector<1x128xf32> to vector<128xf32>
    %swap3A_799 = vector.shape_cast %get3A_794 : vector<128xf32> to vector<1x128xf32>
    tpu.vector_store %arg3[%swap3A_795, %swap3A_796], %swap3A_799 {strides = array<i32>} : memref<256x8192xf32, #tpu.memory_space<vmem>>, vector<1x128xf32>,
    %get3A_800 = arith.constant 0 : index
    %get3A_801 = arith.constant 0 : index
    %get3A_802 = arith.constant 50 : index
    %get3A_803 = memref.load %arg1[%get3A_800, %get3A_801, %get3A_802] : memref<1x1x256xi32, #tpu.memory_space<smem>>
    %mul3A_804 = arith.constant 128 : i32
    %mul3A_805 = arith.muli %get3A_803, %mul3A_804 : i32
    %multiple_of3A_806 = tpu.assume_multiple %mul3A_805, 128 : i32
    %get3A_807 = arith.constant 50 : index
    %get3A_808 = arith.constant 0 : index
    %get3A_809 = vector.load %arg2[%get3A_807, %get3A_808] : memref<256x128xf32, #tpu.memory_space<vmem>>, vector<1x128xf32>
    %get3A_810 = vector.shape_cast %get3A_809 : vector<1x128xf32> to vector<128xf32>
    %swap3A_811 = arith.constant 50 : index
    %swap3A_812 = arith.index_cast %multiple_of3A_806 : i32 to index
    %swap3A_813 = vector.load %arg3[%swap3A_811, %swap3A_812] : memref<256x8192xf32, #tpu.memory_space<vmem>>, vector<1x128xf32>
    %swap3A_814 = vector.shape_cast %swap3A_813 : vector<1x128xf32> to vector<128xf32>
    %swap3A_815 = vector.shape_cast %get3A_810 : vector<128xf32> to vector<1x128xf32>
    tpu.vector_store %arg3[%swap3A_811, %swap3A_812], %swap3A_815 {strides = array<i32>} : memref<256x8192xf32, #tpu.memory_space<vmem>>, vector<1x128xf32>,
    %get3A_816 = arith.constant 0 : index
    %get3A_817 = arith.constant 0 : index
    %get3A_818 = arith.constant 51 : index
    %get3A_819 = memref.load %arg1[%get3A_816, %get3A_817, %get3A_818] : memref<1x1x256xi32, #tpu.memory_space<smem>>
    %mul3A_820 = arith.constant 128 : i32
    %mul3A_821 = arith.muli %get3A_819, %mul3A_820 : i32
    %multiple_of3A_822 = tpu.assume_multiple %mul3A_821, 128 : i32
    %get3A_823 = arith.constant 51 : index
    %get3A_824 = arith.constant 0 : index
    %get3A_825 = vector.load %arg2[%get3A_823, %get3A_824] : memref<256x128xf32, #tpu.memory_space<vmem>>, vector<1x128xf32>
    %get3A_826 = vector.shape_cast %get3A_825 : vector<1x128xf32> to vector<128xf32>
    %swap3A_827 = arith.constant 51 : index
    %swap3A_828 = arith.index_cast %multiple_of3A_822 : i32 to index
    %swap3A_829 = vector.load %arg3[%swap3A_827, %swap3A_828] : memref<256x8192xf32, #tpu.memory_space<vmem>>, vector<1x128xf32>
    %swap3A_830 = vector.shape_cast %swap3A_829 : vector<1x128xf32> to vector<128xf32>
    %swap3A_831 = vector.shape_cast %get3A_826 : vector<128xf32> to vector<1x128xf32>
    tpu.vector_store %arg3[%swap3A_827, %swap3A_828], %swap3A_831 {strides = array<i32>} : memref<256x8192xf32, #tpu.memory_space<vmem>>, vector<1x128xf32>,
    %get3A_832 = arith.constant 0 : index
    %get3A_833 = arith.constant 0 : index
    %get3A_834 = arith.constant 52 : index
    %get3A_835 = memref.load %arg1[%get3A_832, %get3A_833, %get3A_834] : memref<1x1x256xi32, #tpu.memory_space<smem>>
    %mul3A_836 = arith.constant 128 : i32
    %mul3A_837 = arith.muli %get3A_835, %mul3A_836 : i32
    %multiple_of3A_838 = tpu.assume_multiple %mul3A_837, 128 : i32
    %get3A_839 = arith.constant 52 : index
    %get3A_840 = arith.constant 0 : index
    %get3A_841 = vector.load %arg2[%get3A_839, %get3A_840] : memref<256x128xf32, #tpu.memory_space<vmem>>, vector<1x128xf32>
    %get3A_842 = vector.shape_cast %get3A_841 : vector<1x128xf32> to vector<128xf32>
    %swap3A_843 = arith.constant 52 : index
    %swap3A_844 = arith.index_cast %multiple_of3A_838 : i32 to index
    %swap3A_845 = vector.load %arg3[%swap3A_843, %swap3A_844] : memref<256x8192xf32, #tpu.memory_space<vmem>>, vector<1x128xf32>
    %swap3A_846 = vector.shape_cast %swap3A_845 : vector<1x128xf32> to vector<128xf32>
    %swap3A_847 = vector.shape_cast %get3A_842 : vector<128xf32> to vector<1x128xf32>
    tpu.vector_store %arg3[%swap3A_843, %swap3A_844], %swap3A_847 {strides = array<i32>} : memref<256x8192xf32, #tpu.memory_space<vmem>>, vector<1x128xf32>,
    %get3A_848 = arith.constant 0 : index
    %get3A_849 = arith.constant 0 : index
    %get3A_850 = arith.constant 53 : index
    %get3A_851 = memref.load %arg1[%get3A_848, %get3A_849, %get3A_850] : memref<1x1x256xi32, #tpu.memory_space<smem>>
    %mul3A_852 = arith.constant 128 : i32
    %mul3A_853 = arith.muli %get3A_851, %mul3A_852 : i32
    %multiple_of3A_854 = tpu.assume_multiple %mul3A_853, 128 : i32
    %get3A_855 = arith.constant 53 : index
    %get3A_856 = arith.constant 0 : index
    %get3A_857 = vector.load %arg2[%get3A_855, %get3A_856] : memref<256x128xf32, #tpu.memory_space<vmem>>, vector<1x128xf32>
    %get3A_858 = vector.shape_cast %get3A_857 : vector<1x128xf32> to vector<128xf32>
    %swap3A_859 = arith.constant 53 : index
    %swap3A_860 = arith.index_cast %multiple_of3A_854 : i32 to index
    %swap3A_861 = vector.load %arg3[%swap3A_859, %swap3A_860] : memref<256x8192xf32, #tpu.memory_space<vmem>>, vector<1x128xf32>
    %swap3A_862 = vector.shape_cast %swap3A_861 : vector<1x128xf32> to vector<128xf32>
    %swap3A_863 = vector.shape_cast %get3A_858 : vector<128xf32> to vector<1x128xf32>
    tpu.vector_store %arg3[%swap3A_859, %swap3A_860], %swap3A_863 {strides = array<i32>} : memref<256x8192xf32, #tpu.memory_space<vmem>>, vector<1x128xf32>,
    %get3A_864 = arith.constant 0 : index
    %get3A_865 = arith.constant 0 : index
    %get3A_866 = arith.constant 54 : index
    %get3A_867 = memref.load %arg1[%get3A_864, %get3A_865, %get3A_866] : memref<1x1x256xi32, #tpu.memory_space<smem>>
    %mul3A_868 = arith.constant 128 : i32
    %mul3A_869 = arith.muli %get3A_867, %mul3A_868 : i32
    %multiple_of3A_870 = tpu.assume_multiple %mul3A_869, 128 : i32
    %get3A_871 = arith.constant 54 : index
    %get3A_872 = arith.constant 0 : index
    %get3A_873 = vector.load %arg2[%get3A_871, %get3A_872] : memref<256x128xf32, #tpu.memory_space<vmem>>, vector<1x128xf32>
    %get3A_874 = vector.shape_cast %get3A_873 : vector<1x128xf32> to vector<128xf32>
    %swap3A_875 = arith.constant 54 : index
    %swap3A_876 = arith.index_cast %multiple_of3A_870 : i32 to index
    %swap3A_877 = vector.load %arg3[%swap3A_875, %swap3A_876] : memref<256x8192xf32, #tpu.memory_space<vmem>>, vector<1x128xf32>
    %swap3A_878 = vector.shape_cast %swap3A_877 : vector<1x128xf32> to vector<128xf32>
    %swap3A_879 = vector.shape_cast %get3A_874 : vector<128xf32> to vector<1x128xf32>
    tpu.vector_store %arg3[%swap3A_875, %swap3A_876], %swap3A_879 {strides = array<i32>} : memref<256x8192xf32, #tpu.memory_space<vmem>>, vector<1x128xf32>,
    %get3A_880 = arith.constant 0 : index
    %get3A_881 = arith.constant 0 : index
    %get3A_882 = arith.constant 55 : index
    %get3A_883 = memref.load %arg1[%get3A_880, %get3A_881, %get3A_882] : memref<1x1x256xi32, #tpu.memory_space<smem>>
    %mul3A_884 = arith.constant 128 : i32
    %mul3A_885 = arith.muli %get3A_883, %mul3A_884 : i32
    %multiple_of3A_886 = tpu.assume_multiple %mul3A_885, 128 : i32
    %get3A_887 = arith.constant 55 : index
    %get3A_888 = arith.constant 0 : index
    %get3A_889 = vector.load %arg2[%get3A_887, %get3A_888] : memref<256x128xf32, #tpu.memory_space<vmem>>, vector<1x128xf32>
    %get3A_890 = vector.shape_cast %get3A_889 : vector<1x128xf32> to vector<128xf32>
    %swap3A_891 = arith.constant 55 : index
    %swap3A_892 = arith.index_cast %multiple_of3A_886 : i32 to index
    %swap3A_893 = vector.load %arg3[%swap3A_891, %swap3A_892] : memref<256x8192xf32, #tpu.memory_space<vmem>>, vector<1x128xf32>
    %swap3A_894 = vector.shape_cast %swap3A_893 : vector<1x128xf32> to vector<128xf32>
    %swap3A_895 = vector.shape_cast %get3A_890 : vector<128xf32> to vector<1x128xf32>
    tpu.vector_store %arg3[%swap3A_891, %swap3A_892], %swap3A_895 {strides = array<i32>} : memref<256x8192xf32, #tpu.memory_space<vmem>>, vector<1x128xf32>,
    %get3A_896 = arith.constant 0 : index
    %get3A_897 = arith.constant 0 : index
    %get3A_898 = arith.constant 56 : index
    %get3A_899 = memref.load %arg1[%get3A_896, %get3A_897, %get3A_898] : memref<1x1x256xi32, #tpu.memory_space<smem>>
    %mul3A_900 = arith.constant 128 : i32
    %mul3A_901 = arith.muli %get3A_899, %mul3A_900 : i32
    %multiple_of3A_902 = tpu.assume_multiple %mul3A_901, 128 : i32
    %get3A_903 = arith.constant 56 : index
    %get3A_904 = arith.constant 0 : index
    %get3A_905 = vector.load %arg2[%get3A_903, %get3A_904] : memref<256x128xf32, #tpu.memory_space<vmem>>, vector<1x128xf32>
    %get3A_906 = vector.shape_cast %get3A_905 : vector<1x128xf32> to vector<128xf32>
    %swap3A_907 = arith.constant 56 : index
    %swap3A_908 = arith.index_cast %multiple_of3A_902 : i32 to index
    %swap3A_909 = vector.load %arg3[%swap3A_907, %swap3A_908] : memref<256x8192xf32, #tpu.memory_space<vmem>>, vector<1x128xf32>
    %swap3A_910 = vector.shape_cast %swap3A_909 : vector<1x128xf32> to vector<128xf32>
    %swap3A_911 = vector.shape_cast %get3A_906 : vector<128xf32> to vector<1x128xf32>
    tpu.vector_store %arg3[%swap3A_907, %swap3A_908], %swap3A_911 {strides = array<i32>} : memref<256x8192xf32, #tpu.memory_space<vmem>>, vector<1x128xf32>,
    %get3A_912 = arith.constant 0 : index
    %get3A_913 = arith.constant 0 : index
    %get3A_914 = arith.constant 57 : index
    %get3A_915 = memref.load %arg1[%get3A_912, %get3A_913, %get3A_914] : memref<1x1x256xi32, #tpu.memory_space<smem>>
    %mul3A_916 = arith.constant 128 : i32
    %mul3A_917 = arith.muli %get3A_915, %mul3A_916 : i32
    %multiple_of3A_918 = tpu.assume_multiple %mul3A_917, 128 : i32
    %get3A_919 = arith.constant 57 : index
    %get3A_920 = arith.constant 0 : index
    %get3A_921 = vector.load %arg2[%get3A_919, %get3A_920] : memref<256x128xf32, #tpu.memory_space<vmem>>, vector<1x128xf32>
    %get3A_922 = vector.shape_cast %get3A_921 : vector<1x128xf32> to vector<128xf32>
    %swap3A_923 = arith.constant 57 : index
    %swap3A_924 = arith.index_cast %multiple_of3A_918 : i32 to index
    %swap3A_925 = vector.load %arg3[%swap3A_923, %swap3A_924] : memref<256x8192xf32, #tpu.memory_space<vmem>>, vector<1x128xf32>
    %swap3A_926 = vector.shape_cast %swap3A_925 : vector<1x128xf32> to vector<128xf32>
    %swap3A_927 = vector.shape_cast %get3A_922 : vector<128xf32> to vector<1x128xf32>
    tpu.vector_store %arg3[%swap3A_923, %swap3A_924], %swap3A_927 {strides = array<i32>} : memref<256x8192xf32, #tpu.memory_space<vmem>>, vector<1x128xf32>,
    %get3A_928 = arith.constant 0 : index
    %get3A_929 = arith.constant 0 : index
    %get3A_930 = arith.constant 58 : index
    %get3A_931 = memref.load %arg1[%get3A_928, %get3A_929, %get3A_930] : memref<1x1x256xi32, #tpu.memory_space<smem>>
    %mul3A_932 = arith.constant 128 : i32
    %mul3A_933 = arith.muli %get3A_931, %mul3A_932 : i32
    %multiple_of3A_934 = tpu.assume_multiple %mul3A_933, 128 : i32
    %get3A_935 = arith.constant 58 : index
    %get3A_936 = arith.constant 0 : index
    %get3A_937 = vector.load %arg2[%get3A_935, %get3A_936] : memref<256x128xf32, #tpu.memory_space<vmem>>, vector<1x128xf32>
    %get3A_938 = vector.shape_cast %get3A_937 : vector<1x128xf32> to vector<128xf32>
    %swap3A_939 = arith.constant 58 : index
    %swap3A_940 = arith.index_cast %multiple_of3A_934 : i32 to index
    %swap3A_941 = vector.load %arg3[%swap3A_939, %swap3A_940] : memref<256x8192xf32, #tpu.memory_space<vmem>>, vector<1x128xf32>
    %swap3A_942 = vector.shape_cast %swap3A_941 : vector<1x128xf32> to vector<128xf32>
    %swap3A_943 = vector.shape_cast %get3A_938 : vector<128xf32> to vector<1x128xf32>
    tpu.vector_store %arg3[%swap3A_939, %swap3A_940], %swap3A_943 {strides = array<i32>} : memref<256x8192xf32, #tpu.memory_space<vmem>>, vector<1x128xf32>,
    %get3A_944 = arith.constant 0 : index
    %get3A_945 = arith.constant 0 : index
    %get3A_946 = arith.constant 59 : index
    %get3A_947 = memref.load %arg1[%get3A_944, %get3A_945, %get3A_946] : memref<1x1x256xi32, #tpu.memory_space<smem>>
    %mul3A_948 = arith.constant 128 : i32
    %mul3A_949 = arith.muli %get3A_947, %mul3A_948 : i32
    %multiple_of3A_950 = tpu.assume_multiple %mul3A_949, 128 : i32
    %get3A_951 = arith.constant 59 : index
    %get3A_952 = arith.constant 0 : index
    %get3A_953 = vector.load %arg2[%get3A_951, %get3A_952] : memref<256x128xf32, #tpu.memory_space<vmem>>, vector<1x128xf32>
    %get3A_954 = vector.shape_cast %get3A_953 : vector<1x128xf32> to vector<128xf32>
    %swap3A_955 = arith.constant 59 : index
    %swap3A_956 = arith.index_cast %multiple_of3A_950 : i32 to index
    %swap3A_957 = vector.load %arg3[%swap3A_955, %swap3A_956] : memref<256x8192xf32, #tpu.memory_space<vmem>>, vector<1x128xf32>
    %swap3A_958 = vector.shape_cast %swap3A_957 : vector<1x128xf32> to vector<128xf32>
    %swap3A_959 = vector.shape_cast %get3A_954 : vector<128xf32> to vector<1x128xf32>
    tpu.vector_store %arg3[%swap3A_955, %swap3A_956], %swap3A_959 {strides = array<i32>} : memref<256x8192xf32, #tpu.memory_space<vmem>>, vector<1x128xf32>,
    %get3A_960 = arith.constant 0 : index
    %get3A_961 = arith.constant 0 : index
    %get3A_962 = arith.constant 60 : index
    %get3A_963 = memref.load %arg1[%get3A_960, %get3A_961, %get3A_962] : memref<1x1x256xi32, #tpu.memory_space<smem>>
    %mul3A_964 = arith.constant 128 : i32
    %mul3A_965 = arith.muli %get3A_963, %mul3A_964 : i32
    %multiple_of3A_966 = tpu.assume_multiple %mul3A_965, 128 : i32
    %get3A_967 = arith.constant 60 : index
    %get3A_968 = arith.constant 0 : index
    %get3A_969 = vector.load %arg2[%get3A_967, %get3A_968] : memref<256x128xf32, #tpu.memory_space<vmem>>, vector<1x128xf32>
    %get3A_970 = vector.shape_cast %get3A_969 : vector<1x128xf32> to vector<128xf32>
    %swap3A_971 = arith.constant 60 : index
    %swap3A_972 = arith.index_cast %multiple_of3A_966 : i32 to index
    %swap3A_973 = vector.load %arg3[%swap3A_971, %swap3A_972] : memref<256x8192xf32, #tpu.memory_space<vmem>>, vector<1x128xf32>
    %swap3A_974 = vector.shape_cast %swap3A_973 : vector<1x128xf32> to vector<128xf32>
    %swap3A_975 = vector.shape_cast %get3A_970 : vector<128xf32> to vector<1x128xf32>
    tpu.vector_store %arg3[%swap3A_971, %swap3A_972], %swap3A_975 {strides = array<i32>} : memref<256x8192xf32, #tpu.memory_space<vmem>>, vector<1x128xf32>,
    %get3A_976 = arith.constant 0 : index
    %get3A_977 = arith.constant 0 : index
    %get3A_978 = arith.constant 61 : index
    %get3A_979 = memref.load %arg1[%get3A_976, %get3A_977, %get3A_978] : memref<1x1x256xi32, #tpu.memory_space<smem>>
    %mul3A_980 = arith.constant 128 : i32
    %mul3A_981 = arith.muli %get3A_979, %mul3A_980 : i32
    %multiple_of3A_982 = tpu.assume_multiple %mul3A_981, 128 : i32
    %get3A_983 = arith.constant 61 : index
    %get3A_984 = arith.constant 0 : index
    %get3A_985 = vector.load %arg2[%get3A_983, %get3A_984] : memref<256x128xf32, #tpu.memory_space<vmem>>, vector<1x128xf32>
    %get3A_986 = vector.shape_cast %get3A_985 : vector<1x128xf32> to vector<128xf32>
    %swap3A_987 = arith.constant 61 : index
    %swap3A_988 = arith.index_cast %multiple_of3A_982 : i32 to index
    %swap3A_989 = vector.load %arg3[%swap3A_987, %swap3A_988] : memref<256x8192xf32, #tpu.memory_space<vmem>>, vector<1x128xf32>
    %swap3A_990 = vector.shape_cast %swap3A_989 : vector<1x128xf32> to vector<128xf32>
    %swap3A_991 = vector.shape_cast %get3A_986 : vector<128xf32> to vector<1x128xf32>
    tpu.vector_store %arg3[%swap3A_987, %swap3A_988], %swap3A_991 {strides = array<i32>} : memref<256x8192xf32, #tpu.memory_space<vmem>>, vector<1x128xf32>,
    %get3A_992 = arith.constant 0 : index
    %get3A_993 = arith.constant 0 : index
    %get3A_994 = arith.constant 62 : index
    %get3A_995 = memref.load %arg1[%get3A_992, %get3A_993, %get3A_994] : memref<1x1x256xi32, #tpu.memory_space<smem>>
    %mul3A_996 = arith.constant 128 : i32
    %mul3A_997 = arith.muli %get3A_995, %mul3A_996 : i32
    %multiple_of3A_998 = tpu.assume_multiple %mul3A_997, 128 : i32
    %get3A_999 = arith.constant 62 : index
    %get3A_1000 = arith.constant 0 : index
    %get3A_1001 = vector.load %arg2[%get3A_999, %get3A_1000] : memref<256x128xf32, #tpu.memory_space<vmem>>, vector<1x128xf32>
    %get3A_1002 = vector.shape_cast %get3A_1001 : vector<1x128xf32> to vector<128xf32>
    %swap3A_1003 = arith.constant 62 : index
    %swap3A_1004 = arith.index_cast %multiple_of3A_998 : i32 to index
    %swap3A_1005 = vector.load %arg3[%swap3A_1003, %swap3A_1004] : memref<256x8192xf32, #tpu.memory_space<vmem>>, vector<1x128xf32>
    %swap3A_1006 = vector.shape_cast %swap3A_1005 : vector<1x128xf32> to vector<128xf32>
    %swap3A_1007 = vector.shape_cast %get3A_1002 : vector<128xf32> to vector<1x128xf32>
    tpu.vector_store %arg3[%swap3A_1003, %swap3A_1004], %swap3A_1007 {strides = array<i32>} : memref<256x8192xf32, #tpu.memory_space<vmem>>, vector<1x128xf32>,
    %get3A_1008 = arith.constant 0 : index
    %get3A_1009 = arith.constant 0 : index
    %get3A_1010 = arith.constant 63 : index
    %get3A_1011 = memref.load %arg1[%get3A_1008, %get3A_1009, %get3A_1010] : memref<1x1x256xi32, #tpu.memory_space<smem>>
    %mul3A_1012 = arith.constant 128 : i32
    %mul3A_1013 = arith.muli %get3A_1011, %mul3A_1012 : i32
    %multiple_of3A_1014 = tpu.assume_multiple %mul3A_1013, 128 : i32
    %get3A_1015 = arith.constant 63 : index
    %get3A_1016 = arith.constant 0 : index
    %get3A_1017 = vector.load %arg2[%get3A_1015, %get3A_1016] : memref<256x128xf32, #tpu.memory_space<vmem>>, vector<1x128xf32>
    %get3A_1018 = vector.shape_cast %get3A_1017 : vector<1x128xf32> to vector<128xf32>
    %swap3A_1019 = arith.constant 63 : index
    %swap3A_1020 = arith.index_cast %multiple_of3A_1014 : i32 to index
    %swap3A_1021 = vector.load %arg3[%swap3A_1019, %swap3A_1020] : memref<256x8192xf32, #tpu.memory_space<vmem>>, vector<1x128xf32>
    %swap3A_1022 = vector.shape_cast %swap3A_1021 : vector<1x128xf32> to vector<128xf32>
    %swap3A_1023 = vector.shape_cast %get3A_1018 : vector<128xf32> to vector<1x128xf32>
    tpu.vector_store %arg3[%swap3A_1019, %swap3A_1020], %swap3A_1023 {strides = array<i32>} : memref<256x8192xf32, #tpu.memory_space<vmem>>, vector<1x128xf32>,
    %get3A_1024 = arith.constant 0 : index
    %get3A_1025 = arith.constant 0 : index
    %get3A_1026 = arith.constant 64 : index
    %get3A_1027 = memref.load %arg1[%get3A_1024, %get3A_1025, %get3A_1026] : memref<1x1x256xi32, #tpu.memory_space<smem>>
    %mul3A_1028 = arith.constant 128 : i32
    %mul3A_1029 = arith.muli %get3A_1027, %mul3A_1028 : i32
    %multiple_of3A_1030 = tpu.assume_multiple %mul3A_1029, 128 : i32
    %get3A_1031 = arith.constant 64 : index
    %get3A_1032 = arith.constant 0 : index
    %get3A_1033 = vector.load %arg2[%get3A_1031, %get3A_1032] : memref<256x128xf32, #tpu.memory_space<vmem>>, vector<1x128xf32>
    %get3A_1034 = vector.shape_cast %get3A_1033 : vector<1x128xf32> to vector<128xf32>
    %swap3A_1035 = arith.constant 64 : index
    %swap3A_1036 = arith.index_cast %multiple_of3A_1030 : i32 to index
    %swap3A_1037 = vector.load %arg3[%swap3A_1035, %swap3A_1036] : memref<256x8192xf32, #tpu.memory_space<vmem>>, vector<1x128xf32>
    %swap3A_1038 = vector.shape_cast %swap3A_1037 : vector<1x128xf32> to vector<128xf32>
    %swap3A_1039 = vector.shape_cast %get3A_1034 : vector<128xf32> to vector<1x128xf32>
    tpu.vector_store %arg3[%swap3A_1035, %swap3A_1036], %swap3A_1039 {strides = array<i32>} : memref<256x8192xf32, #tpu.memory_space<vmem>>, vector<1x128xf32>,
    %get3A_1040 = arith.constant 0 : index
    %get3A_1041 = arith.constant 0 : index
    %get3A_1042 = arith.constant 65 : index
    %get3A_1043 = memref.load %arg1[%get3A_1040, %get3A_1041, %get3A_1042] : memref<1x1x256xi32, #tpu.memory_space<smem>>
    %mul3A_1044 = arith.constant 128 : i32
    %mul3A_1045 = arith.muli %get3A_1043, %mul3A_1044 : i32
    %multiple_of3A_1046 = tpu.assume_multiple %mul3A_1045, 128 : i32
    %get3A_1047 = arith.constant 65 : index
    %get3A_1048 = arith.constant 0 : index
    %get3A_1049 = vector.load %arg2[%get3A_1047, %get3A_1048] : memref<256x128xf32, #tpu.memory_space<vmem>>, vector<1x128xf32>
    %get3A_1050 = vector.shape_cast %get3A_1049 : vector<1x128xf32> to vector<128xf32>
    %swap3A_1051 = arith.constant 65 : index
    %swap3A_1052 = arith.index_cast %multiple_of3A_1046 : i32 to index
    %swap3A_1053 = vector.load %arg3[%swap3A_1051, %swap3A_1052] : memref<256x8192xf32, #tpu.memory_space<vmem>>, vector<1x128xf32>
    %swap3A_1054 = vector.shape_cast %swap3A_1053 : vector<1x128xf32> to vector<128xf32>
    %swap3A_1055 = vector.shape_cast %get3A_1050 : vector<128xf32> to vector<1x128xf32>
    tpu.vector_store %arg3[%swap3A_1051, %swap3A_1052], %swap3A_1055 {strides = array<i32>} : memref<256x8192xf32, #tpu.memory_space<vmem>>, vector<1x128xf32>,
    %get3A_1056 = arith.constant 0 : index
    %get3A_1057 = arith.constant 0 : index
    %get3A_1058 = arith.constant 66 : index
    %get3A_1059 = memref.load %arg1[%get3A_1056, %get3A_1057, %get3A_1058] : memref<1x1x256xi32, #tpu.memory_space<smem>>
    %mul3A_1060 = arith.constant 128 : i32
    %mul3A_1061 = arith.muli %get3A_1059, %mul3A_1060 : i32
    %multiple_of3A_1062 = tpu.assume_multiple %mul3A_1061, 128 : i32
    %get3A_1063 = arith.constant 66 : index
    %get3A_1064 = arith.constant 0 : index
    %get3A_1065 = vector.load %arg2[%get3A_1063, %get3A_1064] : memref<256x128xf32, #tpu.memory_space<vmem>>, vector<1x128xf32>
    %get3A_1066 = vector.shape_cast %get3A_1065 : vector<1x128xf32> to vector<128xf32>
    %swap3A_1067 = arith.constant 66 : index
    %swap3A_1068 = arith.index_cast %multiple_of3A_1062 : i32 to index
    %swap3A_1069 = vector.load %arg3[%swap3A_1067, %swap3A_1068] : memref<256x8192xf32, #tpu.memory_space<vmem>>, vector<1x128xf32>
    %swap3A_1070 = vector.shape_cast %swap3A_1069 : vector<1x128xf32> to vector<128xf32>
    %swap3A_1071 = vector.shape_cast %get3A_1066 : vector<128xf32> to vector<1x128xf32>
    tpu.vector_store %arg3[%swap3A_1067, %swap3A_1068], %swap3A_1071 {strides = array<i32>} : memref<256x8192xf32, #tpu.memory_space<vmem>>, vector<1x128xf32>,
    %get3A_1072 = arith.constant 0 : index
    %get3A_1073 = arith.constant 0 : index
    %get3A_1074 = arith.constant 67 : index
    %get3A_1075 = memref.load %arg1[%get3A_1072, %get3A_1073, %get3A_1074] : memref<1x1x256xi32, #tpu.memory_space<smem>>
    %mul3A_1076 = arith.constant 128 : i32
    %mul3A_1077 = arith.muli %get3A_1075, %mul3A_1076 : i32
    %multiple_of3A_1078 = tpu.assume_multiple %mul3A_1077, 128 : i32
    %get3A_1079 = arith.constant 67 : index
    %get3A_1080 = arith.constant 0 : index
    %get3A_1081 = vector.load %arg2[%get3A_1079, %get3A_1080] : memref<256x128xf32, #tpu.memory_space<vmem>>, vector<1x128xf32>
    %get3A_1082 = vector.shape_cast %get3A_1081 : vector<1x128xf32> to vector<128xf32>
    %swap3A_1083 = arith.constant 67 : index
    %swap3A_1084 = arith.index_cast %multiple_of3A_1078 : i32 to index
    %swap3A_1085 = vector.load %arg3[%swap3A_1083, %swap3A_1084] : memref<256x8192xf32, #tpu.memory_space<vmem>>, vector<1x128xf32>
    %swap3A_1086 = vector.shape_cast %swap3A_1085 : vector<1x128xf32> to vector<128xf32>
    %swap3A_1087 = vector.shape_cast %get3A_1082 : vector<128xf32> to vector<1x128xf32>
    tpu.vector_store %arg3[%swap3A_1083, %swap3A_1084], %swap3A_1087 {strides = array<i32>} : memref<256x8192xf32, #tpu.memory_space<vmem>>, vector<1x128xf32>,
    %get3A_1088 = arith.constant 0 : index
    %get3A_1089 = arith.constant 0 : index
    %get3A_1090 = arith.constant 68 : index
    %get3A_1091 = memref.load %arg1[%get3A_1088, %get3A_1089, %get3A_1090] : memref<1x1x256xi32, #tpu.memory_space<smem>>
    %mul3A_1092 = arith.constant 128 : i32
    %mul3A_1093 = arith.muli %get3A_1091, %mul3A_1092 : i32
    %multiple_of3A_1094 = tpu.assume_multiple %mul3A_1093, 128 : i32
    %get3A_1095 = arith.constant 68 : index
    %get3A_1096 = arith.constant 0 : index
    %get3A_1097 = vector.load %arg2[%get3A_1095, %get3A_1096] : memref<256x128xf32, #tpu.memory_space<vmem>>, vector<1x128xf32>
    %get3A_1098 = vector.shape_cast %get3A_1097 : vector<1x128xf32> to vector<128xf32>
    %swap3A_1099 = arith.constant 68 : index
    %swap3A_1100 = arith.index_cast %multiple_of3A_1094 : i32 to index
    %swap3A_1101 = vector.load %arg3[%swap3A_1099, %swap3A_1100] : memref<256x8192xf32, #tpu.memory_space<vmem>>, vector<1x128xf32>
    %swap3A_1102 = vector.shape_cast %swap3A_1101 : vector<1x128xf32> to vector<128xf32>
    %swap3A_1103 = vector.shape_cast %get3A_1098 : vector<128xf32> to vector<1x128xf32>
    tpu.vector_store %arg3[%swap3A_1099, %swap3A_1100], %swap3A_1103 {strides = array<i32>} : memref<256x8192xf32, #tpu.memory_space<vmem>>, vector<1x128xf32>,
    %get3A_1104 = arith.constant 0 : index
    %get3A_1105 = arith.constant 0 : index
    %get3A_1106 = arith.constant 69 : index
    %get3A_1107 = memref.load %arg1[%get3A_1104, %get3A_1105, %get3A_1106] : memref<1x1x256xi32, #tpu.memory_space<smem>>
    %mul3A_1108 = arith.constant 128 : i32
    %mul3A_1109 = arith.muli %get3A_1107, %mul3A_1108 : i32
    %multiple_of3A_1110 = tpu.assume_multiple %mul3A_1109, 128 : i32
    %get3A_1111 = arith.constant 69 : index
    %get3A_1112 = arith.constant 0 : index
    %get3A_1113 = vector.load %arg2[%get3A_1111, %get3A_1112] : memref<256x128xf32, #tpu.memory_space<vmem>>, vector<1x128xf32>
    %get3A_1114 = vector.shape_cast %get3A_1113 : vector<1x128xf32> to vector<128xf32>
    %swap3A_1115 = arith.constant 69 : index
    %swap3A_1116 = arith.index_cast %multiple_of3A_1110 : i32 to index
    %swap3A_1117 = vector.load %arg3[%swap3A_1115, %swap3A_1116] : memref<256x8192xf32, #tpu.memory_space<vmem>>, vector<1x128xf32>
    %swap3A_1118 = vector.shape_cast %swap3A_1117 : vector<1x128xf32> to vector<128xf32>
    %swap3A_1119 = vector.shape_cast %get3A_1114 : vector<128xf32> to vector<1x128xf32>
    tpu.vector_store %arg3[%swap3A_1115, %swap3A_1116], %swap3A_1119 {strides = array<i32>} : memref<256x8192xf32, #tpu.memory_space<vmem>>, vector<1x128xf32>,
    %get3A_1120 = arith.constant 0 : index
    %get3A_1121 = arith.constant 0 : index
    %get3A_1122 = arith.constant 70 : index
    %get3A_1123 = memref.load %arg1[%get3A_1120, %get3A_1121, %get3A_1122] : memref<1x1x256xi32, #tpu.memory_space<smem>>
    %mul3A_1124 = arith.constant 128 : i32
    %mul3A_1125 = arith.muli %get3A_1123, %mul3A_1124 : i32
    %multiple_of3A_1126 = tpu.assume_multiple %mul3A_1125, 128 : i32
    %get3A_1127 = arith.constant 70 : index
    %get3A_1128 = arith.constant 0 : index
    %get3A_1129 = vector.load %arg2[%get3A_1127, %get3A_1128] : memref<256x128xf32, #tpu.memory_space<vmem>>, vector<1x128xf32>
    %get3A_1130 = vector.shape_cast %get3A_1129 : vector<1x128xf32> to vector<128xf32>
    %swap3A_1131 = arith.constant 70 : index
    %swap3A_1132 = arith.index_cast %multiple_of3A_1126 : i32 to index
    %swap3A_1133 = vector.load %arg3[%swap3A_1131, %swap3A_1132] : memref<256x8192xf32, #tpu.memory_space<vmem>>, vector<1x128xf32>
    %swap3A_1134 = vector.shape_cast %swap3A_1133 : vector<1x128xf32> to vector<128xf32>
    %swap3A_1135 = vector.shape_cast %get3A_1130 : vector<128xf32> to vector<1x128xf32>
    tpu.vector_store %arg3[%swap3A_1131, %swap3A_1132], %swap3A_1135 {strides = array<i32>} : memref<256x8192xf32, #tpu.memory_space<vmem>>, vector<1x128xf32>,
    %get3A_1136 = arith.constant 0 : index
    %get3A_1137 = arith.constant 0 : index
    %get3A_1138 = arith.constant 71 : index
    %get3A_1139 = memref.load %arg1[%get3A_1136, %get3A_1137, %get3A_1138] : memref<1x1x256xi32, #tpu.memory_space<smem>>
    %mul3A_1140 = arith.constant 128 : i32
    %mul3A_1141 = arith.muli %get3A_1139, %mul3A_1140 : i32
    %multiple_of3A_1142 = tpu.assume_multiple %mul3A_1141, 128 : i32
    %get3A_1143 = arith.constant 71 : index
    %get3A_1144 = arith.constant 0 : index
    %get3A_1145 = vector.load %arg2[%get3A_1143, %get3A_1144] : memref<256x128xf32, #tpu.memory_space<vmem>>, vector<1x128xf32>
    %get3A_1146 = vector.shape_cast %get3A_1145 : vector<1x128xf32> to vector<128xf32>
    %swap3A_1147 = arith.constant 71 : index
    %swap3A_1148 = arith.index_cast %multiple_of3A_1142 : i32 to index
    %swap3A_1149 = vector.load %arg3[%swap3A_1147, %swap3A_1148] : memref<256x8192xf32, #tpu.memory_space<vmem>>, vector<1x128xf32>
    %swap3A_1150 = vector.shape_cast %swap3A_1149 : vector<1x128xf32> to vector<128xf32>
    %swap3A_1151 = vector.shape_cast %get3A_1146 : vector<128xf32> to vector<1x128xf32>
    tpu.vector_store %arg3[%swap3A_1147, %swap3A_1148], %swap3A_1151 {strides = array<i32>} : memref<256x8192xf32, #tpu.memory_space<vmem>>, vector<1x128xf32>,
    %get3A_1152 = arith.constant 0 : index
    %get3A_1153 = arith.constant 0 : index
    %get3A_1154 = arith.constant 72 : index
    %get3A_1155 = memref.load %arg1[%get3A_1152, %get3A_1153, %get3A_1154] : memref<1x1x256xi32, #tpu.memory_space<smem>>
    %mul3A_1156 = arith.constant 128 : i32
    %mul3A_1157 = arith.muli %get3A_1155, %mul3A_1156 : i32
    %multiple_of3A_1158 = tpu.assume_multiple %mul3A_1157, 128 : i32
    %get3A_1159 = arith.constant 72 : index
    %get3A_1160 = arith.constant 0 : index
    %get3A_1161 = vector.load %arg2[%get3A_1159, %get3A_1160] : memref<256x128xf32, #tpu.memory_space<vmem>>, vector<1x128xf32>
    %get3A_1162 = vector.shape_cast %get3A_1161 : vector<1x128xf32> to vector<128xf32>
    %swap3A_1163 = arith.constant 72 : index
    %swap3A_1164 = arith.index_cast %multiple_of3A_1158 : i32 to index
    %swap3A_1165 = vector.load %arg3[%swap3A_1163, %swap3A_1164] : memref<256x8192xf32, #tpu.memory_space<vmem>>, vector<1x128xf32>
    %swap3A_1166 = vector.shape_cast %swap3A_1165 : vector<1x128xf32> to vector<128xf32>
    %swap3A_1167 = vector.shape_cast %get3A_1162 : vector<128xf32> to vector<1x128xf32>
    tpu.vector_store %arg3[%swap3A_1163, %swap3A_1164], %swap3A_1167 {strides = array<i32>} : memref<256x8192xf32, #tpu.memory_space<vmem>>, vector<1x128xf32>,
    %get3A_1168 = arith.constant 0 : index
    %get3A_1169 = arith.constant 0 : index
    %get3A_1170 = arith.constant 73 : index
    %get3A_1171 = memref.load %arg1[%get3A_1168, %get3A_1169, %get3A_1170] : memref<1x1x256xi32, #tpu.memory_space<smem>>
    %mul3A_1172 = arith.constant 128 : i32
    %mul3A_1173 = arith.muli %get3A_1171, %mul3A_1172 : i32
    %multiple_of3A_1174 = tpu.assume_multiple %mul3A_1173, 128 : i32
    %get3A_1175 = arith.constant 73 : index
    %get3A_1176 = arith.constant 0 : index
    %get3A_1177 = vector.load %arg2[%get3A_1175, %get3A_1176] : memref<256x128xf32, #tpu.memory_space<vmem>>, vector<1x128xf32>
    %get3A_1178 = vector.shape_cast %get3A_1177 : vector<1x128xf32> to vector<128xf32>
    %swap3A_1179 = arith.constant 73 : index
    %swap3A_1180 = arith.index_cast %multiple_of3A_1174 : i32 to index
    %swap3A_1181 = vector.load %arg3[%swap3A_1179, %swap3A_1180] : memref<256x8192xf32, #tpu.memory_space<vmem>>, vector<1x128xf32>
    %swap3A_1182 = vector.shape_cast %swap3A_1181 : vector<1x128xf32> to vector<128xf32>
    %swap3A_1183 = vector.shape_cast %get3A_1178 : vector<128xf32> to vector<1x128xf32>
    tpu.vector_store %arg3[%swap3A_1179, %swap3A_1180], %swap3A_1183 {strides = array<i32>} : memref<256x8192xf32, #tpu.memory_space<vmem>>, vector<1x128xf32>,
    %get3A_1184 = arith.constant 0 : index
    %get3A_1185 = arith.constant 0 : index
    %get3A_1186 = arith.constant 74 : index
    %get3A_1187 = memref.load %arg1[%get3A_1184, %get3A_1185, %get3A_1186] : memref<1x1x256xi32, #tpu.memory_space<smem>>
    %mul3A_1188 = arith.constant 128 : i32
    %mul3A_1189 = arith.muli %get3A_1187, %mul3A_1188 : i32
    %multiple_of3A_1190 = tpu.assume_multiple %mul3A_1189, 128 : i32
    %get3A_1191 = arith.constant 74 : index
    %get3A_1192 = arith.constant 0 : index
    %get3A_1193 = vector.load %arg2[%get3A_1191, %get3A_1192] : memref<256x128xf32, #tpu.memory_space<vmem>>, vector<1x128xf32>
    %get3A_1194 = vector.shape_cast %get3A_1193 : vector<1x128xf32> to vector<128xf32>
    %swap3A_1195 = arith.constant 74 : index
    %swap3A_1196 = arith.index_cast %multiple_of3A_1190 : i32 to index
    %swap3A_1197 = vector.load %arg3[%swap3A_1195, %swap3A_1196] : memref<256x8192xf32, #tpu.memory_space<vmem>>, vector<1x128xf32>
    %swap3A_1198 = vector.shape_cast %swap3A_1197 : vector<1x128xf32> to vector<128xf32>
    %swap3A_1199 = vector.shape_cast %get3A_1194 : vector<128xf32> to vector<1x128xf32>
    tpu.vector_store %arg3[%swap3A_1195, %swap3A_1196], %swap3A_1199 {strides = array<i32>} : memref<256x8192xf32, #tpu.memory_space<vmem>>, vector<1x128xf32>,
    %get3A_1200 = arith.constant 0 : index
    %get3A_1201 = arith.constant 0 : index
    %get3A_1202 = arith.constant 75 : index
    %get3A_1203 = memref.load %arg1[%get3A_1200, %get3A_1201, %get3A_1202] : memref<1x1x256xi32, #tpu.memory_space<smem>>
    %mul3A_1204 = arith.constant 128 : i32
    %mul3A_1205 = arith.muli %get3A_1203, %mul3A_1204 : i32
    %multiple_of3A_1206 = tpu.assume_multiple %mul3A_1205, 128 : i32
    %get3A_1207 = arith.constant 75 : index
    %get3A_1208 = arith.constant 0 : index
    %get3A_1209 = vector.load %arg2[%get3A_1207, %get3A_1208] : memref<256x128xf32, #tpu.memory_space<vmem>>, vector<1x128xf32>
    %get3A_1210 = vector.shape_cast %get3A_1209 : vector<1x128xf32> to vector<128xf32>
    %swap3A_1211 = arith.constant 75 : index
    %swap3A_1212 = arith.index_cast %multiple_of3A_1206 : i32 to index
    %swap3A_1213 = vector.load %arg3[%swap3A_1211, %swap3A_1212] : memref<256x8192xf32, #tpu.memory_space<vmem>>, vector<1x128xf32>
    %swap3A_1214 = vector.shape_cast %swap3A_1213 : vector<1x128xf32> to vector<128xf32>
    %swap3A_1215 = vector.shape_cast %get3A_1210 : vector<128xf32> to vector<1x128xf32>
    tpu.vector_store %arg3[%swap3A_1211, %swap3A_1212], %swap3A_1215 {strides = array<i32>} : memref<256x8192xf32, #tpu.memory_space<vmem>>, vector<1x128xf32>,
    %get3A_1216 = arith.constant 0 : index
    %get3A_1217 = arith.constant 0 : index
    %get3A_1218 = arith.constant 76 : index
    %get3A_1219 = memref.load %arg1[%get3A_1216, %get3A_1217, %get3A_1218] : memref<1x1x256xi32, #tpu.memory_space<smem>>
    %mul3A_1220 = arith.constant 128 : i32
    %mul3A_1221 = arith.muli %get3A_1219, %mul3A_1220 : i32
    %multiple_of3A_1222 = tpu.assume_multiple %mul3A_1221, 128 : i32
    %get3A_1223 = arith.constant 76 : index
    %get3A_1224 = arith.constant 0 : index
    %get3A_1225 = vector.load %arg2[%get3A_1223, %get3A_1224] : memref<256x128xf32, #tpu.memory_space<vmem>>, vector<1x128xf32>
    %get3A_1226 = vector.shape_cast %get3A_1225 : vector<1x128xf32> to vector<128xf32>
    %swap3A_1227 = arith.constant 76 : index
    %swap3A_1228 = arith.index_cast %multiple_of3A_1222 : i32 to index
    %swap3A_1229 = vector.load %arg3[%swap3A_1227, %swap3A_1228] : memref<256x8192xf32, #tpu.memory_space<vmem>>, vector<1x128xf32>
    %swap3A_1230 = vector.shape_cast %swap3A_1229 : vector<1x128xf32> to vector<128xf32>
    %swap3A_1231 = vector.shape_cast %get3A_1226 : vector<128xf32> to vector<1x128xf32>
    tpu.vector_store %arg3[%swap3A_1227, %swap3A_1228], %swap3A_1231 {strides = array<i32>} : memref<256x8192xf32, #tpu.memory_space<vmem>>, vector<1x128xf32>,
    %get3A_1232 = arith.constant 0 : index
    %get3A_1233 = arith.constant 0 : index
    %get3A_1234 = arith.constant 77 : index
    %get3A_1235 = memref.load %arg1[%get3A_1232, %get3A_1233, %get3A_1234] : memref<1x1x256xi32, #tpu.memory_space<smem>>
    %mul3A_1236 = arith.constant 128 : i32
    %mul3A_1237 = arith.muli %get3A_1235, %mul3A_1236 : i32
    %multiple_of3A_1238 = tpu.assume_multiple %mul3A_1237, 128 : i32
    %get3A_1239 = arith.constant 77 : index
    %get3A_1240 = arith.constant 0 : index
    %get3A_1241 = vector.load %arg2[%get3A_1239, %get3A_1240] : memref<256x128xf32, #tpu.memory_space<vmem>>, vector<1x128xf32>
    %get3A_1242 = vector.shape_cast %get3A_1241 : vector<1x128xf32> to vector<128xf32>
    %swap3A_1243 = arith.constant 77 : index
    %swap3A_1244 = arith.index_cast %multiple_of3A_1238 : i32 to index
    %swap3A_1245 = vector.load %arg3[%swap3A_1243, %swap3A_1244] : memref<256x8192xf32, #tpu.memory_space<vmem>>, vector<1x128xf32>
    %swap3A_1246 = vector.shape_cast %swap3A_1245 : vector<1x128xf32> to vector<128xf32>
    %swap3A_1247 = vector.shape_cast %get3A_1242 : vector<128xf32> to vector<1x128xf32>
    tpu.vector_store %arg3[%swap3A_1243, %swap3A_1244], %swap3A_1247 {strides = array<i32>} : memref<256x8192xf32, #tpu.memory_space<vmem>>, vector<1x128xf32>,
    %get3A_1248 = arith.constant 0 : index
    %get3A_1249 = arith.constant 0 : index
    %get3A_1250 = arith.constant 78 : index
    %get3A_1251 = memref.load %arg1[%get3A_1248, %get3A_1249, %get3A_1250] : memref<1x1x256xi32, #tpu.memory_space<smem>>
    %mul3A_1252 = arith.constant 128 : i32
    %mul3A_1253 = arith.muli %get3A_1251, %mul3A_1252 : i32
    %multiple_of3A_1254 = tpu.assume_multiple %mul3A_1253, 128 : i32
    %get3A_1255 = arith.constant 78 : index
    %get3A_1256 = arith.constant 0 : index
    %get3A_1257 = vector.load %arg2[%get3A_1255, %get3A_1256] : memref<256x128xf32, #tpu.memory_space<vmem>>, vector<1x128xf32>
    %get3A_1258 = vector.shape_cast %get3A_1257 : vector<1x128xf32> to vector<128xf32>
    %swap3A_1259 = arith.constant 78 : index
    %swap3A_1260 = arith.index_cast %multiple_of3A_1254 : i32 to index
    %swap3A_1261 = vector.load %arg3[%swap3A_1259, %swap3A_1260] : memref<256x8192xf32, #tpu.memory_space<vmem>>, vector<1x128xf32>
    %swap3A_1262 = vector.shape_cast %swap3A_1261 : vector<1x128xf32> to vector<128xf32>
    %swap3A_1263 = vector.shape_cast %get3A_1258 : vector<128xf32> to vector<1x128xf32>
    tpu.vector_store %arg3[%swap3A_1259, %swap3A_1260], %swap3A_1263 {strides = array<i32>} : memref<256x8192xf32, #tpu.memory_space<vmem>>, vector<1x128xf32>,
    %get3A_1264 = arith.constant 0 : index
    %get3A_1265 = arith.constant 0 : index
    %get3A_1266 = arith.constant 79 : index
    %get3A_1267 = memref.load %arg1[%get3A_1264, %get3A_1265, %get3A_1266] : memref<1x1x256xi32, #tpu.memory_space<smem>>
    %mul3A_1268 = arith.constant 128 : i32
    %mul3A_1269 = arith.muli %get3A_1267, %mul3A_1268 : i32
    %multiple_of3A_1270 = tpu.assume_multiple %mul3A_1269, 128 : i32
    %get3A_1271 = arith.constant 79 : index
    %get3A_1272 = arith.constant 0 : index
    %get3A_1273 = vector.load %arg2[%get3A_1271, %get3A_1272] : memref<256x128xf32, #tpu.memory_space<vmem>>, vector<1x128xf32>
    %get3A_1274 = vector.shape_cast %get3A_1273 : vector<1x128xf32> to vector<128xf32>
    %swap3A_1275 = arith.constant 79 : index
    %swap3A_1276 = arith.index_cast %multiple_of3A_1270 : i32 to index
    %swap3A_1277 = vector.load %arg3[%swap3A_1275, %swap3A_1276] : memref<256x8192xf32, #tpu.memory_space<vmem>>, vector<1x128xf32>
    %swap3A_1278 = vector.shape_cast %swap3A_1277 : vector<1x128xf32> to vector<128xf32>
    %swap3A_1279 = vector.shape_cast %get3A_1274 : vector<128xf32> to vector<1x128xf32>
    tpu.vector_store %arg3[%swap3A_1275, %swap3A_1276], %swap3A_1279 {strides = array<i32>} : memref<256x8192xf32, #tpu.memory_space<vmem>>, vector<1x128xf32>,
    %get3A_1280 = arith.constant 0 : index
    %get3A_1281 = arith.constant 0 : index
    %get3A_1282 = arith.constant 80 : index
    %get3A_1283 = memref.load %arg1[%get3A_1280, %get3A_1281, %get3A_1282] : memref<1x1x256xi32, #tpu.memory_space<smem>>
    %mul3A_1284 = arith.constant 128 : i32
    %mul3A_1285 = arith.muli %get3A_1283, %mul3A_1284 : i32
    %multiple_of3A_1286 = tpu.assume_multiple %mul3A_1285, 128 : i32
    %get3A_1287 = arith.constant 80 : index
    %get3A_1288 = arith.constant 0 : index
    %get3A_1289 = vector.load %arg2[%get3A_1287, %get3A_1288] : memref<256x128xf32, #tpu.memory_space<vmem>>, vector<1x128xf32>
    %get3A_1290 = vector.shape_cast %get3A_1289 : vector<1x128xf32> to vector<128xf32>
    %swap3A_1291 = arith.constant 80 : index
    %swap3A_1292 = arith.index_cast %multiple_of3A_1286 : i32 to index
    %swap3A_1293 = vector.load %arg3[%swap3A_1291, %swap3A_1292] : memref<256x8192xf32, #tpu.memory_space<vmem>>, vector<1x128xf32>
    %swap3A_1294 = vector.shape_cast %swap3A_1293 : vector<1x128xf32> to vector<128xf32>
    %swap3A_1295 = vector.shape_cast %get3A_1290 : vector<128xf32> to vector<1x128xf32>
    tpu.vector_store %arg3[%swap3A_1291, %swap3A_1292], %swap3A_1295 {strides = array<i32>} : memref<256x8192xf32, #tpu.memory_space<vmem>>, vector<1x128xf32>,
    %get3A_1296 = arith.constant 0 : index
    %get3A_1297 = arith.constant 0 : index
    %get3A_1298 = arith.constant 81 : index
    %get3A_1299 = memref.load %arg1[%get3A_1296, %get3A_1297, %get3A_1298] : memref<1x1x256xi32, #tpu.memory_space<smem>>
    %mul3A_1300 = arith.constant 128 : i32
    %mul3A_1301 = arith.muli %get3A_1299, %mul3A_1300 : i32
    %multiple_of3A_1302 = tpu.assume_multiple %mul3A_1301, 128 : i32
    %get3A_1303 = arith.constant 81 : index
    %get3A_1304 = arith.constant 0 : index
    %get3A_1305 = vector.load %arg2[%get3A_1303, %get3A_1304] : memref<256x128xf32, #tpu.memory_space<vmem>>, vector<1x128xf32>
    %get3A_1306 = vector.shape_cast %get3A_1305 : vector<1x128xf32> to vector<128xf32>
    %swap3A_1307 = arith.constant 81 : index
    %swap3A_1308 = arith.index_cast %multiple_of3A_1302 : i32 to index
    %swap3A_1309 = vector.load %arg3[%swap3A_1307, %swap3A_1308] : memref<256x8192xf32, #tpu.memory_space<vmem>>, vector<1x128xf32>
    %swap3A_1310 = vector.shape_cast %swap3A_1309 : vector<1x128xf32> to vector<128xf32>
    %swap3A_1311 = vector.shape_cast %get3A_1306 : vector<128xf32> to vector<1x128xf32>
    tpu.vector_store %arg3[%swap3A_1307, %swap3A_1308], %swap3A_1311 {strides = array<i32>} : memref<256x8192xf32, #tpu.memory_space<vmem>>, vector<1x128xf32>,
    %get3A_1312 = arith.constant 0 : index
    %get3A_1313 = arith.constant 0 : index
    %get3A_1314 = arith.constant 82 : index
    %get3A_1315 = memref.load %arg1[%get3A_1312, %get3A_1313, %get3A_1314] : memref<1x1x256xi32, #tpu.memory_space<smem>>
    %mul3A_1316 = arith.constant 128 : i32
    %mul3A_1317 = arith.muli %get3A_1315, %mul3A_1316 : i32
    %multiple_of3A_1318 = tpu.assume_multiple %mul3A_1317, 128 : i32
    %get3A_1319 = arith.constant 82 : index
    %get3A_1320 = arith.constant 0 : index
    %get3A_1321 = vector.load %arg2[%get3A_1319, %get3A_1320] : memref<256x128xf32, #tpu.memory_space<vmem>>, vector<1x128xf32>
    %get3A_1322 = vector.shape_cast %get3A_1321 : vector<1x128xf32> to vector<128xf32>
    %swap3A_1323 = arith.constant 82 : index
    %swap3A_1324 = arith.index_cast %multiple_of3A_1318 : i32 to index
    %swap3A_1325 = vector.load %arg3[%swap3A_1323, %swap3A_1324] : memref<256x8192xf32, #tpu.memory_space<vmem>>, vector<1x128xf32>
    %swap3A_1326 = vector.shape_cast %swap3A_1325 : vector<1x128xf32> to vector<128xf32>
    %swap3A_1327 = vector.shape_cast %get3A_1322 : vector<128xf32> to vector<1x128xf32>
    tpu.vector_store %arg3[%swap3A_1323, %swap3A_1324], %swap3A_1327 {strides = array<i32>} : memref<256x8192xf32, #tpu.memory_space<vmem>>, vector<1x128xf32>,
    %get3A_1328 = arith.constant 0 : index
    %get3A_1329 = arith.constant 0 : index
    %get3A_1330 = arith.constant 83 : index
    %get3A_1331 = memref.load %arg1[%get3A_1328, %get3A_1329, %get3A_1330] : memref<1x1x256xi32, #tpu.memory_space<smem>>
    %mul3A_1332 = arith.constant 128 : i32
    %mul3A_1333 = arith.muli %get3A_1331, %mul3A_1332 : i32
    %multiple_of3A_1334 = tpu.assume_multiple %mul3A_1333, 128 : i32
    %get3A_1335 = arith.constant 83 : index
    %get3A_1336 = arith.constant 0 : index
    %get3A_1337 = vector.load %arg2[%get3A_1335, %get3A_1336] : memref<256x128xf32, #tpu.memory_space<vmem>>, vector<1x128xf32>
    %get3A_1338 = vector.shape_cast %get3A_1337 : vector<1x128xf32> to vector<128xf32>
    %swap3A_1339 = arith.constant 83 : index
    %swap3A_1340 = arith.index_cast %multiple_of3A_1334 : i32 to index
    %swap3A_1341 = vector.load %arg3[%swap3A_1339, %swap3A_1340] : memref<256x8192xf32, #tpu.memory_space<vmem>>, vector<1x128xf32>
    %swap3A_1342 = vector.shape_cast %swap3A_1341 : vector<1x128xf32> to vector<128xf32>
    %swap3A_1343 = vector.shape_cast %get3A_1338 : vector<128xf32> to vector<1x128xf32>
    tpu.vector_store %arg3[%swap3A_1339, %swap3A_1340], %swap3A_1343 {strides = array<i32>} : memref<256x8192xf32, #tpu.memory_space<vmem>>, vector<1x128xf32>,
    %get3A_1344 = arith.constant 0 : index
    %get3A_1345 = arith.constant 0 : index
    %get3A_1346 = arith.constant 84 : index
    %get3A_1347 = memref.load %arg1[%get3A_1344, %get3A_1345, %get3A_1346] : memref<1x1x256xi32, #tpu.memory_space<smem>>
    %mul3A_1348 = arith.constant 128 : i32
    %mul3A_1349 = arith.muli %get3A_1347, %mul3A_1348 : i32
    %multiple_of3A_1350 = tpu.assume_multiple %mul3A_1349, 128 : i32
    %get3A_1351 = arith.constant 84 : index
    %get3A_1352 = arith.constant 0 : index
    %get3A_1353 = vector.load %arg2[%get3A_1351, %get3A_1352] : memref<256x128xf32, #tpu.memory_space<vmem>>, vector<1x128xf32>
    %get3A_1354 = vector.shape_cast %get3A_1353 : vector<1x128xf32> to vector<128xf32>
    %swap3A_1355 = arith.constant 84 : index
    %swap3A_1356 = arith.index_cast %multiple_of3A_1350 : i32 to index
    %swap3A_1357 = vector.load %arg3[%swap3A_1355, %swap3A_1356] : memref<256x8192xf32, #tpu.memory_space<vmem>>, vector<1x128xf32>
    %swap3A_1358 = vector.shape_cast %swap3A_1357 : vector<1x128xf32> to vector<128xf32>
    %swap3A_1359 = vector.shape_cast %get3A_1354 : vector<128xf32> to vector<1x128xf32>
    tpu.vector_store %arg3[%swap3A_1355, %swap3A_1356], %swap3A_1359 {strides = array<i32>} : memref<256x8192xf32, #tpu.memory_space<vmem>>, vector<1x128xf32>,
    %get3A_1360 = arith.constant 0 : index
    %get3A_1361 = arith.constant 0 : index
    %get3A_1362 = arith.constant 85 : index
    %get3A_1363 = memref.load %arg1[%get3A_1360, %get3A_1361, %get3A_1362] : memref<1x1x256xi32, #tpu.memory_space<smem>>
    %mul3A_1364 = arith.constant 128 : i32
    %mul3A_1365 = arith.muli %get3A_1363, %mul3A_1364 : i32
    %multiple_of3A_1366 = tpu.assume_multiple %mul3A_1365, 128 : i32
    %get3A_1367 = arith.constant 85 : index
    %get3A_1368 = arith.constant 0 : index
    %get3A_1369 = vector.load %arg2[%get3A_1367, %get3A_1368] : memref<256x128xf32, #tpu.memory_space<vmem>>, vector<1x128xf32>
    %get3A_1370 = vector.shape_cast %get3A_1369 : vector<1x128xf32> to vector<128xf32>
    %swap3A_1371 = arith.constant 85 : index
    %swap3A_1372 = arith.index_cast %multiple_of3A_1366 : i32 to index
    %swap3A_1373 = vector.load %arg3[%swap3A_1371, %swap3A_1372] : memref<256x8192xf32, #tpu.memory_space<vmem>>, vector<1x128xf32>
    %swap3A_1374 = vector.shape_cast %swap3A_1373 : vector<1x128xf32> to vector<128xf32>
    %swap3A_1375 = vector.shape_cast %get3A_1370 : vector<128xf32> to vector<1x128xf32>
    tpu.vector_store %arg3[%swap3A_1371, %swap3A_1372], %swap3A_1375 {strides = array<i32>} : memref<256x8192xf32, #tpu.memory_space<vmem>>, vector<1x128xf32>,
    %get3A_1376 = arith.constant 0 : index
    %get3A_1377 = arith.constant 0 : index
    %get3A_1378 = arith.constant 86 : index
    %get3A_1379 = memref.load %arg1[%get3A_1376, %get3A_1377, %get3A_1378] : memref<1x1x256xi32, #tpu.memory_space<smem>>
    %mul3A_1380 = arith.constant 128 : i32
    %mul3A_1381 = arith.muli %get3A_1379, %mul3A_1380 : i32
    %multiple_of3A_1382 = tpu.assume_multiple %mul3A_1381, 128 : i32
    %get3A_1383 = arith.constant 86 : index
    %get3A_1384 = arith.constant 0 : index
    %get3A_1385 = vector.load %arg2[%get3A_1383, %get3A_1384] : memref<256x128xf32, #tpu.memory_space<vmem>>, vector<1x128xf32>
    %get3A_1386 = vector.shape_cast %get3A_1385 : vector<1x128xf32> to vector<128xf32>
    %swap3A_1387 = arith.constant 86 : index
    %swap3A_1388 = arith.index_cast %multiple_of3A_1382 : i32 to index
    %swap3A_1389 = vector.load %arg3[%swap3A_1387, %swap3A_1388] : memref<256x8192xf32, #tpu.memory_space<vmem>>, vector<1x128xf32>
    %swap3A_1390 = vector.shape_cast %swap3A_1389 : vector<1x128xf32> to vector<128xf32>
    %swap3A_1391 = vector.shape_cast %get3A_1386 : vector<128xf32> to vector<1x128xf32>
    tpu.vector_store %arg3[%swap3A_1387, %swap3A_1388], %swap3A_1391 {strides = array<i32>} : memref<256x8192xf32, #tpu.memory_space<vmem>>, vector<1x128xf32>,
    %get3A_1392 = arith.constant 0 : index
    %get3A_1393 = arith.constant 0 : index
    %get3A_1394 = arith.constant 87 : index
    %get3A_1395 = memref.load %arg1[%get3A_1392, %get3A_1393, %get3A_1394] : memref<1x1x256xi32, #tpu.memory_space<smem>>
    %mul3A_1396 = arith.constant 128 : i32
    %mul3A_1397 = arith.muli %get3A_1395, %mul3A_1396 : i32
    %multiple_of3A_1398 = tpu.assume_multiple %mul3A_1397, 128 : i32
    %get3A_1399 = arith.constant 87 : index
    %get3A_1400 = arith.constant 0 : index
    %get3A_1401 = vector.load %arg2[%get3A_1399, %get3A_1400] : memref<256x128xf32, #tpu.memory_space<vmem>>, vector<1x128xf32>
    %get3A_1402 = vector.shape_cast %get3A_1401 : vector<1x128xf32> to vector<128xf32>
    %swap3A_1403 = arith.constant 87 : index
    %swap3A_1404 = arith.index_cast %multiple_of3A_1398 : i32 to index
    %swap3A_1405 = vector.load %arg3[%swap3A_1403, %swap3A_1404] : memref<256x8192xf32, #tpu.memory_space<vmem>>, vector<1x128xf32>
    %swap3A_1406 = vector.shape_cast %swap3A_1405 : vector<1x128xf32> to vector<128xf32>
    %swap3A_1407 = vector.shape_cast %get3A_1402 : vector<128xf32> to vector<1x128xf32>
    tpu.vector_store %arg3[%swap3A_1403, %swap3A_1404], %swap3A_1407 {strides = array<i32>} : memref<256x8192xf32, #tpu.memory_space<vmem>>, vector<1x128xf32>,
    %get3A_1408 = arith.constant 0 : index
    %get3A_1409 = arith.constant 0 : index
    %get3A_1410 = arith.constant 88 : index
    %get3A_1411 = memref.load %arg1[%get3A_1408, %get3A_1409, %get3A_1410] : memref<1x1x256xi32, #tpu.memory_space<smem>>
    %mul3A_1412 = arith.constant 128 : i32
    %mul3A_1413 = arith.muli %get3A_1411, %mul3A_1412 : i32
    %multiple_of3A_1414 = tpu.assume_multiple %mul3A_1413, 128 : i32
    %get3A_1415 = arith.constant 88 : index
    %get3A_1416 = arith.constant 0 : index
    %get3A_1417 = vector.load %arg2[%get3A_1415, %get3A_1416] : memref<256x128xf32, #tpu.memory_space<vmem>>, vector<1x128xf32>
    %get3A_1418 = vector.shape_cast %get3A_1417 : vector<1x128xf32> to vector<128xf32>
    %swap3A_1419 = arith.constant 88 : index
    %swap3A_1420 = arith.index_cast %multiple_of3A_1414 : i32 to index
    %swap3A_1421 = vector.load %arg3[%swap3A_1419, %swap3A_1420] : memref<256x8192xf32, #tpu.memory_space<vmem>>, vector<1x128xf32>
    %swap3A_1422 = vector.shape_cast %swap3A_1421 : vector<1x128xf32> to vector<128xf32>
    %swap3A_1423 = vector.shape_cast %get3A_1418 : vector<128xf32> to vector<1x128xf32>
    tpu.vector_store %arg3[%swap3A_1419, %swap3A_1420], %swap3A_1423 {strides = array<i32>} : memref<256x8192xf32, #tpu.memory_space<vmem>>, vector<1x128xf32>,
    %get3A_1424 = arith.constant 0 : index
    %get3A_1425 = arith.constant 0 : index
    %get3A_1426 = arith.constant 89 : index
    %get3A_1427 = memref.load %arg1[%get3A_1424, %get3A_1425, %get3A_1426] : memref<1x1x256xi32, #tpu.memory_space<smem>>
    %mul3A_1428 = arith.constant 128 : i32
    %mul3A_1429 = arith.muli %get3A_1427, %mul3A_1428 : i32
    %multiple_of3A_1430 = tpu.assume_multiple %mul3A_1429, 128 : i32
    %get3A_1431 = arith.constant 89 : index
    %get3A_1432 = arith.constant 0 : index
    %get3A_1433 = vector.load %arg2[%get3A_1431, %get3A_1432] : memref<256x128xf32, #tpu.memory_space<vmem>>, vector<1x128xf32>
    %get3A_1434 = vector.shape_cast %get3A_1433 : vector<1x128xf32> to vector<128xf32>
    %swap3A_1435 = arith.constant 89 : index
    %swap3A_1436 = arith.index_cast %multiple_of3A_1430 : i32 to index
    %swap3A_1437 = vector.load %arg3[%swap3A_1435, %swap3A_1436] : memref<256x8192xf32, #tpu.memory_space<vmem>>, vector<1x128xf32>
    %swap3A_1438 = vector.shape_cast %swap3A_1437 : vector<1x128xf32> to vector<128xf32>
    %swap3A_1439 = vector.shape_cast %get3A_1434 : vector<128xf32> to vector<1x128xf32>
    tpu.vector_store %arg3[%swap3A_1435, %swap3A_1436], %swap3A_1439 {strides = array<i32>} : memref<256x8192xf32, #tpu.memory_space<vmem>>, vector<1x128xf32>,
    %get3A_1440 = arith.constant 0 : index
    %get3A_1441 = arith.constant 0 : index
    %get3A_1442 = arith.constant 90 : index
    %get3A_1443 = memref.load %arg1[%get3A_1440, %get3A_1441, %get3A_1442] : memref<1x1x256xi32, #tpu.memory_space<smem>>
    %mul3A_1444 = arith.constant 128 : i32
    %mul3A_1445 = arith.muli %get3A_1443, %mul3A_1444 : i32
    %multiple_of3A_1446 = tpu.assume_multiple %mul3A_1445, 128 : i32
    %get3A_1447 = arith.constant 90 : index
    %get3A_1448 = arith.constant 0 : index
    %get3A_1449 = vector.load %arg2[%get3A_1447, %get3A_1448] : memref<256x128xf32, #tpu.memory_space<vmem>>, vector<1x128xf32>
    %get3A_1450 = vector.shape_cast %get3A_1449 : vector<1x128xf32> to vector<128xf32>
    %swap3A_1451 = arith.constant 90 : index
    %swap3A_1452 = arith.index_cast %multiple_of3A_1446 : i32 to index
    %swap3A_1453 = vector.load %arg3[%swap3A_1451, %swap3A_1452] : memref<256x8192xf32, #tpu.memory_space<vmem>>, vector<1x128xf32>
    %swap3A_1454 = vector.shape_cast %swap3A_1453 : vector<1x128xf32> to vector<128xf32>
    %swap3A_1455 = vector.shape_cast %get3A_1450 : vector<128xf32> to vector<1x128xf32>
    tpu.vector_store %arg3[%swap3A_1451, %swap3A_1452], %swap3A_1455 {strides = array<i32>} : memref<256x8192xf32, #tpu.memory_space<vmem>>, vector<1x128xf32>,
    %get3A_1456 = arith.constant 0 : index
    %get3A_1457 = arith.constant 0 : index
    %get3A_1458 = arith.constant 91 : index
    %get3A_1459 = memref.load %arg1[%get3A_1456, %get3A_1457, %get3A_1458] : memref<1x1x256xi32, #tpu.memory_space<smem>>
    %mul3A_1460 = arith.constant 128 : i32
    %mul3A_1461 = arith.muli %get3A_1459, %mul3A_1460 : i32
    %multiple_of3A_1462 = tpu.assume_multiple %mul3A_1461, 128 : i32
    %get3A_1463 = arith.constant 91 : index
    %get3A_1464 = arith.constant 0 : index
    %get3A_1465 = vector.load %arg2[%get3A_1463, %get3A_1464] : memref<256x128xf32, #tpu.memory_space<vmem>>, vector<1x128xf32>
    %get3A_1466 = vector.shape_cast %get3A_1465 : vector<1x128xf32> to vector<128xf32>
    %swap3A_1467 = arith.constant 91 : index
    %swap3A_1468 = arith.index_cast %multiple_of3A_1462 : i32 to index
    %swap3A_1469 = vector.load %arg3[%swap3A_1467, %swap3A_1468] : memref<256x8192xf32, #tpu.memory_space<vmem>>, vector<1x128xf32>
    %swap3A_1470 = vector.shape_cast %swap3A_1469 : vector<1x128xf32> to vector<128xf32>
    %swap3A_1471 = vector.shape_cast %get3A_1466 : vector<128xf32> to vector<1x128xf32>
    tpu.vector_store %arg3[%swap3A_1467, %swap3A_1468], %swap3A_1471 {strides = array<i32>} : memref<256x8192xf32, #tpu.memory_space<vmem>>, vector<1x128xf32>,
    %get3A_1472 = arith.constant 0 : index
    %get3A_1473 = arith.constant 0 : index
    %get3A_1474 = arith.constant 92 : index
    %get3A_1475 = memref.load %arg1[%get3A_1472, %get3A_1473, %get3A_1474] : memref<1x1x256xi32, #tpu.memory_space<smem>>
    %mul3A_1476 = arith.constant 128 : i32
    %mul3A_1477 = arith.muli %get3A_1475, %mul3A_1476 : i32
    %multiple_of3A_1478 = tpu.assume_multiple %mul3A_1477, 128 : i32
    %get3A_1479 = arith.constant 92 : index
    %get3A_1480 = arith.constant 0 : index
    %get3A_1481 = vector.load %arg2[%get3A_1479, %get3A_1480] : memref<256x128xf32, #tpu.memory_space<vmem>>, vector<1x128xf32>
    %get3A_1482 = vector.shape_cast %get3A_1481 : vector<1x128xf32> to vector<128xf32>
    %swap3A_1483 = arith.constant 92 : index
    %swap3A_1484 = arith.index_cast %multiple_of3A_1478 : i32 to index
    %swap3A_1485 = vector.load %arg3[%swap3A_1483, %swap3A_1484] : memref<256x8192xf32, #tpu.memory_space<vmem>>, vector<1x128xf32>
    %swap3A_1486 = vector.shape_cast %swap3A_1485 : vector<1x128xf32> to vector<128xf32>
    %swap3A_1487 = vector.shape_cast %get3A_1482 : vector<128xf32> to vector<1x128xf32>
    tpu.vector_store %arg3[%swap3A_1483, %swap3A_1484], %swap3A_1487 {strides = array<i32>} : memref<256x8192xf32, #tpu.memory_space<vmem>>, vector<1x128xf32>,
    %get3A_1488 = arith.constant 0 : index
    %get3A_1489 = arith.constant 0 : index
    %get3A_1490 = arith.constant 93 : index
    %get3A_1491 = memref.load %arg1[%get3A_1488, %get3A_1489, %get3A_1490] : memref<1x1x256xi32, #tpu.memory_space<smem>>
    %mul3A_1492 = arith.constant 128 : i32
    %mul3A_1493 = arith.muli %get3A_1491, %mul3A_1492 : i32
    %multiple_of3A_1494 = tpu.assume_multiple %mul3A_1493, 128 : i32
    %get3A_1495 = arith.constant 93 : index
    %get3A_1496 = arith.constant 0 : index
    %get3A_1497 = vector.load %arg2[%get3A_1495, %get3A_1496] : memref<256x128xf32, #tpu.memory_space<vmem>>, vector<1x128xf32>
    %get3A_1498 = vector.shape_cast %get3A_1497 : vector<1x128xf32> to vector<128xf32>
    %swap3A_1499 = arith.constant 93 : index
    %swap3A_1500 = arith.index_cast %multiple_of3A_1494 : i32 to index
    %swap3A_1501 = vector.load %arg3[%swap3A_1499, %swap3A_1500] : memref<256x8192xf32, #tpu.memory_space<vmem>>, vector<1x128xf32>
    %swap3A_1502 = vector.shape_cast %swap3A_1501 : vector<1x128xf32> to vector<128xf32>
    %swap3A_1503 = vector.shape_cast %get3A_1498 : vector<128xf32> to vector<1x128xf32>
    tpu.vector_store %arg3[%swap3A_1499, %swap3A_1500], %swap3A_1503 {strides = array<i32>} : memref<256x8192xf32, #tpu.memory_space<vmem>>, vector<1x128xf32>,
    %get3A_1504 = arith.constant 0 : index
    %get3A_1505 = arith.constant 0 : index
    %get3A_1506 = arith.constant 94 : index
    %get3A_1507 = memref.load %arg1[%get3A_1504, %get3A_1505, %get3A_1506] : memref<1x1x256xi32, #tpu.memory_space<smem>>
    %mul3A_1508 = arith.constant 128 : i32
    %mul3A_1509 = arith.muli %get3A_1507, %mul3A_1508 : i32
    %multiple_of3A_1510 = tpu.assume_multiple %mul3A_1509, 128 : i32
    %get3A_1511 = arith.constant 94 : index
    %get3A_1512 = arith.constant 0 : index
    %get3A_1513 = vector.load %arg2[%get3A_1511, %get3A_1512] : memref<256x128xf32, #tpu.memory_space<vmem>>, vector<1x128xf32>
    %get3A_1514 = vector.shape_cast %get3A_1513 : vector<1x128xf32> to vector<128xf32>
    %swap3A_1515 = arith.constant 94 : index
    %swap3A_1516 = arith.index_cast %multiple_of3A_1510 : i32 to index
    %swap3A_1517 = vector.load %arg3[%swap3A_1515, %swap3A_1516] : memref<256x8192xf32, #tpu.memory_space<vmem>>, vector<1x128xf32>
    %swap3A_1518 = vector.shape_cast %swap3A_1517 : vector<1x128xf32> to vector<128xf32>
    %swap3A_1519 = vector.shape_cast %get3A_1514 : vector<128xf32> to vector<1x128xf32>
    tpu.vector_store %arg3[%swap3A_1515, %swap3A_1516], %swap3A_1519 {strides = array<i32>} : memref<256x8192xf32, #tpu.memory_space<vmem>>, vector<1x128xf32>,
    %get3A_1520 = arith.constant 0 : index
    %get3A_1521 = arith.constant 0 : index
    %get3A_1522 = arith.constant 95 : index
    %get3A_1523 = memref.load %arg1[%get3A_1520, %get3A_1521, %get3A_1522] : memref<1x1x256xi32, #tpu.memory_space<smem>>
    %mul3A_1524 = arith.constant 128 : i32
    %mul3A_1525 = arith.muli %get3A_1523, %mul3A_1524 : i32
    %multiple_of3A_1526 = tpu.assume_multiple %mul3A_1525, 128 : i32
    %get3A_1527 = arith.constant 95 : index
    %get3A_1528 = arith.constant 0 : index
    %get3A_1529 = vector.load %arg2[%get3A_1527, %get3A_1528] : memref<256x128xf32, #tpu.memory_space<vmem>>, vector<1x128xf32>
    %get3A_1530 = vector.shape_cast %get3A_1529 : vector<1x128xf32> to vector<128xf32>
    %swap3A_1531 = arith.constant 95 : index
    %swap3A_1532 = arith.index_cast %multiple_of3A_1526 : i32 to index
    %swap3A_1533 = vector.load %arg3[%swap3A_1531, %swap3A_1532] : memref<256x8192xf32, #tpu.memory_space<vmem>>, vector<1x128xf32>
    %swap3A_1534 = vector.shape_cast %swap3A_1533 : vector<1x128xf32> to vector<128xf32>
    %swap3A_1535 = vector.shape_cast %get3A_1530 : vector<128xf32> to vector<1x128xf32>
    tpu.vector_store %arg3[%swap3A_1531, %swap3A_1532], %swap3A_1535 {strides = array<i32>} : memref<256x8192xf32, #tpu.memory_space<vmem>>, vector<1x128xf32>,
    %get3A_1536 = arith.constant 0 : index
    %get3A_1537 = arith.constant 0 : index
    %get3A_1538 = arith.constant 96 : index
    %get3A_1539 = memref.load %arg1[%get3A_1536, %get3A_1537, %get3A_1538] : memref<1x1x256xi32, #tpu.memory_space<smem>>
    %mul3A_1540 = arith.constant 128 : i32
    %mul3A_1541 = arith.muli %get3A_1539, %mul3A_1540 : i32
    %multiple_of3A_1542 = tpu.assume_multiple %mul3A_1541, 128 : i32
    %get3A_1543 = arith.constant 96 : index
    %get3A_1544 = arith.constant 0 : index
    %get3A_1545 = vector.load %arg2[%get3A_1543, %get3A_1544] : memref<256x128xf32, #tpu.memory_space<vmem>>, vector<1x128xf32>
    %get3A_1546 = vector.shape_cast %get3A_1545 : vector<1x128xf32> to vector<128xf32>
    %swap3A_1547 = arith.constant 96 : index
    %swap3A_1548 = arith.index_cast %multiple_of3A_1542 : i32 to index
    %swap3A_1549 = vector.load %arg3[%swap3A_1547, %swap3A_1548] : memref<256x8192xf32, #tpu.memory_space<vmem>>, vector<1x128xf32>
    %swap3A_1550 = vector.shape_cast %swap3A_1549 : vector<1x128xf32> to vector<128xf32>
    %swap3A_1551 = vector.shape_cast %get3A_1546 : vector<128xf32> to vector<1x128xf32>
    tpu.vector_store %arg3[%swap3A_1547, %swap3A_1548], %swap3A_1551 {strides = array<i32>} : memref<256x8192xf32, #tpu.memory_space<vmem>>, vector<1x128xf32>,
    %get3A_1552 = arith.constant 0 : index
    %get3A_1553 = arith.constant 0 : index
    %get3A_1554 = arith.constant 97 : index
    %get3A_1555 = memref.load %arg1[%get3A_1552, %get3A_1553, %get3A_1554] : memref<1x1x256xi32, #tpu.memory_space<smem>>
    %mul3A_1556 = arith.constant 128 : i32
    %mul3A_1557 = arith.muli %get3A_1555, %mul3A_1556 : i32
    %multiple_of3A_1558 = tpu.assume_multiple %mul3A_1557, 128 : i32
    %get3A_1559 = arith.constant 97 : index
    %get3A_1560 = arith.constant 0 : index
    %get3A_1561 = vector.load %arg2[%get3A_1559, %get3A_1560] : memref<256x128xf32, #tpu.memory_space<vmem>>, vector<1x128xf32>
    %get3A_1562 = vector.shape_cast %get3A_1561 : vector<1x128xf32> to vector<128xf32>
    %swap3A_1563 = arith.constant 97 : index
    %swap3A_1564 = arith.index_cast %multiple_of3A_1558 : i32 to index
    %swap3A_1565 = vector.load %arg3[%swap3A_1563, %swap3A_1564] : memref<256x8192xf32, #tpu.memory_space<vmem>>, vector<1x128xf32>
    %swap3A_1566 = vector.shape_cast %swap3A_1565 : vector<1x128xf32> to vector<128xf32>
    %swap3A_1567 = vector.shape_cast %get3A_1562 : vector<128xf32> to vector<1x128xf32>
    tpu.vector_store %arg3[%swap3A_1563, %swap3A_1564], %swap3A_1567 {strides = array<i32>} : memref<256x8192xf32, #tpu.memory_space<vmem>>, vector<1x128xf32>,
    %get3A_1568 = arith.constant 0 : index
    %get3A_1569 = arith.constant 0 : index
    %get3A_1570 = arith.constant 98 : index
    %get3A_1571 = memref.load %arg1[%get3A_1568, %get3A_1569, %get3A_1570] : memref<1x1x256xi32, #tpu.memory_space<smem>>
    %mul3A_1572 = arith.constant 128 : i32
    %mul3A_1573 = arith.muli %get3A_1571, %mul3A_1572 : i32
    %multiple_of3A_1574 = tpu.assume_multiple %mul3A_1573, 128 : i32
    %get3A_1575 = arith.constant 98 : index
    %get3A_1576 = arith.constant 0 : index
    %get3A_1577 = vector.load %arg2[%get3A_1575, %get3A_1576] : memref<256x128xf32, #tpu.memory_space<vmem>>, vector<1x128xf32>
    %get3A_1578 = vector.shape_cast %get3A_1577 : vector<1x128xf32> to vector<128xf32>
    %swap3A_1579 = arith.constant 98 : index
    %swap3A_1580 = arith.index_cast %multiple_of3A_1574 : i32 to index
    %swap3A_1581 = vector.load %arg3[%swap3A_1579, %swap3A_1580] : memref<256x8192xf32, #tpu.memory_space<vmem>>, vector<1x128xf32>
    %swap3A_1582 = vector.shape_cast %swap3A_1581 : vector<1x128xf32> to vector<128xf32>
    %swap3A_1583 = vector.shape_cast %get3A_1578 : vector<128xf32> to vector<1x128xf32>
    tpu.vector_store %arg3[%swap3A_1579, %swap3A_1580], %swap3A_1583 {strides = array<i32>} : memref<256x8192xf32, #tpu.memory_space<vmem>>, vector<1x128xf32>,
    %get3A_1584 = arith.constant 0 : index
    %get3A_1585 = arith.constant 0 : index
    %get3A_1586 = arith.constant 99 : index
    %get3A_1587 = memref.load %arg1[%get3A_1584, %get3A_1585, %get3A_1586] : memref<1x1x256xi32, #tpu.memory_space<smem>>
    %mul3A_1588 = arith.constant 128 : i32
    %mul3A_1589 = arith.muli %get3A_1587, %mul3A_1588 : i32
    %multiple_of3A_1590 = tpu.assume_multiple %mul3A_1589, 128 : i32
    %get3A_1591 = arith.constant 99 : index
    %get3A_1592 = arith.constant 0 : index
    %get3A_1593 = vector.load %arg2[%get3A_1591, %get3A_1592] : memref<256x128xf32, #tpu.memory_space<vmem>>, vector<1x128xf32>
    %get3A_1594 = vector.shape_cast %get3A_1593 : vector<1x128xf32> to vector<128xf32>
    %swap3A_1595 = arith.constant 99 : index
    %swap3A_1596 = arith.index_cast %multiple_of3A_1590 : i32 to index
    %swap3A_1597 = vector.load %arg3[%swap3A_1595, %swap3A_1596] : memref<256x8192xf32, #tpu.memory_space<vmem>>, vector<1x128xf32>
    %swap3A_1598 = vector.shape_cast %swap3A_1597 : vector<1x128xf32> to vector<128xf32>
    %swap3A_1599 = vector.shape_cast %get3A_1594 : vector<128xf32> to vector<1x128xf32>
    tpu.vector_store %arg3[%swap3A_1595, %swap3A_1596], %swap3A_1599 {strides = array<i32>} : memref<256x8192xf32, #tpu.memory_space<vmem>>, vector<1x128xf32>,
    %get3A_1600 = arith.constant 0 : index
    %get3A_1601 = arith.constant 0 : index
    %get3A_1602 = arith.constant 100 : index
    %get3A_1603 = memref.load %arg1[%get3A_1600, %get3A_1601, %get3A_1602] : memref<1x1x256xi32, #tpu.memory_space<smem>>
    %mul3A_1604 = arith.constant 128 : i32
    %mul3A_1605 = arith.muli %get3A_1603, %mul3A_1604 : i32
    %multiple_of3A_1606 = tpu.assume_multiple %mul3A_1605, 128 : i32
    %get3A_1607 = arith.constant 100 : index
    %get3A_1608 = arith.constant 0 : index
    %get3A_1609 = vector.load %arg2[%get3A_1607, %get3A_1608] : memref<256x128xf32, #tpu.memory_space<vmem>>, vector<1x128xf32>
    %get3A_1610 = vector.shape_cast %get3A_1609 : vector<1x128xf32> to vector<128xf32>
    %swap3A_1611 = arith.constant 100 : index
    %swap3A_1612 = arith.index_cast %multiple_of3A_1606 : i32 to index
    %swap3A_1613 = vector.load %arg3[%swap3A_1611, %swap3A_1612] : memref<256x8192xf32, #tpu.memory_space<vmem>>, vector<1x128xf32>
    %swap3A_1614 = vector.shape_cast %swap3A_1613 : vector<1x128xf32> to vector<128xf32>
    %swap3A_1615 = vector.shape_cast %get3A_1610 : vector<128xf32> to vector<1x128xf32>
    tpu.vector_store %arg3[%swap3A_1611, %swap3A_1612], %swap3A_1615 {strides = array<i32>} : memref<256x8192xf32, #tpu.memory_space<vmem>>, vector<1x128xf32>,
    %get3A_1616 = arith.constant 0 : index
    %get3A_1617 = arith.constant 0 : index
    %get3A_1618 = arith.constant 101 : index
    %get3A_1619 = memref.load %arg1[%get3A_1616, %get3A_1617, %get3A_1618] : memref<1x1x256xi32, #tpu.memory_space<smem>>
    %mul3A_1620 = arith.constant 128 : i32
    %mul3A_1621 = arith.muli %get3A_1619, %mul3A_1620 : i32
    %multiple_of3A_1622 = tpu.assume_multiple %mul3A_1621, 128 : i32
    %get3A_1623 = arith.constant 101 : index
    %get3A_1624 = arith.constant 0 : index
    %get3A_1625 = vector.load %arg2[%get3A_1623, %get3A_1624] : memref<256x128xf32, #tpu.memory_space<vmem>>, vector<1x128xf32>
    %get3A_1626 = vector.shape_cast %get3A_1625 : vector<1x128xf32> to vector<128xf32>
    %swap3A_1627 = arith.constant 101 : index
    %swap3A_1628 = arith.index_cast %multiple_of3A_1622 : i32 to index
    %swap3A_1629 = vector.load %arg3[%swap3A_1627, %swap3A_1628] : memref<256x8192xf32, #tpu.memory_space<vmem>>, vector<1x128xf32>
    %swap3A_1630 = vector.shape_cast %swap3A_1629 : vector<1x128xf32> to vector<128xf32>
    %swap3A_1631 = vector.shape_cast %get3A_1626 : vector<128xf32> to vector<1x128xf32>
    tpu.vector_store %arg3[%swap3A_1627, %swap3A_1628], %swap3A_1631 {strides = array<i32>} : memref<256x8192xf32, #tpu.memory_space<vmem>>, vector<1x128xf32>,
    %get3A_1632 = arith.constant 0 : index
    %get3A_1633 = arith.constant 0 : index
    %get3A_1634 = arith.constant 102 : index
    %get3A_1635 = memref.load %arg1[%get3A_1632, %get3A_1633, %get3A_1634] : memref<1x1x256xi32, #tpu.memory_space<smem>>
    %mul3A_1636 = arith.constant 128 : i32
    %mul3A_1637 = arith.muli %get3A_1635, %mul3A_1636 : i32
    %multiple_of3A_1638 = tpu.assume_multiple %mul3A_1637, 128 : i32
    %get3A_1639 = arith.constant 102 : index
    %get3A_1640 = arith.constant 0 : index
    %get3A_1641 = vector.load %arg2[%get3A_1639, %get3A_1640] : memref<256x128xf32, #tpu.memory_space<vmem>>, vector<1x128xf32>
    %get3A_1642 = vector.shape_cast %get3A_1641 : vector<1x128xf32> to vector<128xf32>
    %swap3A_1643 = arith.constant 102 : index
    %swap3A_1644 = arith.index_cast %multiple_of3A_1638 : i32 to index
    %swap3A_1645 = vector.load %arg3[%swap3A_1643, %swap3A_1644] : memref<256x8192xf32, #tpu.memory_space<vmem>>, vector<1x128xf32>
    %swap3A_1646 = vector.shape_cast %swap3A_1645 : vector<1x128xf32> to vector<128xf32>
    %swap3A_1647 = vector.shape_cast %get3A_1642 : vector<128xf32> to vector<1x128xf32>
    tpu.vector_store %arg3[%swap3A_1643, %swap3A_1644], %swap3A_1647 {strides = array<i32>} : memref<256x8192xf32, #tpu.memory_space<vmem>>, vector<1x128xf32>,
    %get3A_1648 = arith.constant 0 : index
    %get3A_1649 = arith.constant 0 : index
    %get3A_1650 = arith.constant 103 : index
    %get3A_1651 = memref.load %arg1[%get3A_1648, %get3A_1649, %get3A_1650] : memref<1x1x256xi32, #tpu.memory_space<smem>>
    %mul3A_1652 = arith.constant 128 : i32
    %mul3A_1653 = arith.muli %get3A_1651, %mul3A_1652 : i32
    %multiple_of3A_1654 = tpu.assume_multiple %mul3A_1653, 128 : i32
    %get3A_1655 = arith.constant 103 : index
    %get3A_1656 = arith.constant 0 : index
    %get3A_1657 = vector.load %arg2[%get3A_1655, %get3A_1656] : memref<256x128xf32, #tpu.memory_space<vmem>>, vector<1x128xf32>
    %get3A_1658 = vector.shape_cast %get3A_1657 : vector<1x128xf32> to vector<128xf32>
    %swap3A_1659 = arith.constant 103 : index
    %swap3A_1660 = arith.index_cast %multiple_of3A_1654 : i32 to index
    %swap3A_1661 = vector.load %arg3[%swap3A_1659, %swap3A_1660] : memref<256x8192xf32, #tpu.memory_space<vmem>>, vector<1x128xf32>
    %swap3A_1662 = vector.shape_cast %swap3A_1661 : vector<1x128xf32> to vector<128xf32>
    %swap3A_1663 = vector.shape_cast %get3A_1658 : vector<128xf32> to vector<1x128xf32>
    tpu.vector_store %arg3[%swap3A_1659, %swap3A_1660], %swap3A_1663 {strides = array<i32>} : memref<256x8192xf32, #tpu.memory_space<vmem>>, vector<1x128xf32>,
    %get3A_1664 = arith.constant 0 : index
    %get3A_1665 = arith.constant 0 : index
    %get3A_1666 = arith.constant 104 : index
    %get3A_1667 = memref.load %arg1[%get3A_1664, %get3A_1665, %get3A_1666] : memref<1x1x256xi32, #tpu.memory_space<smem>>
    %mul3A_1668 = arith.constant 128 : i32
    %mul3A_1669 = arith.muli %get3A_1667, %mul3A_1668 : i32
    %multiple_of3A_1670 = tpu.assume_multiple %mul3A_1669, 128 : i32
    %get3A_1671 = arith.constant 104 : index
    %get3A_1672 = arith.constant 0 : index
    %get3A_1673 = vector.load %arg2[%get3A_1671, %get3A_1672] : memref<256x128xf32, #tpu.memory_space<vmem>>, vector<1x128xf32>
    %get3A_1674 = vector.shape_cast %get3A_1673 : vector<1x128xf32> to vector<128xf32>
    %swap3A_1675 = arith.constant 104 : index
    %swap3A_1676 = arith.index_cast %multiple_of3A_1670 : i32 to index
    %swap3A_1677 = vector.load %arg3[%swap3A_1675, %swap3A_1676] : memref<256x8192xf32, #tpu.memory_space<vmem>>, vector<1x128xf32>
    %swap3A_1678 = vector.shape_cast %swap3A_1677 : vector<1x128xf32> to vector<128xf32>
    %swap3A_1679 = vector.shape_cast %get3A_1674 : vector<128xf32> to vector<1x128xf32>
    tpu.vector_store %arg3[%swap3A_1675, %swap3A_1676], %swap3A_1679 {strides = array<i32>} : memref<256x8192xf32, #tpu.memory_space<vmem>>, vector<1x128xf32>,
    %get3A_1680 = arith.constant 0 : index
    %get3A_1681 = arith.constant 0 : index
    %get3A_1682 = arith.constant 105 : index
    %get3A_1683 = memref.load %arg1[%get3A_1680, %get3A_1681, %get3A_1682] : memref<1x1x256xi32, #tpu.memory_space<smem>>
    %mul3A_1684 = arith.constant 128 : i32
    %mul3A_1685 = arith.muli %get3A_1683, %mul3A_1684 : i32
    %multiple_of3A_1686 = tpu.assume_multiple %mul3A_1685, 128 : i32
    %get3A_1687 = arith.constant 105 : index
    %get3A_1688 = arith.constant 0 : index
    %get3A_1689 = vector.load %arg2[%get3A_1687, %get3A_1688] : memref<256x128xf32, #tpu.memory_space<vmem>>, vector<1x128xf32>
    %get3A_1690 = vector.shape_cast %get3A_1689 : vector<1x128xf32> to vector<128xf32>
    %swap3A_1691 = arith.constant 105 : index
    %swap3A_1692 = arith.index_cast %multiple_of3A_1686 : i32 to index
    %swap3A_1693 = vector.load %arg3[%swap3A_1691, %swap3A_1692] : memref<256x8192xf32, #tpu.memory_space<vmem>>, vector<1x128xf32>
    %swap3A_1694 = vector.shape_cast %swap3A_1693 : vector<1x128xf32> to vector<128xf32>
    %swap3A_1695 = vector.shape_cast %get3A_1690 : vector<128xf32> to vector<1x128xf32>
    tpu.vector_store %arg3[%swap3A_1691, %swap3A_1692], %swap3A_1695 {strides = array<i32>} : memref<256x8192xf32, #tpu.memory_space<vmem>>, vector<1x128xf32>,
    %get3A_1696 = arith.constant 0 : index
    %get3A_1697 = arith.constant 0 : index
    %get3A_1698 = arith.constant 106 : index
    %get3A_1699 = memref.load %arg1[%get3A_1696, %get3A_1697, %get3A_1698] : memref<1x1x256xi32, #tpu.memory_space<smem>>
    %mul3A_1700 = arith.constant 128 : i32
    %mul3A_1701 = arith.muli %get3A_1699, %mul3A_1700 : i32
    %multiple_of3A_1702 = tpu.assume_multiple %mul3A_1701, 128 : i32
    %get3A_1703 = arith.constant 106 : index
    %get3A_1704 = arith.constant 0 : index
    %get3A_1705 = vector.load %arg2[%get3A_1703, %get3A_1704] : memref<256x128xf32, #tpu.memory_space<vmem>>, vector<1x128xf32>
    %get3A_1706 = vector.shape_cast %get3A_1705 : vector<1x128xf32> to vector<128xf32>
    %swap3A_1707 = arith.constant 106 : index
    %swap3A_1708 = arith.index_cast %multiple_of3A_1702 : i32 to index
    %swap3A_1709 = vector.load %arg3[%swap3A_1707, %swap3A_1708] : memref<256x8192xf32, #tpu.memory_space<vmem>>, vector<1x128xf32>
    %swap3A_1710 = vector.shape_cast %swap3A_1709 : vector<1x128xf32> to vector<128xf32>
    %swap3A_1711 = vector.shape_cast %get3A_1706 : vector<128xf32> to vector<1x128xf32>
    tpu.vector_store %arg3[%swap3A_1707, %swap3A_1708], %swap3A_1711 {strides = array<i32>} : memref<256x8192xf32, #tpu.memory_space<vmem>>, vector<1x128xf32>,
    %get3A_1712 = arith.constant 0 : index
    %get3A_1713 = arith.constant 0 : index
    %get3A_1714 = arith.constant 107 : index
    %get3A_1715 = memref.load %arg1[%get3A_1712, %get3A_1713, %get3A_1714] : memref<1x1x256xi32, #tpu.memory_space<smem>>
    %mul3A_1716 = arith.constant 128 : i32
    %mul3A_1717 = arith.muli %get3A_1715, %mul3A_1716 : i32
    %multiple_of3A_1718 = tpu.assume_multiple %mul3A_1717, 128 : i32
    %get3A_1719 = arith.constant 107 : index
    %get3A_1720 = arith.constant 0 : index
    %get3A_1721 = vector.load %arg2[%get3A_1719, %get3A_1720] : memref<256x128xf32, #tpu.memory_space<vmem>>, vector<1x128xf32>
    %get3A_1722 = vector.shape_cast %get3A_1721 : vector<1x128xf32> to vector<128xf32>
    %swap3A_1723 = arith.constant 107 : index
    %swap3A_1724 = arith.index_cast %multiple_of3A_1718 : i32 to index
    %swap3A_1725 = vector.load %arg3[%swap3A_1723, %swap3A_1724] : memref<256x8192xf32, #tpu.memory_space<vmem>>, vector<1x128xf32>
    %swap3A_1726 = vector.shape_cast %swap3A_1725 : vector<1x128xf32> to vector<128xf32>
    %swap3A_1727 = vector.shape_cast %get3A_1722 : vector<128xf32> to vector<1x128xf32>
    tpu.vector_store %arg3[%swap3A_1723, %swap3A_1724], %swap3A_1727 {strides = array<i32>} : memref<256x8192xf32, #tpu.memory_space<vmem>>, vector<1x128xf32>,
    %get3A_1728 = arith.constant 0 : index
    %get3A_1729 = arith.constant 0 : index
    %get3A_1730 = arith.constant 108 : index
    %get3A_1731 = memref.load %arg1[%get3A_1728, %get3A_1729, %get3A_1730] : memref<1x1x256xi32, #tpu.memory_space<smem>>
    %mul3A_1732 = arith.constant 128 : i32
    %mul3A_1733 = arith.muli %get3A_1731, %mul3A_1732 : i32
    %multiple_of3A_1734 = tpu.assume_multiple %mul3A_1733, 128 : i32
    %get3A_1735 = arith.constant 108 : index
    %get3A_1736 = arith.constant 0 : index
    %get3A_1737 = vector.load %arg2[%get3A_1735, %get3A_1736] : memref<256x128xf32, #tpu.memory_space<vmem>>, vector<1x128xf32>
    %get3A_1738 = vector.shape_cast %get3A_1737 : vector<1x128xf32> to vector<128xf32>
    %swap3A_1739 = arith.constant 108 : index
    %swap3A_1740 = arith.index_cast %multiple_of3A_1734 : i32 to index
    %swap3A_1741 = vector.load %arg3[%swap3A_1739, %swap3A_1740] : memref<256x8192xf32, #tpu.memory_space<vmem>>, vector<1x128xf32>
    %swap3A_1742 = vector.shape_cast %swap3A_1741 : vector<1x128xf32> to vector<128xf32>
    %swap3A_1743 = vector.shape_cast %get3A_1738 : vector<128xf32> to vector<1x128xf32>
    tpu.vector_store %arg3[%swap3A_1739, %swap3A_1740], %swap3A_1743 {strides = array<i32>} : memref<256x8192xf32, #tpu.memory_space<vmem>>, vector<1x128xf32>,
    %get3A_1744 = arith.constant 0 : index
    %get3A_1745 = arith.constant 0 : index
    %get3A_1746 = arith.constant 109 : index
    %get3A_1747 = memref.load %arg1[%get3A_1744, %get3A_1745, %get3A_1746] : memref<1x1x256xi32, #tpu.memory_space<smem>>
    %mul3A_1748 = arith.constant 128 : i32
    %mul3A_1749 = arith.muli %get3A_1747, %mul3A_1748 : i32
    %multiple_of3A_1750 = tpu.assume_multiple %mul3A_1749, 128 : i32
    %get3A_1751 = arith.constant 109 : index
    %get3A_1752 = arith.constant 0 : index
    %get3A_1753 = vector.load %arg2[%get3A_1751, %get3A_1752] : memref<256x128xf32, #tpu.memory_space<vmem>>, vector<1x128xf32>
    %get3A_1754 = vector.shape_cast %get3A_1753 : vector<1x128xf32> to vector<128xf32>
    %swap3A_1755 = arith.constant 109 : index
    %swap3A_1756 = arith.index_cast %multiple_of3A_1750 : i32 to index
    %swap3A_1757 = vector.load %arg3[%swap3A_1755, %swap3A_1756] : memref<256x8192xf32, #tpu.memory_space<vmem>>, vector<1x128xf32>
    %swap3A_1758 = vector.shape_cast %swap3A_1757 : vector<1x128xf32> to vector<128xf32>
    %swap3A_1759 = vector.shape_cast %get3A_1754 : vector<128xf32> to vector<1x128xf32>
    tpu.vector_store %arg3[%swap3A_1755, %swap3A_1756], %swap3A_1759 {strides = array<i32>} : memref<256x8192xf32, #tpu.memory_space<vmem>>, vector<1x128xf32>,
    %get3A_1760 = arith.constant 0 : index
    %get3A_1761 = arith.constant 0 : index
    %get3A_1762 = arith.constant 110 : index
    %get3A_1763 = memref.load %arg1[%get3A_1760, %get3A_1761, %get3A_1762] : memref<1x1x256xi32, #tpu.memory_space<smem>>
    %mul3A_1764 = arith.constant 128 : i32
    %mul3A_1765 = arith.muli %get3A_1763, %mul3A_1764 : i32
    %multiple_of3A_1766 = tpu.assume_multiple %mul3A_1765, 128 : i32
    %get3A_1767 = arith.constant 110 : index
    %get3A_1768 = arith.constant 0 : index
    %get3A_1769 = vector.load %arg2[%get3A_1767, %get3A_1768] : memref<256x128xf32, #tpu.memory_space<vmem>>, vector<1x128xf32>
    %get3A_1770 = vector.shape_cast %get3A_1769 : vector<1x128xf32> to vector<128xf32>
    %swap3A_1771 = arith.constant 110 : index
    %swap3A_1772 = arith.index_cast %multiple_of3A_1766 : i32 to index
    %swap3A_1773 = vector.load %arg3[%swap3A_1771, %swap3A_1772] : memref<256x8192xf32, #tpu.memory_space<vmem>>, vector<1x128xf32>
    %swap3A_1774 = vector.shape_cast %swap3A_1773 : vector<1x128xf32> to vector<128xf32>
    %swap3A_1775 = vector.shape_cast %get3A_1770 : vector<128xf32> to vector<1x128xf32>
    tpu.vector_store %arg3[%swap3A_1771, %swap3A_1772], %swap3A_1775 {strides = array<i32>} : memref<256x8192xf32, #tpu.memory_space<vmem>>, vector<1x128xf32>,
    %get3A_1776 = arith.constant 0 : index
    %get3A_1777 = arith.constant 0 : index
    %get3A_1778 = arith.constant 111 : index
    %get3A_1779 = memref.load %arg1[%get3A_1776, %get3A_1777, %get3A_1778] : memref<1x1x256xi32, #tpu.memory_space<smem>>
    %mul3A_1780 = arith.constant 128 : i32
    %mul3A_1781 = arith.muli %get3A_1779, %mul3A_1780 : i32
    %multiple_of3A_1782 = tpu.assume_multiple %mul3A_1781, 128 : i32
    %get3A_1783 = arith.constant 111 : index
    %get3A_1784 = arith.constant 0 : index
    %get3A_1785 = vector.load %arg2[%get3A_1783, %get3A_1784] : memref<256x128xf32, #tpu.memory_space<vmem>>, vector<1x128xf32>
    %get3A_1786 = vector.shape_cast %get3A_1785 : vector<1x128xf32> to vector<128xf32>
    %swap3A_1787 = arith.constant 111 : index
    %swap3A_1788 = arith.index_cast %multiple_of3A_1782 : i32 to index
    %swap3A_1789 = vector.load %arg3[%swap3A_1787, %swap3A_1788] : memref<256x8192xf32, #tpu.memory_space<vmem>>, vector<1x128xf32>
    %swap3A_1790 = vector.shape_cast %swap3A_1789 : vector<1x128xf32> to vector<128xf32>
    %swap3A_1791 = vector.shape_cast %get3A_1786 : vector<128xf32> to vector<1x128xf32>
    tpu.vector_store %arg3[%swap3A_1787, %swap3A_1788], %swap3A_1791 {strides = array<i32>} : memref<256x8192xf32, #tpu.memory_space<vmem>>, vector<1x128xf32>,
    %get3A_1792 = arith.constant 0 : index
    %get3A_1793 = arith.constant 0 : index
    %get3A_1794 = arith.constant 112 : index
    %get3A_1795 = memref.load %arg1[%get3A_1792, %get3A_1793, %get3A_1794] : memref<1x1x256xi32, #tpu.memory_space<smem>>
    %mul3A_1796 = arith.constant 128 : i32
    %mul3A_1797 = arith.muli %get3A_1795, %mul3A_1796 : i32
    %multiple_of3A_1798 = tpu.assume_multiple %mul3A_1797, 128 : i32
    %get3A_1799 = arith.constant 112 : index
    %get3A_1800 = arith.constant 0 : index
    %get3A_1801 = vector.load %arg2[%get3A_1799, %get3A_1800] : memref<256x128xf32, #tpu.memory_space<vmem>>, vector<1x128xf32>
    %get3A_1802 = vector.shape_cast %get3A_1801 : vector<1x128xf32> to vector<128xf32>
    %swap3A_1803 = arith.constant 112 : index
    %swap3A_1804 = arith.index_cast %multiple_of3A_1798 : i32 to index
    %swap3A_1805 = vector.load %arg3[%swap3A_1803, %swap3A_1804] : memref<256x8192xf32, #tpu.memory_space<vmem>>, vector<1x128xf32>
    %swap3A_1806 = vector.shape_cast %swap3A_1805 : vector<1x128xf32> to vector<128xf32>
    %swap3A_1807 = vector.shape_cast %get3A_1802 : vector<128xf32> to vector<1x128xf32>
    tpu.vector_store %arg3[%swap3A_1803, %swap3A_1804], %swap3A_1807 {strides = array<i32>} : memref<256x8192xf32, #tpu.memory_space<vmem>>, vector<1x128xf32>,
    %get3A_1808 = arith.constant 0 : index
    %get3A_1809 = arith.constant 0 : index
    %get3A_1810 = arith.constant 113 : index
    %get3A_1811 = memref.load %arg1[%get3A_1808, %get3A_1809, %get3A_1810] : memref<1x1x256xi32, #tpu.memory_space<smem>>
    %mul3A_1812 = arith.constant 128 : i32
    %mul3A_1813 = arith.muli %get3A_1811, %mul3A_1812 : i32
    %multiple_of3A_1814 = tpu.assume_multiple %mul3A_1813, 128 : i32
    %get3A_1815 = arith.constant 113 : index
    %get3A_1816 = arith.constant 0 : index
    %get3A_1817 = vector.load %arg2[%get3A_1815, %get3A_1816] : memref<256x128xf32, #tpu.memory_space<vmem>>, vector<1x128xf32>
    %get3A_1818 = vector.shape_cast %get3A_1817 : vector<1x128xf32> to vector<128xf32>
    %swap3A_1819 = arith.constant 113 : index
    %swap3A_1820 = arith.index_cast %multiple_of3A_1814 : i32 to index
    %swap3A_1821 = vector.load %arg3[%swap3A_1819, %swap3A_1820] : memref<256x8192xf32, #tpu.memory_space<vmem>>, vector<1x128xf32>
    %swap3A_1822 = vector.shape_cast %swap3A_1821 : vector<1x128xf32> to vector<128xf32>
    %swap3A_1823 = vector.shape_cast %get3A_1818 : vector<128xf32> to vector<1x128xf32>
    tpu.vector_store %arg3[%swap3A_1819, %swap3A_1820], %swap3A_1823 {strides = array<i32>} : memref<256x8192xf32, #tpu.memory_space<vmem>>, vector<1x128xf32>,
    %get3A_1824 = arith.constant 0 : index
    %get3A_1825 = arith.constant 0 : index
    %get3A_1826 = arith.constant 114 : index
    %get3A_1827 = memref.load %arg1[%get3A_1824, %get3A_1825, %get3A_1826] : memref<1x1x256xi32, #tpu.memory_space<smem>>
    %mul3A_1828 = arith.constant 128 : i32
    %mul3A_1829 = arith.muli %get3A_1827, %mul3A_1828 : i32
    %multiple_of3A_1830 = tpu.assume_multiple %mul3A_1829, 128 : i32
    %get3A_1831 = arith.constant 114 : index
    %get3A_1832 = arith.constant 0 : index
    %get3A_1833 = vector.load %arg2[%get3A_1831, %get3A_1832] : memref<256x128xf32, #tpu.memory_space<vmem>>, vector<1x128xf32>
    %get3A_1834 = vector.shape_cast %get3A_1833 : vector<1x128xf32> to vector<128xf32>
    %swap3A_1835 = arith.constant 114 : index
    %swap3A_1836 = arith.index_cast %multiple_of3A_1830 : i32 to index
    %swap3A_1837 = vector.load %arg3[%swap3A_1835, %swap3A_1836] : memref<256x8192xf32, #tpu.memory_space<vmem>>, vector<1x128xf32>
    %swap3A_1838 = vector.shape_cast %swap3A_1837 : vector<1x128xf32> to vector<128xf32>
    %swap3A_1839 = vector.shape_cast %get3A_1834 : vector<128xf32> to vector<1x128xf32>
    tpu.vector_store %arg3[%swap3A_1835, %swap3A_1836], %swap3A_1839 {strides = array<i32>} : memref<256x8192xf32, #tpu.memory_space<vmem>>, vector<1x128xf32>,
    %get3A_1840 = arith.constant 0 : index
    %get3A_1841 = arith.constant 0 : index
    %get3A_1842 = arith.constant 115 : index
    %get3A_1843 = memref.load %arg1[%get3A_1840, %get3A_1841, %get3A_1842] : memref<1x1x256xi32, #tpu.memory_space<smem>>
    %mul3A_1844 = arith.constant 128 : i32
    %mul3A_1845 = arith.muli %get3A_1843, %mul3A_1844 : i32
    %multiple_of3A_1846 = tpu.assume_multiple %mul3A_1845, 128 : i32
    %get3A_1847 = arith.constant 115 : index
    %get3A_1848 = arith.constant 0 : index
    %get3A_1849 = vector.load %arg2[%get3A_1847, %get3A_1848] : memref<256x128xf32, #tpu.memory_space<vmem>>, vector<1x128xf32>
    %get3A_1850 = vector.shape_cast %get3A_1849 : vector<1x128xf32> to vector<128xf32>
    %swap3A_1851 = arith.constant 115 : index
    %swap3A_1852 = arith.index_cast %multiple_of3A_1846 : i32 to index
    %swap3A_1853 = vector.load %arg3[%swap3A_1851, %swap3A_1852] : memref<256x8192xf32, #tpu.memory_space<vmem>>, vector<1x128xf32>
    %swap3A_1854 = vector.shape_cast %swap3A_1853 : vector<1x128xf32> to vector<128xf32>
    %swap3A_1855 = vector.shape_cast %get3A_1850 : vector<128xf32> to vector<1x128xf32>
    tpu.vector_store %arg3[%swap3A_1851, %swap3A_1852], %swap3A_1855 {strides = array<i32>} : memref<256x8192xf32, #tpu.memory_space<vmem>>, vector<1x128xf32>,
    %get3A_1856 = arith.constant 0 : index
    %get3A_1857 = arith.constant 0 : index
    %get3A_1858 = arith.constant 116 : index
    %get3A_1859 = memref.load %arg1[%get3A_1856, %get3A_1857, %get3A_1858] : memref<1x1x256xi32, #tpu.memory_space<smem>>
    %mul3A_1860 = arith.constant 128 : i32
    %mul3A_1861 = arith.muli %get3A_1859, %mul3A_1860 : i32
    %multiple_of3A_1862 = tpu.assume_multiple %mul3A_1861, 128 : i32
    %get3A_1863 = arith.constant 116 : index
    %get3A_1864 = arith.constant 0 : index
    %get3A_1865 = vector.load %arg2[%get3A_1863, %get3A_1864] : memref<256x128xf32, #tpu.memory_space<vmem>>, vector<1x128xf32>
    %get3A_1866 = vector.shape_cast %get3A_1865 : vector<1x128xf32> to vector<128xf32>
    %swap3A_1867 = arith.constant 116 : index
    %swap3A_1868 = arith.index_cast %multiple_of3A_1862 : i32 to index
    %swap3A_1869 = vector.load %arg3[%swap3A_1867, %swap3A_1868] : memref<256x8192xf32, #tpu.memory_space<vmem>>, vector<1x128xf32>
    %swap3A_1870 = vector.shape_cast %swap3A_1869 : vector<1x128xf32> to vector<128xf32>
    %swap3A_1871 = vector.shape_cast %get3A_1866 : vector<128xf32> to vector<1x128xf32>
    tpu.vector_store %arg3[%swap3A_1867, %swap3A_1868], %swap3A_1871 {strides = array<i32>} : memref<256x8192xf32, #tpu.memory_space<vmem>>, vector<1x128xf32>,
    %get3A_1872 = arith.constant 0 : index
    %get3A_1873 = arith.constant 0 : index
    %get3A_1874 = arith.constant 117 : index
    %get3A_1875 = memref.load %arg1[%get3A_1872, %get3A_1873, %get3A_1874] : memref<1x1x256xi32, #tpu.memory_space<smem>>
    %mul3A_1876 = arith.constant 128 : i32
    %mul3A_1877 = arith.muli %get3A_1875, %mul3A_1876 : i32
    %multiple_of3A_1878 = tpu.assume_multiple %mul3A_1877, 128 : i32
    %get3A_1879 = arith.constant 117 : index
    %get3A_1880 = arith.constant 0 : index
    %get3A_1881 = vector.load %arg2[%get3A_1879, %get3A_1880] : memref<256x128xf32, #tpu.memory_space<vmem>>, vector<1x128xf32>
    %get3A_1882 = vector.shape_cast %get3A_1881 : vector<1x128xf32> to vector<128xf32>
    %swap3A_1883 = arith.constant 117 : index
    %swap3A_1884 = arith.index_cast %multiple_of3A_1878 : i32 to index
    %swap3A_1885 = vector.load %arg3[%swap3A_1883, %swap3A_1884] : memref<256x8192xf32, #tpu.memory_space<vmem>>, vector<1x128xf32>
    %swap3A_1886 = vector.shape_cast %swap3A_1885 : vector<1x128xf32> to vector<128xf32>
    %swap3A_1887 = vector.shape_cast %get3A_1882 : vector<128xf32> to vector<1x128xf32>
    tpu.vector_store %arg3[%swap3A_1883, %swap3A_1884], %swap3A_1887 {strides = array<i32>} : memref<256x8192xf32, #tpu.memory_space<vmem>>, vector<1x128xf32>,
    %get3A_1888 = arith.constant 0 : index
    %get3A_1889 = arith.constant 0 : index
    %get3A_1890 = arith.constant 118 : index
    %get3A_1891 = memref.load %arg1[%get3A_1888, %get3A_1889, %get3A_1890] : memref<1x1x256xi32, #tpu.memory_space<smem>>
    %mul3A_1892 = arith.constant 128 : i32
    %mul3A_1893 = arith.muli %get3A_1891, %mul3A_1892 : i32
    %multiple_of3A_1894 = tpu.assume_multiple %mul3A_1893, 128 : i32
    %get3A_1895 = arith.constant 118 : index
    %get3A_1896 = arith.constant 0 : index
    %get3A_1897 = vector.load %arg2[%get3A_1895, %get3A_1896] : memref<256x128xf32, #tpu.memory_space<vmem>>, vector<1x128xf32>
    %get3A_1898 = vector.shape_cast %get3A_1897 : vector<1x128xf32> to vector<128xf32>
    %swap3A_1899 = arith.constant 118 : index
    %swap3A_1900 = arith.index_cast %multiple_of3A_1894 : i32 to index
    %swap3A_1901 = vector.load %arg3[%swap3A_1899, %swap3A_1900] : memref<256x8192xf32, #tpu.memory_space<vmem>>, vector<1x128xf32>
    %swap3A_1902 = vector.shape_cast %swap3A_1901 : vector<1x128xf32> to vector<128xf32>
    %swap3A_1903 = vector.shape_cast %get3A_1898 : vector<128xf32> to vector<1x128xf32>
    tpu.vector_store %arg3[%swap3A_1899, %swap3A_1900], %swap3A_1903 {strides = array<i32>} : memref<256x8192xf32, #tpu.memory_space<vmem>>, vector<1x128xf32>,
    %get3A_1904 = arith.constant 0 : index
    %get3A_1905 = arith.constant 0 : index
    %get3A_1906 = arith.constant 119 : index
    %get3A_1907 = memref.load %arg1[%get3A_1904, %get3A_1905, %get3A_1906] : memref<1x1x256xi32, #tpu.memory_space<smem>>
    %mul3A_1908 = arith.constant 128 : i32
    %mul3A_1909 = arith.muli %get3A_1907, %mul3A_1908 : i32
    %multiple_of3A_1910 = tpu.assume_multiple %mul3A_1909, 128 : i32
    %get3A_1911 = arith.constant 119 : index
    %get3A_1912 = arith.constant 0 : index
    %get3A_1913 = vector.load %arg2[%get3A_1911, %get3A_1912] : memref<256x128xf32, #tpu.memory_space<vmem>>, vector<1x128xf32>
    %get3A_1914 = vector.shape_cast %get3A_1913 : vector<1x128xf32> to vector<128xf32>
    %swap3A_1915 = arith.constant 119 : index
    %swap3A_1916 = arith.index_cast %multiple_of3A_1910 : i32 to index
    %swap3A_1917 = vector.load %arg3[%swap3A_1915, %swap3A_1916] : memref<256x8192xf32, #tpu.memory_space<vmem>>, vector<1x128xf32>
    %swap3A_1918 = vector.shape_cast %swap3A_1917 : vector<1x128xf32> to vector<128xf32>
    %swap3A_1919 = vector.shape_cast %get3A_1914 : vector<128xf32> to vector<1x128xf32>
    tpu.vector_store %arg3[%swap3A_1915, %swap3A_1916], %swap3A_1919 {strides = array<i32>} : memref<256x8192xf32, #tpu.memory_space<vmem>>, vector<1x128xf32>,
    %get3A_1920 = arith.constant 0 : index
    %get3A_1921 = arith.constant 0 : index
    %get3A_1922 = arith.constant 120 : index
    %get3A_1923 = memref.load %arg1[%get3A_1920, %get3A_1921, %get3A_1922] : memref<1x1x256xi32, #tpu.memory_space<smem>>
    %mul3A_1924 = arith.constant 128 : i32
    %mul3A_1925 = arith.muli %get3A_1923, %mul3A_1924 : i32
    %multiple_of3A_1926 = tpu.assume_multiple %mul3A_1925, 128 : i32
    %get3A_1927 = arith.constant 120 : index
    %get3A_1928 = arith.constant 0 : index
    %get3A_1929 = vector.load %arg2[%get3A_1927, %get3A_1928] : memref<256x128xf32, #tpu.memory_space<vmem>>, vector<1x128xf32>
    %get3A_1930 = vector.shape_cast %get3A_1929 : vector<1x128xf32> to vector<128xf32>
    %swap3A_1931 = arith.constant 120 : index
    %swap3A_1932 = arith.index_cast %multiple_of3A_1926 : i32 to index
    %swap3A_1933 = vector.load %arg3[%swap3A_1931, %swap3A_1932] : memref<256x8192xf32, #tpu.memory_space<vmem>>, vector<1x128xf32>
    %swap3A_1934 = vector.shape_cast %swap3A_1933 : vector<1x128xf32> to vector<128xf32>
    %swap3A_1935 = vector.shape_cast %get3A_1930 : vector<128xf32> to vector<1x128xf32>
    tpu.vector_store %arg3[%swap3A_1931, %swap3A_1932], %swap3A_1935 {strides = array<i32>} : memref<256x8192xf32, #tpu.memory_space<vmem>>, vector<1x128xf32>,
    %get3A_1936 = arith.constant 0 : index
    %get3A_1937 = arith.constant 0 : index
    %get3A_1938 = arith.constant 121 : index
    %get3A_1939 = memref.load %arg1[%get3A_1936, %get3A_1937, %get3A_1938] : memref<1x1x256xi32, #tpu.memory_space<smem>>
    %mul3A_1940 = arith.constant 128 : i32
    %mul3A_1941 = arith.muli %get3A_1939, %mul3A_1940 : i32
    %multiple_of3A_1942 = tpu.assume_multiple %mul3A_1941, 128 : i32
    %get3A_1943 = arith.constant 121 : index
    %get3A_1944 = arith.constant 0 : index
    %get3A_1945 = vector.load %arg2[%get3A_1943, %get3A_1944] : memref<256x128xf32, #tpu.memory_space<vmem>>, vector<1x128xf32>
    %get3A_1946 = vector.shape_cast %get3A_1945 : vector<1x128xf32> to vector<128xf32>
    %swap3A_1947 = arith.constant 121 : index
    %swap3A_1948 = arith.index_cast %multiple_of3A_1942 : i32 to index
    %swap3A_1949 = vector.load %arg3[%swap3A_1947, %swap3A_1948] : memref<256x8192xf32, #tpu.memory_space<vmem>>, vector<1x128xf32>
    %swap3A_1950 = vector.shape_cast %swap3A_1949 : vector<1x128xf32> to vector<128xf32>
    %swap3A_1951 = vector.shape_cast %get3A_1946 : vector<128xf32> to vector<1x128xf32>
    tpu.vector_store %arg3[%swap3A_1947, %swap3A_1948], %swap3A_1951 {strides = array<i32>} : memref<256x8192xf32, #tpu.memory_space<vmem>>, vector<1x128xf32>,
    %get3A_1952 = arith.constant 0 : index
    %get3A_1953 = arith.constant 0 : index
    %get3A_1954 = arith.constant 122 : index
    %get3A_1955 = memref.load %arg1[%get3A_1952, %get3A_1953, %get3A_1954] : memref<1x1x256xi32, #tpu.memory_space<smem>>
    %mul3A_1956 = arith.constant 128 : i32
    %mul3A_1957 = arith.muli %get3A_1955, %mul3A_1956 : i32
    %multiple_of3A_1958 = tpu.assume_multiple %mul3A_1957, 128 : i32
    %get3A_1959 = arith.constant 122 : index
    %get3A_1960 = arith.constant 0 : index
    %get3A_1961 = vector.load %arg2[%get3A_1959, %get3A_1960] : memref<256x128xf32, #tpu.memory_space<vmem>>, vector<1x128xf32>
    %get3A_1962 = vector.shape_cast %get3A_1961 : vector<1x128xf32> to vector<128xf32>
    %swap3A_1963 = arith.constant 122 : index
    %swap3A_1964 = arith.index_cast %multiple_of3A_1958 : i32 to index
    %swap3A_1965 = vector.load %arg3[%swap3A_1963, %swap3A_1964] : memref<256x8192xf32, #tpu.memory_space<vmem>>, vector<1x128xf32>
    %swap3A_1966 = vector.shape_cast %swap3A_1965 : vector<1x128xf32> to vector<128xf32>
    %swap3A_1967 = vector.shape_cast %get3A_1962 : vector<128xf32> to vector<1x128xf32>
    tpu.vector_store %arg3[%swap3A_1963, %swap3A_1964], %swap3A_1967 {strides = array<i32>} : memref<256x8192xf32, #tpu.memory_space<vmem>>, vector<1x128xf32>,
    %get3A_1968 = arith.constant 0 : index
    %get3A_1969 = arith.constant 0 : index
    %get3A_1970 = arith.constant 123 : index
    %get3A_1971 = memref.load %arg1[%get3A_1968, %get3A_1969, %get3A_1970] : memref<1x1x256xi32, #tpu.memory_space<smem>>
    %mul3A_1972 = arith.constant 128 : i32
    %mul3A_1973 = arith.muli %get3A_1971, %mul3A_1972 : i32
    %multiple_of3A_1974 = tpu.assume_multiple %mul3A_1973, 128 : i32
    %get3A_1975 = arith.constant 123 : index
    %get3A_1976 = arith.constant 0 : index
    %get3A_1977 = vector.load %arg2[%get3A_1975, %get3A_1976] : memref<256x128xf32, #tpu.memory_space<vmem>>, vector<1x128xf32>
    %get3A_1978 = vector.shape_cast %get3A_1977 : vector<1x128xf32> to vector<128xf32>
    %swap3A_1979 = arith.constant 123 : index
    %swap3A_1980 = arith.index_cast %multiple_of3A_1974 : i32 to index
    %swap3A_1981 = vector.load %arg3[%swap3A_1979, %swap3A_1980] : memref<256x8192xf32, #tpu.memory_space<vmem>>, vector<1x128xf32>
    %swap3A_1982 = vector.shape_cast %swap3A_1981 : vector<1x128xf32> to vector<128xf32>
    %swap3A_1983 = vector.shape_cast %get3A_1978 : vector<128xf32> to vector<1x128xf32>
    tpu.vector_store %arg3[%swap3A_1979, %swap3A_1980], %swap3A_1983 {strides = array<i32>} : memref<256x8192xf32, #tpu.memory_space<vmem>>, vector<1x128xf32>,
    %get3A_1984 = arith.constant 0 : index
    %get3A_1985 = arith.constant 0 : index
    %get3A_1986 = arith.constant 124 : index
    %get3A_1987 = memref.load %arg1[%get3A_1984, %get3A_1985, %get3A_1986] : memref<1x1x256xi32, #tpu.memory_space<smem>>
    %mul3A_1988 = arith.constant 128 : i32
    %mul3A_1989 = arith.muli %get3A_1987, %mul3A_1988 : i32
    %multiple_of3A_1990 = tpu.assume_multiple %mul3A_1989, 128 : i32
    %get3A_1991 = arith.constant 124 : index
    %get3A_1992 = arith.constant 0 : index
    %get3A_1993 = vector.load %arg2[%get3A_1991, %get3A_1992] : memref<256x128xf32, #tpu.memory_space<vmem>>, vector<1x128xf32>
    %get3A_1994 = vector.shape_cast %get3A_1993 : vector<1x128xf32> to vector<128xf32>
    %swap3A_1995 = arith.constant 124 : index
    %swap3A_1996 = arith.index_cast %multiple_of3A_1990 : i32 to index
    %swap3A_1997 = vector.load %arg3[%swap3A_1995, %swap3A_1996] : memref<256x8192xf32, #tpu.memory_space<vmem>>, vector<1x128xf32>
    %swap3A_1998 = vector.shape_cast %swap3A_1997 : vector<1x128xf32> to vector<128xf32>
    %swap3A_1999 = vector.shape_cast %get3A_1994 : vector<128xf32> to vector<1x128xf32>
    tpu.vector_store %arg3[%swap3A_1995, %swap3A_1996], %swap3A_1999 {strides = array<i32>} : memref<256x8192xf32, #tpu.memory_space<vmem>>, vector<1x128xf32>,
    %get3A_2000 = arith.constant 0 : index
    %get3A_2001 = arith.constant 0 : index
    %get3A_2002 = arith.constant 125 : index
    %get3A_2003 = memref.load %arg1[%get3A_2000, %get3A_2001, %get3A_2002] : memref<1x1x256xi32, #tpu.memory_space<smem>>
    %mul3A_2004 = arith.constant 128 : i32
    %mul3A_2005 = arith.muli %get3A_2003, %mul3A_2004 : i32
    %multiple_of3A_2006 = tpu.assume_multiple %mul3A_2005, 128 : i32
    %get3A_2007 = arith.constant 125 : index
    %get3A_2008 = arith.constant 0 : index
    %get3A_2009 = vector.load %arg2[%get3A_2007, %get3A_2008] : memref<256x128xf32, #tpu.memory_space<vmem>>, vector<1x128xf32>
    %get3A_2010 = vector.shape_cast %get3A_2009 : vector<1x128xf32> to vector<128xf32>
    %swap3A_2011 = arith.constant 125 : index
    %swap3A_2012 = arith.index_cast %multiple_of3A_2006 : i32 to index
    %swap3A_2013 = vector.load %arg3[%swap3A_2011, %swap3A_2012] : memref<256x8192xf32, #tpu.memory_space<vmem>>, vector<1x128xf32>
    %swap3A_2014 = vector.shape_cast %swap3A_2013 : vector<1x128xf32> to vector<128xf32>
    %swap3A_2015 = vector.shape_cast %get3A_2010 : vector<128xf32> to vector<1x128xf32>
    tpu.vector_store %arg3[%swap3A_2011, %swap3A_2012], %swap3A_2015 {strides = array<i32>} : memref<256x8192xf32, #tpu.memory_space<vmem>>, vector<1x128xf32>,
    %get3A_2016 = arith.constant 0 : index
    %get3A_2017 = arith.constant 0 : index
    %get3A_2018 = arith.constant 126 : index
    %get3A_2019 = memref.load %arg1[%get3A_2016, %get3A_2017, %get3A_2018] : memref<1x1x256xi32, #tpu.memory_space<smem>>
    %mul3A_2020 = arith.constant 128 : i32
    %mul3A_2021 = arith.muli %get3A_2019, %mul3A_2020 : i32
    %multiple_of3A_2022 = tpu.assume_multiple %mul3A_2021, 128 : i32
    %get3A_2023 = arith.constant 126 : index
    %get3A_2024 = arith.constant 0 : index
    %get3A_2025 = vector.load %arg2[%get3A_2023, %get3A_2024] : memref<256x128xf32, #tpu.memory_space<vmem>>, vector<1x128xf32>
    %get3A_2026 = vector.shape_cast %get3A_2025 : vector<1x128xf32> to vector<128xf32>
    %swap3A_2027 = arith.constant 126 : index
    %swap3A_2028 = arith.index_cast %multiple_of3A_2022 : i32 to index
    %swap3A_2029 = vector.load %arg3[%swap3A_2027, %swap3A_2028] : memref<256x8192xf32, #tpu.memory_space<vmem>>, vector<1x128xf32>
    %swap3A_2030 = vector.shape_cast %swap3A_2029 : vector<1x128xf32> to vector<128xf32>
    %swap3A_2031 = vector.shape_cast %get3A_2026 : vector<128xf32> to vector<1x128xf32>
    tpu.vector_store %arg3[%swap3A_2027, %swap3A_2028], %swap3A_2031 {strides = array<i32>} : memref<256x8192xf32, #tpu.memory_space<vmem>>, vector<1x128xf32>,
    %get3A_2032 = arith.constant 0 : index
    %get3A_2033 = arith.constant 0 : index
    %get3A_2034 = arith.constant 127 : index
    %get3A_2035 = memref.load %arg1[%get3A_2032, %get3A_2033, %get3A_2034] : memref<1x1x256xi32, #tpu.memory_space<smem>>
    %mul3A_2036 = arith.constant 128 : i32
    %mul3A_2037 = arith.muli %get3A_2035, %mul3A_2036 : i32
    %multiple_of3A_2038 = tpu.assume_multiple %mul3A_2037, 128 : i32
    %get3A_2039 = arith.constant 127 : index
    %get3A_2040 = arith.constant 0 : index
    %get3A_2041 = vector.load %arg2[%get3A_2039, %get3A_2040] : memref<256x128xf32, #tpu.memory_space<vmem>>, vector<1x128xf32>
    %get3A_2042 = vector.shape_cast %get3A_2041 : vector<1x128xf32> to vector<128xf32>
    %swap3A_2043 = arith.constant 127 : index
    %swap3A_2044 = arith.index_cast %multiple_of3A_2038 : i32 to index
    %swap3A_2045 = vector.load %arg3[%swap3A_2043, %swap3A_2044] : memref<256x8192xf32, #tpu.memory_space<vmem>>, vector<1x128xf32>
    %swap3A_2046 = vector.shape_cast %swap3A_2045 : vector<1x128xf32> to vector<128xf32>
    %swap3A_2047 = vector.shape_cast %get3A_2042 : vector<128xf32> to vector<1x128xf32>
    tpu.vector_store %arg3[%swap3A_2043, %swap3A_2044], %swap3A_2047 {strides = array<i32>} : memref<256x8192xf32, #tpu.memory_space<vmem>>, vector<1x128xf32>,
    %get3A_2048 = arith.constant 0 : index
    %get3A_2049 = arith.constant 0 : index
    %get3A_2050 = arith.constant 128 : index
    %get3A_2051 = memref.load %arg1[%get3A_2048, %get3A_2049, %get3A_2050] : memref<1x1x256xi32, #tpu.memory_space<smem>>
    %mul3A_2052 = arith.constant 128 : i32
    %mul3A_2053 = arith.muli %get3A_2051, %mul3A_2052 : i32
    %multiple_of3A_2054 = tpu.assume_multiple %mul3A_2053, 128 : i32
    %get3A_2055 = arith.constant 128 : index
    %get3A_2056 = arith.constant 0 : index
    %get3A_2057 = vector.load %arg2[%get3A_2055, %get3A_2056] : memref<256x128xf32, #tpu.memory_space<vmem>>, vector<1x128xf32>
    %get3A_2058 = vector.shape_cast %get3A_2057 : vector<1x128xf32> to vector<128xf32>
    %swap3A_2059 = arith.constant 128 : index
    %swap3A_2060 = arith.index_cast %multiple_of3A_2054 : i32 to index
    %swap3A_2061 = vector.load %arg3[%swap3A_2059, %swap3A_2060] : memref<256x8192xf32, #tpu.memory_space<vmem>>, vector<1x128xf32>
    %swap3A_2062 = vector.shape_cast %swap3A_2061 : vector<1x128xf32> to vector<128xf32>
    %swap3A_2063 = vector.shape_cast %get3A_2058 : vector<128xf32> to vector<1x128xf32>
    tpu.vector_store %arg3[%swap3A_2059, %swap3A_2060], %swap3A_2063 {strides = array<i32>} : memref<256x8192xf32, #tpu.memory_space<vmem>>, vector<1x128xf32>,
    %get3A_2064 = arith.constant 0 : index
    %get3A_2065 = arith.constant 0 : index
    %get3A_2066 = arith.constant 129 : index
    %get3A_2067 = memref.load %arg1[%get3A_2064, %get3A_2065, %get3A_2066] : memref<1x1x256xi32, #tpu.memory_space<smem>>
    %mul3A_2068 = arith.constant 128 : i32
    %mul3A_2069 = arith.muli %get3A_2067, %mul3A_2068 : i32
    %multiple_of3A_2070 = tpu.assume_multiple %mul3A_2069, 128 : i32
    %get3A_2071 = arith.constant 129 : index
    %get3A_2072 = arith.constant 0 : index
    %get3A_2073 = vector.load %arg2[%get3A_2071, %get3A_2072] : memref<256x128xf32, #tpu.memory_space<vmem>>, vector<1x128xf32>
    %get3A_2074 = vector.shape_cast %get3A_2073 : vector<1x128xf32> to vector<128xf32>
    %swap3A_2075 = arith.constant 129 : index
    %swap3A_2076 = arith.index_cast %multiple_of3A_2070 : i32 to index
    %swap3A_2077 = vector.load %arg3[%swap3A_2075, %swap3A_2076] : memref<256x8192xf32, #tpu.memory_space<vmem>>, vector<1x128xf32>
    %swap3A_2078 = vector.shape_cast %swap3A_2077 : vector<1x128xf32> to vector<128xf32>
    %swap3A_2079 = vector.shape_cast %get3A_2074 : vector<128xf32> to vector<1x128xf32>
    tpu.vector_store %arg3[%swap3A_2075, %swap3A_2076], %swap3A_2079 {strides = array<i32>} : memref<256x8192xf32, #tpu.memory_space<vmem>>, vector<1x128xf32>,
    %get3A_2080 = arith.constant 0 : index
    %get3A_2081 = arith.constant 0 : index
    %get3A_2082 = arith.constant 130 : index
    %get3A_2083 = memref.load %arg1[%get3A_2080, %get3A_2081, %get3A_2082] : memref<1x1x256xi32, #tpu.memory_space<smem>>
    %mul3A_2084 = arith.constant 128 : i32
    %mul3A_2085 = arith.muli %get3A_2083, %mul3A_2084 : i32
    %multiple_of3A_2086 = tpu.assume_multiple %mul3A_2085, 128 : i32
    %get3A_2087 = arith.constant 130 : index
    %get3A_2088 = arith.constant 0 : index
    %get3A_2089 = vector.load %arg2[%get3A_2087, %get3A_2088] : memref<256x128xf32, #tpu.memory_space<vmem>>, vector<1x128xf32>
    %get3A_2090 = vector.shape_cast %get3A_2089 : vector<1x128xf32> to vector<128xf32>
    %swap3A_2091 = arith.constant 130 : index
    %swap3A_2092 = arith.index_cast %multiple_of3A_2086 : i32 to index
    %swap3A_2093 = vector.load %arg3[%swap3A_2091, %swap3A_2092] : memref<256x8192xf32, #tpu.memory_space<vmem>>, vector<1x128xf32>
    %swap3A_2094 = vector.shape_cast %swap3A_2093 : vector<1x128xf32> to vector<128xf32>
    %swap3A_2095 = vector.shape_cast %get3A_2090 : vector<128xf32> to vector<1x128xf32>
    tpu.vector_store %arg3[%swap3A_2091, %swap3A_2092], %swap3A_2095 {strides = array<i32>} : memref<256x8192xf32, #tpu.memory_space<vmem>>, vector<1x128xf32>,
    %get3A_2096 = arith.constant 0 : index
    %get3A_2097 = arith.constant 0 : index
    %get3A_2098 = arith.constant 131 : index
    %get3A_2099 = memref.load %arg1[%get3A_2096, %get3A_2097, %get3A_2098] : memref<1x1x256xi32, #tpu.memory_space<smem>>
    %mul3A_2100 = arith.constant 128 : i32
    %mul3A_2101 = arith.muli %get3A_2099, %mul3A_2100 : i32
    %multiple_of3A_2102 = tpu.assume_multiple %mul3A_2101, 128 : i32
    %get3A_2103 = arith.constant 131 : index
    %get3A_2104 = arith.constant 0 : index
    %get3A_2105 = vector.load %arg2[%get3A_2103, %get3A_2104] : memref<256x128xf32, #tpu.memory_space<vmem>>, vector<1x128xf32>
    %get3A_2106 = vector.shape_cast %get3A_2105 : vector<1x128xf32> to vector<128xf32>
    %swap3A_2107 = arith.constant 131 : index
    %swap3A_2108 = arith.index_cast %multiple_of3A_2102 : i32 to index
    %swap3A_2109 = vector.load %arg3[%swap3A_2107, %swap3A_2108] : memref<256x8192xf32, #tpu.memory_space<vmem>>, vector<1x128xf32>
    %swap3A_2110 = vector.shape_cast %swap3A_2109 : vector<1x128xf32> to vector<128xf32>
    %swap3A_2111 = vector.shape_cast %get3A_2106 : vector<128xf32> to vector<1x128xf32>
    tpu.vector_store %arg3[%swap3A_2107, %swap3A_2108], %swap3A_2111 {strides = array<i32>} : memref<256x8192xf32, #tpu.memory_space<vmem>>, vector<1x128xf32>,
    %get3A_2112 = arith.constant 0 : index
    %get3A_2113 = arith.constant 0 : index
    %get3A_2114 = arith.constant 132 : index
    %get3A_2115 = memref.load %arg1[%get3A_2112, %get3A_2113, %get3A_2114] : memref<1x1x256xi32, #tpu.memory_space<smem>>
    %mul3A_2116 = arith.constant 128 : i32
    %mul3A_2117 = arith.muli %get3A_2115, %mul3A_2116 : i32
    %multiple_of3A_2118 = tpu.assume_multiple %mul3A_2117, 128 : i32
    %get3A_2119 = arith.constant 132 : index
    %get3A_2120 = arith.constant 0 : index
    %get3A_2121 = vector.load %arg2[%get3A_2119, %get3A_2120] : memref<256x128xf32, #tpu.memory_space<vmem>>, vector<1x128xf32>
    %get3A_2122 = vector.shape_cast %get3A_2121 : vector<1x128xf32> to vector<128xf32>
    %swap3A_2123 = arith.constant 132 : index
    %swap3A_2124 = arith.index_cast %multiple_of3A_2118 : i32 to index
    %swap3A_2125 = vector.load %arg3[%swap3A_2123, %swap3A_2124] : memref<256x8192xf32, #tpu.memory_space<vmem>>, vector<1x128xf32>
    %swap3A_2126 = vector.shape_cast %swap3A_2125 : vector<1x128xf32> to vector<128xf32>
    %swap3A_2127 = vector.shape_cast %get3A_2122 : vector<128xf32> to vector<1x128xf32>
    tpu.vector_store %arg3[%swap3A_2123, %swap3A_2124], %swap3A_2127 {strides = array<i32>} : memref<256x8192xf32, #tpu.memory_space<vmem>>, vector<1x128xf32>,
    %get3A_2128 = arith.constant 0 : index
    %get3A_2129 = arith.constant 0 : index
    %get3A_2130 = arith.constant 133 : index
    %get3A_2131 = memref.load %arg1[%get3A_2128, %get3A_2129, %get3A_2130] : memref<1x1x256xi32, #tpu.memory_space<smem>>
    %mul3A_2132 = arith.constant 128 : i32
    %mul3A_2133 = arith.muli %get3A_2131, %mul3A_2132 : i32
    %multiple_of3A_2134 = tpu.assume_multiple %mul3A_2133, 128 : i32
    %get3A_2135 = arith.constant 133 : index
    %get3A_2136 = arith.constant 0 : index
    %get3A_2137 = vector.load %arg2[%get3A_2135, %get3A_2136] : memref<256x128xf32, #tpu.memory_space<vmem>>, vector<1x128xf32>
    %get3A_2138 = vector.shape_cast %get3A_2137 : vector<1x128xf32> to vector<128xf32>
    %swap3A_2139 = arith.constant 133 : index
    %swap3A_2140 = arith.index_cast %multiple_of3A_2134 : i32 to index
    %swap3A_2141 = vector.load %arg3[%swap3A_2139, %swap3A_2140] : memref<256x8192xf32, #tpu.memory_space<vmem>>, vector<1x128xf32>
    %swap3A_2142 = vector.shape_cast %swap3A_2141 : vector<1x128xf32> to vector<128xf32>
    %swap3A_2143 = vector.shape_cast %get3A_2138 : vector<128xf32> to vector<1x128xf32>
    tpu.vector_store %arg3[%swap3A_2139, %swap3A_2140], %swap3A_2143 {strides = array<i32>} : memref<256x8192xf32, #tpu.memory_space<vmem>>, vector<1x128xf32>,
    %get3A_2144 = arith.constant 0 : index
    %get3A_2145 = arith.constant 0 : index
    %get3A_2146 = arith.constant 134 : index
    %get3A_2147 = memref.load %arg1[%get3A_2144, %get3A_2145, %get3A_2146] : memref<1x1x256xi32, #tpu.memory_space<smem>>
    %mul3A_2148 = arith.constant 128 : i32
    %mul3A_2149 = arith.muli %get3A_2147, %mul3A_2148 : i32
    %multiple_of3A_2150 = tpu.assume_multiple %mul3A_2149, 128 : i32
    %get3A_2151 = arith.constant 134 : index
    %get3A_2152 = arith.constant 0 : index
    %get3A_2153 = vector.load %arg2[%get3A_2151, %get3A_2152] : memref<256x128xf32, #tpu.memory_space<vmem>>, vector<1x128xf32>
    %get3A_2154 = vector.shape_cast %get3A_2153 : vector<1x128xf32> to vector<128xf32>
    %swap3A_2155 = arith.constant 134 : index
    %swap3A_2156 = arith.index_cast %multiple_of3A_2150 : i32 to index
    %swap3A_2157 = vector.load %arg3[%swap3A_2155, %swap3A_2156] : memref<256x8192xf32, #tpu.memory_space<vmem>>, vector<1x128xf32>
    %swap3A_2158 = vector.shape_cast %swap3A_2157 : vector<1x128xf32> to vector<128xf32>
    %swap3A_2159 = vector.shape_cast %get3A_2154 : vector<128xf32> to vector<1x128xf32>
    tpu.vector_store %arg3[%swap3A_2155, %swap3A_2156], %swap3A_2159 {strides = array<i32>} : memref<256x8192xf32, #tpu.memory_space<vmem>>, vector<1x128xf32>,
    %get3A_2160 = arith.constant 0 : index
    %get3A_2161 = arith.constant 0 : index
    %get3A_2162 = arith.constant 135 : index
    %get3A_2163 = memref.load %arg1[%get3A_2160, %get3A_2161, %get3A_2162] : memref<1x1x256xi32, #tpu.memory_space<smem>>
    %mul3A_2164 = arith.constant 128 : i32
    %mul3A_2165 = arith.muli %get3A_2163, %mul3A_2164 : i32
    %multiple_of3A_2166 = tpu.assume_multiple %mul3A_2165, 128 : i32
    %get3A_2167 = arith.constant 135 : index
    %get3A_2168 = arith.constant 0 : index
    %get3A_2169 = vector.load %arg2[%get3A_2167, %get3A_2168] : memref<256x128xf32, #tpu.memory_space<vmem>>, vector<1x128xf32>
    %get3A_2170 = vector.shape_cast %get3A_2169 : vector<1x128xf32> to vector<128xf32>
    %swap3A_2171 = arith.constant 135 : index
    %swap3A_2172 = arith.index_cast %multiple_of3A_2166 : i32 to index
    %swap3A_2173 = vector.load %arg3[%swap3A_2171, %swap3A_2172] : memref<256x8192xf32, #tpu.memory_space<vmem>>, vector<1x128xf32>
    %swap3A_2174 = vector.shape_cast %swap3A_2173 : vector<1x128xf32> to vector<128xf32>
    %swap3A_2175 = vector.shape_cast %get3A_2170 : vector<128xf32> to vector<1x128xf32>
    tpu.vector_store %arg3[%swap3A_2171, %swap3A_2172], %swap3A_2175 {strides = array<i32>} : memref<256x8192xf32, #tpu.memory_space<vmem>>, vector<1x128xf32>,
    %get3A_2176 = arith.constant 0 : index
    %get3A_2177 = arith.constant 0 : index
    %get3A_2178 = arith.constant 136 : index
    %get3A_2179 = memref.load %arg1[%get3A_2176, %get3A_2177, %get3A_2178] : memref<1x1x256xi32, #tpu.memory_space<smem>>
    %mul3A_2180 = arith.constant 128 : i32
    %mul3A_2181 = arith.muli %get3A_2179, %mul3A_2180 : i32
    %multiple_of3A_2182 = tpu.assume_multiple %mul3A_2181, 128 : i32
    %get3A_2183 = arith.constant 136 : index
    %get3A_2184 = arith.constant 0 : index
    %get3A_2185 = vector.load %arg2[%get3A_2183, %get3A_2184] : memref<256x128xf32, #tpu.memory_space<vmem>>, vector<1x128xf32>
    %get3A_2186 = vector.shape_cast %get3A_2185 : vector<1x128xf32> to vector<128xf32>
    %swap3A_2187 = arith.constant 136 : index
    %swap3A_2188 = arith.index_cast %multiple_of3A_2182 : i32 to index
    %swap3A_2189 = vector.load %arg3[%swap3A_2187, %swap3A_2188] : memref<256x8192xf32, #tpu.memory_space<vmem>>, vector<1x128xf32>
    %swap3A_2190 = vector.shape_cast %swap3A_2189 : vector<1x128xf32> to vector<128xf32>
    %swap3A_2191 = vector.shape_cast %get3A_2186 : vector<128xf32> to vector<1x128xf32>
    tpu.vector_store %arg3[%swap3A_2187, %swap3A_2188], %swap3A_2191 {strides = array<i32>} : memref<256x8192xf32, #tpu.memory_space<vmem>>, vector<1x128xf32>,
    %get3A_2192 = arith.constant 0 : index
    %get3A_2193 = arith.constant 0 : index
    %get3A_2194 = arith.constant 137 : index
    %get3A_2195 = memref.load %arg1[%get3A_2192, %get3A_2193, %get3A_2194] : memref<1x1x256xi32, #tpu.memory_space<smem>>
    %mul3A_2196 = arith.constant 128 : i32
    %mul3A_2197 = arith.muli %get3A_2195, %mul3A_2196 : i32
    %multiple_of3A_2198 = tpu.assume_multiple %mul3A_2197, 128 : i32
    %get3A_2199 = arith.constant 137 : index
    %get3A_2200 = arith.constant 0 : index
    %get3A_2201 = vector.load %arg2[%get3A_2199, %get3A_2200] : memref<256x128xf32, #tpu.memory_space<vmem>>, vector<1x128xf32>
    %get3A_2202 = vector.shape_cast %get3A_2201 : vector<1x128xf32> to vector<128xf32>
    %swap3A_2203 = arith.constant 137 : index
    %swap3A_2204 = arith.index_cast %multiple_of3A_2198 : i32 to index
    %swap3A_2205 = vector.load %arg3[%swap3A_2203, %swap3A_2204] : memref<256x8192xf32, #tpu.memory_space<vmem>>, vector<1x128xf32>
    %swap3A_2206 = vector.shape_cast %swap3A_2205 : vector<1x128xf32> to vector<128xf32>
    %swap3A_2207 = vector.shape_cast %get3A_2202 : vector<128xf32> to vector<1x128xf32>
    tpu.vector_store %arg3[%swap3A_2203, %swap3A_2204], %swap3A_2207 {strides = array<i32>} : memref<256x8192xf32, #tpu.memory_space<vmem>>, vector<1x128xf32>,
    %get3A_2208 = arith.constant 0 : index
    %get3A_2209 = arith.constant 0 : index
    %get3A_2210 = arith.constant 138 : index
    %get3A_2211 = memref.load %arg1[%get3A_2208, %get3A_2209, %get3A_2210] : memref<1x1x256xi32, #tpu.memory_space<smem>>
    %mul3A_2212 = arith.constant 128 : i32
    %mul3A_2213 = arith.muli %get3A_2211, %mul3A_2212 : i32
    %multiple_of3A_2214 = tpu.assume_multiple %mul3A_2213, 128 : i32
    %get3A_2215 = arith.constant 138 : index
    %get3A_2216 = arith.constant 0 : index
    %get3A_2217 = vector.load %arg2[%get3A_2215, %get3A_2216] : memref<256x128xf32, #tpu.memory_space<vmem>>, vector<1x128xf32>
    %get3A_2218 = vector.shape_cast %get3A_2217 : vector<1x128xf32> to vector<128xf32>
    %swap3A_2219 = arith.constant 138 : index
    %swap3A_2220 = arith.index_cast %multiple_of3A_2214 : i32 to index
    %swap3A_2221 = vector.load %arg3[%swap3A_2219, %swap3A_2220] : memref<256x8192xf32, #tpu.memory_space<vmem>>, vector<1x128xf32>
    %swap3A_2222 = vector.shape_cast %swap3A_2221 : vector<1x128xf32> to vector<128xf32>
    %swap3A_2223 = vector.shape_cast %get3A_2218 : vector<128xf32> to vector<1x128xf32>
    tpu.vector_store %arg3[%swap3A_2219, %swap3A_2220], %swap3A_2223 {strides = array<i32>} : memref<256x8192xf32, #tpu.memory_space<vmem>>, vector<1x128xf32>,
    %get3A_2224 = arith.constant 0 : index
    %get3A_2225 = arith.constant 0 : index
    %get3A_2226 = arith.constant 139 : index
    %get3A_2227 = memref.load %arg1[%get3A_2224, %get3A_2225, %get3A_2226] : memref<1x1x256xi32, #tpu.memory_space<smem>>
    %mul3A_2228 = arith.constant 128 : i32
    %mul3A_2229 = arith.muli %get3A_2227, %mul3A_2228 : i32
    %multiple_of3A_2230 = tpu.assume_multiple %mul3A_2229, 128 : i32
    %get3A_2231 = arith.constant 139 : index
    %get3A_2232 = arith.constant 0 : index
    %get3A_2233 = vector.load %arg2[%get3A_2231, %get3A_2232] : memref<256x128xf32, #tpu.memory_space<vmem>>, vector<1x128xf32>
    %get3A_2234 = vector.shape_cast %get3A_2233 : vector<1x128xf32> to vector<128xf32>
    %swap3A_2235 = arith.constant 139 : index
    %swap3A_2236 = arith.index_cast %multiple_of3A_2230 : i32 to index
    %swap3A_2237 = vector.load %arg3[%swap3A_2235, %swap3A_2236] : memref<256x8192xf32, #tpu.memory_space<vmem>>, vector<1x128xf32>
    %swap3A_2238 = vector.shape_cast %swap3A_2237 : vector<1x128xf32> to vector<128xf32>
    %swap3A_2239 = vector.shape_cast %get3A_2234 : vector<128xf32> to vector<1x128xf32>
    tpu.vector_store %arg3[%swap3A_2235, %swap3A_2236], %swap3A_2239 {strides = array<i32>} : memref<256x8192xf32, #tpu.memory_space<vmem>>, vector<1x128xf32>,
    %get3A_2240 = arith.constant 0 : index
    %get3A_2241 = arith.constant 0 : index
    %get3A_2242 = arith.constant 140 : index
    %get3A_2243 = memref.load %arg1[%get3A_2240, %get3A_2241, %get3A_2242] : memref<1x1x256xi32, #tpu.memory_space<smem>>
    %mul3A_2244 = arith.constant 128 : i32
    %mul3A_2245 = arith.muli %get3A_2243, %mul3A_2244 : i32
    %multiple_of3A_2246 = tpu.assume_multiple %mul3A_2245, 128 : i32
    %get3A_2247 = arith.constant 140 : index
    %get3A_2248 = arith.constant 0 : index
    %get3A_2249 = vector.load %arg2[%get3A_2247, %get3A_2248] : memref<256x128xf32, #tpu.memory_space<vmem>>, vector<1x128xf32>
    %get3A_2250 = vector.shape_cast %get3A_2249 : vector<1x128xf32> to vector<128xf32>
    %swap3A_2251 = arith.constant 140 : index
    %swap3A_2252 = arith.index_cast %multiple_of3A_2246 : i32 to index
    %swap3A_2253 = vector.load %arg3[%swap3A_2251, %swap3A_2252] : memref<256x8192xf32, #tpu.memory_space<vmem>>, vector<1x128xf32>
    %swap3A_2254 = vector.shape_cast %swap3A_2253 : vector<1x128xf32> to vector<128xf32>
    %swap3A_2255 = vector.shape_cast %get3A_2250 : vector<128xf32> to vector<1x128xf32>
    tpu.vector_store %arg3[%swap3A_2251, %swap3A_2252], %swap3A_2255 {strides = array<i32>} : memref<256x8192xf32, #tpu.memory_space<vmem>>, vector<1x128xf32>,
    %get3A_2256 = arith.constant 0 : index
    %get3A_2257 = arith.constant 0 : index
    %get3A_2258 = arith.constant 141 : index
    %get3A_2259 = memref.load %arg1[%get3A_2256, %get3A_2257, %get3A_2258] : memref<1x1x256xi32, #tpu.memory_space<smem>>
    %mul3A_2260 = arith.constant 128 : i32
    %mul3A_2261 = arith.muli %get3A_2259, %mul3A_2260 : i32
    %multiple_of3A_2262 = tpu.assume_multiple %mul3A_2261, 128 : i32
    %get3A_2263 = arith.constant 141 : index
    %get3A_2264 = arith.constant 0 : index
    %get3A_2265 = vector.load %arg2[%get3A_2263, %get3A_2264] : memref<256x128xf32, #tpu.memory_space<vmem>>, vector<1x128xf32>
    %get3A_2266 = vector.shape_cast %get3A_2265 : vector<1x128xf32> to vector<128xf32>
    %swap3A_2267 = arith.constant 141 : index
    %swap3A_2268 = arith.index_cast %multiple_of3A_2262 : i32 to index
    %swap3A_2269 = vector.load %arg3[%swap3A_2267, %swap3A_2268] : memref<256x8192xf32, #tpu.memory_space<vmem>>, vector<1x128xf32>
    %swap3A_2270 = vector.shape_cast %swap3A_2269 : vector<1x128xf32> to vector<128xf32>
    %swap3A_2271 = vector.shape_cast %get3A_2266 : vector<128xf32> to vector<1x128xf32>
    tpu.vector_store %arg3[%swap3A_2267, %swap3A_2268], %swap3A_2271 {strides = array<i32>} : memref<256x8192xf32, #tpu.memory_space<vmem>>, vector<1x128xf32>,
    %get3A_2272 = arith.constant 0 : index
    %get3A_2273 = arith.constant 0 : index
    %get3A_2274 = arith.constant 142 : index
    %get3A_2275 = memref.load %arg1[%get3A_2272, %get3A_2273, %get3A_2274] : memref<1x1x256xi32, #tpu.memory_space<smem>>
    %mul3A_2276 = arith.constant 128 : i32
    %mul3A_2277 = arith.muli %get3A_2275, %mul3A_2276 : i32
    %multiple_of3A_2278 = tpu.assume_multiple %mul3A_2277, 128 : i32
    %get3A_2279 = arith.constant 142 : index
    %get3A_2280 = arith.constant 0 : index
    %get3A_2281 = vector.load %arg2[%get3A_2279, %get3A_2280] : memref<256x128xf32, #tpu.memory_space<vmem>>, vector<1x128xf32>
    %get3A_2282 = vector.shape_cast %get3A_2281 : vector<1x128xf32> to vector<128xf32>
    %swap3A_2283 = arith.constant 142 : index
    %swap3A_2284 = arith.index_cast %multiple_of3A_2278 : i32 to index
    %swap3A_2285 = vector.load %arg3[%swap3A_2283, %swap3A_2284] : memref<256x8192xf32, #tpu.memory_space<vmem>>, vector<1x128xf32>
    %swap3A_2286 = vector.shape_cast %swap3A_2285 : vector<1x128xf32> to vector<128xf32>
    %swap3A_2287 = vector.shape_cast %get3A_2282 : vector<128xf32> to vector<1x128xf32>
    tpu.vector_store %arg3[%swap3A_2283, %swap3A_2284], %swap3A_2287 {strides = array<i32>} : memref<256x8192xf32, #tpu.memory_space<vmem>>, vector<1x128xf32>,
    %get3A_2288 = arith.constant 0 : index
    %get3A_2289 = arith.constant 0 : index
    %get3A_2290 = arith.constant 143 : index
    %get3A_2291 = memref.load %arg1[%get3A_2288, %get3A_2289, %get3A_2290] : memref<1x1x256xi32, #tpu.memory_space<smem>>
    %mul3A_2292 = arith.constant 128 : i32
    %mul3A_2293 = arith.muli %get3A_2291, %mul3A_2292 : i32
    %multiple_of3A_2294 = tpu.assume_multiple %mul3A_2293, 128 : i32
    %get3A_2295 = arith.constant 143 : index
    %get3A_2296 = arith.constant 0 : index
    %get3A_2297 = vector.load %arg2[%get3A_2295, %get3A_2296] : memref<256x128xf32, #tpu.memory_space<vmem>>, vector<1x128xf32>
    %get3A_2298 = vector.shape_cast %get3A_2297 : vector<1x128xf32> to vector<128xf32>
    %swap3A_2299 = arith.constant 143 : index
    %swap3A_2300 = arith.index_cast %multiple_of3A_2294 : i32 to index
    %swap3A_2301 = vector.load %arg3[%swap3A_2299, %swap3A_2300] : memref<256x8192xf32, #tpu.memory_space<vmem>>, vector<1x128xf32>
    %swap3A_2302 = vector.shape_cast %swap3A_2301 : vector<1x128xf32> to vector<128xf32>
    %swap3A_2303 = vector.shape_cast %get3A_2298 : vector<128xf32> to vector<1x128xf32>
    tpu.vector_store %arg3[%swap3A_2299, %swap3A_2300], %swap3A_2303 {strides = array<i32>} : memref<256x8192xf32, #tpu.memory_space<vmem>>, vector<1x128xf32>,
    %get3A_2304 = arith.constant 0 : index
    %get3A_2305 = arith.constant 0 : index
    %get3A_2306 = arith.constant 144 : index
    %get3A_2307 = memref.load %arg1[%get3A_2304, %get3A_2305, %get3A_2306] : memref<1x1x256xi32, #tpu.memory_space<smem>>
    %mul3A_2308 = arith.constant 128 : i32
    %mul3A_2309 = arith.muli %get3A_2307, %mul3A_2308 : i32
    %multiple_of3A_2310 = tpu.assume_multiple %mul3A_2309, 128 : i32
    %get3A_2311 = arith.constant 144 : index
    %get3A_2312 = arith.constant 0 : index
    %get3A_2313 = vector.load %arg2[%get3A_2311, %get3A_2312] : memref<256x128xf32, #tpu.memory_space<vmem>>, vector<1x128xf32>
    %get3A_2314 = vector.shape_cast %get3A_2313 : vector<1x128xf32> to vector<128xf32>
    %swap3A_2315 = arith.constant 144 : index
    %swap3A_2316 = arith.index_cast %multiple_of3A_2310 : i32 to index
    %swap3A_2317 = vector.load %arg3[%swap3A_2315, %swap3A_2316] : memref<256x8192xf32, #tpu.memory_space<vmem>>, vector<1x128xf32>
    %swap3A_2318 = vector.shape_cast %swap3A_2317 : vector<1x128xf32> to vector<128xf32>
    %swap3A_2319 = vector.shape_cast %get3A_2314 : vector<128xf32> to vector<1x128xf32>
    tpu.vector_store %arg3[%swap3A_2315, %swap3A_2316], %swap3A_2319 {strides = array<i32>} : memref<256x8192xf32, #tpu.memory_space<vmem>>, vector<1x128xf32>,
    %get3A_2320 = arith.constant 0 : index
    %get3A_2321 = arith.constant 0 : index
    %get3A_2322 = arith.constant 145 : index
    %get3A_2323 = memref.load %arg1[%get3A_2320, %get3A_2321, %get3A_2322] : memref<1x1x256xi32, #tpu.memory_space<smem>>
    %mul3A_2324 = arith.constant 128 : i32
    %mul3A_2325 = arith.muli %get3A_2323, %mul3A_2324 : i32
    %multiple_of3A_2326 = tpu.assume_multiple %mul3A_2325, 128 : i32
    %get3A_2327 = arith.constant 145 : index
    %get3A_2328 = arith.constant 0 : index
    %get3A_2329 = vector.load %arg2[%get3A_2327, %get3A_2328] : memref<256x128xf32, #tpu.memory_space<vmem>>, vector<1x128xf32>
    %get3A_2330 = vector.shape_cast %get3A_2329 : vector<1x128xf32> to vector<128xf32>
    %swap3A_2331 = arith.constant 145 : index
    %swap3A_2332 = arith.index_cast %multiple_of3A_2326 : i32 to index
    %swap3A_2333 = vector.load %arg3[%swap3A_2331, %swap3A_2332] : memref<256x8192xf32, #tpu.memory_space<vmem>>, vector<1x128xf32>
    %swap3A_2334 = vector.shape_cast %swap3A_2333 : vector<1x128xf32> to vector<128xf32>
    %swap3A_2335 = vector.shape_cast %get3A_2330 : vector<128xf32> to vector<1x128xf32>
    tpu.vector_store %arg3[%swap3A_2331, %swap3A_2332], %swap3A_2335 {strides = array<i32>} : memref<256x8192xf32, #tpu.memory_space<vmem>>, vector<1x128xf32>,
    %get3A_2336 = arith.constant 0 : index
    %get3A_2337 = arith.constant 0 : index
    %get3A_2338 = arith.constant 146 : index
    %get3A_2339 = memref.load %arg1[%get3A_2336, %get3A_2337, %get3A_2338] : memref<1x1x256xi32, #tpu.memory_space<smem>>
    %mul3A_2340 = arith.constant 128 : i32
    %mul3A_2341 = arith.muli %get3A_2339, %mul3A_2340 : i32
    %multiple_of3A_2342 = tpu.assume_multiple %mul3A_2341, 128 : i32
    %get3A_2343 = arith.constant 146 : index
    %get3A_2344 = arith.constant 0 : index
    %get3A_2345 = vector.load %arg2[%get3A_2343, %get3A_2344] : memref<256x128xf32, #tpu.memory_space<vmem>>, vector<1x128xf32>
    %get3A_2346 = vector.shape_cast %get3A_2345 : vector<1x128xf32> to vector<128xf32>
    %swap3A_2347 = arith.constant 146 : index
    %swap3A_2348 = arith.index_cast %multiple_of3A_2342 : i32 to index
    %swap3A_2349 = vector.load %arg3[%swap3A_2347, %swap3A_2348] : memref<256x8192xf32, #tpu.memory_space<vmem>>, vector<1x128xf32>
    %swap3A_2350 = vector.shape_cast %swap3A_2349 : vector<1x128xf32> to vector<128xf32>
    %swap3A_2351 = vector.shape_cast %get3A_2346 : vector<128xf32> to vector<1x128xf32>
    tpu.vector_store %arg3[%swap3A_2347, %swap3A_2348], %swap3A_2351 {strides = array<i32>} : memref<256x8192xf32, #tpu.memory_space<vmem>>, vector<1x128xf32>,
    %get3A_2352 = arith.constant 0 : index
    %get3A_2353 = arith.constant 0 : index
    %get3A_2354 = arith.constant 147 : index
    %get3A_2355 = memref.load %arg1[%get3A_2352, %get3A_2353, %get3A_2354] : memref<1x1x256xi32, #tpu.memory_space<smem>>
    %mul3A_2356 = arith.constant 128 : i32
    %mul3A_2357 = arith.muli %get3A_2355, %mul3A_2356 : i32
    %multiple_of3A_2358 = tpu.assume_multiple %mul3A_2357, 128 : i32
    %get3A_2359 = arith.constant 147 : index
    %get3A_2360 = arith.constant 0 : index
    %get3A_2361 = vector.load %arg2[%get3A_2359, %get3A_2360] : memref<256x128xf32, #tpu.memory_space<vmem>>, vector<1x128xf32>
    %get3A_2362 = vector.shape_cast %get3A_2361 : vector<1x128xf32> to vector<128xf32>
    %swap3A_2363 = arith.constant 147 : index
    %swap3A_2364 = arith.index_cast %multiple_of3A_2358 : i32 to index
    %swap3A_2365 = vector.load %arg3[%swap3A_2363, %swap3A_2364] : memref<256x8192xf32, #tpu.memory_space<vmem>>, vector<1x128xf32>
    %swap3A_2366 = vector.shape_cast %swap3A_2365 : vector<1x128xf32> to vector<128xf32>
    %swap3A_2367 = vector.shape_cast %get3A_2362 : vector<128xf32> to vector<1x128xf32>
    tpu.vector_store %arg3[%swap3A_2363, %swap3A_2364], %swap3A_2367 {strides = array<i32>} : memref<256x8192xf32, #tpu.memory_space<vmem>>, vector<1x128xf32>,
    %get3A_2368 = arith.constant 0 : index
    %get3A_2369 = arith.constant 0 : index
    %get3A_2370 = arith.constant 148 : index
    %get3A_2371 = memref.load %arg1[%get3A_2368, %get3A_2369, %get3A_2370] : memref<1x1x256xi32, #tpu.memory_space<smem>>
    %mul3A_2372 = arith.constant 128 : i32
    %mul3A_2373 = arith.muli %get3A_2371, %mul3A_2372 : i32
    %multiple_of3A_2374 = tpu.assume_multiple %mul3A_2373, 128 : i32
    %get3A_2375 = arith.constant 148 : index
    %get3A_2376 = arith.constant 0 : index
    %get3A_2377 = vector.load %arg2[%get3A_2375, %get3A_2376] : memref<256x128xf32, #tpu.memory_space<vmem>>, vector<1x128xf32>
    %get3A_2378 = vector.shape_cast %get3A_2377 : vector<1x128xf32> to vector<128xf32>
    %swap3A_2379 = arith.constant 148 : index
    %swap3A_2380 = arith.index_cast %multiple_of3A_2374 : i32 to index
    %swap3A_2381 = vector.load %arg3[%swap3A_2379, %swap3A_2380] : memref<256x8192xf32, #tpu.memory_space<vmem>>, vector<1x128xf32>
    %swap3A_2382 = vector.shape_cast %swap3A_2381 : vector<1x128xf32> to vector<128xf32>
    %swap3A_2383 = vector.shape_cast %get3A_2378 : vector<128xf32> to vector<1x128xf32>
    tpu.vector_store %arg3[%swap3A_2379, %swap3A_2380], %swap3A_2383 {strides = array<i32>} : memref<256x8192xf32, #tpu.memory_space<vmem>>, vector<1x128xf32>,
    %get3A_2384 = arith.constant 0 : index
    %get3A_2385 = arith.constant 0 : index
    %get3A_2386 = arith.constant 149 : index
    %get3A_2387 = memref.load %arg1[%get3A_2384, %get3A_2385, %get3A_2386] : memref<1x1x256xi32, #tpu.memory_space<smem>>
    %mul3A_2388 = arith.constant 128 : i32
    %mul3A_2389 = arith.muli %get3A_2387, %mul3A_2388 : i32
    %multiple_of3A_2390 = tpu.assume_multiple %mul3A_2389, 128 : i32
    %get3A_2391 = arith.constant 149 : index
    %get3A_2392 = arith.constant 0 : index
    %get3A_2393 = vector.load %arg2[%get3A_2391, %get3A_2392] : memref<256x128xf32, #tpu.memory_space<vmem>>, vector<1x128xf32>
    %get3A_2394 = vector.shape_cast %get3A_2393 : vector<1x128xf32> to vector<128xf32>
    %swap3A_2395 = arith.constant 149 : index
    %swap3A_2396 = arith.index_cast %multiple_of3A_2390 : i32 to index
    %swap3A_2397 = vector.load %arg3[%swap3A_2395, %swap3A_2396] : memref<256x8192xf32, #tpu.memory_space<vmem>>, vector<1x128xf32>
    %swap3A_2398 = vector.shape_cast %swap3A_2397 : vector<1x128xf32> to vector<128xf32>
    %swap3A_2399 = vector.shape_cast %get3A_2394 : vector<128xf32> to vector<1x128xf32>
    tpu.vector_store %arg3[%swap3A_2395, %swap3A_2396], %swap3A_2399 {strides = array<i32>} : memref<256x8192xf32, #tpu.memory_space<vmem>>, vector<1x128xf32>,
    %get3A_2400 = arith.constant 0 : index
    %get3A_2401 = arith.constant 0 : index
    %get3A_2402 = arith.constant 150 : index
    %get3A_2403 = memref.load %arg1[%get3A_2400, %get3A_2401, %get3A_2402] : memref<1x1x256xi32, #tpu.memory_space<smem>>
    %mul3A_2404 = arith.constant 128 : i32
    %mul3A_2405 = arith.muli %get3A_2403, %mul3A_2404 : i32
    %multiple_of3A_2406 = tpu.assume_multiple %mul3A_2405, 128 : i32
    %get3A_2407 = arith.constant 150 : index
    %get3A_2408 = arith.constant 0 : index
    %get3A_2409 = vector.load %arg2[%get3A_2407, %get3A_2408] : memref<256x128xf32, #tpu.memory_space<vmem>>, vector<1x128xf32>
    %get3A_2410 = vector.shape_cast %get3A_2409 : vector<1x128xf32> to vector<128xf32>
    %swap3A_2411 = arith.constant 150 : index
    %swap3A_2412 = arith.index_cast %multiple_of3A_2406 : i32 to index
    %swap3A_2413 = vector.load %arg3[%swap3A_2411, %swap3A_2412] : memref<256x8192xf32, #tpu.memory_space<vmem>>, vector<1x128xf32>
    %swap3A_2414 = vector.shape_cast %swap3A_2413 : vector<1x128xf32> to vector<128xf32>
    %swap3A_2415 = vector.shape_cast %get3A_2410 : vector<128xf32> to vector<1x128xf32>
    tpu.vector_store %arg3[%swap3A_2411, %swap3A_2412], %swap3A_2415 {strides = array<i32>} : memref<256x8192xf32, #tpu.memory_space<vmem>>, vector<1x128xf32>,
    %get3A_2416 = arith.constant 0 : index
    %get3A_2417 = arith.constant 0 : index
    %get3A_2418 = arith.constant 151 : index
    %get3A_2419 = memref.load %arg1[%get3A_2416, %get3A_2417, %get3A_2418] : memref<1x1x256xi32, #tpu.memory_space<smem>>
    %mul3A_2420 = arith.constant 128 : i32
    %mul3A_2421 = arith.muli %get3A_2419, %mul3A_2420 : i32
    %multiple_of3A_2422 = tpu.assume_multiple %mul3A_2421, 128 : i32
    %get3A_2423 = arith.constant 151 : index
    %get3A_2424 = arith.constant 0 : index
    %get3A_2425 = vector.load %arg2[%get3A_2423, %get3A_2424] : memref<256x128xf32, #tpu.memory_space<vmem>>, vector<1x128xf32>
    %get3A_2426 = vector.shape_cast %get3A_2425 : vector<1x128xf32> to vector<128xf32>
    %swap3A_2427 = arith.constant 151 : index
    %swap3A_2428 = arith.index_cast %multiple_of3A_2422 : i32 to index
    %swap3A_2429 = vector.load %arg3[%swap3A_2427, %swap3A_2428] : memref<256x8192xf32, #tpu.memory_space<vmem>>, vector<1x128xf32>
    %swap3A_2430 = vector.shape_cast %swap3A_2429 : vector<1x128xf32> to vector<128xf32>
    %swap3A_2431 = vector.shape_cast %get3A_2426 : vector<128xf32> to vector<1x128xf32>
    tpu.vector_store %arg3[%swap3A_2427, %swap3A_2428], %swap3A_2431 {strides = array<i32>} : memref<256x8192xf32, #tpu.memory_space<vmem>>, vector<1x128xf32>,
    %get3A_2432 = arith.constant 0 : index
    %get3A_2433 = arith.constant 0 : index
    %get3A_2434 = arith.constant 152 : index
    %get3A_2435 = memref.load %arg1[%get3A_2432, %get3A_2433, %get3A_2434] : memref<1x1x256xi32, #tpu.memory_space<smem>>
    %mul3A_2436 = arith.constant 128 : i32
    %mul3A_2437 = arith.muli %get3A_2435, %mul3A_2436 : i32
    %multiple_of3A_2438 = tpu.assume_multiple %mul3A_2437, 128 : i32
    %get3A_2439 = arith.constant 152 : index
    %get3A_2440 = arith.constant 0 : index
    %get3A_2441 = vector.load %arg2[%get3A_2439, %get3A_2440] : memref<256x128xf32, #tpu.memory_space<vmem>>, vector<1x128xf32>
    %get3A_2442 = vector.shape_cast %get3A_2441 : vector<1x128xf32> to vector<128xf32>
    %swap3A_2443 = arith.constant 152 : index
    %swap3A_2444 = arith.index_cast %multiple_of3A_2438 : i32 to index
    %swap3A_2445 = vector.load %arg3[%swap3A_2443, %swap3A_2444] : memref<256x8192xf32, #tpu.memory_space<vmem>>, vector<1x128xf32>
    %swap3A_2446 = vector.shape_cast %swap3A_2445 : vector<1x128xf32> to vector<128xf32>
    %swap3A_2447 = vector.shape_cast %get3A_2442 : vector<128xf32> to vector<1x128xf32>
    tpu.vector_store %arg3[%swap3A_2443, %swap3A_2444], %swap3A_2447 {strides = array<i32>} : memref<256x8192xf32, #tpu.memory_space<vmem>>, vector<1x128xf32>,
    %get3A_2448 = arith.constant 0 : index
    %get3A_2449 = arith.constant 0 : index
    %get3A_2450 = arith.constant 153 : index
    %get3A_2451 = memref.load %arg1[%get3A_2448, %get3A_2449, %get3A_2450] : memref<1x1x256xi32, #tpu.memory_space<smem>>
    %mul3A_2452 = arith.constant 128 : i32
    %mul3A_2453 = arith.muli %get3A_2451, %mul3A_2452 : i32
    %multiple_of3A_2454 = tpu.assume_multiple %mul3A_2453, 128 : i32
    %get3A_2455 = arith.constant 153 : index
    %get3A_2456 = arith.constant 0 : index
    %get3A_2457 = vector.load %arg2[%get3A_2455, %get3A_2456] : memref<256x128xf32, #tpu.memory_space<vmem>>, vector<1x128xf32>
    %get3A_2458 = vector.shape_cast %get3A_2457 : vector<1x128xf32> to vector<128xf32>
    %swap3A_2459 = arith.constant 153 : index
    %swap3A_2460 = arith.index_cast %multiple_of3A_2454 : i32 to index
    %swap3A_2461 = vector.load %arg3[%swap3A_2459, %swap3A_2460] : memref<256x8192xf32, #tpu.memory_space<vmem>>, vector<1x128xf32>
    %swap3A_2462 = vector.shape_cast %swap3A_2461 : vector<1x128xf32> to vector<128xf32>
    %swap3A_2463 = vector.shape_cast %get3A_2458 : vector<128xf32> to vector<1x128xf32>
    tpu.vector_store %arg3[%swap3A_2459, %swap3A_2460], %swap3A_2463 {strides = array<i32>} : memref<256x8192xf32, #tpu.memory_space<vmem>>, vector<1x128xf32>,
    %get3A_2464 = arith.constant 0 : index
    %get3A_2465 = arith.constant 0 : index
    %get3A_2466 = arith.constant 154 : index
    %get3A_2467 = memref.load %arg1[%get3A_2464, %get3A_2465, %get3A_2466] : memref<1x1x256xi32, #tpu.memory_space<smem>>
    %mul3A_2468 = arith.constant 128 : i32
    %mul3A_2469 = arith.muli %get3A_2467, %mul3A_2468 : i32
    %multiple_of3A_2470 = tpu.assume_multiple %mul3A_2469, 128 : i32
    %get3A_2471 = arith.constant 154 : index
    %get3A_2472 = arith.constant 0 : index
    %get3A_2473 = vector.load %arg2[%get3A_2471, %get3A_2472] : memref<256x128xf32, #tpu.memory_space<vmem>>, vector<1x128xf32>
    %get3A_2474 = vector.shape_cast %get3A_2473 : vector<1x128xf32> to vector<128xf32>
    %swap3A_2475 = arith.constant 154 : index
    %swap3A_2476 = arith.index_cast %multiple_of3A_2470 : i32 to index
    %swap3A_2477 = vector.load %arg3[%swap3A_2475, %swap3A_2476] : memref<256x8192xf32, #tpu.memory_space<vmem>>, vector<1x128xf32>
    %swap3A_2478 = vector.shape_cast %swap3A_2477 : vector<1x128xf32> to vector<128xf32>
    %swap3A_2479 = vector.shape_cast %get3A_2474 : vector<128xf32> to vector<1x128xf32>
    tpu.vector_store %arg3[%swap3A_2475, %swap3A_2476], %swap3A_2479 {strides = array<i32>} : memref<256x8192xf32, #tpu.memory_space<vmem>>, vector<1x128xf32>,
    %get3A_2480 = arith.constant 0 : index
    %get3A_2481 = arith.constant 0 : index
    %get3A_2482 = arith.constant 155 : index
    %get3A_2483 = memref.load %arg1[%get3A_2480, %get3A_2481, %get3A_2482] : memref<1x1x256xi32, #tpu.memory_space<smem>>
    %mul3A_2484 = arith.constant 128 : i32
    %mul3A_2485 = arith.muli %get3A_2483, %mul3A_2484 : i32
    %multiple_of3A_2486 = tpu.assume_multiple %mul3A_2485, 128 : i32
    %get3A_2487 = arith.constant 155 : index
    %get3A_2488 = arith.constant 0 : index
    %get3A_2489 = vector.load %arg2[%get3A_2487, %get3A_2488] : memref<256x128xf32, #tpu.memory_space<vmem>>, vector<1x128xf32>
    %get3A_2490 = vector.shape_cast %get3A_2489 : vector<1x128xf32> to vector<128xf32>
    %swap3A_2491 = arith.constant 155 : index
    %swap3A_2492 = arith.index_cast %multiple_of3A_2486 : i32 to index
    %swap3A_2493 = vector.load %arg3[%swap3A_2491, %swap3A_2492] : memref<256x8192xf32, #tpu.memory_space<vmem>>, vector<1x128xf32>
    %swap3A_2494 = vector.shape_cast %swap3A_2493 : vector<1x128xf32> to vector<128xf32>
    %swap3A_2495 = vector.shape_cast %get3A_2490 : vector<128xf32> to vector<1x128xf32>
    tpu.vector_store %arg3[%swap3A_2491, %swap3A_2492], %swap3A_2495 {strides = array<i32>} : memref<256x8192xf32, #tpu.memory_space<vmem>>, vector<1x128xf32>,
    %get3A_2496 = arith.constant 0 : index
    %get3A_2497 = arith.constant 0 : index
    %get3A_2498 = arith.constant 156 : index
    %get3A_2499 = memref.load %arg1[%get3A_2496, %get3A_2497, %get3A_2498] : memref<1x1x256xi32, #tpu.memory_space<smem>>
    %mul3A_2500 = arith.constant 128 : i32
    %mul3A_2501 = arith.muli %get3A_2499, %mul3A_2500 : i32
    %multiple_of3A_2502 = tpu.assume_multiple %mul3A_2501, 128 : i32
    %get3A_2503 = arith.constant 156 : index
    %get3A_2504 = arith.constant 0 : index
    %get3A_2505 = vector.load %arg2[%get3A_2503, %get3A_2504] : memref<256x128xf32, #tpu.memory_space<vmem>>, vector<1x128xf32>
    %get3A_2506 = vector.shape_cast %get3A_2505 : vector<1x128xf32> to vector<128xf32>
    %swap3A_2507 = arith.constant 156 : index
    %swap3A_2508 = arith.index_cast %multiple_of3A_2502 : i32 to index
    %swap3A_2509 = vector.load %arg3[%swap3A_2507, %swap3A_2508] : memref<256x8192xf32, #tpu.memory_space<vmem>>, vector<1x128xf32>
    %swap3A_2510 = vector.shape_cast %swap3A_2509 : vector<1x128xf32> to vector<128xf32>
    %swap3A_2511 = vector.shape_cast %get3A_2506 : vector<128xf32> to vector<1x128xf32>
    tpu.vector_store %arg3[%swap3A_2507, %swap3A_2508], %swap3A_2511 {strides = array<i32>} : memref<256x8192xf32, #tpu.memory_space<vmem>>, vector<1x128xf32>,
    %get3A_2512 = arith.constant 0 : index
    %get3A_2513 = arith.constant 0 : index
    %get3A_2514 = arith.constant 157 : index
    %get3A_2515 = memref.load %arg1[%get3A_2512, %get3A_2513, %get3A_2514] : memref<1x1x256xi32, #tpu.memory_space<smem>>
    %mul3A_2516 = arith.constant 128 : i32
    %mul3A_2517 = arith.muli %get3A_2515, %mul3A_2516 : i32
    %multiple_of3A_2518 = tpu.assume_multiple %mul3A_2517, 128 : i32
    %get3A_2519 = arith.constant 157 : index
    %get3A_2520 = arith.constant 0 : index
    %get3A_2521 = vector.load %arg2[%get3A_2519, %get3A_2520] : memref<256x128xf32, #tpu.memory_space<vmem>>, vector<1x128xf32>
    %get3A_2522 = vector.shape_cast %get3A_2521 : vector<1x128xf32> to vector<128xf32>
    %swap3A_2523 = arith.constant 157 : index
    %swap3A_2524 = arith.index_cast %multiple_of3A_2518 : i32 to index
    %swap3A_2525 = vector.load %arg3[%swap3A_2523, %swap3A_2524] : memref<256x8192xf32, #tpu.memory_space<vmem>>, vector<1x128xf32>
    %swap3A_2526 = vector.shape_cast %swap3A_2525 : vector<1x128xf32> to vector<128xf32>
    %swap3A_2527 = vector.shape_cast %get3A_2522 : vector<128xf32> to vector<1x128xf32>
    tpu.vector_store %arg3[%swap3A_2523, %swap3A_2524], %swap3A_2527 {strides = array<i32>} : memref<256x8192xf32, #tpu.memory_space<vmem>>, vector<1x128xf32>,
    %get3A_2528 = arith.constant 0 : index
    %get3A_2529 = arith.constant 0 : index
    %get3A_2530 = arith.constant 158 : index
    %get3A_2531 = memref.load %arg1[%get3A_2528, %get3A_2529, %get3A_2530] : memref<1x1x256xi32, #tpu.memory_space<smem>>
    %mul3A_2532 = arith.constant 128 : i32
    %mul3A_2533 = arith.muli %get3A_2531, %mul3A_2532 : i32
    %multiple_of3A_2534 = tpu.assume_multiple %mul3A_2533, 128 : i32
    %get3A_2535 = arith.constant 158 : index
    %get3A_2536 = arith.constant 0 : index
    %get3A_2537 = vector.load %arg2[%get3A_2535, %get3A_2536] : memref<256x128xf32, #tpu.memory_space<vmem>>, vector<1x128xf32>
    %get3A_2538 = vector.shape_cast %get3A_2537 : vector<1x128xf32> to vector<128xf32>
    %swap3A_2539 = arith.constant 158 : index
    %swap3A_2540 = arith.index_cast %multiple_of3A_2534 : i32 to index
    %swap3A_2541 = vector.load %arg3[%swap3A_2539, %swap3A_2540] : memref<256x8192xf32, #tpu.memory_space<vmem>>, vector<1x128xf32>
    %swap3A_2542 = vector.shape_cast %swap3A_2541 : vector<1x128xf32> to vector<128xf32>
    %swap3A_2543 = vector.shape_cast %get3A_2538 : vector<128xf32> to vector<1x128xf32>
    tpu.vector_store %arg3[%swap3A_2539, %swap3A_2540], %swap3A_2543 {strides = array<i32>} : memref<256x8192xf32, #tpu.memory_space<vmem>>, vector<1x128xf32>,
    %get3A_2544 = arith.constant 0 : index
    %get3A_2545 = arith.constant 0 : index
    %get3A_2546 = arith.constant 159 : index
    %get3A_2547 = memref.load %arg1[%get3A_2544, %get3A_2545, %get3A_2546] : memref<1x1x256xi32, #tpu.memory_space<smem>>
    %mul3A_2548 = arith.constant 128 : i32
    %mul3A_2549 = arith.muli %get3A_2547, %mul3A_2548 : i32
    %multiple_of3A_2550 = tpu.assume_multiple %mul3A_2549, 128 : i32
    %get3A_2551 = arith.constant 159 : index
    %get3A_2552 = arith.constant 0 : index
    %get3A_2553 = vector.load %arg2[%get3A_2551, %get3A_2552] : memref<256x128xf32, #tpu.memory_space<vmem>>, vector<1x128xf32>
    %get3A_2554 = vector.shape_cast %get3A_2553 : vector<1x128xf32> to vector<128xf32>
    %swap3A_2555 = arith.constant 159 : index
    %swap3A_2556 = arith.index_cast %multiple_of3A_2550 : i32 to index
    %swap3A_2557 = vector.load %arg3[%swap3A_2555, %swap3A_2556] : memref<256x8192xf32, #tpu.memory_space<vmem>>, vector<1x128xf32>
    %swap3A_2558 = vector.shape_cast %swap3A_2557 : vector<1x128xf32> to vector<128xf32>
    %swap3A_2559 = vector.shape_cast %get3A_2554 : vector<128xf32> to vector<1x128xf32>
    tpu.vector_store %arg3[%swap3A_2555, %swap3A_2556], %swap3A_2559 {strides = array<i32>} : memref<256x8192xf32, #tpu.memory_space<vmem>>, vector<1x128xf32>,
    %get3A_2560 = arith.constant 0 : index
    %get3A_2561 = arith.constant 0 : index
    %get3A_2562 = arith.constant 160 : index
    %get3A_2563 = memref.load %arg1[%get3A_2560, %get3A_2561, %get3A_2562] : memref<1x1x256xi32, #tpu.memory_space<smem>>
    %mul3A_2564 = arith.constant 128 : i32
    %mul3A_2565 = arith.muli %get3A_2563, %mul3A_2564 : i32
    %multiple_of3A_2566 = tpu.assume_multiple %mul3A_2565, 128 : i32
    %get3A_2567 = arith.constant 160 : index
    %get3A_2568 = arith.constant 0 : index
    %get3A_2569 = vector.load %arg2[%get3A_2567, %get3A_2568] : memref<256x128xf32, #tpu.memory_space<vmem>>, vector<1x128xf32>
    %get3A_2570 = vector.shape_cast %get3A_2569 : vector<1x128xf32> to vector<128xf32>
    %swap3A_2571 = arith.constant 160 : index
    %swap3A_2572 = arith.index_cast %multiple_of3A_2566 : i32 to index
    %swap3A_2573 = vector.load %arg3[%swap3A_2571, %swap3A_2572] : memref<256x8192xf32, #tpu.memory_space<vmem>>, vector<1x128xf32>
    %swap3A_2574 = vector.shape_cast %swap3A_2573 : vector<1x128xf32> to vector<128xf32>
    %swap3A_2575 = vector.shape_cast %get3A_2570 : vector<128xf32> to vector<1x128xf32>
    tpu.vector_store %arg3[%swap3A_2571, %swap3A_2572], %swap3A_2575 {strides = array<i32>} : memref<256x8192xf32, #tpu.memory_space<vmem>>, vector<1x128xf32>,
    %get3A_2576 = arith.constant 0 : index
    %get3A_2577 = arith.constant 0 : index
    %get3A_2578 = arith.constant 161 : index
    %get3A_2579 = memref.load %arg1[%get3A_2576, %get3A_2577, %get3A_2578] : memref<1x1x256xi32, #tpu.memory_space<smem>>
    %mul3A_2580 = arith.constant 128 : i32
    %mul3A_2581 = arith.muli %get3A_2579, %mul3A_2580 : i32
    %multiple_of3A_2582 = tpu.assume_multiple %mul3A_2581, 128 : i32
    %get3A_2583 = arith.constant 161 : index
    %get3A_2584 = arith.constant 0 : index
    %get3A_2585 = vector.load %arg2[%get3A_2583, %get3A_2584] : memref<256x128xf32, #tpu.memory_space<vmem>>, vector<1x128xf32>
    %get3A_2586 = vector.shape_cast %get3A_2585 : vector<1x128xf32> to vector<128xf32>
    %swap3A_2587 = arith.constant 161 : index
    %swap3A_2588 = arith.index_cast %multiple_of3A_2582 : i32 to index
    %swap3A_2589 = vector.load %arg3[%swap3A_2587, %swap3A_2588] : memref<256x8192xf32, #tpu.memory_space<vmem>>, vector<1x128xf32>
    %swap3A_2590 = vector.shape_cast %swap3A_2589 : vector<1x128xf32> to vector<128xf32>
    %swap3A_2591 = vector.shape_cast %get3A_2586 : vector<128xf32> to vector<1x128xf32>
    tpu.vector_store %arg3[%swap3A_2587, %swap3A_2588], %swap3A_2591 {strides = array<i32>} : memref<256x8192xf32, #tpu.memory_space<vmem>>, vector<1x128xf32>,
    %get3A_2592 = arith.constant 0 : index
    %get3A_2593 = arith.constant 0 : index
    %get3A_2594 = arith.constant 162 : index
    %get3A_2595 = memref.load %arg1[%get3A_2592, %get3A_2593, %get3A_2594] : memref<1x1x256xi32, #tpu.memory_space<smem>>
    %mul3A_2596 = arith.constant 128 : i32
    %mul3A_2597 = arith.muli %get3A_2595, %mul3A_2596 : i32
    %multiple_of3A_2598 = tpu.assume_multiple %mul3A_2597, 128 : i32
    %get3A_2599 = arith.constant 162 : index
    %get3A_2600 = arith.constant 0 : index
    %get3A_2601 = vector.load %arg2[%get3A_2599, %get3A_2600] : memref<256x128xf32, #tpu.memory_space<vmem>>, vector<1x128xf32>
    %get3A_2602 = vector.shape_cast %get3A_2601 : vector<1x128xf32> to vector<128xf32>
    %swap3A_2603 = arith.constant 162 : index
    %swap3A_2604 = arith.index_cast %multiple_of3A_2598 : i32 to index
    %swap3A_2605 = vector.load %arg3[%swap3A_2603, %swap3A_2604] : memref<256x8192xf32, #tpu.memory_space<vmem>>, vector<1x128xf32>
    %swap3A_2606 = vector.shape_cast %swap3A_2605 : vector<1x128xf32> to vector<128xf32>
    %swap3A_2607 = vector.shape_cast %get3A_2602 : vector<128xf32> to vector<1x128xf32>
    tpu.vector_store %arg3[%swap3A_2603, %swap3A_2604], %swap3A_2607 {strides = array<i32>} : memref<256x8192xf32, #tpu.memory_space<vmem>>, vector<1x128xf32>,
    %get3A_2608 = arith.constant 0 : index
    %get3A_2609 = arith.constant 0 : index
    %get3A_2610 = arith.constant 163 : index
    %get3A_2611 = memref.load %arg1[%get3A_2608, %get3A_2609, %get3A_2610] : memref<1x1x256xi32, #tpu.memory_space<smem>>
    %mul3A_2612 = arith.constant 128 : i32
    %mul3A_2613 = arith.muli %get3A_2611, %mul3A_2612 : i32
    %multiple_of3A_2614 = tpu.assume_multiple %mul3A_2613, 128 : i32
    %get3A_2615 = arith.constant 163 : index
    %get3A_2616 = arith.constant 0 : index
    %get3A_2617 = vector.load %arg2[%get3A_2615, %get3A_2616] : memref<256x128xf32, #tpu.memory_space<vmem>>, vector<1x128xf32>
    %get3A_2618 = vector.shape_cast %get3A_2617 : vector<1x128xf32> to vector<128xf32>
    %swap3A_2619 = arith.constant 163 : index
    %swap3A_2620 = arith.index_cast %multiple_of3A_2614 : i32 to index
    %swap3A_2621 = vector.load %arg3[%swap3A_2619, %swap3A_2620] : memref<256x8192xf32, #tpu.memory_space<vmem>>, vector<1x128xf32>
    %swap3A_2622 = vector.shape_cast %swap3A_2621 : vector<1x128xf32> to vector<128xf32>
    %swap3A_2623 = vector.shape_cast %get3A_2618 : vector<128xf32> to vector<1x128xf32>
    tpu.vector_store %arg3[%swap3A_2619, %swap3A_2620], %swap3A_2623 {strides = array<i32>} : memref<256x8192xf32, #tpu.memory_space<vmem>>, vector<1x128xf32>,
    %get3A_2624 = arith.constant 0 : index
    %get3A_2625 = arith.constant 0 : index
    %get3A_2626 = arith.constant 164 : index
    %get3A_2627 = memref.load %arg1[%get3A_2624, %get3A_2625, %get3A_2626] : memref<1x1x256xi32, #tpu.memory_space<smem>>
    %mul3A_2628 = arith.constant 128 : i32
    %mul3A_2629 = arith.muli %get3A_2627, %mul3A_2628 : i32
    %multiple_of3A_2630 = tpu.assume_multiple %mul3A_2629, 128 : i32
    %get3A_2631 = arith.constant 164 : index
    %get3A_2632 = arith.constant 0 : index
    %get3A_2633 = vector.load %arg2[%get3A_2631, %get3A_2632] : memref<256x128xf32, #tpu.memory_space<vmem>>, vector<1x128xf32>
    %get3A_2634 = vector.shape_cast %get3A_2633 : vector<1x128xf32> to vector<128xf32>
    %swap3A_2635 = arith.constant 164 : index
    %swap3A_2636 = arith.index_cast %multiple_of3A_2630 : i32 to index
    %swap3A_2637 = vector.load %arg3[%swap3A_2635, %swap3A_2636] : memref<256x8192xf32, #tpu.memory_space<vmem>>, vector<1x128xf32>
    %swap3A_2638 = vector.shape_cast %swap3A_2637 : vector<1x128xf32> to vector<128xf32>
    %swap3A_2639 = vector.shape_cast %get3A_2634 : vector<128xf32> to vector<1x128xf32>
    tpu.vector_store %arg3[%swap3A_2635, %swap3A_2636], %swap3A_2639 {strides = array<i32>} : memref<256x8192xf32, #tpu.memory_space<vmem>>, vector<1x128xf32>,
    %get3A_2640 = arith.constant 0 : index
    %get3A_2641 = arith.constant 0 : index
    %get3A_2642 = arith.constant 165 : index
    %get3A_2643 = memref.load %arg1[%get3A_2640, %get3A_2641, %get3A_2642] : memref<1x1x256xi32, #tpu.memory_space<smem>>
    %mul3A_2644 = arith.constant 128 : i32
    %mul3A_2645 = arith.muli %get3A_2643, %mul3A_2644 : i32
    %multiple_of3A_2646 = tpu.assume_multiple %mul3A_2645, 128 : i32
    %get3A_2647 = arith.constant 165 : index
    %get3A_2648 = arith.constant 0 : index
    %get3A_2649 = vector.load %arg2[%get3A_2647, %get3A_2648] : memref<256x128xf32, #tpu.memory_space<vmem>>, vector<1x128xf32>
    %get3A_2650 = vector.shape_cast %get3A_2649 : vector<1x128xf32> to vector<128xf32>
    %swap3A_2651 = arith.constant 165 : index
    %swap3A_2652 = arith.index_cast %multiple_of3A_2646 : i32 to index
    %swap3A_2653 = vector.load %arg3[%swap3A_2651, %swap3A_2652] : memref<256x8192xf32, #tpu.memory_space<vmem>>, vector<1x128xf32>
    %swap3A_2654 = vector.shape_cast %swap3A_2653 : vector<1x128xf32> to vector<128xf32>
    %swap3A_2655 = vector.shape_cast %get3A_2650 : vector<128xf32> to vector<1x128xf32>
    tpu.vector_store %arg3[%swap3A_2651, %swap3A_2652], %swap3A_2655 {strides = array<i32>} : memref<256x8192xf32, #tpu.memory_space<vmem>>, vector<1x128xf32>,
    %get3A_2656 = arith.constant 0 : index
    %get3A_2657 = arith.constant 0 : index
    %get3A_2658 = arith.constant 166 : index
    %get3A_2659 = memref.load %arg1[%get3A_2656, %get3A_2657, %get3A_2658] : memref<1x1x256xi32, #tpu.memory_space<smem>>
    %mul3A_2660 = arith.constant 128 : i32
    %mul3A_2661 = arith.muli %get3A_2659, %mul3A_2660 : i32
    %multiple_of3A_2662 = tpu.assume_multiple %mul3A_2661, 128 : i32
    %get3A_2663 = arith.constant 166 : index
    %get3A_2664 = arith.constant 0 : index
    %get3A_2665 = vector.load %arg2[%get3A_2663, %get3A_2664] : memref<256x128xf32, #tpu.memory_space<vmem>>, vector<1x128xf32>
    %get3A_2666 = vector.shape_cast %get3A_2665 : vector<1x128xf32> to vector<128xf32>
    %swap3A_2667 = arith.constant 166 : index
    %swap3A_2668 = arith.index_cast %multiple_of3A_2662 : i32 to index
    %swap3A_2669 = vector.load %arg3[%swap3A_2667, %swap3A_2668] : memref<256x8192xf32, #tpu.memory_space<vmem>>, vector<1x128xf32>
    %swap3A_2670 = vector.shape_cast %swap3A_2669 : vector<1x128xf32> to vector<128xf32>
    %swap3A_2671 = vector.shape_cast %get3A_2666 : vector<128xf32> to vector<1x128xf32>
    tpu.vector_store %arg3[%swap3A_2667, %swap3A_2668], %swap3A_2671 {strides = array<i32>} : memref<256x8192xf32, #tpu.memory_space<vmem>>, vector<1x128xf32>,
    %get3A_2672 = arith.constant 0 : index
    %get3A_2673 = arith.constant 0 : index
    %get3A_2674 = arith.constant 167 : index
    %get3A_2675 = memref.load %arg1[%get3A_2672, %get3A_2673, %get3A_2674] : memref<1x1x256xi32, #tpu.memory_space<smem>>
    %mul3A_2676 = arith.constant 128 : i32
    %mul3A_2677 = arith.muli %get3A_2675, %mul3A_2676 : i32
    %multiple_of3A_2678 = tpu.assume_multiple %mul3A_2677, 128 : i32
    %get3A_2679 = arith.constant 167 : index
    %get3A_2680 = arith.constant 0 : index
    %get3A_2681 = vector.load %arg2[%get3A_2679, %get3A_2680] : memref<256x128xf32, #tpu.memory_space<vmem>>, vector<1x128xf32>
    %get3A_2682 = vector.shape_cast %get3A_2681 : vector<1x128xf32> to vector<128xf32>
    %swap3A_2683 = arith.constant 167 : index
    %swap3A_2684 = arith.index_cast %multiple_of3A_2678 : i32 to index
    %swap3A_2685 = vector.load %arg3[%swap3A_2683, %swap3A_2684] : memref<256x8192xf32, #tpu.memory_space<vmem>>, vector<1x128xf32>
    %swap3A_2686 = vector.shape_cast %swap3A_2685 : vector<1x128xf32> to vector<128xf32>
    %swap3A_2687 = vector.shape_cast %get3A_2682 : vector<128xf32> to vector<1x128xf32>
    tpu.vector_store %arg3[%swap3A_2683, %swap3A_2684], %swap3A_2687 {strides = array<i32>} : memref<256x8192xf32, #tpu.memory_space<vmem>>, vector<1x128xf32>,
    %get3A_2688 = arith.constant 0 : index
    %get3A_2689 = arith.constant 0 : index
    %get3A_2690 = arith.constant 168 : index
    %get3A_2691 = memref.load %arg1[%get3A_2688, %get3A_2689, %get3A_2690] : memref<1x1x256xi32, #tpu.memory_space<smem>>
    %mul3A_2692 = arith.constant 128 : i32
    %mul3A_2693 = arith.muli %get3A_2691, %mul3A_2692 : i32
    %multiple_of3A_2694 = tpu.assume_multiple %mul3A_2693, 128 : i32
    %get3A_2695 = arith.constant 168 : index
    %get3A_2696 = arith.constant 0 : index
    %get3A_2697 = vector.load %arg2[%get3A_2695, %get3A_2696] : memref<256x128xf32, #tpu.memory_space<vmem>>, vector<1x128xf32>
    %get3A_2698 = vector.shape_cast %get3A_2697 : vector<1x128xf32> to vector<128xf32>
    %swap3A_2699 = arith.constant 168 : index
    %swap3A_2700 = arith.index_cast %multiple_of3A_2694 : i32 to index
    %swap3A_2701 = vector.load %arg3[%swap3A_2699, %swap3A_2700] : memref<256x8192xf32, #tpu.memory_space<vmem>>, vector<1x128xf32>
    %swap3A_2702 = vector.shape_cast %swap3A_2701 : vector<1x128xf32> to vector<128xf32>
    %swap3A_2703 = vector.shape_cast %get3A_2698 : vector<128xf32> to vector<1x128xf32>
    tpu.vector_store %arg3[%swap3A_2699, %swap3A_2700], %swap3A_2703 {strides = array<i32>} : memref<256x8192xf32, #tpu.memory_space<vmem>>, vector<1x128xf32>,
    %get3A_2704 = arith.constant 0 : index
    %get3A_2705 = arith.constant 0 : index
    %get3A_2706 = arith.constant 169 : index
    %get3A_2707 = memref.load %arg1[%get3A_2704, %get3A_2705, %get3A_2706] : memref<1x1x256xi32, #tpu.memory_space<smem>>
    %mul3A_2708 = arith.constant 128 : i32
    %mul3A_2709 = arith.muli %get3A_2707, %mul3A_2708 : i32
    %multiple_of3A_2710 = tpu.assume_multiple %mul3A_2709, 128 : i32
    %get3A_2711 = arith.constant 169 : index
    %get3A_2712 = arith.constant 0 : index
    %get3A_2713 = vector.load %arg2[%get3A_2711, %get3A_2712] : memref<256x128xf32, #tpu.memory_space<vmem>>, vector<1x128xf32>
    %get3A_2714 = vector.shape_cast %get3A_2713 : vector<1x128xf32> to vector<128xf32>
    %swap3A_2715 = arith.constant 169 : index
    %swap3A_2716 = arith.index_cast %multiple_of3A_2710 : i32 to index
    %swap3A_2717 = vector.load %arg3[%swap3A_2715, %swap3A_2716] : memref<256x8192xf32, #tpu.memory_space<vmem>>, vector<1x128xf32>
    %swap3A_2718 = vector.shape_cast %swap3A_2717 : vector<1x128xf32> to vector<128xf32>
    %swap3A_2719 = vector.shape_cast %get3A_2714 : vector<128xf32> to vector<1x128xf32>
    tpu.vector_store %arg3[%swap3A_2715, %swap3A_2716], %swap3A_2719 {strides = array<i32>} : memref<256x8192xf32, #tpu.memory_space<vmem>>, vector<1x128xf32>,
    %get3A_2720 = arith.constant 0 : index
    %get3A_2721 = arith.constant 0 : index
    %get3A_2722 = arith.constant 170 : index
    %get3A_2723 = memref.load %arg1[%get3A_2720, %get3A_2721, %get3A_2722] : memref<1x1x256xi32, #tpu.memory_space<smem>>
    %mul3A_2724 = arith.constant 128 : i32
    %mul3A_2725 = arith.muli %get3A_2723, %mul3A_2724 : i32
    %multiple_of3A_2726 = tpu.assume_multiple %mul3A_2725, 128 : i32
    %get3A_2727 = arith.constant 170 : index
    %get3A_2728 = arith.constant 0 : index
    %get3A_2729 = vector.load %arg2[%get3A_2727, %get3A_2728] : memref<256x128xf32, #tpu.memory_space<vmem>>, vector<1x128xf32>
    %get3A_2730 = vector.shape_cast %get3A_2729 : vector<1x128xf32> to vector<128xf32>
    %swap3A_2731 = arith.constant 170 : index
    %swap3A_2732 = arith.index_cast %multiple_of3A_2726 : i32 to index
    %swap3A_2733 = vector.load %arg3[%swap3A_2731, %swap3A_2732] : memref<256x8192xf32, #tpu.memory_space<vmem>>, vector<1x128xf32>
    %swap3A_2734 = vector.shape_cast %swap3A_2733 : vector<1x128xf32> to vector<128xf32>
    %swap3A_2735 = vector.shape_cast %get3A_2730 : vector<128xf32> to vector<1x128xf32>
    tpu.vector_store %arg3[%swap3A_2731, %swap3A_2732], %swap3A_2735 {strides = array<i32>} : memref<256x8192xf32, #tpu.memory_space<vmem>>, vector<1x128xf32>,
    %get3A_2736 = arith.constant 0 : index
    %get3A_2737 = arith.constant 0 : index
    %get3A_2738 = arith.constant 171 : index
    %get3A_2739 = memref.load %arg1[%get3A_2736, %get3A_2737, %get3A_2738] : memref<1x1x256xi32, #tpu.memory_space<smem>>
    %mul3A_2740 = arith.constant 128 : i32
    %mul3A_2741 = arith.muli %get3A_2739, %mul3A_2740 : i32
    %multiple_of3A_2742 = tpu.assume_multiple %mul3A_2741, 128 : i32
    %get3A_2743 = arith.constant 171 : index
    %get3A_2744 = arith.constant 0 : index
    %get3A_2745 = vector.load %arg2[%get3A_2743, %get3A_2744] : memref<256x128xf32, #tpu.memory_space<vmem>>, vector<1x128xf32>
    %get3A_2746 = vector.shape_cast %get3A_2745 : vector<1x128xf32> to vector<128xf32>
    %swap3A_2747 = arith.constant 171 : index
    %swap3A_2748 = arith.index_cast %multiple_of3A_2742 : i32 to index
    %swap3A_2749 = vector.load %arg3[%swap3A_2747, %swap3A_2748] : memref<256x8192xf32, #tpu.memory_space<vmem>>, vector<1x128xf32>
    %swap3A_2750 = vector.shape_cast %swap3A_2749 : vector<1x128xf32> to vector<128xf32>
    %swap3A_2751 = vector.shape_cast %get3A_2746 : vector<128xf32> to vector<1x128xf32>
    tpu.vector_store %arg3[%swap3A_2747, %swap3A_2748], %swap3A_2751 {strides = array<i32>} : memref<256x8192xf32, #tpu.memory_space<vmem>>, vector<1x128xf32>,
    %get3A_2752 = arith.constant 0 : index
    %get3A_2753 = arith.constant 0 : index
    %get3A_2754 = arith.constant 172 : index
    %get3A_2755 = memref.load %arg1[%get3A_2752, %get3A_2753, %get3A_2754] : memref<1x1x256xi32, #tpu.memory_space<smem>>
    %mul3A_2756 = arith.constant 128 : i32
    %mul3A_2757 = arith.muli %get3A_2755, %mul3A_2756 : i32
    %multiple_of3A_2758 = tpu.assume_multiple %mul3A_2757, 128 : i32
    %get3A_2759 = arith.constant 172 : index
    %get3A_2760 = arith.constant 0 : index
    %get3A_2761 = vector.load %arg2[%get3A_2759, %get3A_2760] : memref<256x128xf32, #tpu.memory_space<vmem>>, vector<1x128xf32>
    %get3A_2762 = vector.shape_cast %get3A_2761 : vector<1x128xf32> to vector<128xf32>
    %swap3A_2763 = arith.constant 172 : index
    %swap3A_2764 = arith.index_cast %multiple_of3A_2758 : i32 to index
    %swap3A_2765 = vector.load %arg3[%swap3A_2763, %swap3A_2764] : memref<256x8192xf32, #tpu.memory_space<vmem>>, vector<1x128xf32>
    %swap3A_2766 = vector.shape_cast %swap3A_2765 : vector<1x128xf32> to vector<128xf32>
    %swap3A_2767 = vector.shape_cast %get3A_2762 : vector<128xf32> to vector<1x128xf32>
    tpu.vector_store %arg3[%swap3A_2763, %swap3A_2764], %swap3A_2767 {strides = array<i32>} : memref<256x8192xf32, #tpu.memory_space<vmem>>, vector<1x128xf32>,
    %get3A_2768 = arith.constant 0 : index
    %get3A_2769 = arith.constant 0 : index
    %get3A_2770 = arith.constant 173 : index
    %get3A_2771 = memref.load %arg1[%get3A_2768, %get3A_2769, %get3A_2770] : memref<1x1x256xi32, #tpu.memory_space<smem>>
    %mul3A_2772 = arith.constant 128 : i32
    %mul3A_2773 = arith.muli %get3A_2771, %mul3A_2772 : i32
    %multiple_of3A_2774 = tpu.assume_multiple %mul3A_2773, 128 : i32
    %get3A_2775 = arith.constant 173 : index
    %get3A_2776 = arith.constant 0 : index
    %get3A_2777 = vector.load %arg2[%get3A_2775, %get3A_2776] : memref<256x128xf32, #tpu.memory_space<vmem>>, vector<1x128xf32>
    %get3A_2778 = vector.shape_cast %get3A_2777 : vector<1x128xf32> to vector<128xf32>
    %swap3A_2779 = arith.constant 173 : index
    %swap3A_2780 = arith.index_cast %multiple_of3A_2774 : i32 to index
    %swap3A_2781 = vector.load %arg3[%swap3A_2779, %swap3A_2780] : memref<256x8192xf32, #tpu.memory_space<vmem>>, vector<1x128xf32>
    %swap3A_2782 = vector.shape_cast %swap3A_2781 : vector<1x128xf32> to vector<128xf32>
    %swap3A_2783 = vector.shape_cast %get3A_2778 : vector<128xf32> to vector<1x128xf32>
    tpu.vector_store %arg3[%swap3A_2779, %swap3A_2780], %swap3A_2783 {strides = array<i32>} : memref<256x8192xf32, #tpu.memory_space<vmem>>, vector<1x128xf32>,
    %get3A_2784 = arith.constant 0 : index
    %get3A_2785 = arith.constant 0 : index
    %get3A_2786 = arith.constant 174 : index
    %get3A_2787 = memref.load %arg1[%get3A_2784, %get3A_2785, %get3A_2786] : memref<1x1x256xi32, #tpu.memory_space<smem>>
    %mul3A_2788 = arith.constant 128 : i32
    %mul3A_2789 = arith.muli %get3A_2787, %mul3A_2788 : i32
    %multiple_of3A_2790 = tpu.assume_multiple %mul3A_2789, 128 : i32
    %get3A_2791 = arith.constant 174 : index
    %get3A_2792 = arith.constant 0 : index
    %get3A_2793 = vector.load %arg2[%get3A_2791, %get3A_2792] : memref<256x128xf32, #tpu.memory_space<vmem>>, vector<1x128xf32>
    %get3A_2794 = vector.shape_cast %get3A_2793 : vector<1x128xf32> to vector<128xf32>
    %swap3A_2795 = arith.constant 174 : index
    %swap3A_2796 = arith.index_cast %multiple_of3A_2790 : i32 to index
    %swap3A_2797 = vector.load %arg3[%swap3A_2795, %swap3A_2796] : memref<256x8192xf32, #tpu.memory_space<vmem>>, vector<1x128xf32>
    %swap3A_2798 = vector.shape_cast %swap3A_2797 : vector<1x128xf32> to vector<128xf32>
    %swap3A_2799 = vector.shape_cast %get3A_2794 : vector<128xf32> to vector<1x128xf32>
    tpu.vector_store %arg3[%swap3A_2795, %swap3A_2796], %swap3A_2799 {strides = array<i32>} : memref<256x8192xf32, #tpu.memory_space<vmem>>, vector<1x128xf32>,
    %get3A_2800 = arith.constant 0 : index
    %get3A_2801 = arith.constant 0 : index
    %get3A_2802 = arith.constant 175 : index
    %get3A_2803 = memref.load %arg1[%get3A_2800, %get3A_2801, %get3A_2802] : memref<1x1x256xi32, #tpu.memory_space<smem>>
    %mul3A_2804 = arith.constant 128 : i32
    %mul3A_2805 = arith.muli %get3A_2803, %mul3A_2804 : i32
    %multiple_of3A_2806 = tpu.assume_multiple %mul3A_2805, 128 : i32
    %get3A_2807 = arith.constant 175 : index
    %get3A_2808 = arith.constant 0 : index
    %get3A_2809 = vector.load %arg2[%get3A_2807, %get3A_2808] : memref<256x128xf32, #tpu.memory_space<vmem>>, vector<1x128xf32>
    %get3A_2810 = vector.shape_cast %get3A_2809 : vector<1x128xf32> to vector<128xf32>
    %swap3A_2811 = arith.constant 175 : index
    %swap3A_2812 = arith.index_cast %multiple_of3A_2806 : i32 to index
    %swap3A_2813 = vector.load %arg3[%swap3A_2811, %swap3A_2812] : memref<256x8192xf32, #tpu.memory_space<vmem>>, vector<1x128xf32>
    %swap3A_2814 = vector.shape_cast %swap3A_2813 : vector<1x128xf32> to vector<128xf32>
    %swap3A_2815 = vector.shape_cast %get3A_2810 : vector<128xf32> to vector<1x128xf32>
    tpu.vector_store %arg3[%swap3A_2811, %swap3A_2812], %swap3A_2815 {strides = array<i32>} : memref<256x8192xf32, #tpu.memory_space<vmem>>, vector<1x128xf32>,
    %get3A_2816 = arith.constant 0 : index
    %get3A_2817 = arith.constant 0 : index
    %get3A_2818 = arith.constant 176 : index
    %get3A_2819 = memref.load %arg1[%get3A_2816, %get3A_2817, %get3A_2818] : memref<1x1x256xi32, #tpu.memory_space<smem>>
    %mul3A_2820 = arith.constant 128 : i32
    %mul3A_2821 = arith.muli %get3A_2819, %mul3A_2820 : i32
    %multiple_of3A_2822 = tpu.assume_multiple %mul3A_2821, 128 : i32
    %get3A_2823 = arith.constant 176 : index
    %get3A_2824 = arith.constant 0 : index
    %get3A_2825 = vector.load %arg2[%get3A_2823, %get3A_2824] : memref<256x128xf32, #tpu.memory_space<vmem>>, vector<1x128xf32>
    %get3A_2826 = vector.shape_cast %get3A_2825 : vector<1x128xf32> to vector<128xf32>
    %swap3A_2827 = arith.constant 176 : index
    %swap3A_2828 = arith.index_cast %multiple_of3A_2822 : i32 to index
    %swap3A_2829 = vector.load %arg3[%swap3A_2827, %swap3A_2828] : memref<256x8192xf32, #tpu.memory_space<vmem>>, vector<1x128xf32>
    %swap3A_2830 = vector.shape_cast %swap3A_2829 : vector<1x128xf32> to vector<128xf32>
    %swap3A_2831 = vector.shape_cast %get3A_2826 : vector<128xf32> to vector<1x128xf32>
    tpu.vector_store %arg3[%swap3A_2827, %swap3A_2828], %swap3A_2831 {strides = array<i32>} : memref<256x8192xf32, #tpu.memory_space<vmem>>, vector<1x128xf32>,
    %get3A_2832 = arith.constant 0 : index
    %get3A_2833 = arith.constant 0 : index
    %get3A_2834 = arith.constant 177 : index
    %get3A_2835 = memref.load %arg1[%get3A_2832, %get3A_2833, %get3A_2834] : memref<1x1x256xi32, #tpu.memory_space<smem>>
    %mul3A_2836 = arith.constant 128 : i32
    %mul3A_2837 = arith.muli %get3A_2835, %mul3A_2836 : i32
    %multiple_of3A_2838 = tpu.assume_multiple %mul3A_2837, 128 : i32
    %get3A_2839 = arith.constant 177 : index
    %get3A_2840 = arith.constant 0 : index
    %get3A_2841 = vector.load %arg2[%get3A_2839, %get3A_2840] : memref<256x128xf32, #tpu.memory_space<vmem>>, vector<1x128xf32>
    %get3A_2842 = vector.shape_cast %get3A_2841 : vector<1x128xf32> to vector<128xf32>
    %swap3A_2843 = arith.constant 177 : index
    %swap3A_2844 = arith.index_cast %multiple_of3A_2838 : i32 to index
    %swap3A_2845 = vector.load %arg3[%swap3A_2843, %swap3A_2844] : memref<256x8192xf32, #tpu.memory_space<vmem>>, vector<1x128xf32>
    %swap3A_2846 = vector.shape_cast %swap3A_2845 : vector<1x128xf32> to vector<128xf32>
    %swap3A_2847 = vector.shape_cast %get3A_2842 : vector<128xf32> to vector<1x128xf32>
    tpu.vector_store %arg3[%swap3A_2843, %swap3A_2844], %swap3A_2847 {strides = array<i32>} : memref<256x8192xf32, #tpu.memory_space<vmem>>, vector<1x128xf32>,
    %get3A_2848 = arith.constant 0 : index
    %get3A_2849 = arith.constant 0 : index
    %get3A_2850 = arith.constant 178 : index
    %get3A_2851 = memref.load %arg1[%get3A_2848, %get3A_2849, %get3A_2850] : memref<1x1x256xi32, #tpu.memory_space<smem>>
    %mul3A_2852 = arith.constant 128 : i32
    %mul3A_2853 = arith.muli %get3A_2851, %mul3A_2852 : i32
    %multiple_of3A_2854 = tpu.assume_multiple %mul3A_2853, 128 : i32
    %get3A_2855 = arith.constant 178 : index
    %get3A_2856 = arith.constant 0 : index
    %get3A_2857 = vector.load %arg2[%get3A_2855, %get3A_2856] : memref<256x128xf32, #tpu.memory_space<vmem>>, vector<1x128xf32>
    %get3A_2858 = vector.shape_cast %get3A_2857 : vector<1x128xf32> to vector<128xf32>
    %swap3A_2859 = arith.constant 178 : index
    %swap3A_2860 = arith.index_cast %multiple_of3A_2854 : i32 to index
    %swap3A_2861 = vector.load %arg3[%swap3A_2859, %swap3A_2860] : memref<256x8192xf32, #tpu.memory_space<vmem>>, vector<1x128xf32>
    %swap3A_2862 = vector.shape_cast %swap3A_2861 : vector<1x128xf32> to vector<128xf32>
    %swap3A_2863 = vector.shape_cast %get3A_2858 : vector<128xf32> to vector<1x128xf32>
    tpu.vector_store %arg3[%swap3A_2859, %swap3A_2860], %swap3A_2863 {strides = array<i32>} : memref<256x8192xf32, #tpu.memory_space<vmem>>, vector<1x128xf32>,
    %get3A_2864 = arith.constant 0 : index
    %get3A_2865 = arith.constant 0 : index
    %get3A_2866 = arith.constant 179 : index
    %get3A_2867 = memref.load %arg1[%get3A_2864, %get3A_2865, %get3A_2866] : memref<1x1x256xi32, #tpu.memory_space<smem>>
    %mul3A_2868 = arith.constant 128 : i32
    %mul3A_2869 = arith.muli %get3A_2867, %mul3A_2868 : i32
    %multiple_of3A_2870 = tpu.assume_multiple %mul3A_2869, 128 : i32
    %get3A_2871 = arith.constant 179 : index
    %get3A_2872 = arith.constant 0 : index
    %get3A_2873 = vector.load %arg2[%get3A_2871, %get3A_2872] : memref<256x128xf32, #tpu.memory_space<vmem>>, vector<1x128xf32>
    %get3A_2874 = vector.shape_cast %get3A_2873 : vector<1x128xf32> to vector<128xf32>
    %swap3A_2875 = arith.constant 179 : index
    %swap3A_2876 = arith.index_cast %multiple_of3A_2870 : i32 to index
    %swap3A_2877 = vector.load %arg3[%swap3A_2875, %swap3A_2876] : memref<256x8192xf32, #tpu.memory_space<vmem>>, vector<1x128xf32>
    %swap3A_2878 = vector.shape_cast %swap3A_2877 : vector<1x128xf32> to vector<128xf32>
    %swap3A_2879 = vector.shape_cast %get3A_2874 : vector<128xf32> to vector<1x128xf32>
    tpu.vector_store %arg3[%swap3A_2875, %swap3A_2876], %swap3A_2879 {strides = array<i32>} : memref<256x8192xf32, #tpu.memory_space<vmem>>, vector<1x128xf32>,
    %get3A_2880 = arith.constant 0 : index
    %get3A_2881 = arith.constant 0 : index
    %get3A_2882 = arith.constant 180 : index
    %get3A_2883 = memref.load %arg1[%get3A_2880, %get3A_2881, %get3A_2882] : memref<1x1x256xi32, #tpu.memory_space<smem>>
    %mul3A_2884 = arith.constant 128 : i32
    %mul3A_2885 = arith.muli %get3A_2883, %mul3A_2884 : i32
    %multiple_of3A_2886 = tpu.assume_multiple %mul3A_2885, 128 : i32
    %get3A_2887 = arith.constant 180 : index
    %get3A_2888 = arith.constant 0 : index
    %get3A_2889 = vector.load %arg2[%get3A_2887, %get3A_2888] : memref<256x128xf32, #tpu.memory_space<vmem>>, vector<1x128xf32>
    %get3A_2890 = vector.shape_cast %get3A_2889 : vector<1x128xf32> to vector<128xf32>
    %swap3A_2891 = arith.constant 180 : index
    %swap3A_2892 = arith.index_cast %multiple_of3A_2886 : i32 to index
    %swap3A_2893 = vector.load %arg3[%swap3A_2891, %swap3A_2892] : memref<256x8192xf32, #tpu.memory_space<vmem>>, vector<1x128xf32>
    %swap3A_2894 = vector.shape_cast %swap3A_2893 : vector<1x128xf32> to vector<128xf32>
    %swap3A_2895 = vector.shape_cast %get3A_2890 : vector<128xf32> to vector<1x128xf32>
    tpu.vector_store %arg3[%swap3A_2891, %swap3A_2892], %swap3A_2895 {strides = array<i32>} : memref<256x8192xf32, #tpu.memory_space<vmem>>, vector<1x128xf32>,
    %get3A_2896 = arith.constant 0 : index
    %get3A_2897 = arith.constant 0 : index
    %get3A_2898 = arith.constant 181 : index
    %get3A_2899 = memref.load %arg1[%get3A_2896, %get3A_2897, %get3A_2898] : memref<1x1x256xi32, #tpu.memory_space<smem>>
    %mul3A_2900 = arith.constant 128 : i32
    %mul3A_2901 = arith.muli %get3A_2899, %mul3A_2900 : i32
    %multiple_of3A_2902 = tpu.assume_multiple %mul3A_2901, 128 : i32
    %get3A_2903 = arith.constant 181 : index
    %get3A_2904 = arith.constant 0 : index
    %get3A_2905 = vector.load %arg2[%get3A_2903, %get3A_2904] : memref<256x128xf32, #tpu.memory_space<vmem>>, vector<1x128xf32>
    %get3A_2906 = vector.shape_cast %get3A_2905 : vector<1x128xf32> to vector<128xf32>
    %swap3A_2907 = arith.constant 181 : index
    %swap3A_2908 = arith.index_cast %multiple_of3A_2902 : i32 to index
    %swap3A_2909 = vector.load %arg3[%swap3A_2907, %swap3A_2908] : memref<256x8192xf32, #tpu.memory_space<vmem>>, vector<1x128xf32>
    %swap3A_2910 = vector.shape_cast %swap3A_2909 : vector<1x128xf32> to vector<128xf32>
    %swap3A_2911 = vector.shape_cast %get3A_2906 : vector<128xf32> to vector<1x128xf32>
    tpu.vector_store %arg3[%swap3A_2907, %swap3A_2908], %swap3A_2911 {strides = array<i32>} : memref<256x8192xf32, #tpu.memory_space<vmem>>, vector<1x128xf32>,
    %get3A_2912 = arith.constant 0 : index
    %get3A_2913 = arith.constant 0 : index
    %get3A_2914 = arith.constant 182 : index
    %get3A_2915 = memref.load %arg1[%get3A_2912, %get3A_2913, %get3A_2914] : memref<1x1x256xi32, #tpu.memory_space<smem>>
    %mul3A_2916 = arith.constant 128 : i32
    %mul3A_2917 = arith.muli %get3A_2915, %mul3A_2916 : i32
    %multiple_of3A_2918 = tpu.assume_multiple %mul3A_2917, 128 : i32
    %get3A_2919 = arith.constant 182 : index
    %get3A_2920 = arith.constant 0 : index
    %get3A_2921 = vector.load %arg2[%get3A_2919, %get3A_2920] : memref<256x128xf32, #tpu.memory_space<vmem>>, vector<1x128xf32>
    %get3A_2922 = vector.shape_cast %get3A_2921 : vector<1x128xf32> to vector<128xf32>
    %swap3A_2923 = arith.constant 182 : index
    %swap3A_2924 = arith.index_cast %multiple_of3A_2918 : i32 to index
    %swap3A_2925 = vector.load %arg3[%swap3A_2923, %swap3A_2924] : memref<256x8192xf32, #tpu.memory_space<vmem>>, vector<1x128xf32>
    %swap3A_2926 = vector.shape_cast %swap3A_2925 : vector<1x128xf32> to vector<128xf32>
    %swap3A_2927 = vector.shape_cast %get3A_2922 : vector<128xf32> to vector<1x128xf32>
    tpu.vector_store %arg3[%swap3A_2923, %swap3A_2924], %swap3A_2927 {strides = array<i32>} : memref<256x8192xf32, #tpu.memory_space<vmem>>, vector<1x128xf32>,
    %get3A_2928 = arith.constant 0 : index
    %get3A_2929 = arith.constant 0 : index
    %get3A_2930 = arith.constant 183 : index
    %get3A_2931 = memref.load %arg1[%get3A_2928, %get3A_2929, %get3A_2930] : memref<1x1x256xi32, #tpu.memory_space<smem>>
    %mul3A_2932 = arith.constant 128 : i32
    %mul3A_2933 = arith.muli %get3A_2931, %mul3A_2932 : i32
    %multiple_of3A_2934 = tpu.assume_multiple %mul3A_2933, 128 : i32
    %get3A_2935 = arith.constant 183 : index
    %get3A_2936 = arith.constant 0 : index
    %get3A_2937 = vector.load %arg2[%get3A_2935, %get3A_2936] : memref<256x128xf32, #tpu.memory_space<vmem>>, vector<1x128xf32>
    %get3A_2938 = vector.shape_cast %get3A_2937 : vector<1x128xf32> to vector<128xf32>
    %swap3A_2939 = arith.constant 183 : index
    %swap3A_2940 = arith.index_cast %multiple_of3A_2934 : i32 to index
    %swap3A_2941 = vector.load %arg3[%swap3A_2939, %swap3A_2940] : memref<256x8192xf32, #tpu.memory_space<vmem>>, vector<1x128xf32>
    %swap3A_2942 = vector.shape_cast %swap3A_2941 : vector<1x128xf32> to vector<128xf32>
    %swap3A_2943 = vector.shape_cast %get3A_2938 : vector<128xf32> to vector<1x128xf32>
    tpu.vector_store %arg3[%swap3A_2939, %swap3A_2940], %swap3A_2943 {strides = array<i32>} : memref<256x8192xf32, #tpu.memory_space<vmem>>, vector<1x128xf32>,
    %get3A_2944 = arith.constant 0 : index
    %get3A_2945 = arith.constant 0 : index
    %get3A_2946 = arith.constant 184 : index
    %get3A_2947 = memref.load %arg1[%get3A_2944, %get3A_2945, %get3A_2946] : memref<1x1x256xi32, #tpu.memory_space<smem>>
    %mul3A_2948 = arith.constant 128 : i32
    %mul3A_2949 = arith.muli %get3A_2947, %mul3A_2948 : i32
    %multiple_of3A_2950 = tpu.assume_multiple %mul3A_2949, 128 : i32
    %get3A_2951 = arith.constant 184 : index
    %get3A_2952 = arith.constant 0 : index
    %get3A_2953 = vector.load %arg2[%get3A_2951, %get3A_2952] : memref<256x128xf32, #tpu.memory_space<vmem>>, vector<1x128xf32>
    %get3A_2954 = vector.shape_cast %get3A_2953 : vector<1x128xf32> to vector<128xf32>
    %swap3A_2955 = arith.constant 184 : index
    %swap3A_2956 = arith.index_cast %multiple_of3A_2950 : i32 to index
    %swap3A_2957 = vector.load %arg3[%swap3A_2955, %swap3A_2956] : memref<256x8192xf32, #tpu.memory_space<vmem>>, vector<1x128xf32>
    %swap3A_2958 = vector.shape_cast %swap3A_2957 : vector<1x128xf32> to vector<128xf32>
    %swap3A_2959 = vector.shape_cast %get3A_2954 : vector<128xf32> to vector<1x128xf32>
    tpu.vector_store %arg3[%swap3A_2955, %swap3A_2956], %swap3A_2959 {strides = array<i32>} : memref<256x8192xf32, #tpu.memory_space<vmem>>, vector<1x128xf32>,
    %get3A_2960 = arith.constant 0 : index
    %get3A_2961 = arith.constant 0 : index
    %get3A_2962 = arith.constant 185 : index
    %get3A_2963 = memref.load %arg1[%get3A_2960, %get3A_2961, %get3A_2962] : memref<1x1x256xi32, #tpu.memory_space<smem>>
    %mul3A_2964 = arith.constant 128 : i32
    %mul3A_2965 = arith.muli %get3A_2963, %mul3A_2964 : i32
    %multiple_of3A_2966 = tpu.assume_multiple %mul3A_2965, 128 : i32
    %get3A_2967 = arith.constant 185 : index
    %get3A_2968 = arith.constant 0 : index
    %get3A_2969 = vector.load %arg2[%get3A_2967, %get3A_2968] : memref<256x128xf32, #tpu.memory_space<vmem>>, vector<1x128xf32>
    %get3A_2970 = vector.shape_cast %get3A_2969 : vector<1x128xf32> to vector<128xf32>
    %swap3A_2971 = arith.constant 185 : index
    %swap3A_2972 = arith.index_cast %multiple_of3A_2966 : i32 to index
    %swap3A_2973 = vector.load %arg3[%swap3A_2971, %swap3A_2972] : memref<256x8192xf32, #tpu.memory_space<vmem>>, vector<1x128xf32>
    %swap3A_2974 = vector.shape_cast %swap3A_2973 : vector<1x128xf32> to vector<128xf32>
    %swap3A_2975 = vector.shape_cast %get3A_2970 : vector<128xf32> to vector<1x128xf32>
    tpu.vector_store %arg3[%swap3A_2971, %swap3A_2972], %swap3A_2975 {strides = array<i32>} : memref<256x8192xf32, #tpu.memory_space<vmem>>, vector<1x128xf32>,
    %get3A_2976 = arith.constant 0 : index
    %get3A_2977 = arith.constant 0 : index
    %get3A_2978 = arith.constant 186 : index
    %get3A_2979 = memref.load %arg1[%get3A_2976, %get3A_2977, %get3A_2978] : memref<1x1x256xi32, #tpu.memory_space<smem>>
    %mul3A_2980 = arith.constant 128 : i32
    %mul3A_2981 = arith.muli %get3A_2979, %mul3A_2980 : i32
    %multiple_of3A_2982 = tpu.assume_multiple %mul3A_2981, 128 : i32
    %get3A_2983 = arith.constant 186 : index
    %get3A_2984 = arith.constant 0 : index
    %get3A_2985 = vector.load %arg2[%get3A_2983, %get3A_2984] : memref<256x128xf32, #tpu.memory_space<vmem>>, vector<1x128xf32>
    %get3A_2986 = vector.shape_cast %get3A_2985 : vector<1x128xf32> to vector<128xf32>
    %swap3A_2987 = arith.constant 186 : index
    %swap3A_2988 = arith.index_cast %multiple_of3A_2982 : i32 to index
    %swap3A_2989 = vector.load %arg3[%swap3A_2987, %swap3A_2988] : memref<256x8192xf32, #tpu.memory_space<vmem>>, vector<1x128xf32>
    %swap3A_2990 = vector.shape_cast %swap3A_2989 : vector<1x128xf32> to vector<128xf32>
    %swap3A_2991 = vector.shape_cast %get3A_2986 : vector<128xf32> to vector<1x128xf32>
    tpu.vector_store %arg3[%swap3A_2987, %swap3A_2988], %swap3A_2991 {strides = array<i32>} : memref<256x8192xf32, #tpu.memory_space<vmem>>, vector<1x128xf32>,
    %get3A_2992 = arith.constant 0 : index
    %get3A_2993 = arith.constant 0 : index
    %get3A_2994 = arith.constant 187 : index
    %get3A_2995 = memref.load %arg1[%get3A_2992, %get3A_2993, %get3A_2994] : memref<1x1x256xi32, #tpu.memory_space<smem>>
    %mul3A_2996 = arith.constant 128 : i32
    %mul3A_2997 = arith.muli %get3A_2995, %mul3A_2996 : i32
    %multiple_of3A_2998 = tpu.assume_multiple %mul3A_2997, 128 : i32
    %get3A_2999 = arith.constant 187 : index
    %get3A_3000 = arith.constant 0 : index
    %get3A_3001 = vector.load %arg2[%get3A_2999, %get3A_3000] : memref<256x128xf32, #tpu.memory_space<vmem>>, vector<1x128xf32>
    %get3A_3002 = vector.shape_cast %get3A_3001 : vector<1x128xf32> to vector<128xf32>
    %swap3A_3003 = arith.constant 187 : index
    %swap3A_3004 = arith.index_cast %multiple_of3A_2998 : i32 to index
    %swap3A_3005 = vector.load %arg3[%swap3A_3003, %swap3A_3004] : memref<256x8192xf32, #tpu.memory_space<vmem>>, vector<1x128xf32>
    %swap3A_3006 = vector.shape_cast %swap3A_3005 : vector<1x128xf32> to vector<128xf32>
    %swap3A_3007 = vector.shape_cast %get3A_3002 : vector<128xf32> to vector<1x128xf32>
    tpu.vector_store %arg3[%swap3A_3003, %swap3A_3004], %swap3A_3007 {strides = array<i32>} : memref<256x8192xf32, #tpu.memory_space<vmem>>, vector<1x128xf32>,
    %get3A_3008 = arith.constant 0 : index
    %get3A_3009 = arith.constant 0 : index
    %get3A_3010 = arith.constant 188 : index
    %get3A_3011 = memref.load %arg1[%get3A_3008, %get3A_3009, %get3A_3010] : memref<1x1x256xi32, #tpu.memory_space<smem>>
    %mul3A_3012 = arith.constant 128 : i32
    %mul3A_3013 = arith.muli %get3A_3011, %mul3A_3012 : i32
    %multiple_of3A_3014 = tpu.assume_multiple %mul3A_3013, 128 : i32
    %get3A_3015 = arith.constant 188 : index
    %get3A_3016 = arith.constant 0 : index
    %get3A_3017 = vector.load %arg2[%get3A_3015, %get3A_3016] : memref<256x128xf32, #tpu.memory_space<vmem>>, vector<1x128xf32>
    %get3A_3018 = vector.shape_cast %get3A_3017 : vector<1x128xf32> to vector<128xf32>
    %swap3A_3019 = arith.constant 188 : index
    %swap3A_3020 = arith.index_cast %multiple_of3A_3014 : i32 to index
    %swap3A_3021 = vector.load %arg3[%swap3A_3019, %swap3A_3020] : memref<256x8192xf32, #tpu.memory_space<vmem>>, vector<1x128xf32>
    %swap3A_3022 = vector.shape_cast %swap3A_3021 : vector<1x128xf32> to vector<128xf32>
    %swap3A_3023 = vector.shape_cast %get3A_3018 : vector<128xf32> to vector<1x128xf32>
    tpu.vector_store %arg3[%swap3A_3019, %swap3A_3020], %swap3A_3023 {strides = array<i32>} : memref<256x8192xf32, #tpu.memory_space<vmem>>, vector<1x128xf32>,
    %get3A_3024 = arith.constant 0 : index
    %get3A_3025 = arith.constant 0 : index
    %get3A_3026 = arith.constant 189 : index
    %get3A_3027 = memref.load %arg1[%get3A_3024, %get3A_3025, %get3A_3026] : memref<1x1x256xi32, #tpu.memory_space<smem>>
    %mul3A_3028 = arith.constant 128 : i32
    %mul3A_3029 = arith.muli %get3A_3027, %mul3A_3028 : i32
    %multiple_of3A_3030 = tpu.assume_multiple %mul3A_3029, 128 : i32
    %get3A_3031 = arith.constant 189 : index
    %get3A_3032 = arith.constant 0 : index
    %get3A_3033 = vector.load %arg2[%get3A_3031, %get3A_3032] : memref<256x128xf32, #tpu.memory_space<vmem>>, vector<1x128xf32>
    %get3A_3034 = vector.shape_cast %get3A_3033 : vector<1x128xf32> to vector<128xf32>
    %swap3A_3035 = arith.constant 189 : index
    %swap3A_3036 = arith.index_cast %multiple_of3A_3030 : i32 to index
    %swap3A_3037 = vector.load %arg3[%swap3A_3035, %swap3A_3036] : memref<256x8192xf32, #tpu.memory_space<vmem>>, vector<1x128xf32>
    %swap3A_3038 = vector.shape_cast %swap3A_3037 : vector<1x128xf32> to vector<128xf32>
    %swap3A_3039 = vector.shape_cast %get3A_3034 : vector<128xf32> to vector<1x128xf32>
    tpu.vector_store %arg3[%swap3A_3035, %swap3A_3036], %swap3A_3039 {strides = array<i32>} : memref<256x8192xf32, #tpu.memory_space<vmem>>, vector<1x128xf32>,
    %get3A_3040 = arith.constant 0 : index
    %get3A_3041 = arith.constant 0 : index
    %get3A_3042 = arith.constant 190 : index
    %get3A_3043 = memref.load %arg1[%get3A_3040, %get3A_3041, %get3A_3042] : memref<1x1x256xi32, #tpu.memory_space<smem>>
    %mul3A_3044 = arith.constant 128 : i32
    %mul3A_3045 = arith.muli %get3A_3043, %mul3A_3044 : i32
    %multiple_of3A_3046 = tpu.assume_multiple %mul3A_3045, 128 : i32
    %get3A_3047 = arith.constant 190 : index
    %get3A_3048 = arith.constant 0 : index
    %get3A_3049 = vector.load %arg2[%get3A_3047, %get3A_3048] : memref<256x128xf32, #tpu.memory_space<vmem>>, vector<1x128xf32>
    %get3A_3050 = vector.shape_cast %get3A_3049 : vector<1x128xf32> to vector<128xf32>
    %swap3A_3051 = arith.constant 190 : index
    %swap3A_3052 = arith.index_cast %multiple_of3A_3046 : i32 to index
    %swap3A_3053 = vector.load %arg3[%swap3A_3051, %swap3A_3052] : memref<256x8192xf32, #tpu.memory_space<vmem>>, vector<1x128xf32>
    %swap3A_3054 = vector.shape_cast %swap3A_3053 : vector<1x128xf32> to vector<128xf32>
    %swap3A_3055 = vector.shape_cast %get3A_3050 : vector<128xf32> to vector<1x128xf32>
    tpu.vector_store %arg3[%swap3A_3051, %swap3A_3052], %swap3A_3055 {strides = array<i32>} : memref<256x8192xf32, #tpu.memory_space<vmem>>, vector<1x128xf32>,
    %get3A_3056 = arith.constant 0 : index
    %get3A_3057 = arith.constant 0 : index
    %get3A_3058 = arith.constant 191 : index
    %get3A_3059 = memref.load %arg1[%get3A_3056, %get3A_3057, %get3A_3058] : memref<1x1x256xi32, #tpu.memory_space<smem>>
    %mul3A_3060 = arith.constant 128 : i32
    %mul3A_3061 = arith.muli %get3A_3059, %mul3A_3060 : i32
    %multiple_of3A_3062 = tpu.assume_multiple %mul3A_3061, 128 : i32
    %get3A_3063 = arith.constant 191 : index
    %get3A_3064 = arith.constant 0 : index
    %get3A_3065 = vector.load %arg2[%get3A_3063, %get3A_3064] : memref<256x128xf32, #tpu.memory_space<vmem>>, vector<1x128xf32>
    %get3A_3066 = vector.shape_cast %get3A_3065 : vector<1x128xf32> to vector<128xf32>
    %swap3A_3067 = arith.constant 191 : index
    %swap3A_3068 = arith.index_cast %multiple_of3A_3062 : i32 to index
    %swap3A_3069 = vector.load %arg3[%swap3A_3067, %swap3A_3068] : memref<256x8192xf32, #tpu.memory_space<vmem>>, vector<1x128xf32>
    %swap3A_3070 = vector.shape_cast %swap3A_3069 : vector<1x128xf32> to vector<128xf32>
    %swap3A_3071 = vector.shape_cast %get3A_3066 : vector<128xf32> to vector<1x128xf32>
    tpu.vector_store %arg3[%swap3A_3067, %swap3A_3068], %swap3A_3071 {strides = array<i32>} : memref<256x8192xf32, #tpu.memory_space<vmem>>, vector<1x128xf32>,
    %get3A_3072 = arith.constant 0 : index
    %get3A_3073 = arith.constant 0 : index
    %get3A_3074 = arith.constant 192 : index
    %get3A_3075 = memref.load %arg1[%get3A_3072, %get3A_3073, %get3A_3074] : memref<1x1x256xi32, #tpu.memory_space<smem>>
    %mul3A_3076 = arith.constant 128 : i32
    %mul3A_3077 = arith.muli %get3A_3075, %mul3A_3076 : i32
    %multiple_of3A_3078 = tpu.assume_multiple %mul3A_3077, 128 : i32
    %get3A_3079 = arith.constant 192 : index
    %get3A_3080 = arith.constant 0 : index
    %get3A_3081 = vector.load %arg2[%get3A_3079, %get3A_3080] : memref<256x128xf32, #tpu.memory_space<vmem>>, vector<1x128xf32>
    %get3A_3082 = vector.shape_cast %get3A_3081 : vector<1x128xf32> to vector<128xf32>
    %swap3A_3083 = arith.constant 192 : index
    %swap3A_3084 = arith.index_cast %multiple_of3A_3078 : i32 to index
    %swap3A_3085 = vector.load %arg3[%swap3A_3083, %swap3A_3084] : memref<256x8192xf32, #tpu.memory_space<vmem>>, vector<1x128xf32>
    %swap3A_3086 = vector.shape_cast %swap3A_3085 : vector<1x128xf32> to vector<128xf32>
    %swap3A_3087 = vector.shape_cast %get3A_3082 : vector<128xf32> to vector<1x128xf32>
    tpu.vector_store %arg3[%swap3A_3083, %swap3A_3084], %swap3A_3087 {strides = array<i32>} : memref<256x8192xf32, #tpu.memory_space<vmem>>, vector<1x128xf32>,
    %get3A_3088 = arith.constant 0 : index
    %get3A_3089 = arith.constant 0 : index
    %get3A_3090 = arith.constant 193 : index
    %get3A_3091 = memref.load %arg1[%get3A_3088, %get3A_3089, %get3A_3090] : memref<1x1x256xi32, #tpu.memory_space<smem>>
    %mul3A_3092 = arith.constant 128 : i32
    %mul3A_3093 = arith.muli %get3A_3091, %mul3A_3092 : i32
    %multiple_of3A_3094 = tpu.assume_multiple %mul3A_3093, 128 : i32
    %get3A_3095 = arith.constant 193 : index
    %get3A_3096 = arith.constant 0 : index
    %get3A_3097 = vector.load %arg2[%get3A_3095, %get3A_3096] : memref<256x128xf32, #tpu.memory_space<vmem>>, vector<1x128xf32>
    %get3A_3098 = vector.shape_cast %get3A_3097 : vector<1x128xf32> to vector<128xf32>
    %swap3A_3099 = arith.constant 193 : index
    %swap3A_3100 = arith.index_cast %multiple_of3A_3094 : i32 to index
    %swap3A_3101 = vector.load %arg3[%swap3A_3099, %swap3A_3100] : memref<256x8192xf32, #tpu.memory_space<vmem>>, vector<1x128xf32>
    %swap3A_3102 = vector.shape_cast %swap3A_3101 : vector<1x128xf32> to vector<128xf32>
    %swap3A_3103 = vector.shape_cast %get3A_3098 : vector<128xf32> to vector<1x128xf32>
    tpu.vector_store %arg3[%swap3A_3099, %swap3A_3100], %swap3A_3103 {strides = array<i32>} : memref<256x8192xf32, #tpu.memory_space<vmem>>, vector<1x128xf32>,
    %get3A_3104 = arith.constant 0 : index
    %get3A_3105 = arith.constant 0 : index
    %get3A_3106 = arith.constant 194 : index
    %get3A_3107 = memref.load %arg1[%get3A_3104, %get3A_3105, %get3A_3106] : memref<1x1x256xi32, #tpu.memory_space<smem>>
    %mul3A_3108 = arith.constant 128 : i32
    %mul3A_3109 = arith.muli %get3A_3107, %mul3A_3108 : i32
    %multiple_of3A_3110 = tpu.assume_multiple %mul3A_3109, 128 : i32
    %get3A_3111 = arith.constant 194 : index
    %get3A_3112 = arith.constant 0 : index
    %get3A_3113 = vector.load %arg2[%get3A_3111, %get3A_3112] : memref<256x128xf32, #tpu.memory_space<vmem>>, vector<1x128xf32>
    %get3A_3114 = vector.shape_cast %get3A_3113 : vector<1x128xf32> to vector<128xf32>
    %swap3A_3115 = arith.constant 194 : index
    %swap3A_3116 = arith.index_cast %multiple_of3A_3110 : i32 to index
    %swap3A_3117 = vector.load %arg3[%swap3A_3115, %swap3A_3116] : memref<256x8192xf32, #tpu.memory_space<vmem>>, vector<1x128xf32>
    %swap3A_3118 = vector.shape_cast %swap3A_3117 : vector<1x128xf32> to vector<128xf32>
    %swap3A_3119 = vector.shape_cast %get3A_3114 : vector<128xf32> to vector<1x128xf32>
    tpu.vector_store %arg3[%swap3A_3115, %swap3A_3116], %swap3A_3119 {strides = array<i32>} : memref<256x8192xf32, #tpu.memory_space<vmem>>, vector<1x128xf32>,
    %get3A_3120 = arith.constant 0 : index
    %get3A_3121 = arith.constant 0 : index
    %get3A_3122 = arith.constant 195 : index
    %get3A_3123 = memref.load %arg1[%get3A_3120, %get3A_3121, %get3A_3122] : memref<1x1x256xi32, #tpu.memory_space<smem>>
    %mul3A_3124 = arith.constant 128 : i32
    %mul3A_3125 = arith.muli %get3A_3123, %mul3A_3124 : i32
    %multiple_of3A_3126 = tpu.assume_multiple %mul3A_3125, 128 : i32
    %get3A_3127 = arith.constant 195 : index
    %get3A_3128 = arith.constant 0 : index
    %get3A_3129 = vector.load %arg2[%get3A_3127, %get3A_3128] : memref<256x128xf32, #tpu.memory_space<vmem>>, vector<1x128xf32>
    %get3A_3130 = vector.shape_cast %get3A_3129 : vector<1x128xf32> to vector<128xf32>
    %swap3A_3131 = arith.constant 195 : index
    %swap3A_3132 = arith.index_cast %multiple_of3A_3126 : i32 to index
    %swap3A_3133 = vector.load %arg3[%swap3A_3131, %swap3A_3132] : memref<256x8192xf32, #tpu.memory_space<vmem>>, vector<1x128xf32>
    %swap3A_3134 = vector.shape_cast %swap3A_3133 : vector<1x128xf32> to vector<128xf32>
    %swap3A_3135 = vector.shape_cast %get3A_3130 : vector<128xf32> to vector<1x128xf32>
    tpu.vector_store %arg3[%swap3A_3131, %swap3A_3132], %swap3A_3135 {strides = array<i32>} : memref<256x8192xf32, #tpu.memory_space<vmem>>, vector<1x128xf32>,
    %get3A_3136 = arith.constant 0 : index
    %get3A_3137 = arith.constant 0 : index
    %get3A_3138 = arith.constant 196 : index
    %get3A_3139 = memref.load %arg1[%get3A_3136, %get3A_3137, %get3A_3138] : memref<1x1x256xi32, #tpu.memory_space<smem>>
    %mul3A_3140 = arith.constant 128 : i32
    %mul3A_3141 = arith.muli %get3A_3139, %mul3A_3140 : i32
    %multiple_of3A_3142 = tpu.assume_multiple %mul3A_3141, 128 : i32
    %get3A_3143 = arith.constant 196 : index
    %get3A_3144 = arith.constant 0 : index
    %get3A_3145 = vector.load %arg2[%get3A_3143, %get3A_3144] : memref<256x128xf32, #tpu.memory_space<vmem>>, vector<1x128xf32>
    %get3A_3146 = vector.shape_cast %get3A_3145 : vector<1x128xf32> to vector<128xf32>
    %swap3A_3147 = arith.constant 196 : index
    %swap3A_3148 = arith.index_cast %multiple_of3A_3142 : i32 to index
    %swap3A_3149 = vector.load %arg3[%swap3A_3147, %swap3A_3148] : memref<256x8192xf32, #tpu.memory_space<vmem>>, vector<1x128xf32>
    %swap3A_3150 = vector.shape_cast %swap3A_3149 : vector<1x128xf32> to vector<128xf32>
    %swap3A_3151 = vector.shape_cast %get3A_3146 : vector<128xf32> to vector<1x128xf32>
    tpu.vector_store %arg3[%swap3A_3147, %swap3A_3148], %swap3A_3151 {strides = array<i32>} : memref<256x8192xf32, #tpu.memory_space<vmem>>, vector<1x128xf32>,
    %get3A_3152 = arith.constant 0 : index
    %get3A_3153 = arith.constant 0 : index
    %get3A_3154 = arith.constant 197 : index
    %get3A_3155 = memref.load %arg1[%get3A_3152, %get3A_3153, %get3A_3154] : memref<1x1x256xi32, #tpu.memory_space<smem>>
    %mul3A_3156 = arith.constant 128 : i32
    %mul3A_3157 = arith.muli %get3A_3155, %mul3A_3156 : i32
    %multiple_of3A_3158 = tpu.assume_multiple %mul3A_3157, 128 : i32
    %get3A_3159 = arith.constant 197 : index
    %get3A_3160 = arith.constant 0 : index
    %get3A_3161 = vector.load %arg2[%get3A_3159, %get3A_3160] : memref<256x128xf32, #tpu.memory_space<vmem>>, vector<1x128xf32>
    %get3A_3162 = vector.shape_cast %get3A_3161 : vector<1x128xf32> to vector<128xf32>
    %swap3A_3163 = arith.constant 197 : index
    %swap3A_3164 = arith.index_cast %multiple_of3A_3158 : i32 to index
    %swap3A_3165 = vector.load %arg3[%swap3A_3163, %swap3A_3164] : memref<256x8192xf32, #tpu.memory_space<vmem>>, vector<1x128xf32>
    %swap3A_3166 = vector.shape_cast %swap3A_3165 : vector<1x128xf32> to vector<128xf32>
    %swap3A_3167 = vector.shape_cast %get3A_3162 : vector<128xf32> to vector<1x128xf32>
    tpu.vector_store %arg3[%swap3A_3163, %swap3A_3164], %swap3A_3167 {strides = array<i32>} : memref<256x8192xf32, #tpu.memory_space<vmem>>, vector<1x128xf32>,
    %get3A_3168 = arith.constant 0 : index
    %get3A_3169 = arith.constant 0 : index
    %get3A_3170 = arith.constant 198 : index
    %get3A_3171 = memref.load %arg1[%get3A_3168, %get3A_3169, %get3A_3170] : memref<1x1x256xi32, #tpu.memory_space<smem>>
    %mul3A_3172 = arith.constant 128 : i32
    %mul3A_3173 = arith.muli %get3A_3171, %mul3A_3172 : i32
    %multiple_of3A_3174 = tpu.assume_multiple %mul3A_3173, 128 : i32
    %get3A_3175 = arith.constant 198 : index
    %get3A_3176 = arith.constant 0 : index
    %get3A_3177 = vector.load %arg2[%get3A_3175, %get3A_3176] : memref<256x128xf32, #tpu.memory_space<vmem>>, vector<1x128xf32>
    %get3A_3178 = vector.shape_cast %get3A_3177 : vector<1x128xf32> to vector<128xf32>
    %swap3A_3179 = arith.constant 198 : index
    %swap3A_3180 = arith.index_cast %multiple_of3A_3174 : i32 to index
    %swap3A_3181 = vector.load %arg3[%swap3A_3179, %swap3A_3180] : memref<256x8192xf32, #tpu.memory_space<vmem>>, vector<1x128xf32>
    %swap3A_3182 = vector.shape_cast %swap3A_3181 : vector<1x128xf32> to vector<128xf32>
    %swap3A_3183 = vector.shape_cast %get3A_3178 : vector<128xf32> to vector<1x128xf32>
    tpu.vector_store %arg3[%swap3A_3179, %swap3A_3180], %swap3A_3183 {strides = array<i32>} : memref<256x8192xf32, #tpu.memory_space<vmem>>, vector<1x128xf32>,
    %get3A_3184 = arith.constant 0 : index
    %get3A_3185 = arith.constant 0 : index
    %get3A_3186 = arith.constant 199 : index
    %get3A_3187 = memref.load %arg1[%get3A_3184, %get3A_3185, %get3A_3186] : memref<1x1x256xi32, #tpu.memory_space<smem>>
    %mul3A_3188 = arith.constant 128 : i32
    %mul3A_3189 = arith.muli %get3A_3187, %mul3A_3188 : i32
    %multiple_of3A_3190 = tpu.assume_multiple %mul3A_3189, 128 : i32
    %get3A_3191 = arith.constant 199 : index
    %get3A_3192 = arith.constant 0 : index
    %get3A_3193 = vector.load %arg2[%get3A_3191, %get3A_3192] : memref<256x128xf32, #tpu.memory_space<vmem>>, vector<1x128xf32>
    %get3A_3194 = vector.shape_cast %get3A_3193 : vector<1x128xf32> to vector<128xf32>
    %swap3A_3195 = arith.constant 199 : index
    %swap3A_3196 = arith.index_cast %multiple_of3A_3190 : i32 to index
    %swap3A_3197 = vector.load %arg3[%swap3A_3195, %swap3A_3196] : memref<256x8192xf32, #tpu.memory_space<vmem>>, vector<1x128xf32>
    %swap3A_3198 = vector.shape_cast %swap3A_3197 : vector<1x128xf32> to vector<128xf32>
    %swap3A_3199 = vector.shape_cast %get3A_3194 : vector<128xf32> to vector<1x128xf32>
    tpu.vector_store %arg3[%swap3A_3195, %swap3A_3196], %swap3A_3199 {strides = array<i32>} : memref<256x8192xf32, #tpu.memory_space<vmem>>, vector<1x128xf32>,
    %get3A_3200 = arith.constant 0 : index
    %get3A_3201 = arith.constant 0 : index
    %get3A_3202 = arith.constant 200 : index
    %get3A_3203 = memref.load %arg1[%get3A_3200, %get3A_3201, %get3A_3202] : memref<1x1x256xi32, #tpu.memory_space<smem>>
    %mul3A_3204 = arith.constant 128 : i32
    %mul3A_3205 = arith.muli %get3A_3203, %mul3A_3204 : i32
    %multiple_of3A_3206 = tpu.assume_multiple %mul3A_3205, 128 : i32
    %get3A_3207 = arith.constant 200 : index
    %get3A_3208 = arith.constant 0 : index
    %get3A_3209 = vector.load %arg2[%get3A_3207, %get3A_3208] : memref<256x128xf32, #tpu.memory_space<vmem>>, vector<1x128xf32>
    %get3A_3210 = vector.shape_cast %get3A_3209 : vector<1x128xf32> to vector<128xf32>
    %swap3A_3211 = arith.constant 200 : index
    %swap3A_3212 = arith.index_cast %multiple_of3A_3206 : i32 to index
    %swap3A_3213 = vector.load %arg3[%swap3A_3211, %swap3A_3212] : memref<256x8192xf32, #tpu.memory_space<vmem>>, vector<1x128xf32>
    %swap3A_3214 = vector.shape_cast %swap3A_3213 : vector<1x128xf32> to vector<128xf32>
    %swap3A_3215 = vector.shape_cast %get3A_3210 : vector<128xf32> to vector<1x128xf32>
    tpu.vector_store %arg3[%swap3A_3211, %swap3A_3212], %swap3A_3215 {strides = array<i32>} : memref<256x8192xf32, #tpu.memory_space<vmem>>, vector<1x128xf32>,
    %get3A_3216 = arith.constant 0 : index
    %get3A_3217 = arith.constant 0 : index
    %get3A_3218 = arith.constant 201 : index
    %get3A_3219 = memref.load %arg1[%get3A_3216, %get3A_3217, %get3A_3218] : memref<1x1x256xi32, #tpu.memory_space<smem>>
    %mul3A_3220 = arith.constant 128 : i32
    %mul3A_3221 = arith.muli %get3A_3219, %mul3A_3220 : i32
    %multiple_of3A_3222 = tpu.assume_multiple %mul3A_3221, 128 : i32
    %get3A_3223 = arith.constant 201 : index
    %get3A_3224 = arith.constant 0 : index
    %get3A_3225 = vector.load %arg2[%get3A_3223, %get3A_3224] : memref<256x128xf32, #tpu.memory_space<vmem>>, vector<1x128xf32>
    %get3A_3226 = vector.shape_cast %get3A_3225 : vector<1x128xf32> to vector<128xf32>
    %swap3A_3227 = arith.constant 201 : index
    %swap3A_3228 = arith.index_cast %multiple_of3A_3222 : i32 to index
    %swap3A_3229 = vector.load %arg3[%swap3A_3227, %swap3A_3228] : memref<256x8192xf32, #tpu.memory_space<vmem>>, vector<1x128xf32>
    %swap3A_3230 = vector.shape_cast %swap3A_3229 : vector<1x128xf32> to vector<128xf32>
    %swap3A_3231 = vector.shape_cast %get3A_3226 : vector<128xf32> to vector<1x128xf32>
    tpu.vector_store %arg3[%swap3A_3227, %swap3A_3228], %swap3A_3231 {strides = array<i32>} : memref<256x8192xf32, #tpu.memory_space<vmem>>, vector<1x128xf32>,
    %get3A_3232 = arith.constant 0 : index
    %get3A_3233 = arith.constant 0 : index
    %get3A_3234 = arith.constant 202 : index
    %get3A_3235 = memref.load %arg1[%get3A_3232, %get3A_3233, %get3A_3234] : memref<1x1x256xi32, #tpu.memory_space<smem>>
    %mul3A_3236 = arith.constant 128 : i32
    %mul3A_3237 = arith.muli %get3A_3235, %mul3A_3236 : i32
    %multiple_of3A_3238 = tpu.assume_multiple %mul3A_3237, 128 : i32
    %get3A_3239 = arith.constant 202 : index
    %get3A_3240 = arith.constant 0 : index
    %get3A_3241 = vector.load %arg2[%get3A_3239, %get3A_3240] : memref<256x128xf32, #tpu.memory_space<vmem>>, vector<1x128xf32>
    %get3A_3242 = vector.shape_cast %get3A_3241 : vector<1x128xf32> to vector<128xf32>
    %swap3A_3243 = arith.constant 202 : index
    %swap3A_3244 = arith.index_cast %multiple_of3A_3238 : i32 to index
    %swap3A_3245 = vector.load %arg3[%swap3A_3243, %swap3A_3244] : memref<256x8192xf32, #tpu.memory_space<vmem>>, vector<1x128xf32>
    %swap3A_3246 = vector.shape_cast %swap3A_3245 : vector<1x128xf32> to vector<128xf32>
    %swap3A_3247 = vector.shape_cast %get3A_3242 : vector<128xf32> to vector<1x128xf32>
    tpu.vector_store %arg3[%swap3A_3243, %swap3A_3244], %swap3A_3247 {strides = array<i32>} : memref<256x8192xf32, #tpu.memory_space<vmem>>, vector<1x128xf32>,
    %get3A_3248 = arith.constant 0 : index
    %get3A_3249 = arith.constant 0 : index
    %get3A_3250 = arith.constant 203 : index
    %get3A_3251 = memref.load %arg1[%get3A_3248, %get3A_3249, %get3A_3250] : memref<1x1x256xi32, #tpu.memory_space<smem>>
    %mul3A_3252 = arith.constant 128 : i32
    %mul3A_3253 = arith.muli %get3A_3251, %mul3A_3252 : i32
    %multiple_of3A_3254 = tpu.assume_multiple %mul3A_3253, 128 : i32
    %get3A_3255 = arith.constant 203 : index
    %get3A_3256 = arith.constant 0 : index
    %get3A_3257 = vector.load %arg2[%get3A_3255, %get3A_3256] : memref<256x128xf32, #tpu.memory_space<vmem>>, vector<1x128xf32>
    %get3A_3258 = vector.shape_cast %get3A_3257 : vector<1x128xf32> to vector<128xf32>
    %swap3A_3259 = arith.constant 203 : index
    %swap3A_3260 = arith.index_cast %multiple_of3A_3254 : i32 to index
    %swap3A_3261 = vector.load %arg3[%swap3A_3259, %swap3A_3260] : memref<256x8192xf32, #tpu.memory_space<vmem>>, vector<1x128xf32>
    %swap3A_3262 = vector.shape_cast %swap3A_3261 : vector<1x128xf32> to vector<128xf32>
    %swap3A_3263 = vector.shape_cast %get3A_3258 : vector<128xf32> to vector<1x128xf32>
    tpu.vector_store %arg3[%swap3A_3259, %swap3A_3260], %swap3A_3263 {strides = array<i32>} : memref<256x8192xf32, #tpu.memory_space<vmem>>, vector<1x128xf32>,
    %get3A_3264 = arith.constant 0 : index
    %get3A_3265 = arith.constant 0 : index
    %get3A_3266 = arith.constant 204 : index
    %get3A_3267 = memref.load %arg1[%get3A_3264, %get3A_3265, %get3A_3266] : memref<1x1x256xi32, #tpu.memory_space<smem>>
    %mul3A_3268 = arith.constant 128 : i32
    %mul3A_3269 = arith.muli %get3A_3267, %mul3A_3268 : i32
    %multiple_of3A_3270 = tpu.assume_multiple %mul3A_3269, 128 : i32
    %get3A_3271 = arith.constant 204 : index
    %get3A_3272 = arith.constant 0 : index
    %get3A_3273 = vector.load %arg2[%get3A_3271, %get3A_3272] : memref<256x128xf32, #tpu.memory_space<vmem>>, vector<1x128xf32>
    %get3A_3274 = vector.shape_cast %get3A_3273 : vector<1x128xf32> to vector<128xf32>
    %swap3A_3275 = arith.constant 204 : index
    %swap3A_3276 = arith.index_cast %multiple_of3A_3270 : i32 to index
    %swap3A_3277 = vector.load %arg3[%swap3A_3275, %swap3A_3276] : memref<256x8192xf32, #tpu.memory_space<vmem>>, vector<1x128xf32>
    %swap3A_3278 = vector.shape_cast %swap3A_3277 : vector<1x128xf32> to vector<128xf32>
    %swap3A_3279 = vector.shape_cast %get3A_3274 : vector<128xf32> to vector<1x128xf32>
    tpu.vector_store %arg3[%swap3A_3275, %swap3A_3276], %swap3A_3279 {strides = array<i32>} : memref<256x8192xf32, #tpu.memory_space<vmem>>, vector<1x128xf32>,
    %get3A_3280 = arith.constant 0 : index
    %get3A_3281 = arith.constant 0 : index
    %get3A_3282 = arith.constant 205 : index
    %get3A_3283 = memref.load %arg1[%get3A_3280, %get3A_3281, %get3A_3282] : memref<1x1x256xi32, #tpu.memory_space<smem>>
    %mul3A_3284 = arith.constant 128 : i32
    %mul3A_3285 = arith.muli %get3A_3283, %mul3A_3284 : i32
    %multiple_of3A_3286 = tpu.assume_multiple %mul3A_3285, 128 : i32
    %get3A_3287 = arith.constant 205 : index
    %get3A_3288 = arith.constant 0 : index
    %get3A_3289 = vector.load %arg2[%get3A_3287, %get3A_3288] : memref<256x128xf32, #tpu.memory_space<vmem>>, vector<1x128xf32>
    %get3A_3290 = vector.shape_cast %get3A_3289 : vector<1x128xf32> to vector<128xf32>
    %swap3A_3291 = arith.constant 205 : index
    %swap3A_3292 = arith.index_cast %multiple_of3A_3286 : i32 to index
    %swap3A_3293 = vector.load %arg3[%swap3A_3291, %swap3A_3292] : memref<256x8192xf32, #tpu.memory_space<vmem>>, vector<1x128xf32>
    %swap3A_3294 = vector.shape_cast %swap3A_3293 : vector<1x128xf32> to vector<128xf32>
    %swap3A_3295 = vector.shape_cast %get3A_3290 : vector<128xf32> to vector<1x128xf32>
    tpu.vector_store %arg3[%swap3A_3291, %swap3A_3292], %swap3A_3295 {strides = array<i32>} : memref<256x8192xf32, #tpu.memory_space<vmem>>, vector<1x128xf32>,
    %get3A_3296 = arith.constant 0 : index
    %get3A_3297 = arith.constant 0 : index
    %get3A_3298 = arith.constant 206 : index
    %get3A_3299 = memref.load %arg1[%get3A_3296, %get3A_3297, %get3A_3298] : memref<1x1x256xi32, #tpu.memory_space<smem>>
    %mul3A_3300 = arith.constant 128 : i32
    %mul3A_3301 = arith.muli %get3A_3299, %mul3A_3300 : i32
    %multiple_of3A_3302 = tpu.assume_multiple %mul3A_3301, 128 : i32
    %get3A_3303 = arith.constant 206 : index
    %get3A_3304 = arith.constant 0 : index
    %get3A_3305 = vector.load %arg2[%get3A_3303, %get3A_3304] : memref<256x128xf32, #tpu.memory_space<vmem>>, vector<1x128xf32>
    %get3A_3306 = vector.shape_cast %get3A_3305 : vector<1x128xf32> to vector<128xf32>
    %swap3A_3307 = arith.constant 206 : index
    %swap3A_3308 = arith.index_cast %multiple_of3A_3302 : i32 to index
    %swap3A_3309 = vector.load %arg3[%swap3A_3307, %swap3A_3308] : memref<256x8192xf32, #tpu.memory_space<vmem>>, vector<1x128xf32>
    %swap3A_3310 = vector.shape_cast %swap3A_3309 : vector<1x128xf32> to vector<128xf32>
    %swap3A_3311 = vector.shape_cast %get3A_3306 : vector<128xf32> to vector<1x128xf32>
    tpu.vector_store %arg3[%swap3A_3307, %swap3A_3308], %swap3A_3311 {strides = array<i32>} : memref<256x8192xf32, #tpu.memory_space<vmem>>, vector<1x128xf32>,
    %get3A_3312 = arith.constant 0 : index
    %get3A_3313 = arith.constant 0 : index
    %get3A_3314 = arith.constant 207 : index
    %get3A_3315 = memref.load %arg1[%get3A_3312, %get3A_3313, %get3A_3314] : memref<1x1x256xi32, #tpu.memory_space<smem>>
    %mul3A_3316 = arith.constant 128 : i32
    %mul3A_3317 = arith.muli %get3A_3315, %mul3A_3316 : i32
    %multiple_of3A_3318 = tpu.assume_multiple %mul3A_3317, 128 : i32
    %get3A_3319 = arith.constant 207 : index
    %get3A_3320 = arith.constant 0 : index
    %get3A_3321 = vector.load %arg2[%get3A_3319, %get3A_3320] : memref<256x128xf32, #tpu.memory_space<vmem>>, vector<1x128xf32>
    %get3A_3322 = vector.shape_cast %get3A_3321 : vector<1x128xf32> to vector<128xf32>
    %swap3A_3323 = arith.constant 207 : index
    %swap3A_3324 = arith.index_cast %multiple_of3A_3318 : i32 to index
    %swap3A_3325 = vector.load %arg3[%swap3A_3323, %swap3A_3324] : memref<256x8192xf32, #tpu.memory_space<vmem>>, vector<1x128xf32>
    %swap3A_3326 = vector.shape_cast %swap3A_3325 : vector<1x128xf32> to vector<128xf32>
    %swap3A_3327 = vector.shape_cast %get3A_3322 : vector<128xf32> to vector<1x128xf32>
    tpu.vector_store %arg3[%swap3A_3323, %swap3A_3324], %swap3A_3327 {strides = array<i32>} : memref<256x8192xf32, #tpu.memory_space<vmem>>, vector<1x128xf32>,
    %get3A_3328 = arith.constant 0 : index
    %get3A_3329 = arith.constant 0 : index
    %get3A_3330 = arith.constant 208 : index
    %get3A_3331 = memref.load %arg1[%get3A_3328, %get3A_3329, %get3A_3330] : memref<1x1x256xi32, #tpu.memory_space<smem>>
    %mul3A_3332 = arith.constant 128 : i32
    %mul3A_3333 = arith.muli %get3A_3331, %mul3A_3332 : i32
    %multiple_of3A_3334 = tpu.assume_multiple %mul3A_3333, 128 : i32
    %get3A_3335 = arith.constant 208 : index
    %get3A_3336 = arith.constant 0 : index
    %get3A_3337 = vector.load %arg2[%get3A_3335, %get3A_3336] : memref<256x128xf32, #tpu.memory_space<vmem>>, vector<1x128xf32>
    %get3A_3338 = vector.shape_cast %get3A_3337 : vector<1x128xf32> to vector<128xf32>
    %swap3A_3339 = arith.constant 208 : index
    %swap3A_3340 = arith.index_cast %multiple_of3A_3334 : i32 to index
    %swap3A_3341 = vector.load %arg3[%swap3A_3339, %swap3A_3340] : memref<256x8192xf32, #tpu.memory_space<vmem>>, vector<1x128xf32>
    %swap3A_3342 = vector.shape_cast %swap3A_3341 : vector<1x128xf32> to vector<128xf32>
    %swap3A_3343 = vector.shape_cast %get3A_3338 : vector<128xf32> to vector<1x128xf32>
    tpu.vector_store %arg3[%swap3A_3339, %swap3A_3340], %swap3A_3343 {strides = array<i32>} : memref<256x8192xf32, #tpu.memory_space<vmem>>, vector<1x128xf32>,
    %get3A_3344 = arith.constant 0 : index
    %get3A_3345 = arith.constant 0 : index
    %get3A_3346 = arith.constant 209 : index
    %get3A_3347 = memref.load %arg1[%get3A_3344, %get3A_3345, %get3A_3346] : memref<1x1x256xi32, #tpu.memory_space<smem>>
    %mul3A_3348 = arith.constant 128 : i32
    %mul3A_3349 = arith.muli %get3A_3347, %mul3A_3348 : i32
    %multiple_of3A_3350 = tpu.assume_multiple %mul3A_3349, 128 : i32
    %get3A_3351 = arith.constant 209 : index
    %get3A_3352 = arith.constant 0 : index
    %get3A_3353 = vector.load %arg2[%get3A_3351, %get3A_3352] : memref<256x128xf32, #tpu.memory_space<vmem>>, vector<1x128xf32>
    %get3A_3354 = vector.shape_cast %get3A_3353 : vector<1x128xf32> to vector<128xf32>
    %swap3A_3355 = arith.constant 209 : index
    %swap3A_3356 = arith.index_cast %multiple_of3A_3350 : i32 to index
    %swap3A_3357 = vector.load %arg3[%swap3A_3355, %swap3A_3356] : memref<256x8192xf32, #tpu.memory_space<vmem>>, vector<1x128xf32>
    %swap3A_3358 = vector.shape_cast %swap3A_3357 : vector<1x128xf32> to vector<128xf32>
    %swap3A_3359 = vector.shape_cast %get3A_3354 : vector<128xf32> to vector<1x128xf32>
    tpu.vector_store %arg3[%swap3A_3355, %swap3A_3356], %swap3A_3359 {strides = array<i32>} : memref<256x8192xf32, #tpu.memory_space<vmem>>, vector<1x128xf32>,
    %get3A_3360 = arith.constant 0 : index
    %get3A_3361 = arith.constant 0 : index
    %get3A_3362 = arith.constant 210 : index
    %get3A_3363 = memref.load %arg1[%get3A_3360, %get3A_3361, %get3A_3362] : memref<1x1x256xi32, #tpu.memory_space<smem>>
    %mul3A_3364 = arith.constant 128 : i32
    %mul3A_3365 = arith.muli %get3A_3363, %mul3A_3364 : i32
    %multiple_of3A_3366 = tpu.assume_multiple %mul3A_3365, 128 : i32
    %get3A_3367 = arith.constant 210 : index
    %get3A_3368 = arith.constant 0 : index
    %get3A_3369 = vector.load %arg2[%get3A_3367, %get3A_3368] : memref<256x128xf32, #tpu.memory_space<vmem>>, vector<1x128xf32>
    %get3A_3370 = vector.shape_cast %get3A_3369 : vector<1x128xf32> to vector<128xf32>
    %swap3A_3371 = arith.constant 210 : index
    %swap3A_3372 = arith.index_cast %multiple_of3A_3366 : i32 to index
    %swap3A_3373 = vector.load %arg3[%swap3A_3371, %swap3A_3372] : memref<256x8192xf32, #tpu.memory_space<vmem>>, vector<1x128xf32>
    %swap3A_3374 = vector.shape_cast %swap3A_3373 : vector<1x128xf32> to vector<128xf32>
    %swap3A_3375 = vector.shape_cast %get3A_3370 : vector<128xf32> to vector<1x128xf32>
    tpu.vector_store %arg3[%swap3A_3371, %swap3A_3372], %swap3A_3375 {strides = array<i32>} : memref<256x8192xf32, #tpu.memory_space<vmem>>, vector<1x128xf32>,
    %get3A_3376 = arith.constant 0 : index
    %get3A_3377 = arith.constant 0 : index
    %get3A_3378 = arith.constant 211 : index
    %get3A_3379 = memref.load %arg1[%get3A_3376, %get3A_3377, %get3A_3378] : memref<1x1x256xi32, #tpu.memory_space<smem>>
    %mul3A_3380 = arith.constant 128 : i32
    %mul3A_3381 = arith.muli %get3A_3379, %mul3A_3380 : i32
    %multiple_of3A_3382 = tpu.assume_multiple %mul3A_3381, 128 : i32
    %get3A_3383 = arith.constant 211 : index
    %get3A_3384 = arith.constant 0 : index
    %get3A_3385 = vector.load %arg2[%get3A_3383, %get3A_3384] : memref<256x128xf32, #tpu.memory_space<vmem>>, vector<1x128xf32>
    %get3A_3386 = vector.shape_cast %get3A_3385 : vector<1x128xf32> to vector<128xf32>
    %swap3A_3387 = arith.constant 211 : index
    %swap3A_3388 = arith.index_cast %multiple_of3A_3382 : i32 to index
    %swap3A_3389 = vector.load %arg3[%swap3A_3387, %swap3A_3388] : memref<256x8192xf32, #tpu.memory_space<vmem>>, vector<1x128xf32>
    %swap3A_3390 = vector.shape_cast %swap3A_3389 : vector<1x128xf32> to vector<128xf32>
    %swap3A_3391 = vector.shape_cast %get3A_3386 : vector<128xf32> to vector<1x128xf32>
    tpu.vector_store %arg3[%swap3A_3387, %swap3A_3388], %swap3A_3391 {strides = array<i32>} : memref<256x8192xf32, #tpu.memory_space<vmem>>, vector<1x128xf32>,
    %get3A_3392 = arith.constant 0 : index
    %get3A_3393 = arith.constant 0 : index
    %get3A_3394 = arith.constant 212 : index
    %get3A_3395 = memref.load %arg1[%get3A_3392, %get3A_3393, %get3A_3394] : memref<1x1x256xi32, #tpu.memory_space<smem>>
    %mul3A_3396 = arith.constant 128 : i32
    %mul3A_3397 = arith.muli %get3A_3395, %mul3A_3396 : i32
    %multiple_of3A_3398 = tpu.assume_multiple %mul3A_3397, 128 : i32
    %get3A_3399 = arith.constant 212 : index
    %get3A_3400 = arith.constant 0 : index
    %get3A_3401 = vector.load %arg2[%get3A_3399, %get3A_3400] : memref<256x128xf32, #tpu.memory_space<vmem>>, vector<1x128xf32>
    %get3A_3402 = vector.shape_cast %get3A_3401 : vector<1x128xf32> to vector<128xf32>
    %swap3A_3403 = arith.constant 212 : index
    %swap3A_3404 = arith.index_cast %multiple_of3A_3398 : i32 to index
    %swap3A_3405 = vector.load %arg3[%swap3A_3403, %swap3A_3404] : memref<256x8192xf32, #tpu.memory_space<vmem>>, vector<1x128xf32>
    %swap3A_3406 = vector.shape_cast %swap3A_3405 : vector<1x128xf32> to vector<128xf32>
    %swap3A_3407 = vector.shape_cast %get3A_3402 : vector<128xf32> to vector<1x128xf32>
    tpu.vector_store %arg3[%swap3A_3403, %swap3A_3404], %swap3A_3407 {strides = array<i32>} : memref<256x8192xf32, #tpu.memory_space<vmem>>, vector<1x128xf32>,
    %get3A_3408 = arith.constant 0 : index
    %get3A_3409 = arith.constant 0 : index
    %get3A_3410 = arith.constant 213 : index
    %get3A_3411 = memref.load %arg1[%get3A_3408, %get3A_3409, %get3A_3410] : memref<1x1x256xi32, #tpu.memory_space<smem>>
    %mul3A_3412 = arith.constant 128 : i32
    %mul3A_3413 = arith.muli %get3A_3411, %mul3A_3412 : i32
    %multiple_of3A_3414 = tpu.assume_multiple %mul3A_3413, 128 : i32
    %get3A_3415 = arith.constant 213 : index
    %get3A_3416 = arith.constant 0 : index
    %get3A_3417 = vector.load %arg2[%get3A_3415, %get3A_3416] : memref<256x128xf32, #tpu.memory_space<vmem>>, vector<1x128xf32>
    %get3A_3418 = vector.shape_cast %get3A_3417 : vector<1x128xf32> to vector<128xf32>
    %swap3A_3419 = arith.constant 213 : index
    %swap3A_3420 = arith.index_cast %multiple_of3A_3414 : i32 to index
    %swap3A_3421 = vector.load %arg3[%swap3A_3419, %swap3A_3420] : memref<256x8192xf32, #tpu.memory_space<vmem>>, vector<1x128xf32>
    %swap3A_3422 = vector.shape_cast %swap3A_3421 : vector<1x128xf32> to vector<128xf32>
    %swap3A_3423 = vector.shape_cast %get3A_3418 : vector<128xf32> to vector<1x128xf32>
    tpu.vector_store %arg3[%swap3A_3419, %swap3A_3420], %swap3A_3423 {strides = array<i32>} : memref<256x8192xf32, #tpu.memory_space<vmem>>, vector<1x128xf32>,
    %get3A_3424 = arith.constant 0 : index
    %get3A_3425 = arith.constant 0 : index
    %get3A_3426 = arith.constant 214 : index
    %get3A_3427 = memref.load %arg1[%get3A_3424, %get3A_3425, %get3A_3426] : memref<1x1x256xi32, #tpu.memory_space<smem>>
    %mul3A_3428 = arith.constant 128 : i32
    %mul3A_3429 = arith.muli %get3A_3427, %mul3A_3428 : i32
    %multiple_of3A_3430 = tpu.assume_multiple %mul3A_3429, 128 : i32
    %get3A_3431 = arith.constant 214 : index
    %get3A_3432 = arith.constant 0 : index
    %get3A_3433 = vector.load %arg2[%get3A_3431, %get3A_3432] : memref<256x128xf32, #tpu.memory_space<vmem>>, vector<1x128xf32>
    %get3A_3434 = vector.shape_cast %get3A_3433 : vector<1x128xf32> to vector<128xf32>
    %swap3A_3435 = arith.constant 214 : index
    %swap3A_3436 = arith.index_cast %multiple_of3A_3430 : i32 to index
    %swap3A_3437 = vector.load %arg3[%swap3A_3435, %swap3A_3436] : memref<256x8192xf32, #tpu.memory_space<vmem>>, vector<1x128xf32>
    %swap3A_3438 = vector.shape_cast %swap3A_3437 : vector<1x128xf32> to vector<128xf32>
    %swap3A_3439 = vector.shape_cast %get3A_3434 : vector<128xf32> to vector<1x128xf32>
    tpu.vector_store %arg3[%swap3A_3435, %swap3A_3436], %swap3A_3439 {strides = array<i32>} : memref<256x8192xf32, #tpu.memory_space<vmem>>, vector<1x128xf32>,
    %get3A_3440 = arith.constant 0 : index
    %get3A_3441 = arith.constant 0 : index
    %get3A_3442 = arith.constant 215 : index
    %get3A_3443 = memref.load %arg1[%get3A_3440, %get3A_3441, %get3A_3442] : memref<1x1x256xi32, #tpu.memory_space<smem>>
    %mul3A_3444 = arith.constant 128 : i32
    %mul3A_3445 = arith.muli %get3A_3443, %mul3A_3444 : i32
    %multiple_of3A_3446 = tpu.assume_multiple %mul3A_3445, 128 : i32
    %get3A_3447 = arith.constant 215 : index
    %get3A_3448 = arith.constant 0 : index
    %get3A_3449 = vector.load %arg2[%get3A_3447, %get3A_3448] : memref<256x128xf32, #tpu.memory_space<vmem>>, vector<1x128xf32>
    %get3A_3450 = vector.shape_cast %get3A_3449 : vector<1x128xf32> to vector<128xf32>
    %swap3A_3451 = arith.constant 215 : index
    %swap3A_3452 = arith.index_cast %multiple_of3A_3446 : i32 to index
    %swap3A_3453 = vector.load %arg3[%swap3A_3451, %swap3A_3452] : memref<256x8192xf32, #tpu.memory_space<vmem>>, vector<1x128xf32>
    %swap3A_3454 = vector.shape_cast %swap3A_3453 : vector<1x128xf32> to vector<128xf32>
    %swap3A_3455 = vector.shape_cast %get3A_3450 : vector<128xf32> to vector<1x128xf32>
    tpu.vector_store %arg3[%swap3A_3451, %swap3A_3452], %swap3A_3455 {strides = array<i32>} : memref<256x8192xf32, #tpu.memory_space<vmem>>, vector<1x128xf32>,
    %get3A_3456 = arith.constant 0 : index
    %get3A_3457 = arith.constant 0 : index
    %get3A_3458 = arith.constant 216 : index
    %get3A_3459 = memref.load %arg1[%get3A_3456, %get3A_3457, %get3A_3458] : memref<1x1x256xi32, #tpu.memory_space<smem>>
    %mul3A_3460 = arith.constant 128 : i32
    %mul3A_3461 = arith.muli %get3A_3459, %mul3A_3460 : i32
    %multiple_of3A_3462 = tpu.assume_multiple %mul3A_3461, 128 : i32
    %get3A_3463 = arith.constant 216 : index
    %get3A_3464 = arith.constant 0 : index
    %get3A_3465 = vector.load %arg2[%get3A_3463, %get3A_3464] : memref<256x128xf32, #tpu.memory_space<vmem>>, vector<1x128xf32>
    %get3A_3466 = vector.shape_cast %get3A_3465 : vector<1x128xf32> to vector<128xf32>
    %swap3A_3467 = arith.constant 216 : index
    %swap3A_3468 = arith.index_cast %multiple_of3A_3462 : i32 to index
    %swap3A_3469 = vector.load %arg3[%swap3A_3467, %swap3A_3468] : memref<256x8192xf32, #tpu.memory_space<vmem>>, vector<1x128xf32>
    %swap3A_3470 = vector.shape_cast %swap3A_3469 : vector<1x128xf32> to vector<128xf32>
    %swap3A_3471 = vector.shape_cast %get3A_3466 : vector<128xf32> to vector<1x128xf32>
    tpu.vector_store %arg3[%swap3A_3467, %swap3A_3468], %swap3A_3471 {strides = array<i32>} : memref<256x8192xf32, #tpu.memory_space<vmem>>, vector<1x128xf32>,
    %get3A_3472 = arith.constant 0 : index
    %get3A_3473 = arith.constant 0 : index
    %get3A_3474 = arith.constant 217 : index
    %get3A_3475 = memref.load %arg1[%get3A_3472, %get3A_3473, %get3A_3474] : memref<1x1x256xi32, #tpu.memory_space<smem>>
    %mul3A_3476 = arith.constant 128 : i32
    %mul3A_3477 = arith.muli %get3A_3475, %mul3A_3476 : i32
    %multiple_of3A_3478 = tpu.assume_multiple %mul3A_3477, 128 : i32
    %get3A_3479 = arith.constant 217 : index
    %get3A_3480 = arith.constant 0 : index
    %get3A_3481 = vector.load %arg2[%get3A_3479, %get3A_3480] : memref<256x128xf32, #tpu.memory_space<vmem>>, vector<1x128xf32>
    %get3A_3482 = vector.shape_cast %get3A_3481 : vector<1x128xf32> to vector<128xf32>
    %swap3A_3483 = arith.constant 217 : index
    %swap3A_3484 = arith.index_cast %multiple_of3A_3478 : i32 to index
    %swap3A_3485 = vector.load %arg3[%swap3A_3483, %swap3A_3484] : memref<256x8192xf32, #tpu.memory_space<vmem>>, vector<1x128xf32>
    %swap3A_3486 = vector.shape_cast %swap3A_3485 : vector<1x128xf32> to vector<128xf32>
    %swap3A_3487 = vector.shape_cast %get3A_3482 : vector<128xf32> to vector<1x128xf32>
    tpu.vector_store %arg3[%swap3A_3483, %swap3A_3484], %swap3A_3487 {strides = array<i32>} : memref<256x8192xf32, #tpu.memory_space<vmem>>, vector<1x128xf32>,
    %get3A_3488 = arith.constant 0 : index
    %get3A_3489 = arith.constant 0 : index
    %get3A_3490 = arith.constant 218 : index
    %get3A_3491 = memref.load %arg1[%get3A_3488, %get3A_3489, %get3A_3490] : memref<1x1x256xi32, #tpu.memory_space<smem>>
    %mul3A_3492 = arith.constant 128 : i32
    %mul3A_3493 = arith.muli %get3A_3491, %mul3A_3492 : i32
    %multiple_of3A_3494 = tpu.assume_multiple %mul3A_3493, 128 : i32
    %get3A_3495 = arith.constant 218 : index
    %get3A_3496 = arith.constant 0 : index
    %get3A_3497 = vector.load %arg2[%get3A_3495, %get3A_3496] : memref<256x128xf32, #tpu.memory_space<vmem>>, vector<1x128xf32>
    %get3A_3498 = vector.shape_cast %get3A_3497 : vector<1x128xf32> to vector<128xf32>
    %swap3A_3499 = arith.constant 218 : index
    %swap3A_3500 = arith.index_cast %multiple_of3A_3494 : i32 to index
    %swap3A_3501 = vector.load %arg3[%swap3A_3499, %swap3A_3500] : memref<256x8192xf32, #tpu.memory_space<vmem>>, vector<1x128xf32>
    %swap3A_3502 = vector.shape_cast %swap3A_3501 : vector<1x128xf32> to vector<128xf32>
    %swap3A_3503 = vector.shape_cast %get3A_3498 : vector<128xf32> to vector<1x128xf32>
    tpu.vector_store %arg3[%swap3A_3499, %swap3A_3500], %swap3A_3503 {strides = array<i32>} : memref<256x8192xf32, #tpu.memory_space<vmem>>, vector<1x128xf32>,
    %get3A_3504 = arith.constant 0 : index
    %get3A_3505 = arith.constant 0 : index
    %get3A_3506 = arith.constant 219 : index
    %get3A_3507 = memref.load %arg1[%get3A_3504, %get3A_3505, %get3A_3506] : memref<1x1x256xi32, #tpu.memory_space<smem>>
    %mul3A_3508 = arith.constant 128 : i32
    %mul3A_3509 = arith.muli %get3A_3507, %mul3A_3508 : i32
    %multiple_of3A_3510 = tpu.assume_multiple %mul3A_3509, 128 : i32
    %get3A_3511 = arith.constant 219 : index
    %get3A_3512 = arith.constant 0 : index
    %get3A_3513 = vector.load %arg2[%get3A_3511, %get3A_3512] : memref<256x128xf32, #tpu.memory_space<vmem>>, vector<1x128xf32>
    %get3A_3514 = vector.shape_cast %get3A_3513 : vector<1x128xf32> to vector<128xf32>
    %swap3A_3515 = arith.constant 219 : index
    %swap3A_3516 = arith.index_cast %multiple_of3A_3510 : i32 to index
    %swap3A_3517 = vector.load %arg3[%swap3A_3515, %swap3A_3516] : memref<256x8192xf32, #tpu.memory_space<vmem>>, vector<1x128xf32>
    %swap3A_3518 = vector.shape_cast %swap3A_3517 : vector<1x128xf32> to vector<128xf32>
    %swap3A_3519 = vector.shape_cast %get3A_3514 : vector<128xf32> to vector<1x128xf32>
    tpu.vector_store %arg3[%swap3A_3515, %swap3A_3516], %swap3A_3519 {strides = array<i32>} : memref<256x8192xf32, #tpu.memory_space<vmem>>, vector<1x128xf32>,
    %get3A_3520 = arith.constant 0 : index
    %get3A_3521 = arith.constant 0 : index
    %get3A_3522 = arith.constant 220 : index
    %get3A_3523 = memref.load %arg1[%get3A_3520, %get3A_3521, %get3A_3522] : memref<1x1x256xi32, #tpu.memory_space<smem>>
    %mul3A_3524 = arith.constant 128 : i32
    %mul3A_3525 = arith.muli %get3A_3523, %mul3A_3524 : i32
    %multiple_of3A_3526 = tpu.assume_multiple %mul3A_3525, 128 : i32
    %get3A_3527 = arith.constant 220 : index
    %get3A_3528 = arith.constant 0 : index
    %get3A_3529 = vector.load %arg2[%get3A_3527, %get3A_3528] : memref<256x128xf32, #tpu.memory_space<vmem>>, vector<1x128xf32>
    %get3A_3530 = vector.shape_cast %get3A_3529 : vector<1x128xf32> to vector<128xf32>
    %swap3A_3531 = arith.constant 220 : index
    %swap3A_3532 = arith.index_cast %multiple_of3A_3526 : i32 to index
    %swap3A_3533 = vector.load %arg3[%swap3A_3531, %swap3A_3532] : memref<256x8192xf32, #tpu.memory_space<vmem>>, vector<1x128xf32>
    %swap3A_3534 = vector.shape_cast %swap3A_3533 : vector<1x128xf32> to vector<128xf32>
    %swap3A_3535 = vector.shape_cast %get3A_3530 : vector<128xf32> to vector<1x128xf32>
    tpu.vector_store %arg3[%swap3A_3531, %swap3A_3532], %swap3A_3535 {strides = array<i32>} : memref<256x8192xf32, #tpu.memory_space<vmem>>, vector<1x128xf32>,
    %get3A_3536 = arith.constant 0 : index
    %get3A_3537 = arith.constant 0 : index
    %get3A_3538 = arith.constant 221 : index
    %get3A_3539 = memref.load %arg1[%get3A_3536, %get3A_3537, %get3A_3538] : memref<1x1x256xi32, #tpu.memory_space<smem>>
    %mul3A_3540 = arith.constant 128 : i32
    %mul3A_3541 = arith.muli %get3A_3539, %mul3A_3540 : i32
    %multiple_of3A_3542 = tpu.assume_multiple %mul3A_3541, 128 : i32
    %get3A_3543 = arith.constant 221 : index
    %get3A_3544 = arith.constant 0 : index
    %get3A_3545 = vector.load %arg2[%get3A_3543, %get3A_3544] : memref<256x128xf32, #tpu.memory_space<vmem>>, vector<1x128xf32>
    %get3A_3546 = vector.shape_cast %get3A_3545 : vector<1x128xf32> to vector<128xf32>
    %swap3A_3547 = arith.constant 221 : index
    %swap3A_3548 = arith.index_cast %multiple_of3A_3542 : i32 to index
    %swap3A_3549 = vector.load %arg3[%swap3A_3547, %swap3A_3548] : memref<256x8192xf32, #tpu.memory_space<vmem>>, vector<1x128xf32>
    %swap3A_3550 = vector.shape_cast %swap3A_3549 : vector<1x128xf32> to vector<128xf32>
    %swap3A_3551 = vector.shape_cast %get3A_3546 : vector<128xf32> to vector<1x128xf32>
    tpu.vector_store %arg3[%swap3A_3547, %swap3A_3548], %swap3A_3551 {strides = array<i32>} : memref<256x8192xf32, #tpu.memory_space<vmem>>, vector<1x128xf32>,
    %get3A_3552 = arith.constant 0 : index
    %get3A_3553 = arith.constant 0 : index
    %get3A_3554 = arith.constant 222 : index
    %get3A_3555 = memref.load %arg1[%get3A_3552, %get3A_3553, %get3A_3554] : memref<1x1x256xi32, #tpu.memory_space<smem>>
    %mul3A_3556 = arith.constant 128 : i32
    %mul3A_3557 = arith.muli %get3A_3555, %mul3A_3556 : i32
    %multiple_of3A_3558 = tpu.assume_multiple %mul3A_3557, 128 : i32
    %get3A_3559 = arith.constant 222 : index
    %get3A_3560 = arith.constant 0 : index
    %get3A_3561 = vector.load %arg2[%get3A_3559, %get3A_3560] : memref<256x128xf32, #tpu.memory_space<vmem>>, vector<1x128xf32>
    %get3A_3562 = vector.shape_cast %get3A_3561 : vector<1x128xf32> to vector<128xf32>
    %swap3A_3563 = arith.constant 222 : index
    %swap3A_3564 = arith.index_cast %multiple_of3A_3558 : i32 to index
    %swap3A_3565 = vector.load %arg3[%swap3A_3563, %swap3A_3564] : memref<256x8192xf32, #tpu.memory_space<vmem>>, vector<1x128xf32>
    %swap3A_3566 = vector.shape_cast %swap3A_3565 : vector<1x128xf32> to vector<128xf32>
    %swap3A_3567 = vector.shape_cast %get3A_3562 : vector<128xf32> to vector<1x128xf32>
    tpu.vector_store %arg3[%swap3A_3563, %swap3A_3564], %swap3A_3567 {strides = array<i32>} : memref<256x8192xf32, #tpu.memory_space<vmem>>, vector<1x128xf32>,
    %get3A_3568 = arith.constant 0 : index
    %get3A_3569 = arith.constant 0 : index
    %get3A_3570 = arith.constant 223 : index
    %get3A_3571 = memref.load %arg1[%get3A_3568, %get3A_3569, %get3A_3570] : memref<1x1x256xi32, #tpu.memory_space<smem>>
    %mul3A_3572 = arith.constant 128 : i32
    %mul3A_3573 = arith.muli %get3A_3571, %mul3A_3572 : i32
    %multiple_of3A_3574 = tpu.assume_multiple %mul3A_3573, 128 : i32
    %get3A_3575 = arith.constant 223 : index
    %get3A_3576 = arith.constant 0 : index
    %get3A_3577 = vector.load %arg2[%get3A_3575, %get3A_3576] : memref<256x128xf32, #tpu.memory_space<vmem>>, vector<1x128xf32>
    %get3A_3578 = vector.shape_cast %get3A_3577 : vector<1x128xf32> to vector<128xf32>
    %swap3A_3579 = arith.constant 223 : index
    %swap3A_3580 = arith.index_cast %multiple_of3A_3574 : i32 to index
    %swap3A_3581 = vector.load %arg3[%swap3A_3579, %swap3A_3580] : memref<256x8192xf32, #tpu.memory_space<vmem>>, vector<1x128xf32>
    %swap3A_3582 = vector.shape_cast %swap3A_3581 : vector<1x128xf32> to vector<128xf32>
    %swap3A_3583 = vector.shape_cast %get3A_3578 : vector<128xf32> to vector<1x128xf32>
    tpu.vector_store %arg3[%swap3A_3579, %swap3A_3580], %swap3A_3583 {strides = array<i32>} : memref<256x8192xf32, #tpu.memory_space<vmem>>, vector<1x128xf32>,
    %get3A_3584 = arith.constant 0 : index
    %get3A_3585 = arith.constant 0 : index
    %get3A_3586 = arith.constant 224 : index
    %get3A_3587 = memref.load %arg1[%get3A_3584, %get3A_3585, %get3A_3586] : memref<1x1x256xi32, #tpu.memory_space<smem>>
    %mul3A_3588 = arith.constant 128 : i32
    %mul3A_3589 = arith.muli %get3A_3587, %mul3A_3588 : i32
    %multiple_of3A_3590 = tpu.assume_multiple %mul3A_3589, 128 : i32
    %get3A_3591 = arith.constant 224 : index
    %get3A_3592 = arith.constant 0 : index
    %get3A_3593 = vector.load %arg2[%get3A_3591, %get3A_3592] : memref<256x128xf32, #tpu.memory_space<vmem>>, vector<1x128xf32>
    %get3A_3594 = vector.shape_cast %get3A_3593 : vector<1x128xf32> to vector<128xf32>
    %swap3A_3595 = arith.constant 224 : index
    %swap3A_3596 = arith.index_cast %multiple_of3A_3590 : i32 to index
    %swap3A_3597 = vector.load %arg3[%swap3A_3595, %swap3A_3596] : memref<256x8192xf32, #tpu.memory_space<vmem>>, vector<1x128xf32>
    %swap3A_3598 = vector.shape_cast %swap3A_3597 : vector<1x128xf32> to vector<128xf32>
    %swap3A_3599 = vector.shape_cast %get3A_3594 : vector<128xf32> to vector<1x128xf32>
    tpu.vector_store %arg3[%swap3A_3595, %swap3A_3596], %swap3A_3599 {strides = array<i32>} : memref<256x8192xf32, #tpu.memory_space<vmem>>, vector<1x128xf32>,
    %get3A_3600 = arith.constant 0 : index
    %get3A_3601 = arith.constant 0 : index
    %get3A_3602 = arith.constant 225 : index
    %get3A_3603 = memref.load %arg1[%get3A_3600, %get3A_3601, %get3A_3602] : memref<1x1x256xi32, #tpu.memory_space<smem>>
    %mul3A_3604 = arith.constant 128 : i32
    %mul3A_3605 = arith.muli %get3A_3603, %mul3A_3604 : i32
    %multiple_of3A_3606 = tpu.assume_multiple %mul3A_3605, 128 : i32
    %get3A_3607 = arith.constant 225 : index
    %get3A_3608 = arith.constant 0 : index
    %get3A_3609 = vector.load %arg2[%get3A_3607, %get3A_3608] : memref<256x128xf32, #tpu.memory_space<vmem>>, vector<1x128xf32>
    %get3A_3610 = vector.shape_cast %get3A_3609 : vector<1x128xf32> to vector<128xf32>
    %swap3A_3611 = arith.constant 225 : index
    %swap3A_3612 = arith.index_cast %multiple_of3A_3606 : i32 to index
    %swap3A_3613 = vector.load %arg3[%swap3A_3611, %swap3A_3612] : memref<256x8192xf32, #tpu.memory_space<vmem>>, vector<1x128xf32>
    %swap3A_3614 = vector.shape_cast %swap3A_3613 : vector<1x128xf32> to vector<128xf32>
    %swap3A_3615 = vector.shape_cast %get3A_3610 : vector<128xf32> to vector<1x128xf32>
    tpu.vector_store %arg3[%swap3A_3611, %swap3A_3612], %swap3A_3615 {strides = array<i32>} : memref<256x8192xf32, #tpu.memory_space<vmem>>, vector<1x128xf32>,
    %get3A_3616 = arith.constant 0 : index
    %get3A_3617 = arith.constant 0 : index
    %get3A_3618 = arith.constant 226 : index
    %get3A_3619 = memref.load %arg1[%get3A_3616, %get3A_3617, %get3A_3618] : memref<1x1x256xi32, #tpu.memory_space<smem>>
    %mul3A_3620 = arith.constant 128 : i32
    %mul3A_3621 = arith.muli %get3A_3619, %mul3A_3620 : i32
    %multiple_of3A_3622 = tpu.assume_multiple %mul3A_3621, 128 : i32
    %get3A_3623 = arith.constant 226 : index
    %get3A_3624 = arith.constant 0 : index
    %get3A_3625 = vector.load %arg2[%get3A_3623, %get3A_3624] : memref<256x128xf32, #tpu.memory_space<vmem>>, vector<1x128xf32>
    %get3A_3626 = vector.shape_cast %get3A_3625 : vector<1x128xf32> to vector<128xf32>
    %swap3A_3627 = arith.constant 226 : index
    %swap3A_3628 = arith.index_cast %multiple_of3A_3622 : i32 to index
    %swap3A_3629 = vector.load %arg3[%swap3A_3627, %swap3A_3628] : memref<256x8192xf32, #tpu.memory_space<vmem>>, vector<1x128xf32>
    %swap3A_3630 = vector.shape_cast %swap3A_3629 : vector<1x128xf32> to vector<128xf32>
    %swap3A_3631 = vector.shape_cast %get3A_3626 : vector<128xf32> to vector<1x128xf32>
    tpu.vector_store %arg3[%swap3A_3627, %swap3A_3628], %swap3A_3631 {strides = array<i32>} : memref<256x8192xf32, #tpu.memory_space<vmem>>, vector<1x128xf32>,
    %get3A_3632 = arith.constant 0 : index
    %get3A_3633 = arith.constant 0 : index
    %get3A_3634 = arith.constant 227 : index
    %get3A_3635 = memref.load %arg1[%get3A_3632, %get3A_3633, %get3A_3634] : memref<1x1x256xi32, #tpu.memory_space<smem>>
    %mul3A_3636 = arith.constant 128 : i32
    %mul3A_3637 = arith.muli %get3A_3635, %mul3A_3636 : i32
    %multiple_of3A_3638 = tpu.assume_multiple %mul3A_3637, 128 : i32
    %get3A_3639 = arith.constant 227 : index
    %get3A_3640 = arith.constant 0 : index
    %get3A_3641 = vector.load %arg2[%get3A_3639, %get3A_3640] : memref<256x128xf32, #tpu.memory_space<vmem>>, vector<1x128xf32>
    %get3A_3642 = vector.shape_cast %get3A_3641 : vector<1x128xf32> to vector<128xf32>
    %swap3A_3643 = arith.constant 227 : index
    %swap3A_3644 = arith.index_cast %multiple_of3A_3638 : i32 to index
    %swap3A_3645 = vector.load %arg3[%swap3A_3643, %swap3A_3644] : memref<256x8192xf32, #tpu.memory_space<vmem>>, vector<1x128xf32>
    %swap3A_3646 = vector.shape_cast %swap3A_3645 : vector<1x128xf32> to vector<128xf32>
    %swap3A_3647 = vector.shape_cast %get3A_3642 : vector<128xf32> to vector<1x128xf32>
    tpu.vector_store %arg3[%swap3A_3643, %swap3A_3644], %swap3A_3647 {strides = array<i32>} : memref<256x8192xf32, #tpu.memory_space<vmem>>, vector<1x128xf32>,
    %get3A_3648 = arith.constant 0 : index
    %get3A_3649 = arith.constant 0 : index
    %get3A_3650 = arith.constant 228 : index
    %get3A_3651 = memref.load %arg1[%get3A_3648, %get3A_3649, %get3A_3650] : memref<1x1x256xi32, #tpu.memory_space<smem>>
    %mul3A_3652 = arith.constant 128 : i32
    %mul3A_3653 = arith.muli %get3A_3651, %mul3A_3652 : i32
    %multiple_of3A_3654 = tpu.assume_multiple %mul3A_3653, 128 : i32
    %get3A_3655 = arith.constant 228 : index
    %get3A_3656 = arith.constant 0 : index
    %get3A_3657 = vector.load %arg2[%get3A_3655, %get3A_3656] : memref<256x128xf32, #tpu.memory_space<vmem>>, vector<1x128xf32>
    %get3A_3658 = vector.shape_cast %get3A_3657 : vector<1x128xf32> to vector<128xf32>
    %swap3A_3659 = arith.constant 228 : index
    %swap3A_3660 = arith.index_cast %multiple_of3A_3654 : i32 to index
    %swap3A_3661 = vector.load %arg3[%swap3A_3659, %swap3A_3660] : memref<256x8192xf32, #tpu.memory_space<vmem>>, vector<1x128xf32>
    %swap3A_3662 = vector.shape_cast %swap3A_3661 : vector<1x128xf32> to vector<128xf32>
    %swap3A_3663 = vector.shape_cast %get3A_3658 : vector<128xf32> to vector<1x128xf32>
    tpu.vector_store %arg3[%swap3A_3659, %swap3A_3660], %swap3A_3663 {strides = array<i32>} : memref<256x8192xf32, #tpu.memory_space<vmem>>, vector<1x128xf32>,
    %get3A_3664 = arith.constant 0 : index
    %get3A_3665 = arith.constant 0 : index
    %get3A_3666 = arith.constant 229 : index
    %get3A_3667 = memref.load %arg1[%get3A_3664, %get3A_3665, %get3A_3666] : memref<1x1x256xi32, #tpu.memory_space<smem>>
    %mul3A_3668 = arith.constant 128 : i32
    %mul3A_3669 = arith.muli %get3A_3667, %mul3A_3668 : i32
    %multiple_of3A_3670 = tpu.assume_multiple %mul3A_3669, 128 : i32
    %get3A_3671 = arith.constant 229 : index
    %get3A_3672 = arith.constant 0 : index
    %get3A_3673 = vector.load %arg2[%get3A_3671, %get3A_3672] : memref<256x128xf32, #tpu.memory_space<vmem>>, vector<1x128xf32>
    %get3A_3674 = vector.shape_cast %get3A_3673 : vector<1x128xf32> to vector<128xf32>
    %swap3A_3675 = arith.constant 229 : index
    %swap3A_3676 = arith.index_cast %multiple_of3A_3670 : i32 to index
    %swap3A_3677 = vector.load %arg3[%swap3A_3675, %swap3A_3676] : memref<256x8192xf32, #tpu.memory_space<vmem>>, vector<1x128xf32>
    %swap3A_3678 = vector.shape_cast %swap3A_3677 : vector<1x128xf32> to vector<128xf32>
    %swap3A_3679 = vector.shape_cast %get3A_3674 : vector<128xf32> to vector<1x128xf32>
    tpu.vector_store %arg3[%swap3A_3675, %swap3A_3676], %swap3A_3679 {strides = array<i32>} : memref<256x8192xf32, #tpu.memory_space<vmem>>, vector<1x128xf32>,
    %get3A_3680 = arith.constant 0 : index
    %get3A_3681 = arith.constant 0 : index
    %get3A_3682 = arith.constant 230 : index
    %get3A_3683 = memref.load %arg1[%get3A_3680, %get3A_3681, %get3A_3682] : memref<1x1x256xi32, #tpu.memory_space<smem>>
    %mul3A_3684 = arith.constant 128 : i32
    %mul3A_3685 = arith.muli %get3A_3683, %mul3A_3684 : i32
    %multiple_of3A_3686 = tpu.assume_multiple %mul3A_3685, 128 : i32
    %get3A_3687 = arith.constant 230 : index
    %get3A_3688 = arith.constant 0 : index
    %get3A_3689 = vector.load %arg2[%get3A_3687, %get3A_3688] : memref<256x128xf32, #tpu.memory_space<vmem>>, vector<1x128xf32>
    %get3A_3690 = vector.shape_cast %get3A_3689 : vector<1x128xf32> to vector<128xf32>
    %swap3A_3691 = arith.constant 230 : index
    %swap3A_3692 = arith.index_cast %multiple_of3A_3686 : i32 to index
    %swap3A_3693 = vector.load %arg3[%swap3A_3691, %swap3A_3692] : memref<256x8192xf32, #tpu.memory_space<vmem>>, vector<1x128xf32>
    %swap3A_3694 = vector.shape_cast %swap3A_3693 : vector<1x128xf32> to vector<128xf32>
    %swap3A_3695 = vector.shape_cast %get3A_3690 : vector<128xf32> to vector<1x128xf32>
    tpu.vector_store %arg3[%swap3A_3691, %swap3A_3692], %swap3A_3695 {strides = array<i32>} : memref<256x8192xf32, #tpu.memory_space<vmem>>, vector<1x128xf32>,
    %get3A_3696 = arith.constant 0 : index
    %get3A_3697 = arith.constant 0 : index
    %get3A_3698 = arith.constant 231 : index
    %get3A_3699 = memref.load %arg1[%get3A_3696, %get3A_3697, %get3A_3698] : memref<1x1x256xi32, #tpu.memory_space<smem>>
    %mul3A_3700 = arith.constant 128 : i32
    %mul3A_3701 = arith.muli %get3A_3699, %mul3A_3700 : i32
    %multiple_of3A_3702 = tpu.assume_multiple %mul3A_3701, 128 : i32
    %get3A_3703 = arith.constant 231 : index
    %get3A_3704 = arith.constant 0 : index
    %get3A_3705 = vector.load %arg2[%get3A_3703, %get3A_3704] : memref<256x128xf32, #tpu.memory_space<vmem>>, vector<1x128xf32>
    %get3A_3706 = vector.shape_cast %get3A_3705 : vector<1x128xf32> to vector<128xf32>
    %swap3A_3707 = arith.constant 231 : index
    %swap3A_3708 = arith.index_cast %multiple_of3A_3702 : i32 to index
    %swap3A_3709 = vector.load %arg3[%swap3A_3707, %swap3A_3708] : memref<256x8192xf32, #tpu.memory_space<vmem>>, vector<1x128xf32>
    %swap3A_3710 = vector.shape_cast %swap3A_3709 : vector<1x128xf32> to vector<128xf32>
    %swap3A_3711 = vector.shape_cast %get3A_3706 : vector<128xf32> to vector<1x128xf32>
    tpu.vector_store %arg3[%swap3A_3707, %swap3A_3708], %swap3A_3711 {strides = array<i32>} : memref<256x8192xf32, #tpu.memory_space<vmem>>, vector<1x128xf32>,
    %get3A_3712 = arith.constant 0 : index
    %get3A_3713 = arith.constant 0 : index
    %get3A_3714 = arith.constant 232 : index
    %get3A_3715 = memref.load %arg1[%get3A_3712, %get3A_3713, %get3A_3714] : memref<1x1x256xi32, #tpu.memory_space<smem>>
    %mul3A_3716 = arith.constant 128 : i32
    %mul3A_3717 = arith.muli %get3A_3715, %mul3A_3716 : i32
    %multiple_of3A_3718 = tpu.assume_multiple %mul3A_3717, 128 : i32
    %get3A_3719 = arith.constant 232 : index
    %get3A_3720 = arith.constant 0 : index
    %get3A_3721 = vector.load %arg2[%get3A_3719, %get3A_3720] : memref<256x128xf32, #tpu.memory_space<vmem>>, vector<1x128xf32>
    %get3A_3722 = vector.shape_cast %get3A_3721 : vector<1x128xf32> to vector<128xf32>
    %swap3A_3723 = arith.constant 232 : index
    %swap3A_3724 = arith.index_cast %multiple_of3A_3718 : i32 to index
    %swap3A_3725 = vector.load %arg3[%swap3A_3723, %swap3A_3724] : memref<256x8192xf32, #tpu.memory_space<vmem>>, vector<1x128xf32>
    %swap3A_3726 = vector.shape_cast %swap3A_3725 : vector<1x128xf32> to vector<128xf32>
    %swap3A_3727 = vector.shape_cast %get3A_3722 : vector<128xf32> to vector<1x128xf32>
    tpu.vector_store %arg3[%swap3A_3723, %swap3A_3724], %swap3A_3727 {strides = array<i32>} : memref<256x8192xf32, #tpu.memory_space<vmem>>, vector<1x128xf32>,
    %get3A_3728 = arith.constant 0 : index
    %get3A_3729 = arith.constant 0 : index
    %get3A_3730 = arith.constant 233 : index
    %get3A_3731 = memref.load %arg1[%get3A_3728, %get3A_3729, %get3A_3730] : memref<1x1x256xi32, #tpu.memory_space<smem>>
    %mul3A_3732 = arith.constant 128 : i32
    %mul3A_3733 = arith.muli %get3A_3731, %mul3A_3732 : i32
    %multiple_of3A_3734 = tpu.assume_multiple %mul3A_3733, 128 : i32
    %get3A_3735 = arith.constant 233 : index
    %get3A_3736 = arith.constant 0 : index
    %get3A_3737 = vector.load %arg2[%get3A_3735, %get3A_3736] : memref<256x128xf32, #tpu.memory_space<vmem>>, vector<1x128xf32>
    %get3A_3738 = vector.shape_cast %get3A_3737 : vector<1x128xf32> to vector<128xf32>
    %swap3A_3739 = arith.constant 233 : index
    %swap3A_3740 = arith.index_cast %multiple_of3A_3734 : i32 to index
    %swap3A_3741 = vector.load %arg3[%swap3A_3739, %swap3A_3740] : memref<256x8192xf32, #tpu.memory_space<vmem>>, vector<1x128xf32>
    %swap3A_3742 = vector.shape_cast %swap3A_3741 : vector<1x128xf32> to vector<128xf32>
    %swap3A_3743 = vector.shape_cast %get3A_3738 : vector<128xf32> to vector<1x128xf32>
    tpu.vector_store %arg3[%swap3A_3739, %swap3A_3740], %swap3A_3743 {strides = array<i32>} : memref<256x8192xf32, #tpu.memory_space<vmem>>, vector<1x128xf32>,
    %get3A_3744 = arith.constant 0 : index
    %get3A_3745 = arith.constant 0 : index
    %get3A_3746 = arith.constant 234 : index
    %get3A_3747 = memref.load %arg1[%get3A_3744, %get3A_3745, %get3A_3746] : memref<1x1x256xi32, #tpu.memory_space<smem>>
    %mul3A_3748 = arith.constant 128 : i32
    %mul3A_3749 = arith.muli %get3A_3747, %mul3A_3748 : i32
    %multiple_of3A_3750 = tpu.assume_multiple %mul3A_3749, 128 : i32
    %get3A_3751 = arith.constant 234 : index
    %get3A_3752 = arith.constant 0 : index
    %get3A_3753 = vector.load %arg2[%get3A_3751, %get3A_3752] : memref<256x128xf32, #tpu.memory_space<vmem>>, vector<1x128xf32>
    %get3A_3754 = vector.shape_cast %get3A_3753 : vector<1x128xf32> to vector<128xf32>
    %swap3A_3755 = arith.constant 234 : index
    %swap3A_3756 = arith.index_cast %multiple_of3A_3750 : i32 to index
    %swap3A_3757 = vector.load %arg3[%swap3A_3755, %swap3A_3756] : memref<256x8192xf32, #tpu.memory_space<vmem>>, vector<1x128xf32>
    %swap3A_3758 = vector.shape_cast %swap3A_3757 : vector<1x128xf32> to vector<128xf32>
    %swap3A_3759 = vector.shape_cast %get3A_3754 : vector<128xf32> to vector<1x128xf32>
    tpu.vector_store %arg3[%swap3A_3755, %swap3A_3756], %swap3A_3759 {strides = array<i32>} : memref<256x8192xf32, #tpu.memory_space<vmem>>, vector<1x128xf32>,
    %get3A_3760 = arith.constant 0 : index
    %get3A_3761 = arith.constant 0 : index
    %get3A_3762 = arith.constant 235 : index
    %get3A_3763 = memref.load %arg1[%get3A_3760, %get3A_3761, %get3A_3762] : memref<1x1x256xi32, #tpu.memory_space<smem>>
    %mul3A_3764 = arith.constant 128 : i32
    %mul3A_3765 = arith.muli %get3A_3763, %mul3A_3764 : i32
    %multiple_of3A_3766 = tpu.assume_multiple %mul3A_3765, 128 : i32
    %get3A_3767 = arith.constant 235 : index
    %get3A_3768 = arith.constant 0 : index
    %get3A_3769 = vector.load %arg2[%get3A_3767, %get3A_3768] : memref<256x128xf32, #tpu.memory_space<vmem>>, vector<1x128xf32>
    %get3A_3770 = vector.shape_cast %get3A_3769 : vector<1x128xf32> to vector<128xf32>
    %swap3A_3771 = arith.constant 235 : index
    %swap3A_3772 = arith.index_cast %multiple_of3A_3766 : i32 to index
    %swap3A_3773 = vector.load %arg3[%swap3A_3771, %swap3A_3772] : memref<256x8192xf32, #tpu.memory_space<vmem>>, vector<1x128xf32>
    %swap3A_3774 = vector.shape_cast %swap3A_3773 : vector<1x128xf32> to vector<128xf32>
    %swap3A_3775 = vector.shape_cast %get3A_3770 : vector<128xf32> to vector<1x128xf32>
    tpu.vector_store %arg3[%swap3A_3771, %swap3A_3772], %swap3A_3775 {strides = array<i32>} : memref<256x8192xf32, #tpu.memory_space<vmem>>, vector<1x128xf32>,
    %get3A_3776 = arith.constant 0 : index
    %get3A_3777 = arith.constant 0 : index
    %get3A_3778 = arith.constant 236 : index
    %get3A_3779 = memref.load %arg1[%get3A_3776, %get3A_3777, %get3A_3778] : memref<1x1x256xi32, #tpu.memory_space<smem>>
    %mul3A_3780 = arith.constant 128 : i32
    %mul3A_3781 = arith.muli %get3A_3779, %mul3A_3780 : i32
    %multiple_of3A_3782 = tpu.assume_multiple %mul3A_3781, 128 : i32
    %get3A_3783 = arith.constant 236 : index
    %get3A_3784 = arith.constant 0 : index
    %get3A_3785 = vector.load %arg2[%get3A_3783, %get3A_3784] : memref<256x128xf32, #tpu.memory_space<vmem>>, vector<1x128xf32>
    %get3A_3786 = vector.shape_cast %get3A_3785 : vector<1x128xf32> to vector<128xf32>
    %swap3A_3787 = arith.constant 236 : index
    %swap3A_3788 = arith.index_cast %multiple_of3A_3782 : i32 to index
    %swap3A_3789 = vector.load %arg3[%swap3A_3787, %swap3A_3788] : memref<256x8192xf32, #tpu.memory_space<vmem>>, vector<1x128xf32>
    %swap3A_3790 = vector.shape_cast %swap3A_3789 : vector<1x128xf32> to vector<128xf32>
    %swap3A_3791 = vector.shape_cast %get3A_3786 : vector<128xf32> to vector<1x128xf32>
    tpu.vector_store %arg3[%swap3A_3787, %swap3A_3788], %swap3A_3791 {strides = array<i32>} : memref<256x8192xf32, #tpu.memory_space<vmem>>, vector<1x128xf32>,
    %get3A_3792 = arith.constant 0 : index
    %get3A_3793 = arith.constant 0 : index
    %get3A_3794 = arith.constant 237 : index
    %get3A_3795 = memref.load %arg1[%get3A_3792, %get3A_3793, %get3A_3794] : memref<1x1x256xi32, #tpu.memory_space<smem>>
    %mul3A_3796 = arith.constant 128 : i32
    %mul3A_3797 = arith.muli %get3A_3795, %mul3A_3796 : i32
    %multiple_of3A_3798 = tpu.assume_multiple %mul3A_3797, 128 : i32
    %get3A_3799 = arith.constant 237 : index
    %get3A_3800 = arith.constant 0 : index
    %get3A_3801 = vector.load %arg2[%get3A_3799, %get3A_3800] : memref<256x128xf32, #tpu.memory_space<vmem>>, vector<1x128xf32>
    %get3A_3802 = vector.shape_cast %get3A_3801 : vector<1x128xf32> to vector<128xf32>
    %swap3A_3803 = arith.constant 237 : index
    %swap3A_3804 = arith.index_cast %multiple_of3A_3798 : i32 to index
    %swap3A_3805 = vector.load %arg3[%swap3A_3803, %swap3A_3804] : memref<256x8192xf32, #tpu.memory_space<vmem>>, vector<1x128xf32>
    %swap3A_3806 = vector.shape_cast %swap3A_3805 : vector<1x128xf32> to vector<128xf32>
    %swap3A_3807 = vector.shape_cast %get3A_3802 : vector<128xf32> to vector<1x128xf32>
    tpu.vector_store %arg3[%swap3A_3803, %swap3A_3804], %swap3A_3807 {strides = array<i32>} : memref<256x8192xf32, #tpu.memory_space<vmem>>, vector<1x128xf32>,
    %get3A_3808 = arith.constant 0 : index
    %get3A_3809 = arith.constant 0 : index
    %get3A_3810 = arith.constant 238 : index
    %get3A_3811 = memref.load %arg1[%get3A_3808, %get3A_3809, %get3A_3810] : memref<1x1x256xi32, #tpu.memory_space<smem>>
    %mul3A_3812 = arith.constant 128 : i32
    %mul3A_3813 = arith.muli %get3A_3811, %mul3A_3812 : i32
    %multiple_of3A_3814 = tpu.assume_multiple %mul3A_3813, 128 : i32
    %get3A_3815 = arith.constant 238 : index
    %get3A_3816 = arith.constant 0 : index
    %get3A_3817 = vector.load %arg2[%get3A_3815, %get3A_3816] : memref<256x128xf32, #tpu.memory_space<vmem>>, vector<1x128xf32>
    %get3A_3818 = vector.shape_cast %get3A_3817 : vector<1x128xf32> to vector<128xf32>
    %swap3A_3819 = arith.constant 238 : index
    %swap3A_3820 = arith.index_cast %multiple_of3A_3814 : i32 to index
    %swap3A_3821 = vector.load %arg3[%swap3A_3819, %swap3A_3820] : memref<256x8192xf32, #tpu.memory_space<vmem>>, vector<1x128xf32>
    %swap3A_3822 = vector.shape_cast %swap3A_3821 : vector<1x128xf32> to vector<128xf32>
    %swap3A_3823 = vector.shape_cast %get3A_3818 : vector<128xf32> to vector<1x128xf32>
    tpu.vector_store %arg3[%swap3A_3819, %swap3A_3820], %swap3A_3823 {strides = array<i32>} : memref<256x8192xf32, #tpu.memory_space<vmem>>, vector<1x128xf32>,
    %get3A_3824 = arith.constant 0 : index
    %get3A_3825 = arith.constant 0 : index
    %get3A_3826 = arith.constant 239 : index
    %get3A_3827 = memref.load %arg1[%get3A_3824, %get3A_3825, %get3A_3826] : memref<1x1x256xi32, #tpu.memory_space<smem>>
    %mul3A_3828 = arith.constant 128 : i32
    %mul3A_3829 = arith.muli %get3A_3827, %mul3A_3828 : i32
    %multiple_of3A_3830 = tpu.assume_multiple %mul3A_3829, 128 : i32
    %get3A_3831 = arith.constant 239 : index
    %get3A_3832 = arith.constant 0 : index
    %get3A_3833 = vector.load %arg2[%get3A_3831, %get3A_3832] : memref<256x128xf32, #tpu.memory_space<vmem>>, vector<1x128xf32>
    %get3A_3834 = vector.shape_cast %get3A_3833 : vector<1x128xf32> to vector<128xf32>
    %swap3A_3835 = arith.constant 239 : index
    %swap3A_3836 = arith.index_cast %multiple_of3A_3830 : i32 to index
    %swap3A_3837 = vector.load %arg3[%swap3A_3835, %swap3A_3836] : memref<256x8192xf32, #tpu.memory_space<vmem>>, vector<1x128xf32>
    %swap3A_3838 = vector.shape_cast %swap3A_3837 : vector<1x128xf32> to vector<128xf32>
    %swap3A_3839 = vector.shape_cast %get3A_3834 : vector<128xf32> to vector<1x128xf32>
    tpu.vector_store %arg3[%swap3A_3835, %swap3A_3836], %swap3A_3839 {strides = array<i32>} : memref<256x8192xf32, #tpu.memory_space<vmem>>, vector<1x128xf32>,
    %get3A_3840 = arith.constant 0 : index
    %get3A_3841 = arith.constant 0 : index
    %get3A_3842 = arith.constant 240 : index
    %get3A_3843 = memref.load %arg1[%get3A_3840, %get3A_3841, %get3A_3842] : memref<1x1x256xi32, #tpu.memory_space<smem>>
    %mul3A_3844 = arith.constant 128 : i32
    %mul3A_3845 = arith.muli %get3A_3843, %mul3A_3844 : i32
    %multiple_of3A_3846 = tpu.assume_multiple %mul3A_3845, 128 : i32
    %get3A_3847 = arith.constant 240 : index
    %get3A_3848 = arith.constant 0 : index
    %get3A_3849 = vector.load %arg2[%get3A_3847, %get3A_3848] : memref<256x128xf32, #tpu.memory_space<vmem>>, vector<1x128xf32>
    %get3A_3850 = vector.shape_cast %get3A_3849 : vector<1x128xf32> to vector<128xf32>
    %swap3A_3851 = arith.constant 240 : index
    %swap3A_3852 = arith.index_cast %multiple_of3A_3846 : i32 to index
    %swap3A_3853 = vector.load %arg3[%swap3A_3851, %swap3A_3852] : memref<256x8192xf32, #tpu.memory_space<vmem>>, vector<1x128xf32>
    %swap3A_3854 = vector.shape_cast %swap3A_3853 : vector<1x128xf32> to vector<128xf32>
    %swap3A_3855 = vector.shape_cast %get3A_3850 : vector<128xf32> to vector<1x128xf32>
    tpu.vector_store %arg3[%swap3A_3851, %swap3A_3852], %swap3A_3855 {strides = array<i32>} : memref<256x8192xf32, #tpu.memory_space<vmem>>, vector<1x128xf32>,
    %get3A_3856 = arith.constant 0 : index
    %get3A_3857 = arith.constant 0 : index
    %get3A_3858 = arith.constant 241 : index
    %get3A_3859 = memref.load %arg1[%get3A_3856, %get3A_3857, %get3A_3858] : memref<1x1x256xi32, #tpu.memory_space<smem>>
    %mul3A_3860 = arith.constant 128 : i32
    %mul3A_3861 = arith.muli %get3A_3859, %mul3A_3860 : i32
    %multiple_of3A_3862 = tpu.assume_multiple %mul3A_3861, 128 : i32
    %get3A_3863 = arith.constant 241 : index
    %get3A_3864 = arith.constant 0 : index
    %get3A_3865 = vector.load %arg2[%get3A_3863, %get3A_3864] : memref<256x128xf32, #tpu.memory_space<vmem>>, vector<1x128xf32>
    %get3A_3866 = vector.shape_cast %get3A_3865 : vector<1x128xf32> to vector<128xf32>
    %swap3A_3867 = arith.constant 241 : index
    %swap3A_3868 = arith.index_cast %multiple_of3A_3862 : i32 to index
    %swap3A_3869 = vector.load %arg3[%swap3A_3867, %swap3A_3868] : memref<256x8192xf32, #tpu.memory_space<vmem>>, vector<1x128xf32>
    %swap3A_3870 = vector.shape_cast %swap3A_3869 : vector<1x128xf32> to vector<128xf32>
    %swap3A_3871 = vector.shape_cast %get3A_3866 : vector<128xf32> to vector<1x128xf32>
    tpu.vector_store %arg3[%swap3A_3867, %swap3A_3868], %swap3A_3871 {strides = array<i32>} : memref<256x8192xf32, #tpu.memory_space<vmem>>, vector<1x128xf32>,
    %get3A_3872 = arith.constant 0 : index
    %get3A_3873 = arith.constant 0 : index
    %get3A_3874 = arith.constant 242 : index
    %get3A_3875 = memref.load %arg1[%get3A_3872, %get3A_3873, %get3A_3874] : memref<1x1x256xi32, #tpu.memory_space<smem>>
    %mul3A_3876 = arith.constant 128 : i32
    %mul3A_3877 = arith.muli %get3A_3875, %mul3A_3876 : i32
    %multiple_of3A_3878 = tpu.assume_multiple %mul3A_3877, 128 : i32
    %get3A_3879 = arith.constant 242 : index
    %get3A_3880 = arith.constant 0 : index
    %get3A_3881 = vector.load %arg2[%get3A_3879, %get3A_3880] : memref<256x128xf32, #tpu.memory_space<vmem>>, vector<1x128xf32>
    %get3A_3882 = vector.shape_cast %get3A_3881 : vector<1x128xf32> to vector<128xf32>
    %swap3A_3883 = arith.constant 242 : index
    %swap3A_3884 = arith.index_cast %multiple_of3A_3878 : i32 to index
    %swap3A_3885 = vector.load %arg3[%swap3A_3883, %swap3A_3884] : memref<256x8192xf32, #tpu.memory_space<vmem>>, vector<1x128xf32>
    %swap3A_3886 = vector.shape_cast %swap3A_3885 : vector<1x128xf32> to vector<128xf32>
    %swap3A_3887 = vector.shape_cast %get3A_3882 : vector<128xf32> to vector<1x128xf32>
    tpu.vector_store %arg3[%swap3A_3883, %swap3A_3884], %swap3A_3887 {strides = array<i32>} : memref<256x8192xf32, #tpu.memory_space<vmem>>, vector<1x128xf32>,
    %get3A_3888 = arith.constant 0 : index
    %get3A_3889 = arith.constant 0 : index
    %get3A_3890 = arith.constant 243 : index
    %get3A_3891 = memref.load %arg1[%get3A_3888, %get3A_3889, %get3A_3890] : memref<1x1x256xi32, #tpu.memory_space<smem>>
    %mul3A_3892 = arith.constant 128 : i32
    %mul3A_3893 = arith.muli %get3A_3891, %mul3A_3892 : i32
    %multiple_of3A_3894 = tpu.assume_multiple %mul3A_3893, 128 : i32
    %get3A_3895 = arith.constant 243 : index
    %get3A_3896 = arith.constant 0 : index
    %get3A_3897 = vector.load %arg2[%get3A_3895, %get3A_3896] : memref<256x128xf32, #tpu.memory_space<vmem>>, vector<1x128xf32>
    %get3A_3898 = vector.shape_cast %get3A_3897 : vector<1x128xf32> to vector<128xf32>
    %swap3A_3899 = arith.constant 243 : index
    %swap3A_3900 = arith.index_cast %multiple_of3A_3894 : i32 to index
    %swap3A_3901 = vector.load %arg3[%swap3A_3899, %swap3A_3900] : memref<256x8192xf32, #tpu.memory_space<vmem>>, vector<1x128xf32>
    %swap3A_3902 = vector.shape_cast %swap3A_3901 : vector<1x128xf32> to vector<128xf32>
    %swap3A_3903 = vector.shape_cast %get3A_3898 : vector<128xf32> to vector<1x128xf32>
    tpu.vector_store %arg3[%swap3A_3899, %swap3A_3900], %swap3A_3903 {strides = array<i32>} : memref<256x8192xf32, #tpu.memory_space<vmem>>, vector<1x128xf32>,
    %get3A_3904 = arith.constant 0 : index
    %get3A_3905 = arith.constant 0 : index
    %get3A_3906 = arith.constant 244 : index
    %get3A_3907 = memref.load %arg1[%get3A_3904, %get3A_3905, %get3A_3906] : memref<1x1x256xi32, #tpu.memory_space<smem>>
    %mul3A_3908 = arith.constant 128 : i32
    %mul3A_3909 = arith.muli %get3A_3907, %mul3A_3908 : i32
    %multiple_of3A_3910 = tpu.assume_multiple %mul3A_3909, 128 : i32
    %get3A_3911 = arith.constant 244 : index
    %get3A_3912 = arith.constant 0 : index
    %get3A_3913 = vector.load %arg2[%get3A_3911, %get3A_3912] : memref<256x128xf32, #tpu.memory_space<vmem>>, vector<1x128xf32>
    %get3A_3914 = vector.shape_cast %get3A_3913 : vector<1x128xf32> to vector<128xf32>
    %swap3A_3915 = arith.constant 244 : index
    %swap3A_3916 = arith.index_cast %multiple_of3A_3910 : i32 to index
    %swap3A_3917 = vector.load %arg3[%swap3A_3915, %swap3A_3916] : memref<256x8192xf32, #tpu.memory_space<vmem>>, vector<1x128xf32>
    %swap3A_3918 = vector.shape_cast %swap3A_3917 : vector<1x128xf32> to vector<128xf32>
    %swap3A_3919 = vector.shape_cast %get3A_3914 : vector<128xf32> to vector<1x128xf32>
    tpu.vector_store %arg3[%swap3A_3915, %swap3A_3916], %swap3A_3919 {strides = array<i32>} : memref<256x8192xf32, #tpu.memory_space<vmem>>, vector<1x128xf32>,
    %get3A_3920 = arith.constant 0 : index
    %get3A_3921 = arith.constant 0 : index
    %get3A_3922 = arith.constant 245 : index
    %get3A_3923 = memref.load %arg1[%get3A_3920, %get3A_3921, %get3A_3922] : memref<1x1x256xi32, #tpu.memory_space<smem>>
    %mul3A_3924 = arith.constant 128 : i32
    %mul3A_3925 = arith.muli %get3A_3923, %mul3A_3924 : i32
    %multiple_of3A_3926 = tpu.assume_multiple %mul3A_3925, 128 : i32
    %get3A_3927 = arith.constant 245 : index
    %get3A_3928 = arith.constant 0 : index
    %get3A_3929 = vector.load %arg2[%get3A_3927, %get3A_3928] : memref<256x128xf32, #tpu.memory_space<vmem>>, vector<1x128xf32>
    %get3A_3930 = vector.shape_cast %get3A_3929 : vector<1x128xf32> to vector<128xf32>
    %swap3A_3931 = arith.constant 245 : index
    %swap3A_3932 = arith.index_cast %multiple_of3A_3926 : i32 to index
    %swap3A_3933 = vector.load %arg3[%swap3A_3931, %swap3A_3932] : memref<256x8192xf32, #tpu.memory_space<vmem>>, vector<1x128xf32>
    %swap3A_3934 = vector.shape_cast %swap3A_3933 : vector<1x128xf32> to vector<128xf32>
    %swap3A_3935 = vector.shape_cast %get3A_3930 : vector<128xf32> to vector<1x128xf32>
    tpu.vector_store %arg3[%swap3A_3931, %swap3A_3932], %swap3A_3935 {strides = array<i32>} : memref<256x8192xf32, #tpu.memory_space<vmem>>, vector<1x128xf32>,
    %get3A_3936 = arith.constant 0 : index
    %get3A_3937 = arith.constant 0 : index
    %get3A_3938 = arith.constant 246 : index
    %get3A_3939 = memref.load %arg1[%get3A_3936, %get3A_3937, %get3A_3938] : memref<1x1x256xi32, #tpu.memory_space<smem>>
    %mul3A_3940 = arith.constant 128 : i32
    %mul3A_3941 = arith.muli %get3A_3939, %mul3A_3940 : i32
    %multiple_of3A_3942 = tpu.assume_multiple %mul3A_3941, 128 : i32
    %get3A_3943 = arith.constant 246 : index
    %get3A_3944 = arith.constant 0 : index
    %get3A_3945 = vector.load %arg2[%get3A_3943, %get3A_3944] : memref<256x128xf32, #tpu.memory_space<vmem>>, vector<1x128xf32>
    %get3A_3946 = vector.shape_cast %get3A_3945 : vector<1x128xf32> to vector<128xf32>
    %swap3A_3947 = arith.constant 246 : index
    %swap3A_3948 = arith.index_cast %multiple_of3A_3942 : i32 to index
    %swap3A_3949 = vector.load %arg3[%swap3A_3947, %swap3A_3948] : memref<256x8192xf32, #tpu.memory_space<vmem>>, vector<1x128xf32>
    %swap3A_3950 = vector.shape_cast %swap3A_3949 : vector<1x128xf32> to vector<128xf32>
    %swap3A_3951 = vector.shape_cast %get3A_3946 : vector<128xf32> to vector<1x128xf32>
    tpu.vector_store %arg3[%swap3A_3947, %swap3A_3948], %swap3A_3951 {strides = array<i32>} : memref<256x8192xf32, #tpu.memory_space<vmem>>, vector<1x128xf32>,
    %get3A_3952 = arith.constant 0 : index
    %get3A_3953 = arith.constant 0 : index
    %get3A_3954 = arith.constant 247 : index
    %get3A_3955 = memref.load %arg1[%get3A_3952, %get3A_3953, %get3A_3954] : memref<1x1x256xi32, #tpu.memory_space<smem>>
    %mul3A_3956 = arith.constant 128 : i32
    %mul3A_3957 = arith.muli %get3A_3955, %mul3A_3956 : i32
    %multiple_of3A_3958 = tpu.assume_multiple %mul3A_3957, 128 : i32
    %get3A_3959 = arith.constant 247 : index
    %get3A_3960 = arith.constant 0 : index
    %get3A_3961 = vector.load %arg2[%get3A_3959, %get3A_3960] : memref<256x128xf32, #tpu.memory_space<vmem>>, vector<1x128xf32>
    %get3A_3962 = vector.shape_cast %get3A_3961 : vector<1x128xf32> to vector<128xf32>
    %swap3A_3963 = arith.constant 247 : index
    %swap3A_3964 = arith.index_cast %multiple_of3A_3958 : i32 to index
    %swap3A_3965 = vector.load %arg3[%swap3A_3963, %swap3A_3964] : memref<256x8192xf32, #tpu.memory_space<vmem>>, vector<1x128xf32>
    %swap3A_3966 = vector.shape_cast %swap3A_3965 : vector<1x128xf32> to vector<128xf32>
    %swap3A_3967 = vector.shape_cast %get3A_3962 : vector<128xf32> to vector<1x128xf32>
    tpu.vector_store %arg3[%swap3A_3963, %swap3A_3964], %swap3A_3967 {strides = array<i32>} : memref<256x8192xf32, #tpu.memory_space<vmem>>, vector<1x128xf32>,
    %get3A_3968 = arith.constant 0 : index
    %get3A_3969 = arith.constant 0 : index
    %get3A_3970 = arith.constant 248 : index
    %get3A_3971 = memref.load %arg1[%get3A_3968, %get3A_3969, %get3A_3970] : memref<1x1x256xi32, #tpu.memory_space<smem>>
    %mul3A_3972 = arith.constant 128 : i32
    %mul3A_3973 = arith.muli %get3A_3971, %mul3A_3972 : i32
    %multiple_of3A_3974 = tpu.assume_multiple %mul3A_3973, 128 : i32
    %get3A_3975 = arith.constant 248 : index
    %get3A_3976 = arith.constant 0 : index
    %get3A_3977 = vector.load %arg2[%get3A_3975, %get3A_3976] : memref<256x128xf32, #tpu.memory_space<vmem>>, vector<1x128xf32>
    %get3A_3978 = vector.shape_cast %get3A_3977 : vector<1x128xf32> to vector<128xf32>
    %swap3A_3979 = arith.constant 248 : index
    %swap3A_3980 = arith.index_cast %multiple_of3A_3974 : i32 to index
    %swap3A_3981 = vector.load %arg3[%swap3A_3979, %swap3A_3980] : memref<256x8192xf32, #tpu.memory_space<vmem>>, vector<1x128xf32>
    %swap3A_3982 = vector.shape_cast %swap3A_3981 : vector<1x128xf32> to vector<128xf32>
    %swap3A_3983 = vector.shape_cast %get3A_3978 : vector<128xf32> to vector<1x128xf32>
    tpu.vector_store %arg3[%swap3A_3979, %swap3A_3980], %swap3A_3983 {strides = array<i32>} : memref<256x8192xf32, #tpu.memory_space<vmem>>, vector<1x128xf32>,
    %get3A_3984 = arith.constant 0 : index
    %get3A_3985 = arith.constant 0 : index
    %get3A_3986 = arith.constant 249 : index
    %get3A_3987 = memref.load %arg1[%get3A_3984, %get3A_3985, %get3A_3986] : memref<1x1x256xi32, #tpu.memory_space<smem>>
    %mul3A_3988 = arith.constant 128 : i32
    %mul3A_3989 = arith.muli %get3A_3987, %mul3A_3988 : i32
    %multiple_of3A_3990 = tpu.assume_multiple %mul3A_3989, 128 : i32
    %get3A_3991 = arith.constant 249 : index
    %get3A_3992 = arith.constant 0 : index
    %get3A_3993 = vector.load %arg2[%get3A_3991, %get3A_3992] : memref<256x128xf32, #tpu.memory_space<vmem>>, vector<1x128xf32>
    %get3A_3994 = vector.shape_cast %get3A_3993 : vector<1x128xf32> to vector<128xf32>
    %swap3A_3995 = arith.constant 249 : index
    %swap3A_3996 = arith.index_cast %multiple_of3A_3990 : i32 to index
    %swap3A_3997 = vector.load %arg3[%swap3A_3995, %swap3A_3996] : memref<256x8192xf32, #tpu.memory_space<vmem>>, vector<1x128xf32>
    %swap3A_3998 = vector.shape_cast %swap3A_3997 : vector<1x128xf32> to vector<128xf32>
    %swap3A_3999 = vector.shape_cast %get3A_3994 : vector<128xf32> to vector<1x128xf32>
    tpu.vector_store %arg3[%swap3A_3995, %swap3A_3996], %swap3A_3999 {strides = array<i32>} : memref<256x8192xf32, #tpu.memory_space<vmem>>, vector<1x128xf32>,
    %get3A_4000 = arith.constant 0 : index
    %get3A_4001 = arith.constant 0 : index
    %get3A_4002 = arith.constant 250 : index
    %get3A_4003 = memref.load %arg1[%get3A_4000, %get3A_4001, %get3A_4002] : memref<1x1x256xi32, #tpu.memory_space<smem>>
    %mul3A_4004 = arith.constant 128 : i32
    %mul3A_4005 = arith.muli %get3A_4003, %mul3A_4004 : i32
    %multiple_of3A_4006 = tpu.assume_multiple %mul3A_4005, 128 : i32
    %get3A_4007 = arith.constant 250 : index
    %get3A_4008 = arith.constant 0 : index
    %get3A_4009 = vector.load %arg2[%get3A_4007, %get3A_4008] : memref<256x128xf32, #tpu.memory_space<vmem>>, vector<1x128xf32>
    %get3A_4010 = vector.shape_cast %get3A_4009 : vector<1x128xf32> to vector<128xf32>
    %swap3A_4011 = arith.constant 250 : index
    %swap3A_4012 = arith.index_cast %multiple_of3A_4006 : i32 to index
    %swap3A_4013 = vector.load %arg3[%swap3A_4011, %swap3A_4012] : memref<256x8192xf32, #tpu.memory_space<vmem>>, vector<1x128xf32>
    %swap3A_4014 = vector.shape_cast %swap3A_4013 : vector<1x128xf32> to vector<128xf32>
    %swap3A_4015 = vector.shape_cast %get3A_4010 : vector<128xf32> to vector<1x128xf32>
    tpu.vector_store %arg3[%swap3A_4011, %swap3A_4012], %swap3A_4015 {strides = array<i32>} : memref<256x8192xf32, #tpu.memory_space<vmem>>, vector<1x128xf32>,
    %get3A_4016 = arith.constant 0 : index
    %get3A_4017 = arith.constant 0 : index
    %get3A_4018 = arith.constant 251 : index
    %get3A_4019 = memref.load %arg1[%get3A_4016, %get3A_4017, %get3A_4018] : memref<1x1x256xi32, #tpu.memory_space<smem>>
    %mul3A_4020 = arith.constant 128 : i32
    %mul3A_4021 = arith.muli %get3A_4019, %mul3A_4020 : i32
    %multiple_of3A_4022 = tpu.assume_multiple %mul3A_4021, 128 : i32
    %get3A_4023 = arith.constant 251 : index
    %get3A_4024 = arith.constant 0 : index
    %get3A_4025 = vector.load %arg2[%get3A_4023, %get3A_4024] : memref<256x128xf32, #tpu.memory_space<vmem>>, vector<1x128xf32>
    %get3A_4026 = vector.shape_cast %get3A_4025 : vector<1x128xf32> to vector<128xf32>
    %swap3A_4027 = arith.constant 251 : index
    %swap3A_4028 = arith.index_cast %multiple_of3A_4022 : i32 to index
    %swap3A_4029 = vector.load %arg3[%swap3A_4027, %swap3A_4028] : memref<256x8192xf32, #tpu.memory_space<vmem>>, vector<1x128xf32>
    %swap3A_4030 = vector.shape_cast %swap3A_4029 : vector<1x128xf32> to vector<128xf32>
    %swap3A_4031 = vector.shape_cast %get3A_4026 : vector<128xf32> to vector<1x128xf32>
    tpu.vector_store %arg3[%swap3A_4027, %swap3A_4028], %swap3A_4031 {strides = array<i32>} : memref<256x8192xf32, #tpu.memory_space<vmem>>, vector<1x128xf32>,
    %get3A_4032 = arith.constant 0 : index
    %get3A_4033 = arith.constant 0 : index
    %get3A_4034 = arith.constant 252 : index
    %get3A_4035 = memref.load %arg1[%get3A_4032, %get3A_4033, %get3A_4034] : memref<1x1x256xi32, #tpu.memory_space<smem>>
    %mul3A_4036 = arith.constant 128 : i32
    %mul3A_4037 = arith.muli %get3A_4035, %mul3A_4036 : i32
    %multiple_of3A_4038 = tpu.assume_multiple %mul3A_4037, 128 : i32
    %get3A_4039 = arith.constant 252 : index
    %get3A_4040 = arith.constant 0 : index
    %get3A_4041 = vector.load %arg2[%get3A_4039, %get3A_4040] : memref<256x128xf32, #tpu.memory_space<vmem>>, vector<1x128xf32>
    %get3A_4042 = vector.shape_cast %get3A_4041 : vector<1x128xf32> to vector<128xf32>
    %swap3A_4043 = arith.constant 252 : index
    %swap3A_4044 = arith.index_cast %multiple_of3A_4038 : i32 to index
    %swap3A_4045 = vector.load %arg3[%swap3A_4043, %swap3A_4044] : memref<256x8192xf32, #tpu.memory_space<vmem>>, vector<1x128xf32>
    %swap3A_4046 = vector.shape_cast %swap3A_4045 : vector<1x128xf32> to vector<128xf32>
    %swap3A_4047 = vector.shape_cast %get3A_4042 : vector<128xf32> to vector<1x128xf32>
    tpu.vector_store %arg3[%swap3A_4043, %swap3A_4044], %swap3A_4047 {strides = array<i32>} : memref<256x8192xf32, #tpu.memory_space<vmem>>, vector<1x128xf32>,
    %get3A_4048 = arith.constant 0 : index
    %get3A_4049 = arith.constant 0 : index
    %get3A_4050 = arith.constant 253 : index
    %get3A_4051 = memref.load %arg1[%get3A_4048, %get3A_4049, %get3A_4050] : memref<1x1x256xi32, #tpu.memory_space<smem>>
    %mul3A_4052 = arith.constant 128 : i32
    %mul3A_4053 = arith.muli %get3A_4051, %mul3A_4052 : i32
    %multiple_of3A_4054 = tpu.assume_multiple %mul3A_4053, 128 : i32
    %get3A_4055 = arith.constant 253 : index
    %get3A_4056 = arith.constant 0 : index
    %get3A_4057 = vector.load %arg2[%get3A_4055, %get3A_4056] : memref<256x128xf32, #tpu.memory_space<vmem>>, vector<1x128xf32>
    %get3A_4058 = vector.shape_cast %get3A_4057 : vector<1x128xf32> to vector<128xf32>
    %swap3A_4059 = arith.constant 253 : index
    %swap3A_4060 = arith.index_cast %multiple_of3A_4054 : i32 to index
    %swap3A_4061 = vector.load %arg3[%swap3A_4059, %swap3A_4060] : memref<256x8192xf32, #tpu.memory_space<vmem>>, vector<1x128xf32>
    %swap3A_4062 = vector.shape_cast %swap3A_4061 : vector<1x128xf32> to vector<128xf32>
    %swap3A_4063 = vector.shape_cast %get3A_4058 : vector<128xf32> to vector<1x128xf32>
    tpu.vector_store %arg3[%swap3A_4059, %swap3A_4060], %swap3A_4063 {strides = array<i32>} : memref<256x8192xf32, #tpu.memory_space<vmem>>, vector<1x128xf32>,
    %get3A_4064 = arith.constant 0 : index
    %get3A_4065 = arith.constant 0 : index
    %get3A_4066 = arith.constant 254 : index
    %get3A_4067 = memref.load %arg1[%get3A_4064, %get3A_4065, %get3A_4066] : memref<1x1x256xi32, #tpu.memory_space<smem>>
    %mul3A_4068 = arith.constant 128 : i32
    %mul3A_4069 = arith.muli %get3A_4067, %mul3A_4068 : i32
    %multiple_of3A_4070 = tpu.assume_multiple %mul3A_4069, 128 : i32
    %get3A_4071 = arith.constant 254 : index
    %get3A_4072 = arith.constant 0 : index
    %get3A_4073 = vector.load %arg2[%get3A_4071, %get3A_4072] : memref<256x128xf32, #tpu.memory_space<vmem>>, vector<1x128xf32>
    %get3A_4074 = vector.shape_cast %get3A_4073 : vector<1x128xf32> to vector<128xf32>
    %swap3A_4075 = arith.constant 254 : index
    %swap3A_4076 = arith.index_cast %multiple_of3A_4070 : i32 to index
    %swap3A_4077 = vector.load %arg3[%swap3A_4075, %swap3A_4076] : memref<256x8192xf32, #tpu.memory_space<vmem>>, vector<1x128xf32>
    %swap3A_4078 = vector.shape_cast %swap3A_4077 : vector<1x128xf32> to vector<128xf32>
    %swap3A_4079 = vector.shape_cast %get3A_4074 : vector<128xf32> to vector<1x128xf32>
    tpu.vector_store %arg3[%swap3A_4075, %swap3A_4076], %swap3A_4079 {strides = array<i32>} : memref<256x8192xf32, #tpu.memory_space<vmem>>, vector<1x128xf32>,
    %get3A_4080 = arith.constant 0 : index
    %get3A_4081 = arith.constant 0 : index
    %get3A_4082 = arith.constant 255 : index
    %get3A_4083 = memref.load %arg1[%get3A_4080, %get3A_4081, %get3A_4082] : memref<1x1x256xi32, #tpu.memory_space<smem>>
    %mul3A_4084 = arith.constant 128 : i32
    %mul3A_4085 = arith.muli %get3A_4083, %mul3A_4084 : i32
    %multiple_of3A_4086 = tpu.assume_multiple %mul3A_4085, 128 : i32
    %get3A_4087 = arith.constant 255 : index
    %get3A_4088 = arith.constant 0 : index
    %get3A_4089 = vector.load %arg2[%get3A_4087, %get3A_4088] : memref<256x128xf32, #tpu.memory_space<vmem>>, vector<1x128xf32>
    %get3A_4090 = vector.shape_cast %get3A_4089 : vector<1x128xf32> to vector<128xf32>
    %swap3A_4091 = arith.constant 255 : index
    %swap3A_4092 = arith.index_cast %multiple_of3A_4086 : i32 to index
    %swap3A_4093 = vector.load %arg3[%swap3A_4091, %swap3A_4092] : memref<256x8192xf32, #tpu.memory_space<vmem>>, vector<1x128xf32>
    %swap3A_4094 = vector.shape_cast %swap3A_4093 : vector<1x128xf32> to vector<128xf32>
    %swap3A_4095 = vector.shape_cast %get3A_4090 : vector<128xf32> to vector<1x128xf32>
    tpu.vector_store %arg3[%swap3A_4091, %swap3A_4092], %swap3A_4095 {strides = array<i32>} : memref<256x8192xf32, #tpu.memory_space<vmem>>, vector<1x128xf32>,
    return
  }
  func.func @transform_0(%arg0: i32) -> (i32, i32, i32) {
    %c0_i32 = arith.constant 0 : i32
    %c0_i32_0 = arith.constant 0 : i32
    %c0_i32_1 = arith.constant 0 : i32
    return %arg0, %c0_i32, %c0_i32_0 : i32, i32, i32
  }
  func.func @transform_1(%arg0: i32) -> (i32, i32) {
    %c0_i32 = arith.constant 0 : i32
    %c0_i32_0 = arith.constant 0 : i32
    return %arg0, %c0_i32 : i32, i32
  }
  func.func @transform_2(%arg0: i32) -> (i32, i32) {
    %c0_i32 = arith.constant 0 : i32
    %c0_i32_0 = arith.constant 0 : i32
    return %arg0, %c0_i32 : i32, i32
  }
}

</mosaic_0001>

<sc_bundles>
// kernel: kernel.4.cloned.1.call-start
scs
__scs_entry_jumppad:
0x0: {  	(pc) =	sbr.rel $0x88, $3  }
0x1: {  	(tag) =	ssettag $0x0;
	lr =	simm.s32 $0x1  }
0x2: {  	[smem:$0x3FA0] =	sst lr;
	_ =	strace $0xD0000000  }
0x3: {  	_ = 	snop  }
0x4: {  	_ = 	snop  }
0x5: {  	_ = 	snop  }
0x6: {  	_ = 	snop  }
0x7: {  	_ = 	snop  }
__scs_overlays_trampoline_lowered:
0x8: {  	[smem:$0x3FAF] =	sst s0  }
0x9: {  	[smem:$0x3FB0] =	sst s1  }
0xa: {  	[smem:$0x3FB1] =	sst s2  }
0xb: {  	[smem:$0x3FB2] =	sst s3  }
0xc: {  	[smem:$0x3FB3] =	sst s4  }
0xd: {  	[smem:$0x3FB4] =	sst s5  }
0xe: {  	[smem:$0x3FB5] =	sst s6  }
0xf: {  	[smem:$0x3FB6] =	sst s7  }
0x10: {  	[smem:$0x3FB7] =	sst s8  }
0x11: {  	[smem:$0x3FB8] =	sst s9;
	s0 =	simm.s32 @!p0 $0x0  }
0x12: {  	s1 =	sld [smem:$0x3F9E];
	s0 =	simm.s32 @p0 $0x1  }
0x13: {  	[smem:$0x3FB9] =	sst s0;
	s0 =	simm.s32 @!p1 $0x0  }
0x14: {  	s2 =	sld [smem:$0x3F9D];
	s0 =	simm.s32 @p1 $0x1  }
0x15: {  	[smem:$0x3FBA] =	sst s0;
	s0 =	simm.s32 @!p2 $0x0  }
0x16: {  	s3 =	sld [smem:$0x3FDB];
	s0 =	simm.s32 @p2 $0x1  }
0x17: {  	s4 =	simm.s32 $0x1BF5;
	[smem:$0x3FBC] =	sst s0  }
0x18: {  	s0 =	sld [smem:$0x3F9F];
	_ =	swait.ge [sflag:s4], $0x0  }
0x19: {  	s7 =	sld [smem:$0x3FA0]  }
0x1a: {  	s8 =	sadd.s32 $0xFFFFE003, lr  }
0x1b: {  	s9 =	sadd.s32 $0xFFFFFEF7, lr;
	s5 =	simm.s32 $0xFFFFFFFF;
	p2 =	slt.u32 s8, $0xFFFFF086  }
0x1c: {  	p1 =	slt.u32 s9, $0xF7A;
	s5 =	simm.s32 @!p2 $0x0  }
0x1d: {  	s5 =	simm.s32 @p1 $0x1;
	p0 =	seq.s32 s7, s2  }
0x1e: {  	s7 =	smul.u32 @!p0 $0xF7A, s2;
	p2 =	seq.s32 @!p0 s5, $0x0  }
0x1f: {  	s9 =	smul.u32 $0xF7A, s1;
	s8 =	simm.s32 @!p0 $0x1BF5;
	p2 =	por !p2, p0  }
0x20: {  	[sflag:s8] =	ssyncset.s32 @!p0 $0xFFFFF086;
	s6 =	sadd.s32 @!p0 s3, s7;
	s7 =	simm.s32 @!p0 $0x108  }
0x21: {  	s3 =	sadd.s32 s3, s9;
	s6 =	sadd.s32 @!p0 $0x88, s6;
	s7 =	simm.s32 @p2 $0x1082  }
0x22: {  	[simem:s7], [sflag:s8] =	dma.local @!p0 [hbm:s6], $0xF7A  }
0x23: {  	s9 =	sor.u32 $0xD0000000, s2;
	s6 =	simm.s32 $0x108;
	_ =	swait.ge @!p0 [sflag:s8], $0x0  }
0x24: {  	s3 =	sadd.s32 $0x88, s3;
	s6 =	simm.s32 @!p1 $0x1082;
	[sflag:s4] =	ssyncset.s32 $0xFFFFF086  }
0x25: {  	[simem:s6], [sflag:s4] =	dma.local [hbm:s3], $0xF7A  }
0x26: {  	[smem:$0x3FA0] =	sst s1;
	(tag) =	ssettag s2;
	_ =	strace s9  }
0x27: {  	s1 =	sld [smem:$0x3FB0]  }
0x28: {  	s2 =	sld [smem:$0x3FB1]  }
0x29: {  	s4 =	sld [smem:$0x3FB3]  }
0x2a: {  	p0 =	seq.s32 s5, $0x0;
	s5 =	sld [smem:$0x3FB4]  }
0x2b: {  	s6 =	sld [smem:$0x3FB5]  }
0x2c: {  	s7 =	sld [smem:$0x3FB6]  }
0x2d: {  	s3 =	simm.s32 $0x108;
	s8 =	sld [smem:$0x3FB7]  }
0x2e: {  	s3 =	simm.s32 @!p0 $0x1082;
	s9 =	sld [smem:$0x3FB8]  }
0x2f: {  	lr =	sadd.s32 s0, s3;
	s0 =	sld [smem:$0x3FAF]  }
0x30: {  	s3 =	sld [smem:$0x3FB2]  }
0x31: {  	[smem:$0x3FBB] =	sst s10  }
0x32: {  	s10 =	sld [smem:$0x3FB9];
	_ =	sdelay $0x3  }
0x33: {  	p0 =	seq.s32 s10, $0x1;
	s10 =	sld [smem:$0x3FBB];
	_ =	sdelay $0x3  }
0x34: {  	[smem:$0x3FBB] =	sst s10  }
0x35: {  	s10 =	sld [smem:$0x3FBA];
	_ =	sdelay $0x3  }
0x36: {  	p1 =	seq.s32 s10, $0x1;
	s10 =	sld [smem:$0x3FBB];
	_ =	sdelay $0x3  }
0x37: {  	[smem:$0x3FBB] =	sst s10  }
0x38: {  	s10 =	sld [smem:$0x3FBC]  }
0x39: {  	_ = 	snop;
	(pc) =	sbr.ind lr, $3  }
0x3a: {  	_ = 	snop  }
0x3b: {  	_ = 	snop  }
0x3c: {  	p2 =	seq.s32 s10, $0x1;
	s10 =	sld [smem:$0x3FBB]  }
0x3d: {  	_ =	shalt  }
0x3e: {  	_ =	shalt  }
0x3f: {  	_ =	shalt  }
0x40: {  	_ =	shalt  }
0x41: {  	_ =	shalt  }
0x42: {  	_ =	shalt  }
0x43: {  	_ =	shalt  }
0x44: {  	_ =	shalt  }
0x45: {  	_ =	shalt  }
0x46: {  	_ =	shalt  }
0x47: {  	_ =	shalt  }
0x48: {  	_ =	shalt  }
0x49: {  	_ =	shalt  }
0x4a: {  	_ =	shalt  }
0x4b: {  	_ =	shalt  }
0x4c: {  	_ =	shalt  }
0x4d: {  	_ =	shalt  }
0x4e: {  	_ =	shalt  }
0x4f: {  	_ =	shalt  }
0x50: {  	_ =	shalt  }
0x51: {  	_ =	shalt  }
0x52: {  	_ =	shalt  }
0x53: {  	_ =	shalt  }
0x54: {  	_ =	shalt  }
0x55: {  	_ =	shalt  }
0x56: {  	_ =	shalt  }
0x57: {  	_ =	shalt  }
0x58: {  	_ =	shalt  }
0x59: {  	_ =	shalt  }
0x5a: {  	_ =	shalt  }
0x5b: {  	_ =	shalt  }
0x5c: {  	_ =	shalt  }
0x5d: {  	_ =	shalt  }
0x5e: {  	_ =	shalt  }
0x5f: {  	_ =	shalt  }
0x60: {  	_ =	shalt  }
0x61: {  	_ =	shalt  }
0x62: {  	_ =	shalt  }
0x63: {  	_ =	shalt  }
0x64: {  	_ =	shalt  }
0x65: {  	_ =	shalt  }
0x66: {  	_ =	shalt  }
0x67: {  	_ =	shalt  }
0x68: {  	_ =	shalt  }
0x69: {  	_ =	shalt  }
0x6a: {  	_ =	shalt  }
0x6b: {  	_ =	shalt  }
0x6c: {  	_ =	shalt  }
0x6d: {  	_ =	shalt  }
0x6e: {  	_ =	shalt  }
0x6f: {  	_ =	shalt  }
0x70: {  	_ =	shalt  }
0x71: {  	_ =	shalt  }
0x72: {  	_ =	shalt  }
0x73: {  	_ =	shalt  }
0x74: {  	_ =	shalt  }
0x75: {  	_ =	shalt  }
0x76: {  	_ =	shalt  }
0x77: {  	_ =	shalt  }
0x78: {  	_ =	shalt  }
0x79: {  	_ =	shalt  }
0x7a: {  	_ =	shalt  }
0x7b: {  	_ =	shalt  }
0x7c: {  	_ =	shalt  }
0x7d: {  	_ =	shalt  }
0x7e: {  	_ =	shalt  }
0x7f: {  	_ =	shalt  }
0x80: {  	_ =	shalt  }
0x81: {  	_ =	shalt  }
0x82: {  	_ =	shalt  }
0x83: {  	_ =	shalt  }
0x84: {  	_ =	shalt  }
0x85: {  	_ =	shalt  }
0x86: {  	_ =	shalt  }
0x87: {  	_ =	shalt  }
.Lfunc_end0:
.L_simem_size_0:
called_computation_lowered:
.L_overlay_start_0:
0x88: {  	s2 =	sld [smem:$0x3FD9]  }
0x89: {  	s3 =	sld [smem:$0x3FFE];
	_ =	sdelay $0x1  }
0x8a: {  	s1 =	srdreg.scid  }
0x8b: {  	s0 =	sand.u32 $0x1, s1  }
0x8c: {  	s17 =	sshll.u32 s0, $0xA;
	s2 =	sadd.s32 s3, s2  }
0x8d: {  	s2 =	sadd.s32 s2, s17  }
0x8e: {  	[smem:$0x3FC7] =	sst s2  }
0x8f: {  	_ = 	snop  }
0x90: {  	s2 =	sld [smem:$0x3FD0];
	(tm) =	ssettm $0x1  }
0x91: {  	s18 =	sld [smem:$0x3FFB];
	_ =	sdelay $0x3  }
0x92: {  	_ =	strace s18  }
0x93: {  	s3 =	sld [smem:$0x3FFC];
	_ =	sdelay $0x3  }
0x94: {  	_ =	strace s3  }
0x95: {  	s3 =	sld [smem:$0x3FFD];
	_ =	sdelay $0x3  }
0x96: {  	_ =	strace s3  }
0x97: {  	_ =	strace $0x8FFFFFFF  }
0x98: {  	s19 =	sld [smem:$0x3FDB];
	_ =	sdelay $0x1  }
0x99: {  	s4 =	simm.s32 $_scs_section_size  }
0x9a: {  	s5 =	simm.s32 $_size__tile_overlayer_lowered;
	s6 =	simm.s32 $_tile_overlayer_lowered  }
0x9b: {  	s22 =	simm.s32 $0x1BFF;
	s21 =	sshll.u32 s6, $0x1;
	s3 =	sadd.s32 s4, s19  }
0x9c: {  	s7 =	simm.s32 $0x0;
	s20 =	sshll.u32 s5, $0x1;
	s5 =	sadd.s32 s21, s3  }
0x9d: {  	[timem:s7], [sflag:s22] =	dma.local [hbm:s5], s20  }
0x9e: {  	_ =	swait.ge [sflag:s22], s20  }
0x9f: {  	s4 =	ssub.s32 $0x0, s20;
	[sflag:s22] =	ssyncset.done $0x0  }
0xa0: {  	[sflag:s22] =	ssyncadd.s32 s4;
	_ =	sdelay $0x1  }
0xa1: {  	s23 =	simm.s32 $0x1B8B  }
0xa2: {  	_ =	swait.ge [sflag:s23], $0x1  }
0xa3: {  	[sflag:s23] =	ssyncset.done $0x0  }
0xa4: {  	s25 =	simm.s32 $0x1B8E;
	s24 =	sld [smem:$0x3FFE];
	[sflag:s23] =	ssyncadd.s32 $0xFFFFFFFF  }
0xa5: {  	s26 =	simm.s32 $execute0_lowered;
	[smem:$0x3FD2] =	sst s25  }
0xa6: {  	s5 =	sshll.u32 s26, $0x1;
	_ =	strace $0x80000046;
	[dreg:$0x1] =	wrdreg $0xFFFFFFFF  }
0xa7: {  	s28 =	simm.s32 $_size_execute0_lowered;
	s3 =	sadd.s32 s3, s5;
	[dreg:$0x0] =	wrdreg $0x0  }
0xa8: {  	s5 =	sshll.u32 s28, $0x1;
	[dreg:$0x2] =	wrdreg s3  }
0xa9: {  	[dreg:$0x3] =	wrdreg s5  }
0xaa: {  	[dreg:$0x4] =	wrdreg $0xC0  }
0xab: {  	_ =	task [dreg:s7], $0x5FFFF  }
0xac: {  	[dreg:$0x1] =	wrdreg $0xFFFFFFFF  }
0xad: {  	[dreg:$0x0] =	wrdreg $0x60  }
0xae: {  	[dreg:$0x2] =	wrdreg s24  }
0xaf: {  	[dreg:$0x3] =	wrdreg s2  }
0xb0: {  	[dreg:$0x4] =	wrdreg $0x9  }
0xb1: {  	_ =	task.clear_ibuf [dreg:s7], $0x5FFFF;
	_ =	strace $0x90000046  }
0xb2: {  	s29 =	simm.s32 $0x9;
	_ =	strace $0x80000048  }
0xb3: {  	_ =	swait.ge [sflag:s29], $0x1  }
0xb4: {  	[sflag:s29] =	ssyncadd.s32 $0xFFFFFFFF  }
0xb5: {  	_ =	strace $0x90000048  }
0xb6: {  	_ =	sfence  }
0xb7: {  	s30 =	sld [smem:$0x0];
	_ =	sdelay $0x2  }
0xb8: {  	s31 =	sshll.u32 s1, $0xD;
	s1 =	sshrl.u32 s1, $0x2  }
0xb9: {  	s3 =	sand.u32 $0x4000, s31;
	s1 =	sadd.s32 s1, s30  }
0xba: {  	s0 =	sor.u32 s3, s0;
	s1 =	sshll.u32 s1, $0x11  }
0xbb: {  	s0 =	sor.u32 s1, s0  }
0xbc: {  	s0 =	sadd.s32 $0x8F2B, s0  }
0xbd: {  	[sflag:s0] =	ssyncadd.remote.s32 $0x1  }
0xbe: {  	_ =	sfence.sel $0xFFFF  }
0xbf: {  	[dreg:$0x0] =	wrdreg $0xFFFFFFFF;
	(pc) =	sbr.abs _section_cstart, $3  }
0xc0: {  	[dreg:$0x1] =	wrdreg $0xFFFFFFFF  }
0xc1: {  	_ =	task.clear_ibuf [dreg:s7], $0x2FFFF;
	_ =	strace $0x9FFFFFFF  }
0xc2: {  	(tm) =	ssettm $0x7FFFFFFF  }
0xc3: {  	_ =	shalt  }
tec
execute0_lowered:
.L_overlay_start_1:
0x0: {  	(tag) =	ssettag $0x1  }
0x1: {  	s3 =	rddreg [dreg:$0x0]  }
0x2: {  	s4 =	rddreg [dreg:$0x1];
	s2 =	srdreg.scid  }
0x3: {  	s0 =	rddreg [dreg:$0x2];
	s1 =	stileid.u32  }
0x4: {  	s9 =	simm.s32 $0x8100;
	s10 =	simm.s32 $0x0;
	s5 =	sand.u32 $0x1, s2  }
0x5: {  	s2 =	simm.s32 $0x0;
	s6 =	sshll.u32 s1, $0x9;
	s7 =	sshll.u32 s5, $0x8  }
0x6: {  	[smem:$0x7FF] =	sst s2;
	s5 =	ssub.s32 $0x2, s5;
	s6 =	sor.u32 s7, s6  }
0x7: {  	v0 =	vlaneseq.u32;
	_ =	strace $0x80000047;
	s31 =	sshrl.u32 s5, $0x1;
	s7 =	sshrl.u32 s6, $0x3  }
0x8: {  	v1 =	vimm.f32 $0.0e+00;
	v2 =	vor.u32 $0x10, v0;
	s6 =	sshll.u32 s6, $0x4;
	s8 =	ssub.s32 s5, s31;
	s7 =	sadd.s32 s7, s3  }
0x9: {  	v3 =	vor.u32 $0x20, v0;
	v4 =	vor.u32 $0x30, v0;
	v5 =	vor.u32 $0x40, v0;
	s4 =	sadd.s32 s4, s6;
	s6 =	smax.u32 s8, $0x1;
	s8 =	simm.s32 $0x100  }
0xa: {  	v6 =	vor.u32 $0x50, v0;
	v7 =	vor.u32 $0x60, v0;
	v8 =	vor.u32 $0x70, v0;
	s3 =	sadd.s32 $0xC00, s7;
	s5 =	sadd.s32 $0x1000, s7;
	s7 =	simm.s32 $0x1  }
.LBB2_1:
0xb: {  	[tilespmem:s2], [sflag:$0x1] =	stream.linear.gather [hbm4b:s3+s2], $0x100, $0x38;
	[tilespmem:$0x8200] =	vst v63  }
0xc: {  	_ =	swait.ge [sflag:s7], $0x100  }
0xd: {  	[sflag:s7] =	ssyncset.done $0x0  }
0xe: {  	[sflag:s7] =	ssyncadd.s32 $0xFFFFFF00  }
0xf: {  	v9 =	vld [tilespmem:$0x0]  }
0x10: {  	v10 =	vld [tilespmem:$0x10]  }
0x11: {  	v11 =	vld [tilespmem:$0x20]  }
0x12: {  	v12 =	vld [tilespmem:$0x30]  }
0x13: {  	v13 =	vld [tilespmem:$0x40]  }
0x14: {  	v14 =	vld [tilespmem:$0x50];
	v9 =	vshrl.u32 v9, $0x7  }
0x15: {  	v15 =	vld [tilespmem:$0x60];
	v10 =	vshrl.u32 v10, $0x7;
	v9 =	vand.u32 $0x3F, v9  }
0x16: {  	[tilespmem:$0x8100] =	vst v9;
	v9 =	vand.u32 $0x3F, v10;
	v10 =	vshrl.u32 v11, $0x7;
	v11 =	vld [tilespmem:$0x70]  }
0x17: {  	v57 =	vld [tilespmem:$0x80];
	[tilespmem:$0x8110] =	vst v9;
	v9 =	vand.u32 $0x3F, v10;
	v10 =	vshrl.u32 v12, $0x7  }
0x18: {  	v58 =	vld [tilespmem:$0x90];
	[tilespmem:$0x8120] =	vst v9;
	v9 =	vand.u32 $0x3F, v10;
	v10 =	vshrl.u32 v13, $0x7  }
0x19: {  	v59 =	vld [tilespmem:$0xA0];
	[tilespmem:$0x8130] =	vst v9;
	v9 =	vand.u32 $0x3F, v10;
	v10 =	vshrl.u32 v14, $0x7  }
0x1a: {  	v60 =	vld [tilespmem:$0xB0];
	[tilespmem:$0x8140] =	vst v9;
	v9 =	vand.u32 $0x3F, v10;
	v10 =	vshrl.u32 v15, $0x7  }
0x1b: {  	[tilespmem:$0x8150] =	vst v9;
	v9 =	vand.u32 $0x3F, v10;
	v10 =	vshrl.u32 v11, $0x7;
	v11 =	vld [tilespmem:$0xC0]  }
0x1c: {  	v61 =	vld [tilespmem:$0xD0];
	[tilespmem:$0x8160] =	vst v9;
	v9 =	vand.u32 $0x3F, v10;
	v10 =	vshrl.u32 v57, $0x7  }
0x1d: {  	v62 =	vld [tilespmem:$0xE0];
	[tilespmem:$0x8170] =	vst v9;
	v9 =	vand.u32 $0x3F, v10;
	v10 =	vshrl.u32 v58, $0x7  }
0x1e: {  	v63 =	vld [tilespmem:$0xF0];
	[tilespmem:$0x8180] =	vst v9;
	v9 =	vand.u32 $0x3F, v10;
	v10 =	vshrl.u32 v59, $0x7  }
0x1f: {  	[tilespmem:$0x8190] =	vst v9;
	v9 =	vand.u32 $0x3F, v10;
	v10 =	vshrl.u32 v60, $0x7  }
0x20: {  	[tilespmem:$0x81A0] =	vst v9;
	v9 =	vand.u32 $0x3F, v10;
	v10 =	vshrl.u32 v11, $0x7  }
0x21: {  	[tilespmem:$0x81B0] =	vst v9;
	v9 =	vand.u32 $0x3F, v10;
	v10 =	vshrl.u32 v61, $0x7  }
0x22: {  	[tilespmem:$0x81C0] =	vst v9;
	v9 =	vand.u32 $0x3F, v10;
	v10 =	vshrl.u32 v62, $0x7  }
0x23: {  	[tilespmem:$0x81D0] =	vst v9;
	v9 =	vand.u32 $0x3F, v10;
	v10 =	vshrl.u32 v63, $0x7  }
0x24: {  	[tilespmem:$0x81E0] =	vst v9;
	v9 =	vand.u32 $0x3F, v10  }
0x25: {  	s11 =	sand.u32 $0xF0, s2;
	[tilespmem:$0x81F0] =	vst v9  }
0x26: {  	v9 =	vld [tilespmem:s11+$0x0];
	_ =	sdelay $0x4  }
0x27: {  	v10 =	vmov s2;
	v9 =	vand.u32 $0x7F, v9  }
0x28: {  	v9 =	vperm.xlane v9, v10;
	_ =	sdelay $0x1  }
0x29: {  	vm0 =	veq.s32 v9, v0;
	vm1 =	veq.s32 v9, v2  }
0x2a: {  	s11 =	simm.s32 $0x140;
	vm10 =	veq.s32 v9, v3;
	vm11 =	veq.s32 v9, v4;
	v10 =	vsel vm0, $0x40A00000, v1  }
0x2b: {  	vm12 =	veq.s32 v9, v5;
	vm14 =	veq.s32 v9, v7;
	v11 =	vsel vm1, $0x40A00000, v1;
	[tilespmem:s11+$0xFFFFFFC0] =	vst v10  }
0x2c: {  	vm13 =	veq.s32 v9, v6;
	vm15 =	veq.s32 v9, v8;
	v9 =	vsel vm14, $0x40A00000, v1;
	[tilespmem:s11+$0xFFFFFFD0] =	vst v11  }
0x2d: {  	v10 =	vsel vm10, $0x40A00000, v1;
	[tilespmem:s11+$0x20] =	vst v9  }
0x2e: {  	v11 =	vsel vm11, $0x40A00000, v1;
	[tilespmem:s11+$0xFFFFFFE0] =	vst v10  }
0x2f: {  	v10 =	vsel vm12, $0x40A00000, v1;
	[tilespmem:s11+$0xFFFFFFF0] =	vst v11  }
0x30: {  	v11 =	vsel vm13, $0x40A00000, v1;
	[tilespmem:s11+$0x0] =	vst v10  }
0x31: {  	s12 =	simm.s32 $0x1;
	[tilespmem:s11+$0x10] =	vst v11;
	v10 =	vsel vm15, $0x40A00000, v1  }
0x32: {  	s13 =	simm.s32 $0x2;
	s14 =	sand.u32 $0xF0, s12;
	[tilespmem:s11+$0x30] =	vst v10  }
.LBB2_2:
0x33: {  	p0 =	sne.s32 s13, $0xFF;
	v9 =	vld [tilespmem:s14+$0x0];
	_ =	sdelay $0x4  }
0x34: {  	v10 =	vmov s12;
	s12 =	smov.u32 s13;
	v9 =	vand.u32 $0x7F, v9  }
0x35: {  	v9 =	vperm.xlane v9, v10;
	_ =	sdelay $0x1  }
0x36: {  	vm0 =	veq.s32 v9, v0;
	vm1 =	veq.s32 v9, v2;
	vm2 =	veq.s32 v9, v3  }
0x37: {  	s11 =	sadd.s32 $0x80, s11;
	v10 =	vsel vm0, $0x40A00000, v1;
	v11 =	vsel vm1, $0x40A00000, v1;
	v12 =	vsel vm2, $0x40A00000, v1  }
0x38: {  	vm0 =	veq.s32 v9, v4;
	vm1 =	veq.s32 v9, v5;
	vm2 =	veq.s32 v9, v6;
	[tilespmem:s11+$0xFFFFFFC0] =	vst v10  }
0x39: {  	v10 =	vsel vm0, $0x40A00000, v1;
	v13 =	vsel vm2, $0x40A00000, v1;
	[tilespmem:s11+$0xFFFFFFD0] =	vst v11;
	v11 =	vsel vm1, $0x40A00000, v1  }
0x3a: {  	vm0 =	veq.s32 v9, v7;
	vm1 =	veq.s32 v9, v8;
	[tilespmem:s11+$0xFFFFFFE0] =	vst v12  }
.Ltmp0:
0x3b: {  	v9 =	vsel vm0, $0x40A00000, v1;
	[tilespmem:s11+$0xFFFFFFF0] =	vst v10;
	v10 =	vsel vm1, $0x40A00000, v1;
	(pc) =	sbr.rel @p0 .LBB2_2-.Ltmp0, $4  }
0x3c: {  	[tilespmem:s11+$0x0] =	vst v11  }
0x3d: {  	[tilespmem:s11+$0x10] =	vst v13  }
0x3e: {  	[tilespmem:s11+$0x20] =	vst v9  }
0x3f: {  	s13 =	sadd.s32 $0x1, s13;
	s14 =	sand.u32 $0xF0, s12;
	[tilespmem:s11+$0x30] =	vst v10  }
0x40: {  	v9 =	vld [tilespmem:s14+$0x0];
	_ =	sdelay $0x4  }
0x41: {  	v10 =	vmov s12;
	v9 =	vand.u32 $0x7F, v9  }
0x42: {  	v9 =	vperm.xlane v9, v10;
	_ =	sdelay $0x1  }
0x43: {  	vm0 =	veq.s32 v9, v0;
	vm1 =	veq.s32 v9, v2  }
0x44: {  	s11 =	sadd.s32 $0x80, s11;
	vm10 =	veq.s32 v9, v3;
	vm11 =	veq.s32 v9, v4;
	v10 =	vsel vm0, $0x40A00000, v1  }
0x45: {  	vm12 =	veq.s32 v9, v5;
	vm14 =	veq.s32 v9, v7;
	v11 =	vsel vm1, $0x40A00000, v1;
	[tilespmem:s11+$0xFFFFFFC0] =	vst v10  }
0x46: {  	vm13 =	veq.s32 v9, v6;
	vm15 =	veq.s32 v9, v8;
	v9 =	vsel vm14, $0x40A00000, v1;
	[tilespmem:s11+$0xFFFFFFD0] =	vst v11  }
0x47: {  	v10 =	vsel vm10, $0x40A00000, v1;
	[tilespmem:s11+$0x20] =	vst v9  }
0x48: {  	v11 =	vsel vm11, $0x40A00000, v1;
	[tilespmem:s11+$0xFFFFFFE0] =	vst v10  }
0x49: {  	v10 =	vsel vm12, $0x40A00000, v1;
	[tilespmem:s11+$0xFFFFFFF0] =	vst v11  }
0x4a: {  	v11 =	vsel vm13, $0x40A00000, v1;
	[tilespmem:s11+$0x0] =	vst v10  }
0x4b: {  	[tilespmem:s11+$0x10] =	vst v11;
	v10 =	vsel vm15, $0x40A00000, v1  }
0x4c: {  	[tilespmem:s11+$0x30] =	vst v10  }
0x4d: {  	[hbm4b:s4+s2] =	stream.linear.scatter [tilespmem:s8], [sflag:$0x1], $0x8000, $0x38;
	[tilespmem:$0x8200] =	vst v63  }
0x4e: {  	s10 =	sadd.s32 $0x1, s10;
	_ =	swait.ge [sflag:s7], $0x8000  }
0x4f: {  	p0 =	sne.s32 s10, s6;
	[sflag:s7] =	ssyncset.done $0x0  }
.Ltmp1:
0x50: {  	[sflag:s7] =	ssyncadd.s32 $0xFFFF8000;
	(pc) =	sbr.rel @p0 .LBB2_1-.Ltmp1, $4  }
0x51: {  	[hbm4b:s5+s2] =	stream.linear.scatter [tilespmem:s9], [sflag:$0x1], $0x100, $0x38;
	[tilespmem:$0x8200] =	vst v63  }
0x52: {  	_ =	swait.ge [sflag:s7], $0x100  }
0x53: {  	[sflag:s7] =	ssyncset.done $0x0  }
0x54: {  	[sflag:s7] =	ssyncadd.s32 $0xFFFFFF00  }
0x55: {  	_ =	sfence.sel $0x180000  }
0x56: {  	[bflag:$0x0] =	sbarrier.arrive $0xFFFF  }
0x57: {  	p0 =	sne.s32 s1, $0x0;
	_ =	strace $0x90000047  }
0x58: {  	s0 =	sadd.s32 @!p0 $0x100000, s0;
	[bflag:$0x2] =	sbarrier.arrive $0xFFFF  }
0x59: {  	[sflag:s0] =	ssyncadd.tile.s32 @!p0 $0x1;
	_ =	shalt  }
.Lfunc_end2:
_tile_overlayer_lowered:
.L_overlay_start_2:
0x5a: {  	(tag) =	ssettag $0x2  }
0x5b: {  	s0 =	rddreg [dreg:$0x0];
	s2 =	stileid.u32  }
0x5c: {  	s1 =	rddreg [dreg:$0x1];
	p0 =	sne.s32 s2, $0x0  }
0x5d: {  	s3 =	rddreg [dreg:$0x2];
	[bflag:$0x3] =	sbarrier.arrive $0xFFFF;
	s2 =	simm.s32 @!p0 $0x1C01  }
0x5e: {  	[timem:s3], [sflag:s2] =	dma.local @!p0 [hbm:s0], s1  }
0x5f: {  	s0 =	simm.s32 @!p0 $0x1  }
0x60: {  	_ =	swait.ge @!p0 [sflag:s0], s1  }
0x61: {  	s1 =	ssub.s32 @!p0 $0x0, s1;
	[sflag:s0] =	ssyncset.done @!p0 $0x0  }
0x62: {  	[sflag:s0] =	ssyncadd.s32 @!p0 s1  }
0x63: {  	[bflag:$0x3] =	sbarrier.arrive $0xFFFF  }
0x64: {  	_ =	shalt  }

</sc_bundles>
